<compile_context>
chip_gen: v7x
topology: tpu7x:2x2x1
jax: 0.10.2.dev20260603
libtpu: 0.0.44.dev20260713+nightly
codegen_flags: <defaults>
</compile_context>

<pallas_src>
import functools

import jax
import jax.numpy as jnp
from jax import lax
from jax.experimental import pallas as pl
from jax.experimental.pallas import tpu as pltpu
from jax.experimental.pallas import tpu_sc as plsc

_TEMP = 0.07
_TOP_K = 15
_RKS_COLS = 50

_NC = 2
_NS = 16
_NW = _NC * _NS
_ROWS_PER_W = 64
_PAD_ROWS = _NW * _ROWS_PER_W


def _sc_gather_body(indices_hbm, rks_hbm, feat_hbm, out_hbm,
                    idx_v, blk_v, nb_v, l_v, neigh_v, rows_v, shared_v, sem):
    c = lax.axis_index("c")
    s = lax.axis_index("s")
    wid = s * _NC + c
    base = wid * _ROWS_PER_W
    lanes = lax.iota(jnp.int32, 16)
    pltpu.sync_copy(indices_hbm.at[pl.ds(c * _ROWS_PER_W, _ROWS_PER_W)],
                    idx_v)
    ch0 = (s // 4) * 16
    sel = s - (s // 4) * 4
    chunk = idx_v[pl.ds(ch0, 16)]
    vs = []
    handles = []
    for t in range(4):
        v = jnp.where(sel == 0, chunk[t],
                      jnp.where(sel == 1, chunk[4 + t],
                                jnp.where(sel == 2, chunk[8 + t],
                                          chunk[12 + t])))
        vs.append(v)
        col128 = (v // 128) * 128
        for h2 in range(2):
            handles.append(pltpu.async_copy(
                rks_hbm.at[pl.ds(h2 * 8, 8), pl.ds(col128, 128)],
                blk_v.at[pl.ds((t * 2 + h2) * 8, 8), :], sem))
    for h in handles:
        h.wait()
    for t in range(4):
        l = vs[t] - (vs[t] // 128) * 128
        loff = (l // 16) * 16
        lvec = jnp.zeros((16,), jnp.int32) + (l - loff)
        acc = jnp.zeros((16,), jnp.int32)
        for kk in range(16):
            row = (t * 2 + kk // 8) * 8 + kk % 8
            c16 = blk_v[row, pl.ds(loff, 16)]
            acc = jnp.where(lanes == kk, jnp.take(c16, lvec), acc)
        nb_v[pl.ds(t * 16, 16)] = acc
    pltpu.sync_copy(nb_v, shared_v.at[pl.ds(s * 64, 64)])
    plsc.subcore_barrier()
    pltpu.sync_copy(shared_v, l_v)
    kvec = jnp.zeros((16,), jnp.int32) + s
    for ch in range(_ROWS_PER_W // 16):
        acc = jnp.zeros((16,), jnp.int32)
        for lane in range(16):
            j = ch * 16 + lane
            row16 = l_v[pl.ds(j * 16, 16)]
            acc = jnp.where(lanes == lane, jnp.take(row16, kvec), acc)
        neigh_v[pl.ds(ch * 16, 16)] = acc
    pltpu.async_copy(feat_hbm.at[neigh_v], rows_v, sem).wait()
    pltpu.sync_copy(rows_v, out_hbm.at[pl.ds(base, _ROWS_PER_W)])


def _sc_gather(indices, saved_rks, saved_features):
    mesh = plsc.VectorSubcoreMesh(core_axis_name="c", subcore_axis_name="s")
    return pl.kernel(
        _sc_gather_body,
        out_type=jax.ShapeDtypeStruct((_PAD_ROWS, 128), jnp.float32),
        mesh=mesh,
        compiler_params=pltpu.CompilerParams(use_tc_tiling_on_sc=True),
        scratch_types=[
            pltpu.VMEM((_ROWS_PER_W,), jnp.int32),
            pltpu.VMEM((64, 128), jnp.int32),
            pltpu.VMEM((_ROWS_PER_W,), jnp.int32),
            pltpu.VMEM((_ROWS_PER_W * 16,), jnp.int32),
            pltpu.VMEM((_ROWS_PER_W,), jnp.int32),
            pltpu.VMEM((_ROWS_PER_W, 128), jnp.float32),
            pltpu.VMEM_SHARED((_ROWS_PER_W * 16,), jnp.int32),
            pltpu.SemaphoreType.DMA,
        ],
    )(indices, saved_rks, saved_features)


def _sim_from(d2):
    d = jnp.sqrt(jnp.maximum(d2, 0.0))
    return (1.0 + 1.0 / (1.0 + d)) / _TEMP


def _dotT(x, y):
    return lax.dot_general(x, y, (((1,), (1,)), ((), ())),
                           preferred_element_type=jnp.float32,
                           precision=lax.Precision.DEFAULT)


def _tc_loss_body(a_ref, g_ref, out_ref):
    A = a_ref[...]
    a2 = jnp.sum(A * A, axis=1)

    paa = _dotT(A, A)
    d2aa = a2[:, None] + a2[None, :] - 2.0 * paa
    orig = _sim_from(d2aa)

    S = jnp.zeros((256, 128), jnp.float32)
    ST = jnp.zeros((128, 256), jnp.float32)
    for k in range(_TOP_K):
        Gk = g_ref[pl.ds(k * 128, 128), :]
        g2 = jnp.sum(Gk * Gk, axis=1)
        p = _dotT(A, Gk)
        S = S + _sim_from(a2[:, None] + g2[None, :] - 2.0 * p)
        pT = _dotT(Gk, A)
        ST = ST + _sim_from(g2[:, None] + a2[None, :] - 2.0 * pT)

    Sn = S * (1.0 / _TOP_K)
    SnT = ST * (1.0 / _TOP_K)
    acc = jnp.concatenate([Sn, Sn], axis=1)
    acc_sym = jnp.concatenate([SnT, SnT], axis=0)

    adc = jnp.sqrt(acc * acc + acc_sym * acc_sym + orig * orig)

    rowmax = jnp.max(adc, axis=1)[:, None]
    logits = adc - rowmax
    ii = lax.broadcasted_iota(jnp.int32, (256, 256), 0)
    jj = lax.broadcasted_iota(jnp.int32, (256, 256), 1)
    offdiag = ii != jj
    pos = jnp.abs(ii - jj) == 128
    denom = jnp.sum(jnp.where(offdiag, jnp.exp(logits), 0.0), axis=1)
    posval = jnp.sum(jnp.where(pos, logits, 0.0), axis=1)
    loss_i = jnp.log(denom) - posval
    out_ref[0, 0] = jnp.mean(loss_i)


def _tc_loss(A, G):
    return pl.pallas_call(
        _tc_loss_body,
        out_shape=jax.ShapeDtypeStruct((1, 1), jnp.float32),
        in_specs=[
            pl.BlockSpec(memory_space=pltpu.VMEM),
            pl.BlockSpec(memory_space=pltpu.VMEM),
        ],
        out_specs=pl.BlockSpec(memory_space=pltpu.SMEM),
    )(A, G)


def kernel(features, indices, saved_features, saved_rks):
    A = jnp.concatenate([features[:, 0, :], features[:, 1, :]], axis=0)
    G = _sc_gather(indices, saved_rks.T, saved_features)
    out = _tc_loss(A, G)
    return out[0, 0]

# --- scband reference (transcript-rebuilt; emitter-appended) ---
"""Pipeline reference for scband-ccl-loss-33165737460211 (READ-ONLY COPY).

The authoritative reference and input builder live on the scoring server;
editing this copy changes nothing except your own understanding.
"""

import jax, jax.numpy as jnp
import numpy as np

TEMPERATURE = 0.07
BASE_TEMPERATURE = 0.07
TOP_K = 15  # epoch=0 default path in the torch module


def setup_inputs(seed: int = 0) -> dict:
    key = jax.random.key(seed)
    k1, k2, k3, k4 = jax.random.split(key, 4)
    features = jax.random.normal(k1, (128, 2, 128), dtype=jnp.float32)
    indices = jax.random.randint(k2, (128,), 0, 100000, dtype=jnp.int32)
    saved_features = jax.random.normal(k3, (100000, 128), dtype=jnp.float32)
    saved_rks = jax.random.randint(k4, (100000, 50), 0, 100000, dtype=jnp.int32)
    return {"features": features, "indices": indices, "saved_features": saved_features, "saved_rks": saved_rks}


def _pairwise_sim(a, b):
    # 1 + 1/(1 + ||a_i - b_j||), scaled by temperature
    d = jnp.linalg.norm(a[:, None, :] - b[None, :, :], axis=2)
    return (1.0 + 1.0 / (1.0 + d)) / TEMPERATURE


def reference(features, indices, saved_features, saved_rks):
    batch_size = features.shape[0]
    contrast_count = features.shape[1]
    # torch.cat(torch.unbind(features, dim=1), dim=0)
    contrast_feature = jnp.concatenate([features[:, i] for i in range(contrast_count)], axis=0)
    anchor_feature = contrast_feature  # contrast_mode == 'all'
    anchor_count = contrast_count

    anchor_dot_contrast_original = _pairwise_sim(anchor_feature, contrast_feature)

    accumulated = jnp.zeros_like(anchor_dot_contrast_original)
    accumulated_sym = jnp.zeros_like(anchor_dot_contrast_original)
    div = 0.0
    for k in range(TOP_K):
        neigh_idx = saved_rks[indices, k]            # gather neighbor ids (SparseCore gather)
        mat = jnp.take(saved_features, neigh_idx, axis=0)  # gather neighbor features
        mat = jnp.concatenate([mat, mat], axis=0)    # duplicate=True
        adc = _pairwise_sim(anchor_feature, mat)     # (cosine_similarity in torch is overwritten; omitted)
        accumulated = accumulated + adc              # p_const ** i == 1
        accumulated_sym = accumulated_sym + adc.T
        div += 1.0

    accumulated = (accumulated / div) ** 2
    accumulated_sym = (accumulated_sym / div) ** 2
    orig2 = anchor_dot_contrast_original ** 2
    anchor_dot_contrast = jnp.sqrt(accumulated + accumulated_sym + orig2)
    # top_k = 15 != 1, so keep combined matrix

    logits_max = jnp.max(anchor_dot_contrast, axis=1, keepdims=True)
    logits = anchor_dot_contrast - jax.lax.stop_gradient(logits_max)

    mask = jnp.eye(batch_size, dtype=jnp.float32)  # labels=None, mask=None path
    mask = jnp.tile(mask, (anchor_count, contrast_count))
    n = batch_size * anchor_count
    idx = jnp.arange(n)
    logits_mask = jnp.ones((n, n), dtype=jnp.float32).at[idx, idx].set(0.0)
    mask = mask * logits_mask

    exp_logits = jnp.exp(logits) * logits_mask
    log_prob = logits - jnp.log(jnp.sum(exp_logits, axis=1, keepdims=True))
    mask_pos_pairs = jnp.sum(mask, axis=1)
    mask_pos_pairs = jnp.where(mask_pos_pairs < 1e-06, 1.0, mask_pos_pairs)
    mean_log_prob_pos = jnp.sum(mask * log_prob, axis=1) / mask_pos_pairs
    loss = -(TEMPERATURE / BASE_TEMPERATURE) * mean_log_prob_pos
    loss = jnp.mean(loss.reshape(anchor_count, batch_size))
    return loss

if __name__ == "__main__":
    import jax
    _d = setup_inputs()
    print(jax.jit(kernel)(*tuple(_d.values())))

</pallas_src>

<mosaic_0001>
#map = affine_map<(d0, d1) -> (0)>
#map1 = affine_map<(d0, d1) -> (0, 0)>
module attributes {stable_mosaic.version = 14 : i64} {
  func.func @_sc_gather_body(%arg0: i32, %arg1: i32, %arg2: memref<128xi32, #tpu.memory_space<hbm>>, %arg3: memref<50x100000xi32, #tpu.memory_space<hbm>>, %arg4: memref<100000x128xf32, #tpu.memory_space<hbm>>, %arg5: memref<2048x128xf32, #tpu.memory_space<hbm>>, %arg6: memref<64xi32, #tpu.memory_space<vmem>>, %arg7: memref<64x128xi32, #tpu.memory_space<vmem>>, %arg8: memref<64xi32, #tpu.memory_space<vmem>>, %arg9: memref<1024xi32, #tpu.memory_space<vmem>>, %arg10: memref<64xi32, #tpu.memory_space<vmem>>, %arg11: memref<64x128xf32, #tpu.memory_space<vmem>>, %arg12: memref<1024xi32, #tpu.memory_space<vmem_shared>>, %arg13: memref<!tpu.dma_semaphore, #tpu.memory_space<semaphore_mem>>) attributes {dimension_semantics = [#tpu.dimension_semantics<core_parallel>, #tpu.dimension_semantics<subcore_parallel>], iteration_bounds = array<i64: 2, 16>, scalar_prefetch = 0 : i64, scratch_operands = 8 : i64, tpu.core_type = #tpu.core_type<sc_vector_subcore>, window_params = [{transform_indices = #map}, {transform_indices = #map1}, {transform_indices = #map1}, {transform_indices = #map1}]} {
    %mul3A = arith.constant 2 : i32
    %mul3A_0 = arith.muli %arg1, %mul3A : i32
    %add3A = arith.addi %mul3A_0, %arg0 : i32
    %mul3A_1 = arith.constant 64 : i32
    %mul3A_2 = arith.muli %add3A, %mul3A_1 : i32
    %iota3A = tpu.iota {dimensions = array<i32: 0>} : vector<16xi32>
    %mul3A_3 = arith.constant 64 : i32
    %mul3A_4 = arith.muli %arg0, %mul3A_3 : i32
    "tpu.region"() ({
      %run_scoped3A = tpu.sem_alloc : memref<!tpu.dma_semaphore, #tpu.memory_space<semaphore_mem>>
      %dma_start3A_2971 = tpu.memref_slice %arg2[%mul3A_4] : memref<128xi32, #tpu.memory_space<hbm>> -> memref<64xi32, #tpu.memory_space<hbm>>
      %dma_start3A_2972 = tpu.memref_slice %arg2[%mul3A_4] : memref<128xi32, #tpu.memory_space<hbm>> -> memref<64xi32, #tpu.memory_space<hbm>>
      tpu.enqueue_dma source(%dma_start3A_2972 : memref<64xi32, #tpu.memory_space<hbm>>) target(%arg6 : memref<64xi32, #tpu.memory_space<vmem>>) target_semaphore(%run_scoped3A : memref<!tpu.dma_semaphore, #tpu.memory_space<semaphore_mem>>)
      %dma_wait3A_2973 = tpu.memref_slice %arg2[%mul3A_4] : memref<128xi32, #tpu.memory_space<hbm>> -> memref<64xi32, #tpu.memory_space<hbm>>
      %dma_wait3A_2974 = tpu.memref_slice %arg2[%mul3A_4] : memref<128xi32, #tpu.memory_space<hbm>> -> memref<64xi32, #tpu.memory_space<hbm>>
      tpu.wait_dma2 semaphore(%run_scoped3A : memref<!tpu.dma_semaphore, #tpu.memory_space<semaphore_mem>>) src(%dma_wait3A_2974 : memref<64xi32, #tpu.memory_space<hbm>>) dst(%arg6 : memref<64xi32, #tpu.memory_space<vmem>>)
      tpu.yield
    }) : () -> ()
    %jit3A = arith.constant 4 : i32
    %div3A = arith.divsi %arg1, %jit3A : i32
    %sign3A = arith.constant 0 : i32
    %sign3A_5 = arith.cmpi sgt, %arg1, %sign3A : i32
    %sign3A_6 = arith.extui %sign3A_5 : i1 to i32
    %sign3A_7 = arith.constant 0 : i32
    %sign3A_8 = arith.cmpi slt, %arg1, %sign3A_7 : i32
    %sign3A_9 = arith.extui %sign3A_8 : i1 to i32
    %sign3A_10 = arith.subi %sign3A_6, %sign3A_9 : i32
    %sign3A_11 = arith.constant 0 : i32
    %sign3A_12 = arith.cmpi sgt, %jit3A, %sign3A_11 : i32
    %sign3A_13 = arith.extui %sign3A_12 : i1 to i32
    %sign3A_14 = arith.constant 0 : i32
    %sign3A_15 = arith.cmpi slt, %jit3A, %sign3A_14 : i32
    %sign3A_16 = arith.extui %sign3A_15 : i1 to i32
    %sign3A_17 = arith.subi %sign3A_13, %sign3A_16 : i32
    %ne3A = arith.cmpi ne, %sign3A_10, %sign3A_17 : i32
    %rem3A = arith.remsi %arg1, %jit3A : i32
    %ne3A_18 = arith.constant 0 : i32
    %ne3A_19 = arith.cmpi ne, %rem3A, %ne3A_18 : i32
    %and3A = arith.andi %ne3A, %ne3A_19 : i1
    %sub3A = arith.constant 1 : i32
    %sub3A_20 = arith.subi %div3A, %sub3A : i32
    %select_n3A = arith.select %and3A, %sub3A_20, %div3A : i32
    %mul3A_21 = arith.constant 16 : i32
    %mul3A_22 = arith.muli %select_n3A, %mul3A_21 : i32
    %jit3A_23 = arith.constant 4 : i32
    %div3A_24 = arith.divsi %arg1, %jit3A_23 : i32
    %sign3A_25 = arith.constant 0 : i32
    %sign3A_26 = arith.cmpi sgt, %arg1, %sign3A_25 : i32
    %sign3A_27 = arith.extui %sign3A_26 : i1 to i32
    %sign3A_28 = arith.constant 0 : i32
    %sign3A_29 = arith.cmpi slt, %arg1, %sign3A_28 : i32
    %sign3A_30 = arith.extui %sign3A_29 : i1 to i32
    %sign3A_31 = arith.subi %sign3A_27, %sign3A_30 : i32
    %sign3A_32 = arith.constant 0 : i32
    %sign3A_33 = arith.cmpi sgt, %jit3A_23, %sign3A_32 : i32
    %sign3A_34 = arith.extui %sign3A_33 : i1 to i32
    %sign3A_35 = arith.constant 0 : i32
    %sign3A_36 = arith.cmpi slt, %jit3A_23, %sign3A_35 : i32
    %sign3A_37 = arith.extui %sign3A_36 : i1 to i32
    %sign3A_38 = arith.subi %sign3A_34, %sign3A_37 : i32
    %ne3A_39 = arith.cmpi ne, %sign3A_31, %sign3A_38 : i32
    %rem3A_40 = arith.remsi %arg1, %jit3A_23 : i32
    %ne3A_41 = arith.constant 0 : i32
    %ne3A_42 = arith.cmpi ne, %rem3A_40, %ne3A_41 : i32
    %and3A_43 = arith.andi %ne3A_39, %ne3A_42 : i1
    %sub3A_44 = arith.constant 1 : i32
    %sub3A_45 = arith.subi %div3A_24, %sub3A_44 : i32
    %select_n3A_46 = arith.select %and3A_43, %sub3A_45, %div3A_24 : i32
    %mul3A_47 = arith.constant 4 : i32
    %mul3A_48 = arith.muli %select_n3A_46, %mul3A_47 : i32
    %sub3A_49 = arith.subi %arg1, %mul3A_48 : i32
    %get3A = arith.index_cast %mul3A_22 : i32 to index
    %get3A_50 = tpu.vector_load %arg6[%get3A] {strides = array<i32>} : memref<64xi32, #tpu.memory_space<vmem>>, vector<16xi32>,
    %get3A_51 = vector.shape_cast %get3A_50 : vector<16xi32> to vector<16xi32>
    %eq3A = arith.constant 0 : i32
    %eq3A_52 = arith.cmpi eq, %sub3A_49, %eq3A : i32
    %slice3A = vector.extract_strided_slice %get3A_51 {offsets = [0], sizes = [1], strides = [1]} : vector<16xi32> to vector<1xi32>
    %squeeze3A = vector.extract %slice3A[0] : i32 from vector<1xi32>
    %eq3A_53 = arith.constant 1 : i32
    %eq3A_54 = arith.cmpi eq, %sub3A_49, %eq3A_53 : i32
    %slice3A_55 = vector.extract_strided_slice %get3A_51 {offsets = [4], sizes = [1], strides = [1]} : vector<16xi32> to vector<1xi32>
    %squeeze3A_56 = vector.extract %slice3A_55[0] : i32 from vector<1xi32>
    %eq3A_57 = arith.constant 2 : i32
    %eq3A_58 = arith.cmpi eq, %sub3A_49, %eq3A_57 : i32
    %slice3A_59 = vector.extract_strided_slice %get3A_51 {offsets = [8], sizes = [1], strides = [1]} : vector<16xi32> to vector<1xi32>
    %squeeze3A_60 = vector.extract %slice3A_59[0] : i32 from vector<1xi32>
    %slice3A_61 = vector.extract_strided_slice %get3A_51 {offsets = [12], sizes = [1], strides = [1]} : vector<16xi32> to vector<1xi32>
    %squeeze3A_62 = vector.extract %slice3A_61[0] : i32 from vector<1xi32>
    %select_n3A_63 = arith.select %eq3A_58, %squeeze3A_60, %squeeze3A_62 : i32
    %select_n3A_64 = arith.select %eq3A_54, %squeeze3A_56, %select_n3A_63 : i32
    %select_n3A_65 = arith.select %eq3A_52, %squeeze3A, %select_n3A_64 : i32
    %jit3A_66 = arith.constant 128 : i32
    %div3A_67 = arith.divsi %select_n3A_65, %jit3A_66 : i32
    %sign3A_68 = arith.constant 0 : i32
    %sign3A_69 = arith.cmpi sgt, %select_n3A_65, %sign3A_68 : i32
    %sign3A_70 = arith.extui %sign3A_69 : i1 to i32
    %sign3A_71 = arith.constant 0 : i32
    %sign3A_72 = arith.cmpi slt, %select_n3A_65, %sign3A_71 : i32
    %sign3A_73 = arith.extui %sign3A_72 : i1 to i32
    %sign3A_74 = arith.subi %sign3A_70, %sign3A_73 : i32
    %sign3A_75 = arith.constant 0 : i32
    %sign3A_76 = arith.cmpi sgt, %jit3A_66, %sign3A_75 : i32
    %sign3A_77 = arith.extui %sign3A_76 : i1 to i32
    %sign3A_78 = arith.constant 0 : i32
    %sign3A_79 = arith.cmpi slt, %jit3A_66, %sign3A_78 : i32
    %sign3A_80 = arith.extui %sign3A_79 : i1 to i32
    %sign3A_81 = arith.subi %sign3A_77, %sign3A_80 : i32
    %ne3A_82 = arith.cmpi ne, %sign3A_74, %sign3A_81 : i32
    %rem3A_83 = arith.remsi %select_n3A_65, %jit3A_66 : i32
    %ne3A_84 = arith.constant 0 : i32
    %ne3A_85 = arith.cmpi ne, %rem3A_83, %ne3A_84 : i32
    %and3A_86 = arith.andi %ne3A_82, %ne3A_85 : i1
    %sub3A_87 = arith.constant 1 : i32
    %sub3A_88 = arith.subi %div3A_67, %sub3A_87 : i32
    %select_n3A_89 = arith.select %and3A_86, %sub3A_88, %div3A_67 : i32
    %mul3A_90 = arith.constant 128 : i32
    %mul3A_91 = arith.muli %select_n3A_89, %mul3A_90 : i32
    %dma_start3A = arith.constant 0 : i32
    %dma_start3A_92 = arith.constant 0 : i32
    %dma_start3A_93 = tpu.memref_slice %arg7[%dma_start3A, %dma_start3A_92] : memref<64x128xi32, #tpu.memory_space<vmem>> -> memref<8x128xi32, #tpu.memory_space<vmem>>
    %dma_start3A_94 = arith.constant 0 : i32
    %dma_start3A_95 = tpu.memref_slice %arg3[%dma_start3A_94, %mul3A_91] : memref<50x100000xi32, #tpu.memory_space<hbm>> -> memref<8x128xi32, #tpu.memory_space<hbm>>
    %dma_start3A_96 = arith.constant 0 : i32
    %dma_start3A_97 = arith.constant 0 : i32
    %dma_start3A_98 = tpu.memref_slice %arg7[%dma_start3A_96, %dma_start3A_97] : memref<64x128xi32, #tpu.memory_space<vmem>> -> memref<8x128xi32, #tpu.memory_space<vmem>>
    %dma_start3A_99 = arith.constant 0 : i32
    %dma_start3A_100 = tpu.memref_slice %arg3[%dma_start3A_99, %mul3A_91] : memref<50x100000xi32, #tpu.memory_space<hbm>> -> memref<8x128xi32, #tpu.memory_space<hbm>>
    tpu.enqueue_dma source(%dma_start3A_100 : memref<8x128xi32, #tpu.memory_space<hbm>>) target(%dma_start3A_98 : memref<8x128xi32, #tpu.memory_space<vmem>>) target_semaphore(%arg13 : memref<!tpu.dma_semaphore, #tpu.memory_space<semaphore_mem>>)
    %dma_start3A_101 = arith.constant 8 : i32
    %dma_start3A_102 = arith.constant 0 : i32
    %dma_start3A_103 = tpu.memref_slice %arg7[%dma_start3A_101, %dma_start3A_102] : memref<64x128xi32, #tpu.memory_space<vmem>> -> memref<8x128xi32, #tpu.memory_space<vmem>>
    %dma_start3A_104 = arith.constant 8 : i32
    %dma_start3A_105 = tpu.memref_slice %arg3[%dma_start3A_104, %mul3A_91] : memref<50x100000xi32, #tpu.memory_space<hbm>> -> memref<8x128xi32, #tpu.memory_space<hbm>>
    %dma_start3A_106 = arith.constant 8 : i32
    %dma_start3A_107 = arith.constant 0 : i32
    %dma_start3A_108 = tpu.memref_slice %arg7[%dma_start3A_106, %dma_start3A_107] : memref<64x128xi32, #tpu.memory_space<vmem>> -> memref<8x128xi32, #tpu.memory_space<vmem>>
    %dma_start3A_109 = arith.constant 8 : i32
    %dma_start3A_110 = tpu.memref_slice %arg3[%dma_start3A_109, %mul3A_91] : memref<50x100000xi32, #tpu.memory_space<hbm>> -> memref<8x128xi32, #tpu.memory_space<hbm>>
    tpu.enqueue_dma source(%dma_start3A_110 : memref<8x128xi32, #tpu.memory_space<hbm>>) target(%dma_start3A_108 : memref<8x128xi32, #tpu.memory_space<vmem>>) target_semaphore(%arg13 : memref<!tpu.dma_semaphore, #tpu.memory_space<semaphore_mem>>)
    %eq3A_111 = arith.constant 0 : i32
    %eq3A_112 = arith.cmpi eq, %sub3A_49, %eq3A_111 : i32
    %slice3A_113 = vector.extract_strided_slice %get3A_51 {offsets = [1], sizes = [1], strides = [1]} : vector<16xi32> to vector<1xi32>
    %squeeze3A_114 = vector.extract %slice3A_113[0] : i32 from vector<1xi32>
    %eq3A_115 = arith.constant 1 : i32
    %eq3A_116 = arith.cmpi eq, %sub3A_49, %eq3A_115 : i32
    %slice3A_117 = vector.extract_strided_slice %get3A_51 {offsets = [5], sizes = [1], strides = [1]} : vector<16xi32> to vector<1xi32>
    %squeeze3A_118 = vector.extract %slice3A_117[0] : i32 from vector<1xi32>
    %eq3A_119 = arith.constant 2 : i32
    %eq3A_120 = arith.cmpi eq, %sub3A_49, %eq3A_119 : i32
    %slice3A_121 = vector.extract_strided_slice %get3A_51 {offsets = [9], sizes = [1], strides = [1]} : vector<16xi32> to vector<1xi32>
    %squeeze3A_122 = vector.extract %slice3A_121[0] : i32 from vector<1xi32>
    %slice3A_123 = vector.extract_strided_slice %get3A_51 {offsets = [13], sizes = [1], strides = [1]} : vector<16xi32> to vector<1xi32>
    %squeeze3A_124 = vector.extract %slice3A_123[0] : i32 from vector<1xi32>
    %select_n3A_125 = arith.select %eq3A_120, %squeeze3A_122, %squeeze3A_124 : i32
    %select_n3A_126 = arith.select %eq3A_116, %squeeze3A_118, %select_n3A_125 : i32
    %select_n3A_127 = arith.select %eq3A_112, %squeeze3A_114, %select_n3A_126 : i32
    %jit3A_128 = arith.constant 128 : i32
    %div3A_129 = arith.divsi %select_n3A_127, %jit3A_128 : i32
    %sign3A_130 = arith.constant 0 : i32
    %sign3A_131 = arith.cmpi sgt, %select_n3A_127, %sign3A_130 : i32
    %sign3A_132 = arith.extui %sign3A_131 : i1 to i32
    %sign3A_133 = arith.constant 0 : i32
    %sign3A_134 = arith.cmpi slt, %select_n3A_127, %sign3A_133 : i32
    %sign3A_135 = arith.extui %sign3A_134 : i1 to i32
    %sign3A_136 = arith.subi %sign3A_132, %sign3A_135 : i32
    %sign3A_137 = arith.constant 0 : i32
    %sign3A_138 = arith.cmpi sgt, %jit3A_128, %sign3A_137 : i32
    %sign3A_139 = arith.extui %sign3A_138 : i1 to i32
    %sign3A_140 = arith.constant 0 : i32
    %sign3A_141 = arith.cmpi slt, %jit3A_128, %sign3A_140 : i32
    %sign3A_142 = arith.extui %sign3A_141 : i1 to i32
    %sign3A_143 = arith.subi %sign3A_139, %sign3A_142 : i32
    %ne3A_144 = arith.cmpi ne, %sign3A_136, %sign3A_143 : i32
    %rem3A_145 = arith.remsi %select_n3A_127, %jit3A_128 : i32
    %ne3A_146 = arith.constant 0 : i32
    %ne3A_147 = arith.cmpi ne, %rem3A_145, %ne3A_146 : i32
    %and3A_148 = arith.andi %ne3A_144, %ne3A_147 : i1
    %sub3A_149 = arith.constant 1 : i32
    %sub3A_150 = arith.subi %div3A_129, %sub3A_149 : i32
    %select_n3A_151 = arith.select %and3A_148, %sub3A_150, %div3A_129 : i32
    %mul3A_152 = arith.constant 128 : i32
    %mul3A_153 = arith.muli %select_n3A_151, %mul3A_152 : i32
    %dma_start3A_154 = arith.constant 16 : i32
    %dma_start3A_155 = arith.constant 0 : i32
    %dma_start3A_156 = tpu.memref_slice %arg7[%dma_start3A_154, %dma_start3A_155] : memref<64x128xi32, #tpu.memory_space<vmem>> -> memref<8x128xi32, #tpu.memory_space<vmem>>
    %dma_start3A_157 = arith.constant 0 : i32
    %dma_start3A_158 = tpu.memref_slice %arg3[%dma_start3A_157, %mul3A_153] : memref<50x100000xi32, #tpu.memory_space<hbm>> -> memref<8x128xi32, #tpu.memory_space<hbm>>
    %dma_start3A_159 = arith.constant 16 : i32
    %dma_start3A_160 = arith.constant 0 : i32
    %dma_start3A_161 = tpu.memref_slice %arg7[%dma_start3A_159, %dma_start3A_160] : memref<64x128xi32, #tpu.memory_space<vmem>> -> memref<8x128xi32, #tpu.memory_space<vmem>>
    %dma_start3A_162 = arith.constant 0 : i32
    %dma_start3A_163 = tpu.memref_slice %arg3[%dma_start3A_162, %mul3A_153] : memref<50x100000xi32, #tpu.memory_space<hbm>> -> memref<8x128xi32, #tpu.memory_space<hbm>>
    tpu.enqueue_dma source(%dma_start3A_163 : memref<8x128xi32, #tpu.memory_space<hbm>>) target(%dma_start3A_161 : memref<8x128xi32, #tpu.memory_space<vmem>>) target_semaphore(%arg13 : memref<!tpu.dma_semaphore, #tpu.memory_space<semaphore_mem>>)
    %dma_start3A_164 = arith.constant 24 : i32
    %dma_start3A_165 = arith.constant 0 : i32
    %dma_start3A_166 = tpu.memref_slice %arg7[%dma_start3A_164, %dma_start3A_165] : memref<64x128xi32, #tpu.memory_space<vmem>> -> memref<8x128xi32, #tpu.memory_space<vmem>>
    %dma_start3A_167 = arith.constant 8 : i32
    %dma_start3A_168 = tpu.memref_slice %arg3[%dma_start3A_167, %mul3A_153] : memref<50x100000xi32, #tpu.memory_space<hbm>> -> memref<8x128xi32, #tpu.memory_space<hbm>>
    %dma_start3A_169 = arith.constant 24 : i32
    %dma_start3A_170 = arith.constant 0 : i32
    %dma_start3A_171 = tpu.memref_slice %arg7[%dma_start3A_169, %dma_start3A_170] : memref<64x128xi32, #tpu.memory_space<vmem>> -> memref<8x128xi32, #tpu.memory_space<vmem>>
    %dma_start3A_172 = arith.constant 8 : i32
    %dma_start3A_173 = tpu.memref_slice %arg3[%dma_start3A_172, %mul3A_153] : memref<50x100000xi32, #tpu.memory_space<hbm>> -> memref<8x128xi32, #tpu.memory_space<hbm>>
    tpu.enqueue_dma source(%dma_start3A_173 : memref<8x128xi32, #tpu.memory_space<hbm>>) target(%dma_start3A_171 : memref<8x128xi32, #tpu.memory_space<vmem>>) target_semaphore(%arg13 : memref<!tpu.dma_semaphore, #tpu.memory_space<semaphore_mem>>)
    %eq3A_174 = arith.constant 0 : i32
    %eq3A_175 = arith.cmpi eq, %sub3A_49, %eq3A_174 : i32
    %slice3A_176 = vector.extract_strided_slice %get3A_51 {offsets = [2], sizes = [1], strides = [1]} : vector<16xi32> to vector<1xi32>
    %squeeze3A_177 = vector.extract %slice3A_176[0] : i32 from vector<1xi32>
    %eq3A_178 = arith.constant 1 : i32
    %eq3A_179 = arith.cmpi eq, %sub3A_49, %eq3A_178 : i32
    %slice3A_180 = vector.extract_strided_slice %get3A_51 {offsets = [6], sizes = [1], strides = [1]} : vector<16xi32> to vector<1xi32>
    %squeeze3A_181 = vector.extract %slice3A_180[0] : i32 from vector<1xi32>
    %eq3A_182 = arith.constant 2 : i32
    %eq3A_183 = arith.cmpi eq, %sub3A_49, %eq3A_182 : i32
    %slice3A_184 = vector.extract_strided_slice %get3A_51 {offsets = [10], sizes = [1], strides = [1]} : vector<16xi32> to vector<1xi32>
    %squeeze3A_185 = vector.extract %slice3A_184[0] : i32 from vector<1xi32>
    %slice3A_186 = vector.extract_strided_slice %get3A_51 {offsets = [14], sizes = [1], strides = [1]} : vector<16xi32> to vector<1xi32>
    %squeeze3A_187 = vector.extract %slice3A_186[0] : i32 from vector<1xi32>
    %select_n3A_188 = arith.select %eq3A_183, %squeeze3A_185, %squeeze3A_187 : i32
    %select_n3A_189 = arith.select %eq3A_179, %squeeze3A_181, %select_n3A_188 : i32
    %select_n3A_190 = arith.select %eq3A_175, %squeeze3A_177, %select_n3A_189 : i32
    %jit3A_191 = arith.constant 128 : i32
    %div3A_192 = arith.divsi %select_n3A_190, %jit3A_191 : i32
    %sign3A_193 = arith.constant 0 : i32
    %sign3A_194 = arith.cmpi sgt, %select_n3A_190, %sign3A_193 : i32
    %sign3A_195 = arith.extui %sign3A_194 : i1 to i32
    %sign3A_196 = arith.constant 0 : i32
    %sign3A_197 = arith.cmpi slt, %select_n3A_190, %sign3A_196 : i32
    %sign3A_198 = arith.extui %sign3A_197 : i1 to i32
    %sign3A_199 = arith.subi %sign3A_195, %sign3A_198 : i32
    %sign3A_200 = arith.constant 0 : i32
    %sign3A_201 = arith.cmpi sgt, %jit3A_191, %sign3A_200 : i32
    %sign3A_202 = arith.extui %sign3A_201 : i1 to i32
    %sign3A_203 = arith.constant 0 : i32
    %sign3A_204 = arith.cmpi slt, %jit3A_191, %sign3A_203 : i32
    %sign3A_205 = arith.extui %sign3A_204 : i1 to i32
    %sign3A_206 = arith.subi %sign3A_202, %sign3A_205 : i32
    %ne3A_207 = arith.cmpi ne, %sign3A_199, %sign3A_206 : i32
    %rem3A_208 = arith.remsi %select_n3A_190, %jit3A_191 : i32
    %ne3A_209 = arith.constant 0 : i32
    %ne3A_210 = arith.cmpi ne, %rem3A_208, %ne3A_209 : i32
    %and3A_211 = arith.andi %ne3A_207, %ne3A_210 : i1
    %sub3A_212 = arith.constant 1 : i32
    %sub3A_213 = arith.subi %div3A_192, %sub3A_212 : i32
    %select_n3A_214 = arith.select %and3A_211, %sub3A_213, %div3A_192 : i32
    %mul3A_215 = arith.constant 128 : i32
    %mul3A_216 = arith.muli %select_n3A_214, %mul3A_215 : i32
    %dma_start3A_217 = arith.constant 32 : i32
    %dma_start3A_218 = arith.constant 0 : i32
    %dma_start3A_219 = tpu.memref_slice %arg7[%dma_start3A_217, %dma_start3A_218] : memref<64x128xi32, #tpu.memory_space<vmem>> -> memref<8x128xi32, #tpu.memory_space<vmem>>
    %dma_start3A_220 = arith.constant 0 : i32
    %dma_start3A_221 = tpu.memref_slice %arg3[%dma_start3A_220, %mul3A_216] : memref<50x100000xi32, #tpu.memory_space<hbm>> -> memref<8x128xi32, #tpu.memory_space<hbm>>
    %dma_start3A_222 = arith.constant 32 : i32
    %dma_start3A_223 = arith.constant 0 : i32
    %dma_start3A_224 = tpu.memref_slice %arg7[%dma_start3A_222, %dma_start3A_223] : memref<64x128xi32, #tpu.memory_space<vmem>> -> memref<8x128xi32, #tpu.memory_space<vmem>>
    %dma_start3A_225 = arith.constant 0 : i32
    %dma_start3A_226 = tpu.memref_slice %arg3[%dma_start3A_225, %mul3A_216] : memref<50x100000xi32, #tpu.memory_space<hbm>> -> memref<8x128xi32, #tpu.memory_space<hbm>>
    tpu.enqueue_dma source(%dma_start3A_226 : memref<8x128xi32, #tpu.memory_space<hbm>>) target(%dma_start3A_224 : memref<8x128xi32, #tpu.memory_space<vmem>>) target_semaphore(%arg13 : memref<!tpu.dma_semaphore, #tpu.memory_space<semaphore_mem>>)
    %dma_start3A_227 = arith.constant 40 : i32
    %dma_start3A_228 = arith.constant 0 : i32
    %dma_start3A_229 = tpu.memref_slice %arg7[%dma_start3A_227, %dma_start3A_228] : memref<64x128xi32, #tpu.memory_space<vmem>> -> memref<8x128xi32, #tpu.memory_space<vmem>>
    %dma_start3A_230 = arith.constant 8 : i32
    %dma_start3A_231 = tpu.memref_slice %arg3[%dma_start3A_230, %mul3A_216] : memref<50x100000xi32, #tpu.memory_space<hbm>> -> memref<8x128xi32, #tpu.memory_space<hbm>>
    %dma_start3A_232 = arith.constant 40 : i32
    %dma_start3A_233 = arith.constant 0 : i32
    %dma_start3A_234 = tpu.memref_slice %arg7[%dma_start3A_232, %dma_start3A_233] : memref<64x128xi32, #tpu.memory_space<vmem>> -> memref<8x128xi32, #tpu.memory_space<vmem>>
    %dma_start3A_235 = arith.constant 8 : i32
    %dma_start3A_236 = tpu.memref_slice %arg3[%dma_start3A_235, %mul3A_216] : memref<50x100000xi32, #tpu.memory_space<hbm>> -> memref<8x128xi32, #tpu.memory_space<hbm>>
    tpu.enqueue_dma source(%dma_start3A_236 : memref<8x128xi32, #tpu.memory_space<hbm>>) target(%dma_start3A_234 : memref<8x128xi32, #tpu.memory_space<vmem>>) target_semaphore(%arg13 : memref<!tpu.dma_semaphore, #tpu.memory_space<semaphore_mem>>)
    %eq3A_237 = arith.constant 0 : i32
    %eq3A_238 = arith.cmpi eq, %sub3A_49, %eq3A_237 : i32
    %slice3A_239 = vector.extract_strided_slice %get3A_51 {offsets = [3], sizes = [1], strides = [1]} : vector<16xi32> to vector<1xi32>
    %squeeze3A_240 = vector.extract %slice3A_239[0] : i32 from vector<1xi32>
    %eq3A_241 = arith.constant 1 : i32
    %eq3A_242 = arith.cmpi eq, %sub3A_49, %eq3A_241 : i32
    %slice3A_243 = vector.extract_strided_slice %get3A_51 {offsets = [7], sizes = [1], strides = [1]} : vector<16xi32> to vector<1xi32>
    %squeeze3A_244 = vector.extract %slice3A_243[0] : i32 from vector<1xi32>
    %eq3A_245 = arith.constant 2 : i32
    %eq3A_246 = arith.cmpi eq, %sub3A_49, %eq3A_245 : i32
    %slice3A_247 = vector.extract_strided_slice %get3A_51 {offsets = [11], sizes = [1], strides = [1]} : vector<16xi32> to vector<1xi32>
    %squeeze3A_248 = vector.extract %slice3A_247[0] : i32 from vector<1xi32>
    %slice3A_249 = vector.extract_strided_slice %get3A_51 {offsets = [15], sizes = [1], strides = [1]} : vector<16xi32> to vector<1xi32>
    %squeeze3A_250 = vector.extract %slice3A_249[0] : i32 from vector<1xi32>
    %select_n3A_251 = arith.select %eq3A_246, %squeeze3A_248, %squeeze3A_250 : i32
    %select_n3A_252 = arith.select %eq3A_242, %squeeze3A_244, %select_n3A_251 : i32
    %select_n3A_253 = arith.select %eq3A_238, %squeeze3A_240, %select_n3A_252 : i32
    %jit3A_254 = arith.constant 128 : i32
    %div3A_255 = arith.divsi %select_n3A_253, %jit3A_254 : i32
    %sign3A_256 = arith.constant 0 : i32
    %sign3A_257 = arith.cmpi sgt, %select_n3A_253, %sign3A_256 : i32
    %sign3A_258 = arith.extui %sign3A_257 : i1 to i32
    %sign3A_259 = arith.constant 0 : i32
    %sign3A_260 = arith.cmpi slt, %select_n3A_253, %sign3A_259 : i32
    %sign3A_261 = arith.extui %sign3A_260 : i1 to i32
    %sign3A_262 = arith.subi %sign3A_258, %sign3A_261 : i32
    %sign3A_263 = arith.constant 0 : i32
    %sign3A_264 = arith.cmpi sgt, %jit3A_254, %sign3A_263 : i32
    %sign3A_265 = arith.extui %sign3A_264 : i1 to i32
    %sign3A_266 = arith.constant 0 : i32
    %sign3A_267 = arith.cmpi slt, %jit3A_254, %sign3A_266 : i32
    %sign3A_268 = arith.extui %sign3A_267 : i1 to i32
    %sign3A_269 = arith.subi %sign3A_265, %sign3A_268 : i32
    %ne3A_270 = arith.cmpi ne, %sign3A_262, %sign3A_269 : i32
    %rem3A_271 = arith.remsi %select_n3A_253, %jit3A_254 : i32
    %ne3A_272 = arith.constant 0 : i32
    %ne3A_273 = arith.cmpi ne, %rem3A_271, %ne3A_272 : i32
    %and3A_274 = arith.andi %ne3A_270, %ne3A_273 : i1
    %sub3A_275 = arith.constant 1 : i32
    %sub3A_276 = arith.subi %div3A_255, %sub3A_275 : i32
    %select_n3A_277 = arith.select %and3A_274, %sub3A_276, %div3A_255 : i32
    %mul3A_278 = arith.constant 128 : i32
    %mul3A_279 = arith.muli %select_n3A_277, %mul3A_278 : i32
    %dma_start3A_280 = arith.constant 48 : i32
    %dma_start3A_281 = arith.constant 0 : i32
    %dma_start3A_282 = tpu.memref_slice %arg7[%dma_start3A_280, %dma_start3A_281] : memref<64x128xi32, #tpu.memory_space<vmem>> -> memref<8x128xi32, #tpu.memory_space<vmem>>
    %dma_start3A_283 = arith.constant 0 : i32
    %dma_start3A_284 = tpu.memref_slice %arg3[%dma_start3A_283, %mul3A_279] : memref<50x100000xi32, #tpu.memory_space<hbm>> -> memref<8x128xi32, #tpu.memory_space<hbm>>
    %dma_start3A_285 = arith.constant 48 : i32
    %dma_start3A_286 = arith.constant 0 : i32
    %dma_start3A_287 = tpu.memref_slice %arg7[%dma_start3A_285, %dma_start3A_286] : memref<64x128xi32, #tpu.memory_space<vmem>> -> memref<8x128xi32, #tpu.memory_space<vmem>>
    %dma_start3A_288 = arith.constant 0 : i32
    %dma_start3A_289 = tpu.memref_slice %arg3[%dma_start3A_288, %mul3A_279] : memref<50x100000xi32, #tpu.memory_space<hbm>> -> memref<8x128xi32, #tpu.memory_space<hbm>>
    tpu.enqueue_dma source(%dma_start3A_289 : memref<8x128xi32, #tpu.memory_space<hbm>>) target(%dma_start3A_287 : memref<8x128xi32, #tpu.memory_space<vmem>>) target_semaphore(%arg13 : memref<!tpu.dma_semaphore, #tpu.memory_space<semaphore_mem>>)
    %dma_start3A_290 = arith.constant 56 : i32
    %dma_start3A_291 = arith.constant 0 : i32
    %dma_start3A_292 = tpu.memref_slice %arg7[%dma_start3A_290, %dma_start3A_291] : memref<64x128xi32, #tpu.memory_space<vmem>> -> memref<8x128xi32, #tpu.memory_space<vmem>>
    %dma_start3A_293 = arith.constant 8 : i32
    %dma_start3A_294 = tpu.memref_slice %arg3[%dma_start3A_293, %mul3A_279] : memref<50x100000xi32, #tpu.memory_space<hbm>> -> memref<8x128xi32, #tpu.memory_space<hbm>>
    %dma_start3A_295 = arith.constant 56 : i32
    %dma_start3A_296 = arith.constant 0 : i32
    %dma_start3A_297 = tpu.memref_slice %arg7[%dma_start3A_295, %dma_start3A_296] : memref<64x128xi32, #tpu.memory_space<vmem>> -> memref<8x128xi32, #tpu.memory_space<vmem>>
    %dma_start3A_298 = arith.constant 8 : i32
    %dma_start3A_299 = tpu.memref_slice %arg3[%dma_start3A_298, %mul3A_279] : memref<50x100000xi32, #tpu.memory_space<hbm>> -> memref<8x128xi32, #tpu.memory_space<hbm>>
    tpu.enqueue_dma source(%dma_start3A_299 : memref<8x128xi32, #tpu.memory_space<hbm>>) target(%dma_start3A_297 : memref<8x128xi32, #tpu.memory_space<vmem>>) target_semaphore(%arg13 : memref<!tpu.dma_semaphore, #tpu.memory_space<semaphore_mem>>)
    %dma_wait3A = arith.constant 0 : i32
    %dma_wait3A_300 = arith.constant 0 : i32
    %dma_wait3A_301 = tpu.memref_slice %arg7[%dma_wait3A, %dma_wait3A_300] : memref<64x128xi32, #tpu.memory_space<vmem>> -> memref<8x128xi32, #tpu.memory_space<vmem>>
    %dma_wait3A_302 = arith.constant 0 : i32
    %dma_wait3A_303 = tpu.memref_slice %arg3[%dma_wait3A_302, %mul3A_91] : memref<50x100000xi32, #tpu.memory_space<hbm>> -> memref<8x128xi32, #tpu.memory_space<hbm>>
    %dma_wait3A_304 = arith.constant 0 : i32
    %dma_wait3A_305 = arith.constant 0 : i32
    %dma_wait3A_306 = tpu.memref_slice %arg7[%dma_wait3A_304, %dma_wait3A_305] : memref<64x128xi32, #tpu.memory_space<vmem>> -> memref<8x128xi32, #tpu.memory_space<vmem>>
    %dma_wait3A_307 = arith.constant 0 : i32
    %dma_wait3A_308 = tpu.memref_slice %arg3[%dma_wait3A_307, %mul3A_91] : memref<50x100000xi32, #tpu.memory_space<hbm>> -> memref<8x128xi32, #tpu.memory_space<hbm>>
    tpu.wait_dma2 semaphore(%arg13 : memref<!tpu.dma_semaphore, #tpu.memory_space<semaphore_mem>>) src(%dma_wait3A_308 : memref<8x128xi32, #tpu.memory_space<hbm>>) dst(%dma_wait3A_306 : memref<8x128xi32, #tpu.memory_space<vmem>>)
    %dma_wait3A_309 = arith.constant 8 : i32
    %dma_wait3A_310 = arith.constant 0 : i32
    %dma_wait3A_311 = tpu.memref_slice %arg7[%dma_wait3A_309, %dma_wait3A_310] : memref<64x128xi32, #tpu.memory_space<vmem>> -> memref<8x128xi32, #tpu.memory_space<vmem>>
    %dma_wait3A_312 = arith.constant 8 : i32
    %dma_wait3A_313 = tpu.memref_slice %arg3[%dma_wait3A_312, %mul3A_91] : memref<50x100000xi32, #tpu.memory_space<hbm>> -> memref<8x128xi32, #tpu.memory_space<hbm>>
    %dma_wait3A_314 = arith.constant 8 : i32
    %dma_wait3A_315 = arith.constant 0 : i32
    %dma_wait3A_316 = tpu.memref_slice %arg7[%dma_wait3A_314, %dma_wait3A_315] : memref<64x128xi32, #tpu.memory_space<vmem>> -> memref<8x128xi32, #tpu.memory_space<vmem>>
    %dma_wait3A_317 = arith.constant 8 : i32
    %dma_wait3A_318 = tpu.memref_slice %arg3[%dma_wait3A_317, %mul3A_91] : memref<50x100000xi32, #tpu.memory_space<hbm>> -> memref<8x128xi32, #tpu.memory_space<hbm>>
    tpu.wait_dma2 semaphore(%arg13 : memref<!tpu.dma_semaphore, #tpu.memory_space<semaphore_mem>>) src(%dma_wait3A_318 : memref<8x128xi32, #tpu.memory_space<hbm>>) dst(%dma_wait3A_316 : memref<8x128xi32, #tpu.memory_space<vmem>>)
    %dma_wait3A_319 = arith.constant 16 : i32
    %dma_wait3A_320 = arith.constant 0 : i32
    %dma_wait3A_321 = tpu.memref_slice %arg7[%dma_wait3A_319, %dma_wait3A_320] : memref<64x128xi32, #tpu.memory_space<vmem>> -> memref<8x128xi32, #tpu.memory_space<vmem>>
    %dma_wait3A_322 = arith.constant 0 : i32
    %dma_wait3A_323 = tpu.memref_slice %arg3[%dma_wait3A_322, %mul3A_153] : memref<50x100000xi32, #tpu.memory_space<hbm>> -> memref<8x128xi32, #tpu.memory_space<hbm>>
    %dma_wait3A_324 = arith.constant 16 : i32
    %dma_wait3A_325 = arith.constant 0 : i32
    %dma_wait3A_326 = tpu.memref_slice %arg7[%dma_wait3A_324, %dma_wait3A_325] : memref<64x128xi32, #tpu.memory_space<vmem>> -> memref<8x128xi32, #tpu.memory_space<vmem>>
    %dma_wait3A_327 = arith.constant 0 : i32
    %dma_wait3A_328 = tpu.memref_slice %arg3[%dma_wait3A_327, %mul3A_153] : memref<50x100000xi32, #tpu.memory_space<hbm>> -> memref<8x128xi32, #tpu.memory_space<hbm>>
    tpu.wait_dma2 semaphore(%arg13 : memref<!tpu.dma_semaphore, #tpu.memory_space<semaphore_mem>>) src(%dma_wait3A_328 : memref<8x128xi32, #tpu.memory_space<hbm>>) dst(%dma_wait3A_326 : memref<8x128xi32, #tpu.memory_space<vmem>>)
    %dma_wait3A_329 = arith.constant 24 : i32
    %dma_wait3A_330 = arith.constant 0 : i32
    %dma_wait3A_331 = tpu.memref_slice %arg7[%dma_wait3A_329, %dma_wait3A_330] : memref<64x128xi32, #tpu.memory_space<vmem>> -> memref<8x128xi32, #tpu.memory_space<vmem>>
    %dma_wait3A_332 = arith.constant 8 : i32
    %dma_wait3A_333 = tpu.memref_slice %arg3[%dma_wait3A_332, %mul3A_153] : memref<50x100000xi32, #tpu.memory_space<hbm>> -> memref<8x128xi32, #tpu.memory_space<hbm>>
    %dma_wait3A_334 = arith.constant 24 : i32
    %dma_wait3A_335 = arith.constant 0 : i32
    %dma_wait3A_336 = tpu.memref_slice %arg7[%dma_wait3A_334, %dma_wait3A_335] : memref<64x128xi32, #tpu.memory_space<vmem>> -> memref<8x128xi32, #tpu.memory_space<vmem>>
    %dma_wait3A_337 = arith.constant 8 : i32
    %dma_wait3A_338 = tpu.memref_slice %arg3[%dma_wait3A_337, %mul3A_153] : memref<50x100000xi32, #tpu.memory_space<hbm>> -> memref<8x128xi32, #tpu.memory_space<hbm>>
    tpu.wait_dma2 semaphore(%arg13 : memref<!tpu.dma_semaphore, #tpu.memory_space<semaphore_mem>>) src(%dma_wait3A_338 : memref<8x128xi32, #tpu.memory_space<hbm>>) dst(%dma_wait3A_336 : memref<8x128xi32, #tpu.memory_space<vmem>>)
    %dma_wait3A_339 = arith.constant 32 : i32
    %dma_wait3A_340 = arith.constant 0 : i32
    %dma_wait3A_341 = tpu.memref_slice %arg7[%dma_wait3A_339, %dma_wait3A_340] : memref<64x128xi32, #tpu.memory_space<vmem>> -> memref<8x128xi32, #tpu.memory_space<vmem>>
    %dma_wait3A_342 = arith.constant 0 : i32
    %dma_wait3A_343 = tpu.memref_slice %arg3[%dma_wait3A_342, %mul3A_216] : memref<50x100000xi32, #tpu.memory_space<hbm>> -> memref<8x128xi32, #tpu.memory_space<hbm>>
    %dma_wait3A_344 = arith.constant 32 : i32
    %dma_wait3A_345 = arith.constant 0 : i32
    %dma_wait3A_346 = tpu.memref_slice %arg7[%dma_wait3A_344, %dma_wait3A_345] : memref<64x128xi32, #tpu.memory_space<vmem>> -> memref<8x128xi32, #tpu.memory_space<vmem>>
    %dma_wait3A_347 = arith.constant 0 : i32
    %dma_wait3A_348 = tpu.memref_slice %arg3[%dma_wait3A_347, %mul3A_216] : memref<50x100000xi32, #tpu.memory_space<hbm>> -> memref<8x128xi32, #tpu.memory_space<hbm>>
    tpu.wait_dma2 semaphore(%arg13 : memref<!tpu.dma_semaphore, #tpu.memory_space<semaphore_mem>>) src(%dma_wait3A_348 : memref<8x128xi32, #tpu.memory_space<hbm>>) dst(%dma_wait3A_346 : memref<8x128xi32, #tpu.memory_space<vmem>>)
    %dma_wait3A_349 = arith.constant 40 : i32
    %dma_wait3A_350 = arith.constant 0 : i32
    %dma_wait3A_351 = tpu.memref_slice %arg7[%dma_wait3A_349, %dma_wait3A_350] : memref<64x128xi32, #tpu.memory_space<vmem>> -> memref<8x128xi32, #tpu.memory_space<vmem>>
    %dma_wait3A_352 = arith.constant 8 : i32
    %dma_wait3A_353 = tpu.memref_slice %arg3[%dma_wait3A_352, %mul3A_216] : memref<50x100000xi32, #tpu.memory_space<hbm>> -> memref<8x128xi32, #tpu.memory_space<hbm>>
    %dma_wait3A_354 = arith.constant 40 : i32
    %dma_wait3A_355 = arith.constant 0 : i32
    %dma_wait3A_356 = tpu.memref_slice %arg7[%dma_wait3A_354, %dma_wait3A_355] : memref<64x128xi32, #tpu.memory_space<vmem>> -> memref<8x128xi32, #tpu.memory_space<vmem>>
    %dma_wait3A_357 = arith.constant 8 : i32
    %dma_wait3A_358 = tpu.memref_slice %arg3[%dma_wait3A_357, %mul3A_216] : memref<50x100000xi32, #tpu.memory_space<hbm>> -> memref<8x128xi32, #tpu.memory_space<hbm>>
    tpu.wait_dma2 semaphore(%arg13 : memref<!tpu.dma_semaphore, #tpu.memory_space<semaphore_mem>>) src(%dma_wait3A_358 : memref<8x128xi32, #tpu.memory_space<hbm>>) dst(%dma_wait3A_356 : memref<8x128xi32, #tpu.memory_space<vmem>>)
    %dma_wait3A_359 = arith.constant 48 : i32
    %dma_wait3A_360 = arith.constant 0 : i32
    %dma_wait3A_361 = tpu.memref_slice %arg7[%dma_wait3A_359, %dma_wait3A_360] : memref<64x128xi32, #tpu.memory_space<vmem>> -> memref<8x128xi32, #tpu.memory_space<vmem>>
    %dma_wait3A_362 = arith.constant 0 : i32
    %dma_wait3A_363 = tpu.memref_slice %arg3[%dma_wait3A_362, %mul3A_279] : memref<50x100000xi32, #tpu.memory_space<hbm>> -> memref<8x128xi32, #tpu.memory_space<hbm>>
    %dma_wait3A_364 = arith.constant 48 : i32
    %dma_wait3A_365 = arith.constant 0 : i32
    %dma_wait3A_366 = tpu.memref_slice %arg7[%dma_wait3A_364, %dma_wait3A_365] : memref<64x128xi32, #tpu.memory_space<vmem>> -> memref<8x128xi32, #tpu.memory_space<vmem>>
    %dma_wait3A_367 = arith.constant 0 : i32
    %dma_wait3A_368 = tpu.memref_slice %arg3[%dma_wait3A_367, %mul3A_279] : memref<50x100000xi32, #tpu.memory_space<hbm>> -> memref<8x128xi32, #tpu.memory_space<hbm>>
    tpu.wait_dma2 semaphore(%arg13 : memref<!tpu.dma_semaphore, #tpu.memory_space<semaphore_mem>>) src(%dma_wait3A_368 : memref<8x128xi32, #tpu.memory_space<hbm>>) dst(%dma_wait3A_366 : memref<8x128xi32, #tpu.memory_space<vmem>>)
    %dma_wait3A_369 = arith.constant 56 : i32
    %dma_wait3A_370 = arith.constant 0 : i32
    %dma_wait3A_371 = tpu.memref_slice %arg7[%dma_wait3A_369, %dma_wait3A_370] : memref<64x128xi32, #tpu.memory_space<vmem>> -> memref<8x128xi32, #tpu.memory_space<vmem>>
    %dma_wait3A_372 = arith.constant 8 : i32
    %dma_wait3A_373 = tpu.memref_slice %arg3[%dma_wait3A_372, %mul3A_279] : memref<50x100000xi32, #tpu.memory_space<hbm>> -> memref<8x128xi32, #tpu.memory_space<hbm>>
    %dma_wait3A_374 = arith.constant 56 : i32
    %dma_wait3A_375 = arith.constant 0 : i32
    %dma_wait3A_376 = tpu.memref_slice %arg7[%dma_wait3A_374, %dma_wait3A_375] : memref<64x128xi32, #tpu.memory_space<vmem>> -> memref<8x128xi32, #tpu.memory_space<vmem>>
    %dma_wait3A_377 = arith.constant 8 : i32
    %dma_wait3A_378 = tpu.memref_slice %arg3[%dma_wait3A_377, %mul3A_279] : memref<50x100000xi32, #tpu.memory_space<hbm>> -> memref<8x128xi32, #tpu.memory_space<hbm>>
    tpu.wait_dma2 semaphore(%arg13 : memref<!tpu.dma_semaphore, #tpu.memory_space<semaphore_mem>>) src(%dma_wait3A_378 : memref<8x128xi32, #tpu.memory_space<hbm>>) dst(%dma_wait3A_376 : memref<8x128xi32, #tpu.memory_space<vmem>>)
    %jit3A_379 = arith.constant 128 : i32
    %div3A_380 = arith.divsi %select_n3A_65, %jit3A_379 : i32
    %sign3A_381 = arith.constant 0 : i32
    %sign3A_382 = arith.cmpi sgt, %select_n3A_65, %sign3A_381 : i32
    %sign3A_383 = arith.extui %sign3A_382 : i1 to i32
    %sign3A_384 = arith.constant 0 : i32
    %sign3A_385 = arith.cmpi slt, %select_n3A_65, %sign3A_384 : i32
    %sign3A_386 = arith.extui %sign3A_385 : i1 to i32
    %sign3A_387 = arith.subi %sign3A_383, %sign3A_386 : i32
    %sign3A_388 = arith.constant 0 : i32
    %sign3A_389 = arith.cmpi sgt, %jit3A_379, %sign3A_388 : i32
    %sign3A_390 = arith.extui %sign3A_389 : i1 to i32
    %sign3A_391 = arith.constant 0 : i32
    %sign3A_392 = arith.cmpi slt, %jit3A_379, %sign3A_391 : i32
    %sign3A_393 = arith.extui %sign3A_392 : i1 to i32
    %sign3A_394 = arith.subi %sign3A_390, %sign3A_393 : i32
    %ne3A_395 = arith.cmpi ne, %sign3A_387, %sign3A_394 : i32
    %rem3A_396 = arith.remsi %select_n3A_65, %jit3A_379 : i32
    %ne3A_397 = arith.constant 0 : i32
    %ne3A_398 = arith.cmpi ne, %rem3A_396, %ne3A_397 : i32
    %and3A_399 = arith.andi %ne3A_395, %ne3A_398 : i1
    %sub3A_400 = arith.constant 1 : i32
    %sub3A_401 = arith.subi %div3A_380, %sub3A_400 : i32
    %select_n3A_402 = arith.select %and3A_399, %sub3A_401, %div3A_380 : i32
    %mul3A_403 = arith.constant 128 : i32
    %mul3A_404 = arith.muli %select_n3A_402, %mul3A_403 : i32
    %sub3A_405 = arith.subi %select_n3A_65, %mul3A_404 : i32
    %jit3A_406 = arith.constant 16 : i32
    %div3A_407 = arith.divsi %sub3A_405, %jit3A_406 : i32
    %sign3A_408 = arith.constant 0 : i32
    %sign3A_409 = arith.cmpi sgt, %sub3A_405, %sign3A_408 : i32
    %sign3A_410 = arith.extui %sign3A_409 : i1 to i32
    %sign3A_411 = arith.constant 0 : i32
    %sign3A_412 = arith.cmpi slt, %sub3A_405, %sign3A_411 : i32
    %sign3A_413 = arith.extui %sign3A_412 : i1 to i32
    %sign3A_414 = arith.subi %sign3A_410, %sign3A_413 : i32
    %sign3A_415 = arith.constant 0 : i32
    %sign3A_416 = arith.cmpi sgt, %jit3A_406, %sign3A_415 : i32
    %sign3A_417 = arith.extui %sign3A_416 : i1 to i32
    %sign3A_418 = arith.constant 0 : i32
    %sign3A_419 = arith.cmpi slt, %jit3A_406, %sign3A_418 : i32
    %sign3A_420 = arith.extui %sign3A_419 : i1 to i32
    %sign3A_421 = arith.subi %sign3A_417, %sign3A_420 : i32
    %ne3A_422 = arith.cmpi ne, %sign3A_414, %sign3A_421 : i32
    %rem3A_423 = arith.remsi %sub3A_405, %jit3A_406 : i32
    %ne3A_424 = arith.constant 0 : i32
    %ne3A_425 = arith.cmpi ne, %rem3A_423, %ne3A_424 : i32
    %and3A_426 = arith.andi %ne3A_422, %ne3A_425 : i1
    %sub3A_427 = arith.constant 1 : i32
    %sub3A_428 = arith.subi %div3A_407, %sub3A_427 : i32
    %select_n3A_429 = arith.select %and3A_426, %sub3A_428, %div3A_407 : i32
    %mul3A_430 = arith.constant 16 : i32
    %mul3A_431 = arith.muli %select_n3A_429, %mul3A_430 : i32
    %broadcast_in_dim3A = arith.constant 0 : i32
    %broadcast_in_dim3A_432 = vector.broadcast %broadcast_in_dim3A : i32 to vector<16xi32>
    %sub3A_433 = arith.subi %sub3A_405, %mul3A_431 : i32
    %add3A_434 = vector.broadcast %sub3A_433 : i32 to vector<16xi32>
    %add3A_435 = arith.addi %broadcast_in_dim3A_432, %add3A_434 : vector<16xi32>
    %broadcast_in_dim3A_436 = arith.constant 0 : i32
    %broadcast_in_dim3A_437 = vector.broadcast %broadcast_in_dim3A_436 : i32 to vector<16xi32>
    %get3A_438 = arith.constant 0 : i32
    %get3A_439 = arith.index_cast %get3A_438 : i32 to index
    %get3A_440 = arith.index_cast %mul3A_431 : i32 to index
    %get3A_441 = tpu.vector_load %arg7[%get3A_439, %get3A_440] {strides = array<i32>} : memref<64x128xi32, #tpu.memory_space<vmem>>, vector<1x16xi32>,
    %get3A_442 = vector.shape_cast %get3A_441 : vector<1x16xi32> to vector<16xi32>
    %eq3A_443 = arith.constant 0 : i32
    %eq3A_444 = vector.broadcast %eq3A_443 : i32 to vector<16xi32>
    %eq3A_445 = arith.cmpi eq, %iota3A, %eq3A_444 : vector<16xi32>
    %lt3A = arith.constant 0 : i32
    %lt3A_446 = vector.broadcast %lt3A : i32 to vector<16xi32>
    %lt3A_447 = arith.cmpi slt, %add3A_435, %lt3A_446 : vector<16xi32>
    %add3A_448 = arith.constant 16 : i32
    %add3A_449 = vector.broadcast %add3A_448 : i32 to vector<16xi32>
    %add3A_450 = arith.addi %add3A_435, %add3A_449 : vector<16xi32>
    %select_n3A_451 = arith.select %lt3A_447, %add3A_450, %add3A_435 : vector<16xi1>, vector<16xi32>
    %broadcast_in_dim3A_452 = vector.shape_cast %select_n3A_451 : vector<16xi32> to vector<16x1xi32>
    %gather3A = vector.shape_cast %broadcast_in_dim3A_452 : vector<16x1xi32> to vector<16xi32>
    %gather3A_453 = tpu.dynamic_gather %get3A_442[%gather3A] in [0] : vector<16xi32>, vector<16xi32> -> vector<16xi32>
    %select_n3A_454 = arith.select %eq3A_445, %gather3A_453, %broadcast_in_dim3A_437 : vector<16xi1>, vector<16xi32>
    %get3A_455 = arith.constant 1 : i32
    %get3A_456 = arith.index_cast %get3A_455 : i32 to index
    %get3A_457 = arith.index_cast %mul3A_431 : i32 to index
    %get3A_458 = tpu.vector_load %arg7[%get3A_456, %get3A_457] {strides = array<i32>} : memref<64x128xi32, #tpu.memory_space<vmem>>, vector<1x16xi32>,
    %get3A_459 = vector.shape_cast %get3A_458 : vector<1x16xi32> to vector<16xi32>
    %eq3A_460 = arith.constant 1 : i32
    %eq3A_461 = vector.broadcast %eq3A_460 : i32 to vector<16xi32>
    %eq3A_462 = arith.cmpi eq, %iota3A, %eq3A_461 : vector<16xi32>
    %lt3A_463 = arith.constant 0 : i32
    %lt3A_464 = vector.broadcast %lt3A_463 : i32 to vector<16xi32>
    %lt3A_465 = arith.cmpi slt, %add3A_435, %lt3A_464 : vector<16xi32>
    %add3A_466 = arith.constant 16 : i32
    %add3A_467 = vector.broadcast %add3A_466 : i32 to vector<16xi32>
    %add3A_468 = arith.addi %add3A_435, %add3A_467 : vector<16xi32>
    %select_n3A_469 = arith.select %lt3A_465, %add3A_468, %add3A_435 : vector<16xi1>, vector<16xi32>
    %broadcast_in_dim3A_470 = vector.shape_cast %select_n3A_469 : vector<16xi32> to vector<16x1xi32>
    %gather3A_471 = vector.shape_cast %broadcast_in_dim3A_470 : vector<16x1xi32> to vector<16xi32>
    %gather3A_472 = tpu.dynamic_gather %get3A_459[%gather3A_471] in [0] : vector<16xi32>, vector<16xi32> -> vector<16xi32>
    %select_n3A_473 = arith.select %eq3A_462, %gather3A_472, %select_n3A_454 : vector<16xi1>, vector<16xi32>
    %get3A_474 = arith.constant 2 : i32
    %get3A_475 = arith.index_cast %get3A_474 : i32 to index
    %get3A_476 = arith.index_cast %mul3A_431 : i32 to index
    %get3A_477 = tpu.vector_load %arg7[%get3A_475, %get3A_476] {strides = array<i32>} : memref<64x128xi32, #tpu.memory_space<vmem>>, vector<1x16xi32>,
    %get3A_478 = vector.shape_cast %get3A_477 : vector<1x16xi32> to vector<16xi32>
    %eq3A_479 = arith.constant 2 : i32
    %eq3A_480 = vector.broadcast %eq3A_479 : i32 to vector<16xi32>
    %eq3A_481 = arith.cmpi eq, %iota3A, %eq3A_480 : vector<16xi32>
    %lt3A_482 = arith.constant 0 : i32
    %lt3A_483 = vector.broadcast %lt3A_482 : i32 to vector<16xi32>
    %lt3A_484 = arith.cmpi slt, %add3A_435, %lt3A_483 : vector<16xi32>
    %add3A_485 = arith.constant 16 : i32
    %add3A_486 = vector.broadcast %add3A_485 : i32 to vector<16xi32>
    %add3A_487 = arith.addi %add3A_435, %add3A_486 : vector<16xi32>
    %select_n3A_488 = arith.select %lt3A_484, %add3A_487, %add3A_435 : vector<16xi1>, vector<16xi32>
    %broadcast_in_dim3A_489 = vector.shape_cast %select_n3A_488 : vector<16xi32> to vector<16x1xi32>
    %gather3A_490 = vector.shape_cast %broadcast_in_dim3A_489 : vector<16x1xi32> to vector<16xi32>
    %gather3A_491 = tpu.dynamic_gather %get3A_478[%gather3A_490] in [0] : vector<16xi32>, vector<16xi32> -> vector<16xi32>
    %select_n3A_492 = arith.select %eq3A_481, %gather3A_491, %select_n3A_473 : vector<16xi1>, vector<16xi32>
    %get3A_493 = arith.constant 3 : i32
    %get3A_494 = arith.index_cast %get3A_493 : i32 to index
    %get3A_495 = arith.index_cast %mul3A_431 : i32 to index
    %get3A_496 = tpu.vector_load %arg7[%get3A_494, %get3A_495] {strides = array<i32>} : memref<64x128xi32, #tpu.memory_space<vmem>>, vector<1x16xi32>,
    %get3A_497 = vector.shape_cast %get3A_496 : vector<1x16xi32> to vector<16xi32>
    %eq3A_498 = arith.constant 3 : i32
    %eq3A_499 = vector.broadcast %eq3A_498 : i32 to vector<16xi32>
    %eq3A_500 = arith.cmpi eq, %iota3A, %eq3A_499 : vector<16xi32>
    %lt3A_501 = arith.constant 0 : i32
    %lt3A_502 = vector.broadcast %lt3A_501 : i32 to vector<16xi32>
    %lt3A_503 = arith.cmpi slt, %add3A_435, %lt3A_502 : vector<16xi32>
    %add3A_504 = arith.constant 16 : i32
    %add3A_505 = vector.broadcast %add3A_504 : i32 to vector<16xi32>
    %add3A_506 = arith.addi %add3A_435, %add3A_505 : vector<16xi32>
    %select_n3A_507 = arith.select %lt3A_503, %add3A_506, %add3A_435 : vector<16xi1>, vector<16xi32>
    %broadcast_in_dim3A_508 = vector.shape_cast %select_n3A_507 : vector<16xi32> to vector<16x1xi32>
    %gather3A_509 = vector.shape_cast %broadcast_in_dim3A_508 : vector<16x1xi32> to vector<16xi32>
    %gather3A_510 = tpu.dynamic_gather %get3A_497[%gather3A_509] in [0] : vector<16xi32>, vector<16xi32> -> vector<16xi32>
    %select_n3A_511 = arith.select %eq3A_500, %gather3A_510, %select_n3A_492 : vector<16xi1>, vector<16xi32>
    %get3A_512 = arith.constant 4 : i32
    %get3A_513 = arith.index_cast %get3A_512 : i32 to index
    %get3A_514 = arith.index_cast %mul3A_431 : i32 to index
    %get3A_515 = tpu.vector_load %arg7[%get3A_513, %get3A_514] {strides = array<i32>} : memref<64x128xi32, #tpu.memory_space<vmem>>, vector<1x16xi32>,
    %get3A_516 = vector.shape_cast %get3A_515 : vector<1x16xi32> to vector<16xi32>
    %eq3A_517 = arith.constant 4 : i32
    %eq3A_518 = vector.broadcast %eq3A_517 : i32 to vector<16xi32>
    %eq3A_519 = arith.cmpi eq, %iota3A, %eq3A_518 : vector<16xi32>
    %lt3A_520 = arith.constant 0 : i32
    %lt3A_521 = vector.broadcast %lt3A_520 : i32 to vector<16xi32>
    %lt3A_522 = arith.cmpi slt, %add3A_435, %lt3A_521 : vector<16xi32>
    %add3A_523 = arith.constant 16 : i32
    %add3A_524 = vector.broadcast %add3A_523 : i32 to vector<16xi32>
    %add3A_525 = arith.addi %add3A_435, %add3A_524 : vector<16xi32>
    %select_n3A_526 = arith.select %lt3A_522, %add3A_525, %add3A_435 : vector<16xi1>, vector<16xi32>
    %broadcast_in_dim3A_527 = vector.shape_cast %select_n3A_526 : vector<16xi32> to vector<16x1xi32>
    %gather3A_528 = vector.shape_cast %broadcast_in_dim3A_527 : vector<16x1xi32> to vector<16xi32>
    %gather3A_529 = tpu.dynamic_gather %get3A_516[%gather3A_528] in [0] : vector<16xi32>, vector<16xi32> -> vector<16xi32>
    %select_n3A_530 = arith.select %eq3A_519, %gather3A_529, %select_n3A_511 : vector<16xi1>, vector<16xi32>
    %get3A_531 = arith.constant 5 : i32
    %get3A_532 = arith.index_cast %get3A_531 : i32 to index
    %get3A_533 = arith.index_cast %mul3A_431 : i32 to index
    %get3A_534 = tpu.vector_load %arg7[%get3A_532, %get3A_533] {strides = array<i32>} : memref<64x128xi32, #tpu.memory_space<vmem>>, vector<1x16xi32>,
    %get3A_535 = vector.shape_cast %get3A_534 : vector<1x16xi32> to vector<16xi32>
    %eq3A_536 = arith.constant 5 : i32
    %eq3A_537 = vector.broadcast %eq3A_536 : i32 to vector<16xi32>
    %eq3A_538 = arith.cmpi eq, %iota3A, %eq3A_537 : vector<16xi32>
    %lt3A_539 = arith.constant 0 : i32
    %lt3A_540 = vector.broadcast %lt3A_539 : i32 to vector<16xi32>
    %lt3A_541 = arith.cmpi slt, %add3A_435, %lt3A_540 : vector<16xi32>
    %add3A_542 = arith.constant 16 : i32
    %add3A_543 = vector.broadcast %add3A_542 : i32 to vector<16xi32>
    %add3A_544 = arith.addi %add3A_435, %add3A_543 : vector<16xi32>
    %select_n3A_545 = arith.select %lt3A_541, %add3A_544, %add3A_435 : vector<16xi1>, vector<16xi32>
    %broadcast_in_dim3A_546 = vector.shape_cast %select_n3A_545 : vector<16xi32> to vector<16x1xi32>
    %gather3A_547 = vector.shape_cast %broadcast_in_dim3A_546 : vector<16x1xi32> to vector<16xi32>
    %gather3A_548 = tpu.dynamic_gather %get3A_535[%gather3A_547] in [0] : vector<16xi32>, vector<16xi32> -> vector<16xi32>
    %select_n3A_549 = arith.select %eq3A_538, %gather3A_548, %select_n3A_530 : vector<16xi1>, vector<16xi32>
    %get3A_550 = arith.constant 6 : i32
    %get3A_551 = arith.index_cast %get3A_550 : i32 to index
    %get3A_552 = arith.index_cast %mul3A_431 : i32 to index
    %get3A_553 = tpu.vector_load %arg7[%get3A_551, %get3A_552] {strides = array<i32>} : memref<64x128xi32, #tpu.memory_space<vmem>>, vector<1x16xi32>,
    %get3A_554 = vector.shape_cast %get3A_553 : vector<1x16xi32> to vector<16xi32>
    %eq3A_555 = arith.constant 6 : i32
    %eq3A_556 = vector.broadcast %eq3A_555 : i32 to vector<16xi32>
    %eq3A_557 = arith.cmpi eq, %iota3A, %eq3A_556 : vector<16xi32>
    %lt3A_558 = arith.constant 0 : i32
    %lt3A_559 = vector.broadcast %lt3A_558 : i32 to vector<16xi32>
    %lt3A_560 = arith.cmpi slt, %add3A_435, %lt3A_559 : vector<16xi32>
    %add3A_561 = arith.constant 16 : i32
    %add3A_562 = vector.broadcast %add3A_561 : i32 to vector<16xi32>
    %add3A_563 = arith.addi %add3A_435, %add3A_562 : vector<16xi32>
    %select_n3A_564 = arith.select %lt3A_560, %add3A_563, %add3A_435 : vector<16xi1>, vector<16xi32>
    %broadcast_in_dim3A_565 = vector.shape_cast %select_n3A_564 : vector<16xi32> to vector<16x1xi32>
    %gather3A_566 = vector.shape_cast %broadcast_in_dim3A_565 : vector<16x1xi32> to vector<16xi32>
    %gather3A_567 = tpu.dynamic_gather %get3A_554[%gather3A_566] in [0] : vector<16xi32>, vector<16xi32> -> vector<16xi32>
    %select_n3A_568 = arith.select %eq3A_557, %gather3A_567, %select_n3A_549 : vector<16xi1>, vector<16xi32>
    %get3A_569 = arith.constant 7 : i32
    %get3A_570 = arith.index_cast %get3A_569 : i32 to index
    %get3A_571 = arith.index_cast %mul3A_431 : i32 to index
    %get3A_572 = tpu.vector_load %arg7[%get3A_570, %get3A_571] {strides = array<i32>} : memref<64x128xi32, #tpu.memory_space<vmem>>, vector<1x16xi32>,
    %get3A_573 = vector.shape_cast %get3A_572 : vector<1x16xi32> to vector<16xi32>
    %eq3A_574 = arith.constant 7 : i32
    %eq3A_575 = vector.broadcast %eq3A_574 : i32 to vector<16xi32>
    %eq3A_576 = arith.cmpi eq, %iota3A, %eq3A_575 : vector<16xi32>
    %lt3A_577 = arith.constant 0 : i32
    %lt3A_578 = vector.broadcast %lt3A_577 : i32 to vector<16xi32>
    %lt3A_579 = arith.cmpi slt, %add3A_435, %lt3A_578 : vector<16xi32>
    %add3A_580 = arith.constant 16 : i32
    %add3A_581 = vector.broadcast %add3A_580 : i32 to vector<16xi32>
    %add3A_582 = arith.addi %add3A_435, %add3A_581 : vector<16xi32>
    %select_n3A_583 = arith.select %lt3A_579, %add3A_582, %add3A_435 : vector<16xi1>, vector<16xi32>
    %broadcast_in_dim3A_584 = vector.shape_cast %select_n3A_583 : vector<16xi32> to vector<16x1xi32>
    %gather3A_585 = vector.shape_cast %broadcast_in_dim3A_584 : vector<16x1xi32> to vector<16xi32>
    %gather3A_586 = tpu.dynamic_gather %get3A_573[%gather3A_585] in [0] : vector<16xi32>, vector<16xi32> -> vector<16xi32>
    %select_n3A_587 = arith.select %eq3A_576, %gather3A_586, %select_n3A_568 : vector<16xi1>, vector<16xi32>
    %get3A_588 = arith.constant 8 : i32
    %get3A_589 = arith.index_cast %get3A_588 : i32 to index
    %get3A_590 = arith.index_cast %mul3A_431 : i32 to index
    %get3A_591 = tpu.vector_load %arg7[%get3A_589, %get3A_590] {strides = array<i32>} : memref<64x128xi32, #tpu.memory_space<vmem>>, vector<1x16xi32>,
    %get3A_592 = vector.shape_cast %get3A_591 : vector<1x16xi32> to vector<16xi32>
    %eq3A_593 = arith.constant 8 : i32
    %eq3A_594 = vector.broadcast %eq3A_593 : i32 to vector<16xi32>
    %eq3A_595 = arith.cmpi eq, %iota3A, %eq3A_594 : vector<16xi32>
    %lt3A_596 = arith.constant 0 : i32
    %lt3A_597 = vector.broadcast %lt3A_596 : i32 to vector<16xi32>
    %lt3A_598 = arith.cmpi slt, %add3A_435, %lt3A_597 : vector<16xi32>
    %add3A_599 = arith.constant 16 : i32
    %add3A_600 = vector.broadcast %add3A_599 : i32 to vector<16xi32>
    %add3A_601 = arith.addi %add3A_435, %add3A_600 : vector<16xi32>
    %select_n3A_602 = arith.select %lt3A_598, %add3A_601, %add3A_435 : vector<16xi1>, vector<16xi32>
    %broadcast_in_dim3A_603 = vector.shape_cast %select_n3A_602 : vector<16xi32> to vector<16x1xi32>
    %gather3A_604 = vector.shape_cast %broadcast_in_dim3A_603 : vector<16x1xi32> to vector<16xi32>
    %gather3A_605 = tpu.dynamic_gather %get3A_592[%gather3A_604] in [0] : vector<16xi32>, vector<16xi32> -> vector<16xi32>
    %select_n3A_606 = arith.select %eq3A_595, %gather3A_605, %select_n3A_587 : vector<16xi1>, vector<16xi32>
    %get3A_607 = arith.constant 9 : i32
    %get3A_608 = arith.index_cast %get3A_607 : i32 to index
    %get3A_609 = arith.index_cast %mul3A_431 : i32 to index
    %get3A_610 = tpu.vector_load %arg7[%get3A_608, %get3A_609] {strides = array<i32>} : memref<64x128xi32, #tpu.memory_space<vmem>>, vector<1x16xi32>,
    %get3A_611 = vector.shape_cast %get3A_610 : vector<1x16xi32> to vector<16xi32>
    %eq3A_612 = arith.constant 9 : i32
    %eq3A_613 = vector.broadcast %eq3A_612 : i32 to vector<16xi32>
    %eq3A_614 = arith.cmpi eq, %iota3A, %eq3A_613 : vector<16xi32>
    %lt3A_615 = arith.constant 0 : i32
    %lt3A_616 = vector.broadcast %lt3A_615 : i32 to vector<16xi32>
    %lt3A_617 = arith.cmpi slt, %add3A_435, %lt3A_616 : vector<16xi32>
    %add3A_618 = arith.constant 16 : i32
    %add3A_619 = vector.broadcast %add3A_618 : i32 to vector<16xi32>
    %add3A_620 = arith.addi %add3A_435, %add3A_619 : vector<16xi32>
    %select_n3A_621 = arith.select %lt3A_617, %add3A_620, %add3A_435 : vector<16xi1>, vector<16xi32>
    %broadcast_in_dim3A_622 = vector.shape_cast %select_n3A_621 : vector<16xi32> to vector<16x1xi32>
    %gather3A_623 = vector.shape_cast %broadcast_in_dim3A_622 : vector<16x1xi32> to vector<16xi32>
    %gather3A_624 = tpu.dynamic_gather %get3A_611[%gather3A_623] in [0] : vector<16xi32>, vector<16xi32> -> vector<16xi32>
    %select_n3A_625 = arith.select %eq3A_614, %gather3A_624, %select_n3A_606 : vector<16xi1>, vector<16xi32>
    %get3A_626 = arith.constant 10 : i32
    %get3A_627 = arith.index_cast %get3A_626 : i32 to index
    %get3A_628 = arith.index_cast %mul3A_431 : i32 to index
    %get3A_629 = tpu.vector_load %arg7[%get3A_627, %get3A_628] {strides = array<i32>} : memref<64x128xi32, #tpu.memory_space<vmem>>, vector<1x16xi32>,
    %get3A_630 = vector.shape_cast %get3A_629 : vector<1x16xi32> to vector<16xi32>
    %eq3A_631 = arith.constant 10 : i32
    %eq3A_632 = vector.broadcast %eq3A_631 : i32 to vector<16xi32>
    %eq3A_633 = arith.cmpi eq, %iota3A, %eq3A_632 : vector<16xi32>
    %lt3A_634 = arith.constant 0 : i32
    %lt3A_635 = vector.broadcast %lt3A_634 : i32 to vector<16xi32>
    %lt3A_636 = arith.cmpi slt, %add3A_435, %lt3A_635 : vector<16xi32>
    %add3A_637 = arith.constant 16 : i32
    %add3A_638 = vector.broadcast %add3A_637 : i32 to vector<16xi32>
    %add3A_639 = arith.addi %add3A_435, %add3A_638 : vector<16xi32>
    %select_n3A_640 = arith.select %lt3A_636, %add3A_639, %add3A_435 : vector<16xi1>, vector<16xi32>
    %broadcast_in_dim3A_641 = vector.shape_cast %select_n3A_640 : vector<16xi32> to vector<16x1xi32>
    %gather3A_642 = vector.shape_cast %broadcast_in_dim3A_641 : vector<16x1xi32> to vector<16xi32>
    %gather3A_643 = tpu.dynamic_gather %get3A_630[%gather3A_642] in [0] : vector<16xi32>, vector<16xi32> -> vector<16xi32>
    %select_n3A_644 = arith.select %eq3A_633, %gather3A_643, %select_n3A_625 : vector<16xi1>, vector<16xi32>
    %get3A_645 = arith.constant 11 : i32
    %get3A_646 = arith.index_cast %get3A_645 : i32 to index
    %get3A_647 = arith.index_cast %mul3A_431 : i32 to index
    %get3A_648 = tpu.vector_load %arg7[%get3A_646, %get3A_647] {strides = array<i32>} : memref<64x128xi32, #tpu.memory_space<vmem>>, vector<1x16xi32>,
    %get3A_649 = vector.shape_cast %get3A_648 : vector<1x16xi32> to vector<16xi32>
    %eq3A_650 = arith.constant 11 : i32
    %eq3A_651 = vector.broadcast %eq3A_650 : i32 to vector<16xi32>
    %eq3A_652 = arith.cmpi eq, %iota3A, %eq3A_651 : vector<16xi32>
    %lt3A_653 = arith.constant 0 : i32
    %lt3A_654 = vector.broadcast %lt3A_653 : i32 to vector<16xi32>
    %lt3A_655 = arith.cmpi slt, %add3A_435, %lt3A_654 : vector<16xi32>
    %add3A_656 = arith.constant 16 : i32
    %add3A_657 = vector.broadcast %add3A_656 : i32 to vector<16xi32>
    %add3A_658 = arith.addi %add3A_435, %add3A_657 : vector<16xi32>
    %select_n3A_659 = arith.select %lt3A_655, %add3A_658, %add3A_435 : vector<16xi1>, vector<16xi32>
    %broadcast_in_dim3A_660 = vector.shape_cast %select_n3A_659 : vector<16xi32> to vector<16x1xi32>
    %gather3A_661 = vector.shape_cast %broadcast_in_dim3A_660 : vector<16x1xi32> to vector<16xi32>
    %gather3A_662 = tpu.dynamic_gather %get3A_649[%gather3A_661] in [0] : vector<16xi32>, vector<16xi32> -> vector<16xi32>
    %select_n3A_663 = arith.select %eq3A_652, %gather3A_662, %select_n3A_644 : vector<16xi1>, vector<16xi32>
    %get3A_664 = arith.constant 12 : i32
    %get3A_665 = arith.index_cast %get3A_664 : i32 to index
    %get3A_666 = arith.index_cast %mul3A_431 : i32 to index
    %get3A_667 = tpu.vector_load %arg7[%get3A_665, %get3A_666] {strides = array<i32>} : memref<64x128xi32, #tpu.memory_space<vmem>>, vector<1x16xi32>,
    %get3A_668 = vector.shape_cast %get3A_667 : vector<1x16xi32> to vector<16xi32>
    %eq3A_669 = arith.constant 12 : i32
    %eq3A_670 = vector.broadcast %eq3A_669 : i32 to vector<16xi32>
    %eq3A_671 = arith.cmpi eq, %iota3A, %eq3A_670 : vector<16xi32>
    %lt3A_672 = arith.constant 0 : i32
    %lt3A_673 = vector.broadcast %lt3A_672 : i32 to vector<16xi32>
    %lt3A_674 = arith.cmpi slt, %add3A_435, %lt3A_673 : vector<16xi32>
    %add3A_675 = arith.constant 16 : i32
    %add3A_676 = vector.broadcast %add3A_675 : i32 to vector<16xi32>
    %add3A_677 = arith.addi %add3A_435, %add3A_676 : vector<16xi32>
    %select_n3A_678 = arith.select %lt3A_674, %add3A_677, %add3A_435 : vector<16xi1>, vector<16xi32>
    %broadcast_in_dim3A_679 = vector.shape_cast %select_n3A_678 : vector<16xi32> to vector<16x1xi32>
    %gather3A_680 = vector.shape_cast %broadcast_in_dim3A_679 : vector<16x1xi32> to vector<16xi32>
    %gather3A_681 = tpu.dynamic_gather %get3A_668[%gather3A_680] in [0] : vector<16xi32>, vector<16xi32> -> vector<16xi32>
    %select_n3A_682 = arith.select %eq3A_671, %gather3A_681, %select_n3A_663 : vector<16xi1>, vector<16xi32>
    %get3A_683 = arith.constant 13 : i32
    %get3A_684 = arith.index_cast %get3A_683 : i32 to index
    %get3A_685 = arith.index_cast %mul3A_431 : i32 to index
    %get3A_686 = tpu.vector_load %arg7[%get3A_684, %get3A_685] {strides = array<i32>} : memref<64x128xi32, #tpu.memory_space<vmem>>, vector<1x16xi32>,
    %get3A_687 = vector.shape_cast %get3A_686 : vector<1x16xi32> to vector<16xi32>
    %eq3A_688 = arith.constant 13 : i32
    %eq3A_689 = vector.broadcast %eq3A_688 : i32 to vector<16xi32>
    %eq3A_690 = arith.cmpi eq, %iota3A, %eq3A_689 : vector<16xi32>
    %lt3A_691 = arith.constant 0 : i32
    %lt3A_692 = vector.broadcast %lt3A_691 : i32 to vector<16xi32>
    %lt3A_693 = arith.cmpi slt, %add3A_435, %lt3A_692 : vector<16xi32>
    %add3A_694 = arith.constant 16 : i32
    %add3A_695 = vector.broadcast %add3A_694 : i32 to vector<16xi32>
    %add3A_696 = arith.addi %add3A_435, %add3A_695 : vector<16xi32>
    %select_n3A_697 = arith.select %lt3A_693, %add3A_696, %add3A_435 : vector<16xi1>, vector<16xi32>
    %broadcast_in_dim3A_698 = vector.shape_cast %select_n3A_697 : vector<16xi32> to vector<16x1xi32>
    %gather3A_699 = vector.shape_cast %broadcast_in_dim3A_698 : vector<16x1xi32> to vector<16xi32>
    %gather3A_700 = tpu.dynamic_gather %get3A_687[%gather3A_699] in [0] : vector<16xi32>, vector<16xi32> -> vector<16xi32>
    %select_n3A_701 = arith.select %eq3A_690, %gather3A_700, %select_n3A_682 : vector<16xi1>, vector<16xi32>
    %get3A_702 = arith.constant 14 : i32
    %get3A_703 = arith.index_cast %get3A_702 : i32 to index
    %get3A_704 = arith.index_cast %mul3A_431 : i32 to index
    %get3A_705 = tpu.vector_load %arg7[%get3A_703, %get3A_704] {strides = array<i32>} : memref<64x128xi32, #tpu.memory_space<vmem>>, vector<1x16xi32>,
    %get3A_706 = vector.shape_cast %get3A_705 : vector<1x16xi32> to vector<16xi32>
    %eq3A_707 = arith.constant 14 : i32
    %eq3A_708 = vector.broadcast %eq3A_707 : i32 to vector<16xi32>
    %eq3A_709 = arith.cmpi eq, %iota3A, %eq3A_708 : vector<16xi32>
    %lt3A_710 = arith.constant 0 : i32
    %lt3A_711 = vector.broadcast %lt3A_710 : i32 to vector<16xi32>
    %lt3A_712 = arith.cmpi slt, %add3A_435, %lt3A_711 : vector<16xi32>
    %add3A_713 = arith.constant 16 : i32
    %add3A_714 = vector.broadcast %add3A_713 : i32 to vector<16xi32>
    %add3A_715 = arith.addi %add3A_435, %add3A_714 : vector<16xi32>
    %select_n3A_716 = arith.select %lt3A_712, %add3A_715, %add3A_435 : vector<16xi1>, vector<16xi32>
    %broadcast_in_dim3A_717 = vector.shape_cast %select_n3A_716 : vector<16xi32> to vector<16x1xi32>
    %gather3A_718 = vector.shape_cast %broadcast_in_dim3A_717 : vector<16x1xi32> to vector<16xi32>
    %gather3A_719 = tpu.dynamic_gather %get3A_706[%gather3A_718] in [0] : vector<16xi32>, vector<16xi32> -> vector<16xi32>
    %select_n3A_720 = arith.select %eq3A_709, %gather3A_719, %select_n3A_701 : vector<16xi1>, vector<16xi32>
    %get3A_721 = arith.constant 15 : i32
    %get3A_722 = arith.index_cast %get3A_721 : i32 to index
    %get3A_723 = arith.index_cast %mul3A_431 : i32 to index
    %get3A_724 = tpu.vector_load %arg7[%get3A_722, %get3A_723] {strides = array<i32>} : memref<64x128xi32, #tpu.memory_space<vmem>>, vector<1x16xi32>,
    %get3A_725 = vector.shape_cast %get3A_724 : vector<1x16xi32> to vector<16xi32>
    %eq3A_726 = arith.constant 15 : i32
    %eq3A_727 = vector.broadcast %eq3A_726 : i32 to vector<16xi32>
    %eq3A_728 = arith.cmpi eq, %iota3A, %eq3A_727 : vector<16xi32>
    %lt3A_729 = arith.constant 0 : i32
    %lt3A_730 = vector.broadcast %lt3A_729 : i32 to vector<16xi32>
    %lt3A_731 = arith.cmpi slt, %add3A_435, %lt3A_730 : vector<16xi32>
    %add3A_732 = arith.constant 16 : i32
    %add3A_733 = vector.broadcast %add3A_732 : i32 to vector<16xi32>
    %add3A_734 = arith.addi %add3A_435, %add3A_733 : vector<16xi32>
    %select_n3A_735 = arith.select %lt3A_731, %add3A_734, %add3A_435 : vector<16xi1>, vector<16xi32>
    %broadcast_in_dim3A_736 = vector.shape_cast %select_n3A_735 : vector<16xi32> to vector<16x1xi32>
    %gather3A_737 = vector.shape_cast %broadcast_in_dim3A_736 : vector<16x1xi32> to vector<16xi32>
    %gather3A_738 = tpu.dynamic_gather %get3A_725[%gather3A_737] in [0] : vector<16xi32>, vector<16xi32> -> vector<16xi32>
    %select_n3A_739 = arith.select %eq3A_728, %gather3A_738, %select_n3A_720 : vector<16xi1>, vector<16xi32>
    %swap3A = arith.constant 0 : index
    %swap3A_740 = tpu.vector_load %arg8[%swap3A] {strides = array<i32>} : memref<64xi32, #tpu.memory_space<vmem>>, vector<16xi32>,
    %swap3A_741 = vector.shape_cast %swap3A_740 : vector<16xi32> to vector<16xi32>
    %swap3A_742 = vector.shape_cast %select_n3A_739 : vector<16xi32> to vector<16xi32>
    tpu.vector_store %arg8[%swap3A], %swap3A_742 {strides = array<i32>} : memref<64xi32, #tpu.memory_space<vmem>>, vector<16xi32>,
    %jit3A_743 = arith.constant 128 : i32
    %div3A_744 = arith.divsi %select_n3A_127, %jit3A_743 : i32
    %sign3A_745 = arith.constant 0 : i32
    %sign3A_746 = arith.cmpi sgt, %select_n3A_127, %sign3A_745 : i32
    %sign3A_747 = arith.extui %sign3A_746 : i1 to i32
    %sign3A_748 = arith.constant 0 : i32
    %sign3A_749 = arith.cmpi slt, %select_n3A_127, %sign3A_748 : i32
    %sign3A_750 = arith.extui %sign3A_749 : i1 to i32
    %sign3A_751 = arith.subi %sign3A_747, %sign3A_750 : i32
    %sign3A_752 = arith.constant 0 : i32
    %sign3A_753 = arith.cmpi sgt, %jit3A_743, %sign3A_752 : i32
    %sign3A_754 = arith.extui %sign3A_753 : i1 to i32
    %sign3A_755 = arith.constant 0 : i32
    %sign3A_756 = arith.cmpi slt, %jit3A_743, %sign3A_755 : i32
    %sign3A_757 = arith.extui %sign3A_756 : i1 to i32
    %sign3A_758 = arith.subi %sign3A_754, %sign3A_757 : i32
    %ne3A_759 = arith.cmpi ne, %sign3A_751, %sign3A_758 : i32
    %rem3A_760 = arith.remsi %select_n3A_127, %jit3A_743 : i32
    %ne3A_761 = arith.constant 0 : i32
    %ne3A_762 = arith.cmpi ne, %rem3A_760, %ne3A_761 : i32
    %and3A_763 = arith.andi %ne3A_759, %ne3A_762 : i1
    %sub3A_764 = arith.constant 1 : i32
    %sub3A_765 = arith.subi %div3A_744, %sub3A_764 : i32
    %select_n3A_766 = arith.select %and3A_763, %sub3A_765, %div3A_744 : i32
    %mul3A_767 = arith.constant 128 : i32
    %mul3A_768 = arith.muli %select_n3A_766, %mul3A_767 : i32
    %sub3A_769 = arith.subi %select_n3A_127, %mul3A_768 : i32
    %jit3A_770 = arith.constant 16 : i32
    %div3A_771 = arith.divsi %sub3A_769, %jit3A_770 : i32
    %sign3A_772 = arith.constant 0 : i32
    %sign3A_773 = arith.cmpi sgt, %sub3A_769, %sign3A_772 : i32
    %sign3A_774 = arith.extui %sign3A_773 : i1 to i32
    %sign3A_775 = arith.constant 0 : i32
    %sign3A_776 = arith.cmpi slt, %sub3A_769, %sign3A_775 : i32
    %sign3A_777 = arith.extui %sign3A_776 : i1 to i32
    %sign3A_778 = arith.subi %sign3A_774, %sign3A_777 : i32
    %sign3A_779 = arith.constant 0 : i32
    %sign3A_780 = arith.cmpi sgt, %jit3A_770, %sign3A_779 : i32
    %sign3A_781 = arith.extui %sign3A_780 : i1 to i32
    %sign3A_782 = arith.constant 0 : i32
    %sign3A_783 = arith.cmpi slt, %jit3A_770, %sign3A_782 : i32
    %sign3A_784 = arith.extui %sign3A_783 : i1 to i32
    %sign3A_785 = arith.subi %sign3A_781, %sign3A_784 : i32
    %ne3A_786 = arith.cmpi ne, %sign3A_778, %sign3A_785 : i32
    %rem3A_787 = arith.remsi %sub3A_769, %jit3A_770 : i32
    %ne3A_788 = arith.constant 0 : i32
    %ne3A_789 = arith.cmpi ne, %rem3A_787, %ne3A_788 : i32
    %and3A_790 = arith.andi %ne3A_786, %ne3A_789 : i1
    %sub3A_791 = arith.constant 1 : i32
    %sub3A_792 = arith.subi %div3A_771, %sub3A_791 : i32
    %select_n3A_793 = arith.select %and3A_790, %sub3A_792, %div3A_771 : i32
    %mul3A_794 = arith.constant 16 : i32
    %mul3A_795 = arith.muli %select_n3A_793, %mul3A_794 : i32
    %broadcast_in_dim3A_796 = arith.constant 0 : i32
    %broadcast_in_dim3A_797 = vector.broadcast %broadcast_in_dim3A_796 : i32 to vector<16xi32>
    %sub3A_798 = arith.subi %sub3A_769, %mul3A_795 : i32
    %add3A_799 = vector.broadcast %sub3A_798 : i32 to vector<16xi32>
    %add3A_800 = arith.addi %broadcast_in_dim3A_797, %add3A_799 : vector<16xi32>
    %broadcast_in_dim3A_801 = arith.constant 0 : i32
    %broadcast_in_dim3A_802 = vector.broadcast %broadcast_in_dim3A_801 : i32 to vector<16xi32>
    %get3A_803 = arith.constant 16 : i32
    %get3A_804 = arith.index_cast %get3A_803 : i32 to index
    %get3A_805 = arith.index_cast %mul3A_795 : i32 to index
    %get3A_806 = tpu.vector_load %arg7[%get3A_804, %get3A_805] {strides = array<i32>} : memref<64x128xi32, #tpu.memory_space<vmem>>, vector<1x16xi32>,
    %get3A_807 = vector.shape_cast %get3A_806 : vector<1x16xi32> to vector<16xi32>
    %eq3A_808 = arith.constant 0 : i32
    %eq3A_809 = vector.broadcast %eq3A_808 : i32 to vector<16xi32>
    %eq3A_810 = arith.cmpi eq, %iota3A, %eq3A_809 : vector<16xi32>
    %lt3A_811 = arith.constant 0 : i32
    %lt3A_812 = vector.broadcast %lt3A_811 : i32 to vector<16xi32>
    %lt3A_813 = arith.cmpi slt, %add3A_800, %lt3A_812 : vector<16xi32>
    %add3A_814 = arith.constant 16 : i32
    %add3A_815 = vector.broadcast %add3A_814 : i32 to vector<16xi32>
    %add3A_816 = arith.addi %add3A_800, %add3A_815 : vector<16xi32>
    %select_n3A_817 = arith.select %lt3A_813, %add3A_816, %add3A_800 : vector<16xi1>, vector<16xi32>
    %broadcast_in_dim3A_818 = vector.shape_cast %select_n3A_817 : vector<16xi32> to vector<16x1xi32>
    %gather3A_819 = vector.shape_cast %broadcast_in_dim3A_818 : vector<16x1xi32> to vector<16xi32>
    %gather3A_820 = tpu.dynamic_gather %get3A_807[%gather3A_819] in [0] : vector<16xi32>, vector<16xi32> -> vector<16xi32>
    %select_n3A_821 = arith.select %eq3A_810, %gather3A_820, %broadcast_in_dim3A_802 : vector<16xi1>, vector<16xi32>
    %get3A_822 = arith.constant 17 : i32
    %get3A_823 = arith.index_cast %get3A_822 : i32 to index
    %get3A_824 = arith.index_cast %mul3A_795 : i32 to index
    %get3A_825 = tpu.vector_load %arg7[%get3A_823, %get3A_824] {strides = array<i32>} : memref<64x128xi32, #tpu.memory_space<vmem>>, vector<1x16xi32>,
    %get3A_826 = vector.shape_cast %get3A_825 : vector<1x16xi32> to vector<16xi32>
    %eq3A_827 = arith.constant 1 : i32
    %eq3A_828 = vector.broadcast %eq3A_827 : i32 to vector<16xi32>
    %eq3A_829 = arith.cmpi eq, %iota3A, %eq3A_828 : vector<16xi32>
    %lt3A_830 = arith.constant 0 : i32
    %lt3A_831 = vector.broadcast %lt3A_830 : i32 to vector<16xi32>
    %lt3A_832 = arith.cmpi slt, %add3A_800, %lt3A_831 : vector<16xi32>
    %add3A_833 = arith.constant 16 : i32
    %add3A_834 = vector.broadcast %add3A_833 : i32 to vector<16xi32>
    %add3A_835 = arith.addi %add3A_800, %add3A_834 : vector<16xi32>
    %select_n3A_836 = arith.select %lt3A_832, %add3A_835, %add3A_800 : vector<16xi1>, vector<16xi32>
    %broadcast_in_dim3A_837 = vector.shape_cast %select_n3A_836 : vector<16xi32> to vector<16x1xi32>
    %gather3A_838 = vector.shape_cast %broadcast_in_dim3A_837 : vector<16x1xi32> to vector<16xi32>
    %gather3A_839 = tpu.dynamic_gather %get3A_826[%gather3A_838] in [0] : vector<16xi32>, vector<16xi32> -> vector<16xi32>
    %select_n3A_840 = arith.select %eq3A_829, %gather3A_839, %select_n3A_821 : vector<16xi1>, vector<16xi32>
    %get3A_841 = arith.constant 18 : i32
    %get3A_842 = arith.index_cast %get3A_841 : i32 to index
    %get3A_843 = arith.index_cast %mul3A_795 : i32 to index
    %get3A_844 = tpu.vector_load %arg7[%get3A_842, %get3A_843] {strides = array<i32>} : memref<64x128xi32, #tpu.memory_space<vmem>>, vector<1x16xi32>,
    %get3A_845 = vector.shape_cast %get3A_844 : vector<1x16xi32> to vector<16xi32>
    %eq3A_846 = arith.constant 2 : i32
    %eq3A_847 = vector.broadcast %eq3A_846 : i32 to vector<16xi32>
    %eq3A_848 = arith.cmpi eq, %iota3A, %eq3A_847 : vector<16xi32>
    %lt3A_849 = arith.constant 0 : i32
    %lt3A_850 = vector.broadcast %lt3A_849 : i32 to vector<16xi32>
    %lt3A_851 = arith.cmpi slt, %add3A_800, %lt3A_850 : vector<16xi32>
    %add3A_852 = arith.constant 16 : i32
    %add3A_853 = vector.broadcast %add3A_852 : i32 to vector<16xi32>
    %add3A_854 = arith.addi %add3A_800, %add3A_853 : vector<16xi32>
    %select_n3A_855 = arith.select %lt3A_851, %add3A_854, %add3A_800 : vector<16xi1>, vector<16xi32>
    %broadcast_in_dim3A_856 = vector.shape_cast %select_n3A_855 : vector<16xi32> to vector<16x1xi32>
    %gather3A_857 = vector.shape_cast %broadcast_in_dim3A_856 : vector<16x1xi32> to vector<16xi32>
    %gather3A_858 = tpu.dynamic_gather %get3A_845[%gather3A_857] in [0] : vector<16xi32>, vector<16xi32> -> vector<16xi32>
    %select_n3A_859 = arith.select %eq3A_848, %gather3A_858, %select_n3A_840 : vector<16xi1>, vector<16xi32>
    %get3A_860 = arith.constant 19 : i32
    %get3A_861 = arith.index_cast %get3A_860 : i32 to index
    %get3A_862 = arith.index_cast %mul3A_795 : i32 to index
    %get3A_863 = tpu.vector_load %arg7[%get3A_861, %get3A_862] {strides = array<i32>} : memref<64x128xi32, #tpu.memory_space<vmem>>, vector<1x16xi32>,
    %get3A_864 = vector.shape_cast %get3A_863 : vector<1x16xi32> to vector<16xi32>
    %eq3A_865 = arith.constant 3 : i32
    %eq3A_866 = vector.broadcast %eq3A_865 : i32 to vector<16xi32>
    %eq3A_867 = arith.cmpi eq, %iota3A, %eq3A_866 : vector<16xi32>
    %lt3A_868 = arith.constant 0 : i32
    %lt3A_869 = vector.broadcast %lt3A_868 : i32 to vector<16xi32>
    %lt3A_870 = arith.cmpi slt, %add3A_800, %lt3A_869 : vector<16xi32>
    %add3A_871 = arith.constant 16 : i32
    %add3A_872 = vector.broadcast %add3A_871 : i32 to vector<16xi32>
    %add3A_873 = arith.addi %add3A_800, %add3A_872 : vector<16xi32>
    %select_n3A_874 = arith.select %lt3A_870, %add3A_873, %add3A_800 : vector<16xi1>, vector<16xi32>
    %broadcast_in_dim3A_875 = vector.shape_cast %select_n3A_874 : vector<16xi32> to vector<16x1xi32>
    %gather3A_876 = vector.shape_cast %broadcast_in_dim3A_875 : vector<16x1xi32> to vector<16xi32>
    %gather3A_877 = tpu.dynamic_gather %get3A_864[%gather3A_876] in [0] : vector<16xi32>, vector<16xi32> -> vector<16xi32>
    %select_n3A_878 = arith.select %eq3A_867, %gather3A_877, %select_n3A_859 : vector<16xi1>, vector<16xi32>
    %get3A_879 = arith.constant 20 : i32
    %get3A_880 = arith.index_cast %get3A_879 : i32 to index
    %get3A_881 = arith.index_cast %mul3A_795 : i32 to index
    %get3A_882 = tpu.vector_load %arg7[%get3A_880, %get3A_881] {strides = array<i32>} : memref<64x128xi32, #tpu.memory_space<vmem>>, vector<1x16xi32>,
    %get3A_883 = vector.shape_cast %get3A_882 : vector<1x16xi32> to vector<16xi32>
    %eq3A_884 = arith.constant 4 : i32
    %eq3A_885 = vector.broadcast %eq3A_884 : i32 to vector<16xi32>
    %eq3A_886 = arith.cmpi eq, %iota3A, %eq3A_885 : vector<16xi32>
    %lt3A_887 = arith.constant 0 : i32
    %lt3A_888 = vector.broadcast %lt3A_887 : i32 to vector<16xi32>
    %lt3A_889 = arith.cmpi slt, %add3A_800, %lt3A_888 : vector<16xi32>
    %add3A_890 = arith.constant 16 : i32
    %add3A_891 = vector.broadcast %add3A_890 : i32 to vector<16xi32>
    %add3A_892 = arith.addi %add3A_800, %add3A_891 : vector<16xi32>
    %select_n3A_893 = arith.select %lt3A_889, %add3A_892, %add3A_800 : vector<16xi1>, vector<16xi32>
    %broadcast_in_dim3A_894 = vector.shape_cast %select_n3A_893 : vector<16xi32> to vector<16x1xi32>
    %gather3A_895 = vector.shape_cast %broadcast_in_dim3A_894 : vector<16x1xi32> to vector<16xi32>
    %gather3A_896 = tpu.dynamic_gather %get3A_883[%gather3A_895] in [0] : vector<16xi32>, vector<16xi32> -> vector<16xi32>
    %select_n3A_897 = arith.select %eq3A_886, %gather3A_896, %select_n3A_878 : vector<16xi1>, vector<16xi32>
    %get3A_898 = arith.constant 21 : i32
    %get3A_899 = arith.index_cast %get3A_898 : i32 to index
    %get3A_900 = arith.index_cast %mul3A_795 : i32 to index
    %get3A_901 = tpu.vector_load %arg7[%get3A_899, %get3A_900] {strides = array<i32>} : memref<64x128xi32, #tpu.memory_space<vmem>>, vector<1x16xi32>,
    %get3A_902 = vector.shape_cast %get3A_901 : vector<1x16xi32> to vector<16xi32>
    %eq3A_903 = arith.constant 5 : i32
    %eq3A_904 = vector.broadcast %eq3A_903 : i32 to vector<16xi32>
    %eq3A_905 = arith.cmpi eq, %iota3A, %eq3A_904 : vector<16xi32>
    %lt3A_906 = arith.constant 0 : i32
    %lt3A_907 = vector.broadcast %lt3A_906 : i32 to vector<16xi32>
    %lt3A_908 = arith.cmpi slt, %add3A_800, %lt3A_907 : vector<16xi32>
    %add3A_909 = arith.constant 16 : i32
    %add3A_910 = vector.broadcast %add3A_909 : i32 to vector<16xi32>
    %add3A_911 = arith.addi %add3A_800, %add3A_910 : vector<16xi32>
    %select_n3A_912 = arith.select %lt3A_908, %add3A_911, %add3A_800 : vector<16xi1>, vector<16xi32>
    %broadcast_in_dim3A_913 = vector.shape_cast %select_n3A_912 : vector<16xi32> to vector<16x1xi32>
    %gather3A_914 = vector.shape_cast %broadcast_in_dim3A_913 : vector<16x1xi32> to vector<16xi32>
    %gather3A_915 = tpu.dynamic_gather %get3A_902[%gather3A_914] in [0] : vector<16xi32>, vector<16xi32> -> vector<16xi32>
    %select_n3A_916 = arith.select %eq3A_905, %gather3A_915, %select_n3A_897 : vector<16xi1>, vector<16xi32>
    %get3A_917 = arith.constant 22 : i32
    %get3A_918 = arith.index_cast %get3A_917 : i32 to index
    %get3A_919 = arith.index_cast %mul3A_795 : i32 to index
    %get3A_920 = tpu.vector_load %arg7[%get3A_918, %get3A_919] {strides = array<i32>} : memref<64x128xi32, #tpu.memory_space<vmem>>, vector<1x16xi32>,
    %get3A_921 = vector.shape_cast %get3A_920 : vector<1x16xi32> to vector<16xi32>
    %eq3A_922 = arith.constant 6 : i32
    %eq3A_923 = vector.broadcast %eq3A_922 : i32 to vector<16xi32>
    %eq3A_924 = arith.cmpi eq, %iota3A, %eq3A_923 : vector<16xi32>
    %lt3A_925 = arith.constant 0 : i32
    %lt3A_926 = vector.broadcast %lt3A_925 : i32 to vector<16xi32>
    %lt3A_927 = arith.cmpi slt, %add3A_800, %lt3A_926 : vector<16xi32>
    %add3A_928 = arith.constant 16 : i32
    %add3A_929 = vector.broadcast %add3A_928 : i32 to vector<16xi32>
    %add3A_930 = arith.addi %add3A_800, %add3A_929 : vector<16xi32>
    %select_n3A_931 = arith.select %lt3A_927, %add3A_930, %add3A_800 : vector<16xi1>, vector<16xi32>
    %broadcast_in_dim3A_932 = vector.shape_cast %select_n3A_931 : vector<16xi32> to vector<16x1xi32>
    %gather3A_933 = vector.shape_cast %broadcast_in_dim3A_932 : vector<16x1xi32> to vector<16xi32>
    %gather3A_934 = tpu.dynamic_gather %get3A_921[%gather3A_933] in [0] : vector<16xi32>, vector<16xi32> -> vector<16xi32>
    %select_n3A_935 = arith.select %eq3A_924, %gather3A_934, %select_n3A_916 : vector<16xi1>, vector<16xi32>
    %get3A_936 = arith.constant 23 : i32
    %get3A_937 = arith.index_cast %get3A_936 : i32 to index
    %get3A_938 = arith.index_cast %mul3A_795 : i32 to index
    %get3A_939 = tpu.vector_load %arg7[%get3A_937, %get3A_938] {strides = array<i32>} : memref<64x128xi32, #tpu.memory_space<vmem>>, vector<1x16xi32>,
    %get3A_940 = vector.shape_cast %get3A_939 : vector<1x16xi32> to vector<16xi32>
    %eq3A_941 = arith.constant 7 : i32
    %eq3A_942 = vector.broadcast %eq3A_941 : i32 to vector<16xi32>
    %eq3A_943 = arith.cmpi eq, %iota3A, %eq3A_942 : vector<16xi32>
    %lt3A_944 = arith.constant 0 : i32
    %lt3A_945 = vector.broadcast %lt3A_944 : i32 to vector<16xi32>
    %lt3A_946 = arith.cmpi slt, %add3A_800, %lt3A_945 : vector<16xi32>
    %add3A_947 = arith.constant 16 : i32
    %add3A_948 = vector.broadcast %add3A_947 : i32 to vector<16xi32>
    %add3A_949 = arith.addi %add3A_800, %add3A_948 : vector<16xi32>
    %select_n3A_950 = arith.select %lt3A_946, %add3A_949, %add3A_800 : vector<16xi1>, vector<16xi32>
    %broadcast_in_dim3A_951 = vector.shape_cast %select_n3A_950 : vector<16xi32> to vector<16x1xi32>
    %gather3A_952 = vector.shape_cast %broadcast_in_dim3A_951 : vector<16x1xi32> to vector<16xi32>
    %gather3A_953 = tpu.dynamic_gather %get3A_940[%gather3A_952] in [0] : vector<16xi32>, vector<16xi32> -> vector<16xi32>
    %select_n3A_954 = arith.select %eq3A_943, %gather3A_953, %select_n3A_935 : vector<16xi1>, vector<16xi32>
    %get3A_955 = arith.constant 24 : i32
    %get3A_956 = arith.index_cast %get3A_955 : i32 to index
    %get3A_957 = arith.index_cast %mul3A_795 : i32 to index
    %get3A_958 = tpu.vector_load %arg7[%get3A_956, %get3A_957] {strides = array<i32>} : memref<64x128xi32, #tpu.memory_space<vmem>>, vector<1x16xi32>,
    %get3A_959 = vector.shape_cast %get3A_958 : vector<1x16xi32> to vector<16xi32>
    %eq3A_960 = arith.constant 8 : i32
    %eq3A_961 = vector.broadcast %eq3A_960 : i32 to vector<16xi32>
    %eq3A_962 = arith.cmpi eq, %iota3A, %eq3A_961 : vector<16xi32>
    %lt3A_963 = arith.constant 0 : i32
    %lt3A_964 = vector.broadcast %lt3A_963 : i32 to vector<16xi32>
    %lt3A_965 = arith.cmpi slt, %add3A_800, %lt3A_964 : vector<16xi32>
    %add3A_966 = arith.constant 16 : i32
    %add3A_967 = vector.broadcast %add3A_966 : i32 to vector<16xi32>
    %add3A_968 = arith.addi %add3A_800, %add3A_967 : vector<16xi32>
    %select_n3A_969 = arith.select %lt3A_965, %add3A_968, %add3A_800 : vector<16xi1>, vector<16xi32>
    %broadcast_in_dim3A_970 = vector.shape_cast %select_n3A_969 : vector<16xi32> to vector<16x1xi32>
    %gather3A_971 = vector.shape_cast %broadcast_in_dim3A_970 : vector<16x1xi32> to vector<16xi32>
    %gather3A_972 = tpu.dynamic_gather %get3A_959[%gather3A_971] in [0] : vector<16xi32>, vector<16xi32> -> vector<16xi32>
    %select_n3A_973 = arith.select %eq3A_962, %gather3A_972, %select_n3A_954 : vector<16xi1>, vector<16xi32>
    %get3A_974 = arith.constant 25 : i32
    %get3A_975 = arith.index_cast %get3A_974 : i32 to index
    %get3A_976 = arith.index_cast %mul3A_795 : i32 to index
    %get3A_977 = tpu.vector_load %arg7[%get3A_975, %get3A_976] {strides = array<i32>} : memref<64x128xi32, #tpu.memory_space<vmem>>, vector<1x16xi32>,
    %get3A_978 = vector.shape_cast %get3A_977 : vector<1x16xi32> to vector<16xi32>
    %eq3A_979 = arith.constant 9 : i32
    %eq3A_980 = vector.broadcast %eq3A_979 : i32 to vector<16xi32>
    %eq3A_981 = arith.cmpi eq, %iota3A, %eq3A_980 : vector<16xi32>
    %lt3A_982 = arith.constant 0 : i32
    %lt3A_983 = vector.broadcast %lt3A_982 : i32 to vector<16xi32>
    %lt3A_984 = arith.cmpi slt, %add3A_800, %lt3A_983 : vector<16xi32>
    %add3A_985 = arith.constant 16 : i32
    %add3A_986 = vector.broadcast %add3A_985 : i32 to vector<16xi32>
    %add3A_987 = arith.addi %add3A_800, %add3A_986 : vector<16xi32>
    %select_n3A_988 = arith.select %lt3A_984, %add3A_987, %add3A_800 : vector<16xi1>, vector<16xi32>
    %broadcast_in_dim3A_989 = vector.shape_cast %select_n3A_988 : vector<16xi32> to vector<16x1xi32>
    %gather3A_990 = vector.shape_cast %broadcast_in_dim3A_989 : vector<16x1xi32> to vector<16xi32>
    %gather3A_991 = tpu.dynamic_gather %get3A_978[%gather3A_990] in [0] : vector<16xi32>, vector<16xi32> -> vector<16xi32>
    %select_n3A_992 = arith.select %eq3A_981, %gather3A_991, %select_n3A_973 : vector<16xi1>, vector<16xi32>
    %get3A_993 = arith.constant 26 : i32
    %get3A_994 = arith.index_cast %get3A_993 : i32 to index
    %get3A_995 = arith.index_cast %mul3A_795 : i32 to index
    %get3A_996 = tpu.vector_load %arg7[%get3A_994, %get3A_995] {strides = array<i32>} : memref<64x128xi32, #tpu.memory_space<vmem>>, vector<1x16xi32>,
    %get3A_997 = vector.shape_cast %get3A_996 : vector<1x16xi32> to vector<16xi32>
    %eq3A_998 = arith.constant 10 : i32
    %eq3A_999 = vector.broadcast %eq3A_998 : i32 to vector<16xi32>
    %eq3A_1000 = arith.cmpi eq, %iota3A, %eq3A_999 : vector<16xi32>
    %lt3A_1001 = arith.constant 0 : i32
    %lt3A_1002 = vector.broadcast %lt3A_1001 : i32 to vector<16xi32>
    %lt3A_1003 = arith.cmpi slt, %add3A_800, %lt3A_1002 : vector<16xi32>
    %add3A_1004 = arith.constant 16 : i32
    %add3A_1005 = vector.broadcast %add3A_1004 : i32 to vector<16xi32>
    %add3A_1006 = arith.addi %add3A_800, %add3A_1005 : vector<16xi32>
    %select_n3A_1007 = arith.select %lt3A_1003, %add3A_1006, %add3A_800 : vector<16xi1>, vector<16xi32>
    %broadcast_in_dim3A_1008 = vector.shape_cast %select_n3A_1007 : vector<16xi32> to vector<16x1xi32>
    %gather3A_1009 = vector.shape_cast %broadcast_in_dim3A_1008 : vector<16x1xi32> to vector<16xi32>
    %gather3A_1010 = tpu.dynamic_gather %get3A_997[%gather3A_1009] in [0] : vector<16xi32>, vector<16xi32> -> vector<16xi32>
    %select_n3A_1011 = arith.select %eq3A_1000, %gather3A_1010, %select_n3A_992 : vector<16xi1>, vector<16xi32>
    %get3A_1012 = arith.constant 27 : i32
    %get3A_1013 = arith.index_cast %get3A_1012 : i32 to index
    %get3A_1014 = arith.index_cast %mul3A_795 : i32 to index
    %get3A_1015 = tpu.vector_load %arg7[%get3A_1013, %get3A_1014] {strides = array<i32>} : memref<64x128xi32, #tpu.memory_space<vmem>>, vector<1x16xi32>,
    %get3A_1016 = vector.shape_cast %get3A_1015 : vector<1x16xi32> to vector<16xi32>
    %eq3A_1017 = arith.constant 11 : i32
    %eq3A_1018 = vector.broadcast %eq3A_1017 : i32 to vector<16xi32>
    %eq3A_1019 = arith.cmpi eq, %iota3A, %eq3A_1018 : vector<16xi32>
    %lt3A_1020 = arith.constant 0 : i32
    %lt3A_1021 = vector.broadcast %lt3A_1020 : i32 to vector<16xi32>
    %lt3A_1022 = arith.cmpi slt, %add3A_800, %lt3A_1021 : vector<16xi32>
    %add3A_1023 = arith.constant 16 : i32
    %add3A_1024 = vector.broadcast %add3A_1023 : i32 to vector<16xi32>
    %add3A_1025 = arith.addi %add3A_800, %add3A_1024 : vector<16xi32>
    %select_n3A_1026 = arith.select %lt3A_1022, %add3A_1025, %add3A_800 : vector<16xi1>, vector<16xi32>
    %broadcast_in_dim3A_1027 = vector.shape_cast %select_n3A_1026 : vector<16xi32> to vector<16x1xi32>
    %gather3A_1028 = vector.shape_cast %broadcast_in_dim3A_1027 : vector<16x1xi32> to vector<16xi32>
    %gather3A_1029 = tpu.dynamic_gather %get3A_1016[%gather3A_1028] in [0] : vector<16xi32>, vector<16xi32> -> vector<16xi32>
    %select_n3A_1030 = arith.select %eq3A_1019, %gather3A_1029, %select_n3A_1011 : vector<16xi1>, vector<16xi32>
    %get3A_1031 = arith.constant 28 : i32
    %get3A_1032 = arith.index_cast %get3A_1031 : i32 to index
    %get3A_1033 = arith.index_cast %mul3A_795 : i32 to index
    %get3A_1034 = tpu.vector_load %arg7[%get3A_1032, %get3A_1033] {strides = array<i32>} : memref<64x128xi32, #tpu.memory_space<vmem>>, vector<1x16xi32>,
    %get3A_1035 = vector.shape_cast %get3A_1034 : vector<1x16xi32> to vector<16xi32>
    %eq3A_1036 = arith.constant 12 : i32
    %eq3A_1037 = vector.broadcast %eq3A_1036 : i32 to vector<16xi32>
    %eq3A_1038 = arith.cmpi eq, %iota3A, %eq3A_1037 : vector<16xi32>
    %lt3A_1039 = arith.constant 0 : i32
    %lt3A_1040 = vector.broadcast %lt3A_1039 : i32 to vector<16xi32>
    %lt3A_1041 = arith.cmpi slt, %add3A_800, %lt3A_1040 : vector<16xi32>
    %add3A_1042 = arith.constant 16 : i32
    %add3A_1043 = vector.broadcast %add3A_1042 : i32 to vector<16xi32>
    %add3A_1044 = arith.addi %add3A_800, %add3A_1043 : vector<16xi32>
    %select_n3A_1045 = arith.select %lt3A_1041, %add3A_1044, %add3A_800 : vector<16xi1>, vector<16xi32>
    %broadcast_in_dim3A_1046 = vector.shape_cast %select_n3A_1045 : vector<16xi32> to vector<16x1xi32>
    %gather3A_1047 = vector.shape_cast %broadcast_in_dim3A_1046 : vector<16x1xi32> to vector<16xi32>
    %gather3A_1048 = tpu.dynamic_gather %get3A_1035[%gather3A_1047] in [0] : vector<16xi32>, vector<16xi32> -> vector<16xi32>
    %select_n3A_1049 = arith.select %eq3A_1038, %gather3A_1048, %select_n3A_1030 : vector<16xi1>, vector<16xi32>
    %get3A_1050 = arith.constant 29 : i32
    %get3A_1051 = arith.index_cast %get3A_1050 : i32 to index
    %get3A_1052 = arith.index_cast %mul3A_795 : i32 to index
    %get3A_1053 = tpu.vector_load %arg7[%get3A_1051, %get3A_1052] {strides = array<i32>} : memref<64x128xi32, #tpu.memory_space<vmem>>, vector<1x16xi32>,
    %get3A_1054 = vector.shape_cast %get3A_1053 : vector<1x16xi32> to vector<16xi32>
    %eq3A_1055 = arith.constant 13 : i32
    %eq3A_1056 = vector.broadcast %eq3A_1055 : i32 to vector<16xi32>
    %eq3A_1057 = arith.cmpi eq, %iota3A, %eq3A_1056 : vector<16xi32>
    %lt3A_1058 = arith.constant 0 : i32
    %lt3A_1059 = vector.broadcast %lt3A_1058 : i32 to vector<16xi32>
    %lt3A_1060 = arith.cmpi slt, %add3A_800, %lt3A_1059 : vector<16xi32>
    %add3A_1061 = arith.constant 16 : i32
    %add3A_1062 = vector.broadcast %add3A_1061 : i32 to vector<16xi32>
    %add3A_1063 = arith.addi %add3A_800, %add3A_1062 : vector<16xi32>
    %select_n3A_1064 = arith.select %lt3A_1060, %add3A_1063, %add3A_800 : vector<16xi1>, vector<16xi32>
    %broadcast_in_dim3A_1065 = vector.shape_cast %select_n3A_1064 : vector<16xi32> to vector<16x1xi32>
    %gather3A_1066 = vector.shape_cast %broadcast_in_dim3A_1065 : vector<16x1xi32> to vector<16xi32>
    %gather3A_1067 = tpu.dynamic_gather %get3A_1054[%gather3A_1066] in [0] : vector<16xi32>, vector<16xi32> -> vector<16xi32>
    %select_n3A_1068 = arith.select %eq3A_1057, %gather3A_1067, %select_n3A_1049 : vector<16xi1>, vector<16xi32>
    %get3A_1069 = arith.constant 30 : i32
    %get3A_1070 = arith.index_cast %get3A_1069 : i32 to index
    %get3A_1071 = arith.index_cast %mul3A_795 : i32 to index
    %get3A_1072 = tpu.vector_load %arg7[%get3A_1070, %get3A_1071] {strides = array<i32>} : memref<64x128xi32, #tpu.memory_space<vmem>>, vector<1x16xi32>,
    %get3A_1073 = vector.shape_cast %get3A_1072 : vector<1x16xi32> to vector<16xi32>
    %eq3A_1074 = arith.constant 14 : i32
    %eq3A_1075 = vector.broadcast %eq3A_1074 : i32 to vector<16xi32>
    %eq3A_1076 = arith.cmpi eq, %iota3A, %eq3A_1075 : vector<16xi32>
    %lt3A_1077 = arith.constant 0 : i32
    %lt3A_1078 = vector.broadcast %lt3A_1077 : i32 to vector<16xi32>
    %lt3A_1079 = arith.cmpi slt, %add3A_800, %lt3A_1078 : vector<16xi32>
    %add3A_1080 = arith.constant 16 : i32
    %add3A_1081 = vector.broadcast %add3A_1080 : i32 to vector<16xi32>
    %add3A_1082 = arith.addi %add3A_800, %add3A_1081 : vector<16xi32>
    %select_n3A_1083 = arith.select %lt3A_1079, %add3A_1082, %add3A_800 : vector<16xi1>, vector<16xi32>
    %broadcast_in_dim3A_1084 = vector.shape_cast %select_n3A_1083 : vector<16xi32> to vector<16x1xi32>
    %gather3A_1085 = vector.shape_cast %broadcast_in_dim3A_1084 : vector<16x1xi32> to vector<16xi32>
    %gather3A_1086 = tpu.dynamic_gather %get3A_1073[%gather3A_1085] in [0] : vector<16xi32>, vector<16xi32> -> vector<16xi32>
    %select_n3A_1087 = arith.select %eq3A_1076, %gather3A_1086, %select_n3A_1068 : vector<16xi1>, vector<16xi32>
    %get3A_1088 = arith.constant 31 : i32
    %get3A_1089 = arith.index_cast %get3A_1088 : i32 to index
    %get3A_1090 = arith.index_cast %mul3A_795 : i32 to index
    %get3A_1091 = tpu.vector_load %arg7[%get3A_1089, %get3A_1090] {strides = array<i32>} : memref<64x128xi32, #tpu.memory_space<vmem>>, vector<1x16xi32>,
    %get3A_1092 = vector.shape_cast %get3A_1091 : vector<1x16xi32> to vector<16xi32>
    %eq3A_1093 = arith.constant 15 : i32
    %eq3A_1094 = vector.broadcast %eq3A_1093 : i32 to vector<16xi32>
    %eq3A_1095 = arith.cmpi eq, %iota3A, %eq3A_1094 : vector<16xi32>
    %lt3A_1096 = arith.constant 0 : i32
    %lt3A_1097 = vector.broadcast %lt3A_1096 : i32 to vector<16xi32>
    %lt3A_1098 = arith.cmpi slt, %add3A_800, %lt3A_1097 : vector<16xi32>
    %add3A_1099 = arith.constant 16 : i32
    %add3A_1100 = vector.broadcast %add3A_1099 : i32 to vector<16xi32>
    %add3A_1101 = arith.addi %add3A_800, %add3A_1100 : vector<16xi32>
    %select_n3A_1102 = arith.select %lt3A_1098, %add3A_1101, %add3A_800 : vector<16xi1>, vector<16xi32>
    %broadcast_in_dim3A_1103 = vector.shape_cast %select_n3A_1102 : vector<16xi32> to vector<16x1xi32>
    %gather3A_1104 = vector.shape_cast %broadcast_in_dim3A_1103 : vector<16x1xi32> to vector<16xi32>
    %gather3A_1105 = tpu.dynamic_gather %get3A_1092[%gather3A_1104] in [0] : vector<16xi32>, vector<16xi32> -> vector<16xi32>
    %select_n3A_1106 = arith.select %eq3A_1095, %gather3A_1105, %select_n3A_1087 : vector<16xi1>, vector<16xi32>
    %swap3A_1107 = arith.constant 16 : index
    %swap3A_1108 = tpu.vector_load %arg8[%swap3A_1107] {strides = array<i32>} : memref<64xi32, #tpu.memory_space<vmem>>, vector<16xi32>,
    %swap3A_1109 = vector.shape_cast %swap3A_1108 : vector<16xi32> to vector<16xi32>
    %swap3A_1110 = vector.shape_cast %select_n3A_1106 : vector<16xi32> to vector<16xi32>
    tpu.vector_store %arg8[%swap3A_1107], %swap3A_1110 {strides = array<i32>} : memref<64xi32, #tpu.memory_space<vmem>>, vector<16xi32>,
    %jit3A_1111 = arith.constant 128 : i32
    %div3A_1112 = arith.divsi %select_n3A_190, %jit3A_1111 : i32
    %sign3A_1113 = arith.constant 0 : i32
    %sign3A_1114 = arith.cmpi sgt, %select_n3A_190, %sign3A_1113 : i32
    %sign3A_1115 = arith.extui %sign3A_1114 : i1 to i32
    %sign3A_1116 = arith.constant 0 : i32
    %sign3A_1117 = arith.cmpi slt, %select_n3A_190, %sign3A_1116 : i32
    %sign3A_1118 = arith.extui %sign3A_1117 : i1 to i32
    %sign3A_1119 = arith.subi %sign3A_1115, %sign3A_1118 : i32
    %sign3A_1120 = arith.constant 0 : i32
    %sign3A_1121 = arith.cmpi sgt, %jit3A_1111, %sign3A_1120 : i32
    %sign3A_1122 = arith.extui %sign3A_1121 : i1 to i32
    %sign3A_1123 = arith.constant 0 : i32
    %sign3A_1124 = arith.cmpi slt, %jit3A_1111, %sign3A_1123 : i32
    %sign3A_1125 = arith.extui %sign3A_1124 : i1 to i32
    %sign3A_1126 = arith.subi %sign3A_1122, %sign3A_1125 : i32
    %ne3A_1127 = arith.cmpi ne, %sign3A_1119, %sign3A_1126 : i32
    %rem3A_1128 = arith.remsi %select_n3A_190, %jit3A_1111 : i32
    %ne3A_1129 = arith.constant 0 : i32
    %ne3A_1130 = arith.cmpi ne, %rem3A_1128, %ne3A_1129 : i32
    %and3A_1131 = arith.andi %ne3A_1127, %ne3A_1130 : i1
    %sub3A_1132 = arith.constant 1 : i32
    %sub3A_1133 = arith.subi %div3A_1112, %sub3A_1132 : i32
    %select_n3A_1134 = arith.select %and3A_1131, %sub3A_1133, %div3A_1112 : i32
    %mul3A_1135 = arith.constant 128 : i32
    %mul3A_1136 = arith.muli %select_n3A_1134, %mul3A_1135 : i32
    %sub3A_1137 = arith.subi %select_n3A_190, %mul3A_1136 : i32
    %jit3A_1138 = arith.constant 16 : i32
    %div3A_1139 = arith.divsi %sub3A_1137, %jit3A_1138 : i32
    %sign3A_1140 = arith.constant 0 : i32
    %sign3A_1141 = arith.cmpi sgt, %sub3A_1137, %sign3A_1140 : i32
    %sign3A_1142 = arith.extui %sign3A_1141 : i1 to i32
    %sign3A_1143 = arith.constant 0 : i32
    %sign3A_1144 = arith.cmpi slt, %sub3A_1137, %sign3A_1143 : i32
    %sign3A_1145 = arith.extui %sign3A_1144 : i1 to i32
    %sign3A_1146 = arith.subi %sign3A_1142, %sign3A_1145 : i32
    %sign3A_1147 = arith.constant 0 : i32
    %sign3A_1148 = arith.cmpi sgt, %jit3A_1138, %sign3A_1147 : i32
    %sign3A_1149 = arith.extui %sign3A_1148 : i1 to i32
    %sign3A_1150 = arith.constant 0 : i32
    %sign3A_1151 = arith.cmpi slt, %jit3A_1138, %sign3A_1150 : i32
    %sign3A_1152 = arith.extui %sign3A_1151 : i1 to i32
    %sign3A_1153 = arith.subi %sign3A_1149, %sign3A_1152 : i32
    %ne3A_1154 = arith.cmpi ne, %sign3A_1146, %sign3A_1153 : i32
    %rem3A_1155 = arith.remsi %sub3A_1137, %jit3A_1138 : i32
    %ne3A_1156 = arith.constant 0 : i32
    %ne3A_1157 = arith.cmpi ne, %rem3A_1155, %ne3A_1156 : i32
    %and3A_1158 = arith.andi %ne3A_1154, %ne3A_1157 : i1
    %sub3A_1159 = arith.constant 1 : i32
    %sub3A_1160 = arith.subi %div3A_1139, %sub3A_1159 : i32
    %select_n3A_1161 = arith.select %and3A_1158, %sub3A_1160, %div3A_1139 : i32
    %mul3A_1162 = arith.constant 16 : i32
    %mul3A_1163 = arith.muli %select_n3A_1161, %mul3A_1162 : i32
    %broadcast_in_dim3A_1164 = arith.constant 0 : i32
    %broadcast_in_dim3A_1165 = vector.broadcast %broadcast_in_dim3A_1164 : i32 to vector<16xi32>
    %sub3A_1166 = arith.subi %sub3A_1137, %mul3A_1163 : i32
    %add3A_1167 = vector.broadcast %sub3A_1166 : i32 to vector<16xi32>
    %add3A_1168 = arith.addi %broadcast_in_dim3A_1165, %add3A_1167 : vector<16xi32>
    %broadcast_in_dim3A_1169 = arith.constant 0 : i32
    %broadcast_in_dim3A_1170 = vector.broadcast %broadcast_in_dim3A_1169 : i32 to vector<16xi32>
    %get3A_1171 = arith.constant 32 : i32
    %get3A_1172 = arith.index_cast %get3A_1171 : i32 to index
    %get3A_1173 = arith.index_cast %mul3A_1163 : i32 to index
    %get3A_1174 = tpu.vector_load %arg7[%get3A_1172, %get3A_1173] {strides = array<i32>} : memref<64x128xi32, #tpu.memory_space<vmem>>, vector<1x16xi32>,
    %get3A_1175 = vector.shape_cast %get3A_1174 : vector<1x16xi32> to vector<16xi32>
    %eq3A_1176 = arith.constant 0 : i32
    %eq3A_1177 = vector.broadcast %eq3A_1176 : i32 to vector<16xi32>
    %eq3A_1178 = arith.cmpi eq, %iota3A, %eq3A_1177 : vector<16xi32>
    %lt3A_1179 = arith.constant 0 : i32
    %lt3A_1180 = vector.broadcast %lt3A_1179 : i32 to vector<16xi32>
    %lt3A_1181 = arith.cmpi slt, %add3A_1168, %lt3A_1180 : vector<16xi32>
    %add3A_1182 = arith.constant 16 : i32
    %add3A_1183 = vector.broadcast %add3A_1182 : i32 to vector<16xi32>
    %add3A_1184 = arith.addi %add3A_1168, %add3A_1183 : vector<16xi32>
    %select_n3A_1185 = arith.select %lt3A_1181, %add3A_1184, %add3A_1168 : vector<16xi1>, vector<16xi32>
    %broadcast_in_dim3A_1186 = vector.shape_cast %select_n3A_1185 : vector<16xi32> to vector<16x1xi32>
    %gather3A_1187 = vector.shape_cast %broadcast_in_dim3A_1186 : vector<16x1xi32> to vector<16xi32>
    %gather3A_1188 = tpu.dynamic_gather %get3A_1175[%gather3A_1187] in [0] : vector<16xi32>, vector<16xi32> -> vector<16xi32>
    %select_n3A_1189 = arith.select %eq3A_1178, %gather3A_1188, %broadcast_in_dim3A_1170 : vector<16xi1>, vector<16xi32>
    %get3A_1190 = arith.constant 33 : i32
    %get3A_1191 = arith.index_cast %get3A_1190 : i32 to index
    %get3A_1192 = arith.index_cast %mul3A_1163 : i32 to index
    %get3A_1193 = tpu.vector_load %arg7[%get3A_1191, %get3A_1192] {strides = array<i32>} : memref<64x128xi32, #tpu.memory_space<vmem>>, vector<1x16xi32>,
    %get3A_1194 = vector.shape_cast %get3A_1193 : vector<1x16xi32> to vector<16xi32>
    %eq3A_1195 = arith.constant 1 : i32
    %eq3A_1196 = vector.broadcast %eq3A_1195 : i32 to vector<16xi32>
    %eq3A_1197 = arith.cmpi eq, %iota3A, %eq3A_1196 : vector<16xi32>
    %lt3A_1198 = arith.constant 0 : i32
    %lt3A_1199 = vector.broadcast %lt3A_1198 : i32 to vector<16xi32>
    %lt3A_1200 = arith.cmpi slt, %add3A_1168, %lt3A_1199 : vector<16xi32>
    %add3A_1201 = arith.constant 16 : i32
    %add3A_1202 = vector.broadcast %add3A_1201 : i32 to vector<16xi32>
    %add3A_1203 = arith.addi %add3A_1168, %add3A_1202 : vector<16xi32>
    %select_n3A_1204 = arith.select %lt3A_1200, %add3A_1203, %add3A_1168 : vector<16xi1>, vector<16xi32>
    %broadcast_in_dim3A_1205 = vector.shape_cast %select_n3A_1204 : vector<16xi32> to vector<16x1xi32>
    %gather3A_1206 = vector.shape_cast %broadcast_in_dim3A_1205 : vector<16x1xi32> to vector<16xi32>
    %gather3A_1207 = tpu.dynamic_gather %get3A_1194[%gather3A_1206] in [0] : vector<16xi32>, vector<16xi32> -> vector<16xi32>
    %select_n3A_1208 = arith.select %eq3A_1197, %gather3A_1207, %select_n3A_1189 : vector<16xi1>, vector<16xi32>
    %get3A_1209 = arith.constant 34 : i32
    %get3A_1210 = arith.index_cast %get3A_1209 : i32 to index
    %get3A_1211 = arith.index_cast %mul3A_1163 : i32 to index
    %get3A_1212 = tpu.vector_load %arg7[%get3A_1210, %get3A_1211] {strides = array<i32>} : memref<64x128xi32, #tpu.memory_space<vmem>>, vector<1x16xi32>,
    %get3A_1213 = vector.shape_cast %get3A_1212 : vector<1x16xi32> to vector<16xi32>
    %eq3A_1214 = arith.constant 2 : i32
    %eq3A_1215 = vector.broadcast %eq3A_1214 : i32 to vector<16xi32>
    %eq3A_1216 = arith.cmpi eq, %iota3A, %eq3A_1215 : vector<16xi32>
    %lt3A_1217 = arith.constant 0 : i32
    %lt3A_1218 = vector.broadcast %lt3A_1217 : i32 to vector<16xi32>
    %lt3A_1219 = arith.cmpi slt, %add3A_1168, %lt3A_1218 : vector<16xi32>
    %add3A_1220 = arith.constant 16 : i32
    %add3A_1221 = vector.broadcast %add3A_1220 : i32 to vector<16xi32>
    %add3A_1222 = arith.addi %add3A_1168, %add3A_1221 : vector<16xi32>
    %select_n3A_1223 = arith.select %lt3A_1219, %add3A_1222, %add3A_1168 : vector<16xi1>, vector<16xi32>
    %broadcast_in_dim3A_1224 = vector.shape_cast %select_n3A_1223 : vector<16xi32> to vector<16x1xi32>
    %gather3A_1225 = vector.shape_cast %broadcast_in_dim3A_1224 : vector<16x1xi32> to vector<16xi32>
    %gather3A_1226 = tpu.dynamic_gather %get3A_1213[%gather3A_1225] in [0] : vector<16xi32>, vector<16xi32> -> vector<16xi32>
    %select_n3A_1227 = arith.select %eq3A_1216, %gather3A_1226, %select_n3A_1208 : vector<16xi1>, vector<16xi32>
    %get3A_1228 = arith.constant 35 : i32
    %get3A_1229 = arith.index_cast %get3A_1228 : i32 to index
    %get3A_1230 = arith.index_cast %mul3A_1163 : i32 to index
    %get3A_1231 = tpu.vector_load %arg7[%get3A_1229, %get3A_1230] {strides = array<i32>} : memref<64x128xi32, #tpu.memory_space<vmem>>, vector<1x16xi32>,
    %get3A_1232 = vector.shape_cast %get3A_1231 : vector<1x16xi32> to vector<16xi32>
    %eq3A_1233 = arith.constant 3 : i32
    %eq3A_1234 = vector.broadcast %eq3A_1233 : i32 to vector<16xi32>
    %eq3A_1235 = arith.cmpi eq, %iota3A, %eq3A_1234 : vector<16xi32>
    %lt3A_1236 = arith.constant 0 : i32
    %lt3A_1237 = vector.broadcast %lt3A_1236 : i32 to vector<16xi32>
    %lt3A_1238 = arith.cmpi slt, %add3A_1168, %lt3A_1237 : vector<16xi32>
    %add3A_1239 = arith.constant 16 : i32
    %add3A_1240 = vector.broadcast %add3A_1239 : i32 to vector<16xi32>
    %add3A_1241 = arith.addi %add3A_1168, %add3A_1240 : vector<16xi32>
    %select_n3A_1242 = arith.select %lt3A_1238, %add3A_1241, %add3A_1168 : vector<16xi1>, vector<16xi32>
    %broadcast_in_dim3A_1243 = vector.shape_cast %select_n3A_1242 : vector<16xi32> to vector<16x1xi32>
    %gather3A_1244 = vector.shape_cast %broadcast_in_dim3A_1243 : vector<16x1xi32> to vector<16xi32>
    %gather3A_1245 = tpu.dynamic_gather %get3A_1232[%gather3A_1244] in [0] : vector<16xi32>, vector<16xi32> -> vector<16xi32>
    %select_n3A_1246 = arith.select %eq3A_1235, %gather3A_1245, %select_n3A_1227 : vector<16xi1>, vector<16xi32>
    %get3A_1247 = arith.constant 36 : i32
    %get3A_1248 = arith.index_cast %get3A_1247 : i32 to index
    %get3A_1249 = arith.index_cast %mul3A_1163 : i32 to index
    %get3A_1250 = tpu.vector_load %arg7[%get3A_1248, %get3A_1249] {strides = array<i32>} : memref<64x128xi32, #tpu.memory_space<vmem>>, vector<1x16xi32>,
    %get3A_1251 = vector.shape_cast %get3A_1250 : vector<1x16xi32> to vector<16xi32>
    %eq3A_1252 = arith.constant 4 : i32
    %eq3A_1253 = vector.broadcast %eq3A_1252 : i32 to vector<16xi32>
    %eq3A_1254 = arith.cmpi eq, %iota3A, %eq3A_1253 : vector<16xi32>
    %lt3A_1255 = arith.constant 0 : i32
    %lt3A_1256 = vector.broadcast %lt3A_1255 : i32 to vector<16xi32>
    %lt3A_1257 = arith.cmpi slt, %add3A_1168, %lt3A_1256 : vector<16xi32>
    %add3A_1258 = arith.constant 16 : i32
    %add3A_1259 = vector.broadcast %add3A_1258 : i32 to vector<16xi32>
    %add3A_1260 = arith.addi %add3A_1168, %add3A_1259 : vector<16xi32>
    %select_n3A_1261 = arith.select %lt3A_1257, %add3A_1260, %add3A_1168 : vector<16xi1>, vector<16xi32>
    %broadcast_in_dim3A_1262 = vector.shape_cast %select_n3A_1261 : vector<16xi32> to vector<16x1xi32>
    %gather3A_1263 = vector.shape_cast %broadcast_in_dim3A_1262 : vector<16x1xi32> to vector<16xi32>
    %gather3A_1264 = tpu.dynamic_gather %get3A_1251[%gather3A_1263] in [0] : vector<16xi32>, vector<16xi32> -> vector<16xi32>
    %select_n3A_1265 = arith.select %eq3A_1254, %gather3A_1264, %select_n3A_1246 : vector<16xi1>, vector<16xi32>
    %get3A_1266 = arith.constant 37 : i32
    %get3A_1267 = arith.index_cast %get3A_1266 : i32 to index
    %get3A_1268 = arith.index_cast %mul3A_1163 : i32 to index
    %get3A_1269 = tpu.vector_load %arg7[%get3A_1267, %get3A_1268] {strides = array<i32>} : memref<64x128xi32, #tpu.memory_space<vmem>>, vector<1x16xi32>,
    %get3A_1270 = vector.shape_cast %get3A_1269 : vector<1x16xi32> to vector<16xi32>
    %eq3A_1271 = arith.constant 5 : i32
    %eq3A_1272 = vector.broadcast %eq3A_1271 : i32 to vector<16xi32>
    %eq3A_1273 = arith.cmpi eq, %iota3A, %eq3A_1272 : vector<16xi32>
    %lt3A_1274 = arith.constant 0 : i32
    %lt3A_1275 = vector.broadcast %lt3A_1274 : i32 to vector<16xi32>
    %lt3A_1276 = arith.cmpi slt, %add3A_1168, %lt3A_1275 : vector<16xi32>
    %add3A_1277 = arith.constant 16 : i32
    %add3A_1278 = vector.broadcast %add3A_1277 : i32 to vector<16xi32>
    %add3A_1279 = arith.addi %add3A_1168, %add3A_1278 : vector<16xi32>
    %select_n3A_1280 = arith.select %lt3A_1276, %add3A_1279, %add3A_1168 : vector<16xi1>, vector<16xi32>
    %broadcast_in_dim3A_1281 = vector.shape_cast %select_n3A_1280 : vector<16xi32> to vector<16x1xi32>
    %gather3A_1282 = vector.shape_cast %broadcast_in_dim3A_1281 : vector<16x1xi32> to vector<16xi32>
    %gather3A_1283 = tpu.dynamic_gather %get3A_1270[%gather3A_1282] in [0] : vector<16xi32>, vector<16xi32> -> vector<16xi32>
    %select_n3A_1284 = arith.select %eq3A_1273, %gather3A_1283, %select_n3A_1265 : vector<16xi1>, vector<16xi32>
    %get3A_1285 = arith.constant 38 : i32
    %get3A_1286 = arith.index_cast %get3A_1285 : i32 to index
    %get3A_1287 = arith.index_cast %mul3A_1163 : i32 to index
    %get3A_1288 = tpu.vector_load %arg7[%get3A_1286, %get3A_1287] {strides = array<i32>} : memref<64x128xi32, #tpu.memory_space<vmem>>, vector<1x16xi32>,
    %get3A_1289 = vector.shape_cast %get3A_1288 : vector<1x16xi32> to vector<16xi32>
    %eq3A_1290 = arith.constant 6 : i32
    %eq3A_1291 = vector.broadcast %eq3A_1290 : i32 to vector<16xi32>
    %eq3A_1292 = arith.cmpi eq, %iota3A, %eq3A_1291 : vector<16xi32>
    %lt3A_1293 = arith.constant 0 : i32
    %lt3A_1294 = vector.broadcast %lt3A_1293 : i32 to vector<16xi32>
    %lt3A_1295 = arith.cmpi slt, %add3A_1168, %lt3A_1294 : vector<16xi32>
    %add3A_1296 = arith.constant 16 : i32
    %add3A_1297 = vector.broadcast %add3A_1296 : i32 to vector<16xi32>
    %add3A_1298 = arith.addi %add3A_1168, %add3A_1297 : vector<16xi32>
    %select_n3A_1299 = arith.select %lt3A_1295, %add3A_1298, %add3A_1168 : vector<16xi1>, vector<16xi32>
    %broadcast_in_dim3A_1300 = vector.shape_cast %select_n3A_1299 : vector<16xi32> to vector<16x1xi32>
    %gather3A_1301 = vector.shape_cast %broadcast_in_dim3A_1300 : vector<16x1xi32> to vector<16xi32>
    %gather3A_1302 = tpu.dynamic_gather %get3A_1289[%gather3A_1301] in [0] : vector<16xi32>, vector<16xi32> -> vector<16xi32>
    %select_n3A_1303 = arith.select %eq3A_1292, %gather3A_1302, %select_n3A_1284 : vector<16xi1>, vector<16xi32>
    %get3A_1304 = arith.constant 39 : i32
    %get3A_1305 = arith.index_cast %get3A_1304 : i32 to index
    %get3A_1306 = arith.index_cast %mul3A_1163 : i32 to index
    %get3A_1307 = tpu.vector_load %arg7[%get3A_1305, %get3A_1306] {strides = array<i32>} : memref<64x128xi32, #tpu.memory_space<vmem>>, vector<1x16xi32>,
    %get3A_1308 = vector.shape_cast %get3A_1307 : vector<1x16xi32> to vector<16xi32>
    %eq3A_1309 = arith.constant 7 : i32
    %eq3A_1310 = vector.broadcast %eq3A_1309 : i32 to vector<16xi32>
    %eq3A_1311 = arith.cmpi eq, %iota3A, %eq3A_1310 : vector<16xi32>
    %lt3A_1312 = arith.constant 0 : i32
    %lt3A_1313 = vector.broadcast %lt3A_1312 : i32 to vector<16xi32>
    %lt3A_1314 = arith.cmpi slt, %add3A_1168, %lt3A_1313 : vector<16xi32>
    %add3A_1315 = arith.constant 16 : i32
    %add3A_1316 = vector.broadcast %add3A_1315 : i32 to vector<16xi32>
    %add3A_1317 = arith.addi %add3A_1168, %add3A_1316 : vector<16xi32>
    %select_n3A_1318 = arith.select %lt3A_1314, %add3A_1317, %add3A_1168 : vector<16xi1>, vector<16xi32>
    %broadcast_in_dim3A_1319 = vector.shape_cast %select_n3A_1318 : vector<16xi32> to vector<16x1xi32>
    %gather3A_1320 = vector.shape_cast %broadcast_in_dim3A_1319 : vector<16x1xi32> to vector<16xi32>
    %gather3A_1321 = tpu.dynamic_gather %get3A_1308[%gather3A_1320] in [0] : vector<16xi32>, vector<16xi32> -> vector<16xi32>
    %select_n3A_1322 = arith.select %eq3A_1311, %gather3A_1321, %select_n3A_1303 : vector<16xi1>, vector<16xi32>
    %get3A_1323 = arith.constant 40 : i32
    %get3A_1324 = arith.index_cast %get3A_1323 : i32 to index
    %get3A_1325 = arith.index_cast %mul3A_1163 : i32 to index
    %get3A_1326 = tpu.vector_load %arg7[%get3A_1324, %get3A_1325] {strides = array<i32>} : memref<64x128xi32, #tpu.memory_space<vmem>>, vector<1x16xi32>,
    %get3A_1327 = vector.shape_cast %get3A_1326 : vector<1x16xi32> to vector<16xi32>
    %eq3A_1328 = arith.constant 8 : i32
    %eq3A_1329 = vector.broadcast %eq3A_1328 : i32 to vector<16xi32>
    %eq3A_1330 = arith.cmpi eq, %iota3A, %eq3A_1329 : vector<16xi32>
    %lt3A_1331 = arith.constant 0 : i32
    %lt3A_1332 = vector.broadcast %lt3A_1331 : i32 to vector<16xi32>
    %lt3A_1333 = arith.cmpi slt, %add3A_1168, %lt3A_1332 : vector<16xi32>
    %add3A_1334 = arith.constant 16 : i32
    %add3A_1335 = vector.broadcast %add3A_1334 : i32 to vector<16xi32>
    %add3A_1336 = arith.addi %add3A_1168, %add3A_1335 : vector<16xi32>
    %select_n3A_1337 = arith.select %lt3A_1333, %add3A_1336, %add3A_1168 : vector<16xi1>, vector<16xi32>
    %broadcast_in_dim3A_1338 = vector.shape_cast %select_n3A_1337 : vector<16xi32> to vector<16x1xi32>
    %gather3A_1339 = vector.shape_cast %broadcast_in_dim3A_1338 : vector<16x1xi32> to vector<16xi32>
    %gather3A_1340 = tpu.dynamic_gather %get3A_1327[%gather3A_1339] in [0] : vector<16xi32>, vector<16xi32> -> vector<16xi32>
    %select_n3A_1341 = arith.select %eq3A_1330, %gather3A_1340, %select_n3A_1322 : vector<16xi1>, vector<16xi32>
    %get3A_1342 = arith.constant 41 : i32
    %get3A_1343 = arith.index_cast %get3A_1342 : i32 to index
    %get3A_1344 = arith.index_cast %mul3A_1163 : i32 to index
    %get3A_1345 = tpu.vector_load %arg7[%get3A_1343, %get3A_1344] {strides = array<i32>} : memref<64x128xi32, #tpu.memory_space<vmem>>, vector<1x16xi32>,
    %get3A_1346 = vector.shape_cast %get3A_1345 : vector<1x16xi32> to vector<16xi32>
    %eq3A_1347 = arith.constant 9 : i32
    %eq3A_1348 = vector.broadcast %eq3A_1347 : i32 to vector<16xi32>
    %eq3A_1349 = arith.cmpi eq, %iota3A, %eq3A_1348 : vector<16xi32>
    %lt3A_1350 = arith.constant 0 : i32
    %lt3A_1351 = vector.broadcast %lt3A_1350 : i32 to vector<16xi32>
    %lt3A_1352 = arith.cmpi slt, %add3A_1168, %lt3A_1351 : vector<16xi32>
    %add3A_1353 = arith.constant 16 : i32
    %add3A_1354 = vector.broadcast %add3A_1353 : i32 to vector<16xi32>
    %add3A_1355 = arith.addi %add3A_1168, %add3A_1354 : vector<16xi32>
    %select_n3A_1356 = arith.select %lt3A_1352, %add3A_1355, %add3A_1168 : vector<16xi1>, vector<16xi32>
    %broadcast_in_dim3A_1357 = vector.shape_cast %select_n3A_1356 : vector<16xi32> to vector<16x1xi32>
    %gather3A_1358 = vector.shape_cast %broadcast_in_dim3A_1357 : vector<16x1xi32> to vector<16xi32>
    %gather3A_1359 = tpu.dynamic_gather %get3A_1346[%gather3A_1358] in [0] : vector<16xi32>, vector<16xi32> -> vector<16xi32>
    %select_n3A_1360 = arith.select %eq3A_1349, %gather3A_1359, %select_n3A_1341 : vector<16xi1>, vector<16xi32>
    %get3A_1361 = arith.constant 42 : i32
    %get3A_1362 = arith.index_cast %get3A_1361 : i32 to index
    %get3A_1363 = arith.index_cast %mul3A_1163 : i32 to index
    %get3A_1364 = tpu.vector_load %arg7[%get3A_1362, %get3A_1363] {strides = array<i32>} : memref<64x128xi32, #tpu.memory_space<vmem>>, vector<1x16xi32>,
    %get3A_1365 = vector.shape_cast %get3A_1364 : vector<1x16xi32> to vector<16xi32>
    %eq3A_1366 = arith.constant 10 : i32
    %eq3A_1367 = vector.broadcast %eq3A_1366 : i32 to vector<16xi32>
    %eq3A_1368 = arith.cmpi eq, %iota3A, %eq3A_1367 : vector<16xi32>
    %lt3A_1369 = arith.constant 0 : i32
    %lt3A_1370 = vector.broadcast %lt3A_1369 : i32 to vector<16xi32>
    %lt3A_1371 = arith.cmpi slt, %add3A_1168, %lt3A_1370 : vector<16xi32>
    %add3A_1372 = arith.constant 16 : i32
    %add3A_1373 = vector.broadcast %add3A_1372 : i32 to vector<16xi32>
    %add3A_1374 = arith.addi %add3A_1168, %add3A_1373 : vector<16xi32>
    %select_n3A_1375 = arith.select %lt3A_1371, %add3A_1374, %add3A_1168 : vector<16xi1>, vector<16xi32>
    %broadcast_in_dim3A_1376 = vector.shape_cast %select_n3A_1375 : vector<16xi32> to vector<16x1xi32>
    %gather3A_1377 = vector.shape_cast %broadcast_in_dim3A_1376 : vector<16x1xi32> to vector<16xi32>
    %gather3A_1378 = tpu.dynamic_gather %get3A_1365[%gather3A_1377] in [0] : vector<16xi32>, vector<16xi32> -> vector<16xi32>
    %select_n3A_1379 = arith.select %eq3A_1368, %gather3A_1378, %select_n3A_1360 : vector<16xi1>, vector<16xi32>
    %get3A_1380 = arith.constant 43 : i32
    %get3A_1381 = arith.index_cast %get3A_1380 : i32 to index
    %get3A_1382 = arith.index_cast %mul3A_1163 : i32 to index
    %get3A_1383 = tpu.vector_load %arg7[%get3A_1381, %get3A_1382] {strides = array<i32>} : memref<64x128xi32, #tpu.memory_space<vmem>>, vector<1x16xi32>,
    %get3A_1384 = vector.shape_cast %get3A_1383 : vector<1x16xi32> to vector<16xi32>
    %eq3A_1385 = arith.constant 11 : i32
    %eq3A_1386 = vector.broadcast %eq3A_1385 : i32 to vector<16xi32>
    %eq3A_1387 = arith.cmpi eq, %iota3A, %eq3A_1386 : vector<16xi32>
    %lt3A_1388 = arith.constant 0 : i32
    %lt3A_1389 = vector.broadcast %lt3A_1388 : i32 to vector<16xi32>
    %lt3A_1390 = arith.cmpi slt, %add3A_1168, %lt3A_1389 : vector<16xi32>
    %add3A_1391 = arith.constant 16 : i32
    %add3A_1392 = vector.broadcast %add3A_1391 : i32 to vector<16xi32>
    %add3A_1393 = arith.addi %add3A_1168, %add3A_1392 : vector<16xi32>
    %select_n3A_1394 = arith.select %lt3A_1390, %add3A_1393, %add3A_1168 : vector<16xi1>, vector<16xi32>
    %broadcast_in_dim3A_1395 = vector.shape_cast %select_n3A_1394 : vector<16xi32> to vector<16x1xi32>
    %gather3A_1396 = vector.shape_cast %broadcast_in_dim3A_1395 : vector<16x1xi32> to vector<16xi32>
    %gather3A_1397 = tpu.dynamic_gather %get3A_1384[%gather3A_1396] in [0] : vector<16xi32>, vector<16xi32> -> vector<16xi32>
    %select_n3A_1398 = arith.select %eq3A_1387, %gather3A_1397, %select_n3A_1379 : vector<16xi1>, vector<16xi32>
    %get3A_1399 = arith.constant 44 : i32
    %get3A_1400 = arith.index_cast %get3A_1399 : i32 to index
    %get3A_1401 = arith.index_cast %mul3A_1163 : i32 to index
    %get3A_1402 = tpu.vector_load %arg7[%get3A_1400, %get3A_1401] {strides = array<i32>} : memref<64x128xi32, #tpu.memory_space<vmem>>, vector<1x16xi32>,
    %get3A_1403 = vector.shape_cast %get3A_1402 : vector<1x16xi32> to vector<16xi32>
    %eq3A_1404 = arith.constant 12 : i32
    %eq3A_1405 = vector.broadcast %eq3A_1404 : i32 to vector<16xi32>
    %eq3A_1406 = arith.cmpi eq, %iota3A, %eq3A_1405 : vector<16xi32>
    %lt3A_1407 = arith.constant 0 : i32
    %lt3A_1408 = vector.broadcast %lt3A_1407 : i32 to vector<16xi32>
    %lt3A_1409 = arith.cmpi slt, %add3A_1168, %lt3A_1408 : vector<16xi32>
    %add3A_1410 = arith.constant 16 : i32
    %add3A_1411 = vector.broadcast %add3A_1410 : i32 to vector<16xi32>
    %add3A_1412 = arith.addi %add3A_1168, %add3A_1411 : vector<16xi32>
    %select_n3A_1413 = arith.select %lt3A_1409, %add3A_1412, %add3A_1168 : vector<16xi1>, vector<16xi32>
    %broadcast_in_dim3A_1414 = vector.shape_cast %select_n3A_1413 : vector<16xi32> to vector<16x1xi32>
    %gather3A_1415 = vector.shape_cast %broadcast_in_dim3A_1414 : vector<16x1xi32> to vector<16xi32>
    %gather3A_1416 = tpu.dynamic_gather %get3A_1403[%gather3A_1415] in [0] : vector<16xi32>, vector<16xi32> -> vector<16xi32>
    %select_n3A_1417 = arith.select %eq3A_1406, %gather3A_1416, %select_n3A_1398 : vector<16xi1>, vector<16xi32>
    %get3A_1418 = arith.constant 45 : i32
    %get3A_1419 = arith.index_cast %get3A_1418 : i32 to index
    %get3A_1420 = arith.index_cast %mul3A_1163 : i32 to index
    %get3A_1421 = tpu.vector_load %arg7[%get3A_1419, %get3A_1420] {strides = array<i32>} : memref<64x128xi32, #tpu.memory_space<vmem>>, vector<1x16xi32>,
    %get3A_1422 = vector.shape_cast %get3A_1421 : vector<1x16xi32> to vector<16xi32>
    %eq3A_1423 = arith.constant 13 : i32
    %eq3A_1424 = vector.broadcast %eq3A_1423 : i32 to vector<16xi32>
    %eq3A_1425 = arith.cmpi eq, %iota3A, %eq3A_1424 : vector<16xi32>
    %lt3A_1426 = arith.constant 0 : i32
    %lt3A_1427 = vector.broadcast %lt3A_1426 : i32 to vector<16xi32>
    %lt3A_1428 = arith.cmpi slt, %add3A_1168, %lt3A_1427 : vector<16xi32>
    %add3A_1429 = arith.constant 16 : i32
    %add3A_1430 = vector.broadcast %add3A_1429 : i32 to vector<16xi32>
    %add3A_1431 = arith.addi %add3A_1168, %add3A_1430 : vector<16xi32>
    %select_n3A_1432 = arith.select %lt3A_1428, %add3A_1431, %add3A_1168 : vector<16xi1>, vector<16xi32>
    %broadcast_in_dim3A_1433 = vector.shape_cast %select_n3A_1432 : vector<16xi32> to vector<16x1xi32>
    %gather3A_1434 = vector.shape_cast %broadcast_in_dim3A_1433 : vector<16x1xi32> to vector<16xi32>
    %gather3A_1435 = tpu.dynamic_gather %get3A_1422[%gather3A_1434] in [0] : vector<16xi32>, vector<16xi32> -> vector<16xi32>
    %select_n3A_1436 = arith.select %eq3A_1425, %gather3A_1435, %select_n3A_1417 : vector<16xi1>, vector<16xi32>
    %get3A_1437 = arith.constant 46 : i32
    %get3A_1438 = arith.index_cast %get3A_1437 : i32 to index
    %get3A_1439 = arith.index_cast %mul3A_1163 : i32 to index
    %get3A_1440 = tpu.vector_load %arg7[%get3A_1438, %get3A_1439] {strides = array<i32>} : memref<64x128xi32, #tpu.memory_space<vmem>>, vector<1x16xi32>,
    %get3A_1441 = vector.shape_cast %get3A_1440 : vector<1x16xi32> to vector<16xi32>
    %eq3A_1442 = arith.constant 14 : i32
    %eq3A_1443 = vector.broadcast %eq3A_1442 : i32 to vector<16xi32>
    %eq3A_1444 = arith.cmpi eq, %iota3A, %eq3A_1443 : vector<16xi32>
    %lt3A_1445 = arith.constant 0 : i32
    %lt3A_1446 = vector.broadcast %lt3A_1445 : i32 to vector<16xi32>
    %lt3A_1447 = arith.cmpi slt, %add3A_1168, %lt3A_1446 : vector<16xi32>
    %add3A_1448 = arith.constant 16 : i32
    %add3A_1449 = vector.broadcast %add3A_1448 : i32 to vector<16xi32>
    %add3A_1450 = arith.addi %add3A_1168, %add3A_1449 : vector<16xi32>
    %select_n3A_1451 = arith.select %lt3A_1447, %add3A_1450, %add3A_1168 : vector<16xi1>, vector<16xi32>
    %broadcast_in_dim3A_1452 = vector.shape_cast %select_n3A_1451 : vector<16xi32> to vector<16x1xi32>
    %gather3A_1453 = vector.shape_cast %broadcast_in_dim3A_1452 : vector<16x1xi32> to vector<16xi32>
    %gather3A_1454 = tpu.dynamic_gather %get3A_1441[%gather3A_1453] in [0] : vector<16xi32>, vector<16xi32> -> vector<16xi32>
    %select_n3A_1455 = arith.select %eq3A_1444, %gather3A_1454, %select_n3A_1436 : vector<16xi1>, vector<16xi32>
    %get3A_1456 = arith.constant 47 : i32
    %get3A_1457 = arith.index_cast %get3A_1456 : i32 to index
    %get3A_1458 = arith.index_cast %mul3A_1163 : i32 to index
    %get3A_1459 = tpu.vector_load %arg7[%get3A_1457, %get3A_1458] {strides = array<i32>} : memref<64x128xi32, #tpu.memory_space<vmem>>, vector<1x16xi32>,
    %get3A_1460 = vector.shape_cast %get3A_1459 : vector<1x16xi32> to vector<16xi32>
    %eq3A_1461 = arith.constant 15 : i32
    %eq3A_1462 = vector.broadcast %eq3A_1461 : i32 to vector<16xi32>
    %eq3A_1463 = arith.cmpi eq, %iota3A, %eq3A_1462 : vector<16xi32>
    %lt3A_1464 = arith.constant 0 : i32
    %lt3A_1465 = vector.broadcast %lt3A_1464 : i32 to vector<16xi32>
    %lt3A_1466 = arith.cmpi slt, %add3A_1168, %lt3A_1465 : vector<16xi32>
    %add3A_1467 = arith.constant 16 : i32
    %add3A_1468 = vector.broadcast %add3A_1467 : i32 to vector<16xi32>
    %add3A_1469 = arith.addi %add3A_1168, %add3A_1468 : vector<16xi32>
    %select_n3A_1470 = arith.select %lt3A_1466, %add3A_1469, %add3A_1168 : vector<16xi1>, vector<16xi32>
    %broadcast_in_dim3A_1471 = vector.shape_cast %select_n3A_1470 : vector<16xi32> to vector<16x1xi32>
    %gather3A_1472 = vector.shape_cast %broadcast_in_dim3A_1471 : vector<16x1xi32> to vector<16xi32>
    %gather3A_1473 = tpu.dynamic_gather %get3A_1460[%gather3A_1472] in [0] : vector<16xi32>, vector<16xi32> -> vector<16xi32>
    %select_n3A_1474 = arith.select %eq3A_1463, %gather3A_1473, %select_n3A_1455 : vector<16xi1>, vector<16xi32>
    %swap3A_1475 = arith.constant 32 : index
    %swap3A_1476 = tpu.vector_load %arg8[%swap3A_1475] {strides = array<i32>} : memref<64xi32, #tpu.memory_space<vmem>>, vector<16xi32>,
    %swap3A_1477 = vector.shape_cast %swap3A_1476 : vector<16xi32> to vector<16xi32>
    %swap3A_1478 = vector.shape_cast %select_n3A_1474 : vector<16xi32> to vector<16xi32>
    tpu.vector_store %arg8[%swap3A_1475], %swap3A_1478 {strides = array<i32>} : memref<64xi32, #tpu.memory_space<vmem>>, vector<16xi32>,
    %jit3A_1479 = arith.constant 128 : i32
    %div3A_1480 = arith.divsi %select_n3A_253, %jit3A_1479 : i32
    %sign3A_1481 = arith.constant 0 : i32
    %sign3A_1482 = arith.cmpi sgt, %select_n3A_253, %sign3A_1481 : i32
    %sign3A_1483 = arith.extui %sign3A_1482 : i1 to i32
    %sign3A_1484 = arith.constant 0 : i32
    %sign3A_1485 = arith.cmpi slt, %select_n3A_253, %sign3A_1484 : i32
    %sign3A_1486 = arith.extui %sign3A_1485 : i1 to i32
    %sign3A_1487 = arith.subi %sign3A_1483, %sign3A_1486 : i32
    %sign3A_1488 = arith.constant 0 : i32
    %sign3A_1489 = arith.cmpi sgt, %jit3A_1479, %sign3A_1488 : i32
    %sign3A_1490 = arith.extui %sign3A_1489 : i1 to i32
    %sign3A_1491 = arith.constant 0 : i32
    %sign3A_1492 = arith.cmpi slt, %jit3A_1479, %sign3A_1491 : i32
    %sign3A_1493 = arith.extui %sign3A_1492 : i1 to i32
    %sign3A_1494 = arith.subi %sign3A_1490, %sign3A_1493 : i32
    %ne3A_1495 = arith.cmpi ne, %sign3A_1487, %sign3A_1494 : i32
    %rem3A_1496 = arith.remsi %select_n3A_253, %jit3A_1479 : i32
    %ne3A_1497 = arith.constant 0 : i32
    %ne3A_1498 = arith.cmpi ne, %rem3A_1496, %ne3A_1497 : i32
    %and3A_1499 = arith.andi %ne3A_1495, %ne3A_1498 : i1
    %sub3A_1500 = arith.constant 1 : i32
    %sub3A_1501 = arith.subi %div3A_1480, %sub3A_1500 : i32
    %select_n3A_1502 = arith.select %and3A_1499, %sub3A_1501, %div3A_1480 : i32
    %mul3A_1503 = arith.constant 128 : i32
    %mul3A_1504 = arith.muli %select_n3A_1502, %mul3A_1503 : i32
    %sub3A_1505 = arith.subi %select_n3A_253, %mul3A_1504 : i32
    %jit3A_1506 = arith.constant 16 : i32
    %div3A_1507 = arith.divsi %sub3A_1505, %jit3A_1506 : i32
    %sign3A_1508 = arith.constant 0 : i32
    %sign3A_1509 = arith.cmpi sgt, %sub3A_1505, %sign3A_1508 : i32
    %sign3A_1510 = arith.extui %sign3A_1509 : i1 to i32
    %sign3A_1511 = arith.constant 0 : i32
    %sign3A_1512 = arith.cmpi slt, %sub3A_1505, %sign3A_1511 : i32
    %sign3A_1513 = arith.extui %sign3A_1512 : i1 to i32
    %sign3A_1514 = arith.subi %sign3A_1510, %sign3A_1513 : i32
    %sign3A_1515 = arith.constant 0 : i32
    %sign3A_1516 = arith.cmpi sgt, %jit3A_1506, %sign3A_1515 : i32
    %sign3A_1517 = arith.extui %sign3A_1516 : i1 to i32
    %sign3A_1518 = arith.constant 0 : i32
    %sign3A_1519 = arith.cmpi slt, %jit3A_1506, %sign3A_1518 : i32
    %sign3A_1520 = arith.extui %sign3A_1519 : i1 to i32
    %sign3A_1521 = arith.subi %sign3A_1517, %sign3A_1520 : i32
    %ne3A_1522 = arith.cmpi ne, %sign3A_1514, %sign3A_1521 : i32
    %rem3A_1523 = arith.remsi %sub3A_1505, %jit3A_1506 : i32
    %ne3A_1524 = arith.constant 0 : i32
    %ne3A_1525 = arith.cmpi ne, %rem3A_1523, %ne3A_1524 : i32
    %and3A_1526 = arith.andi %ne3A_1522, %ne3A_1525 : i1
    %sub3A_1527 = arith.constant 1 : i32
    %sub3A_1528 = arith.subi %div3A_1507, %sub3A_1527 : i32
    %select_n3A_1529 = arith.select %and3A_1526, %sub3A_1528, %div3A_1507 : i32
    %mul3A_1530 = arith.constant 16 : i32
    %mul3A_1531 = arith.muli %select_n3A_1529, %mul3A_1530 : i32
    %broadcast_in_dim3A_1532 = arith.constant 0 : i32
    %broadcast_in_dim3A_1533 = vector.broadcast %broadcast_in_dim3A_1532 : i32 to vector<16xi32>
    %sub3A_1534 = arith.subi %sub3A_1505, %mul3A_1531 : i32
    %add3A_1535 = vector.broadcast %sub3A_1534 : i32 to vector<16xi32>
    %add3A_1536 = arith.addi %broadcast_in_dim3A_1533, %add3A_1535 : vector<16xi32>
    %broadcast_in_dim3A_1537 = arith.constant 0 : i32
    %broadcast_in_dim3A_1538 = vector.broadcast %broadcast_in_dim3A_1537 : i32 to vector<16xi32>
    %get3A_1539 = arith.constant 48 : i32
    %get3A_1540 = arith.index_cast %get3A_1539 : i32 to index
    %get3A_1541 = arith.index_cast %mul3A_1531 : i32 to index
    %get3A_1542 = tpu.vector_load %arg7[%get3A_1540, %get3A_1541] {strides = array<i32>} : memref<64x128xi32, #tpu.memory_space<vmem>>, vector<1x16xi32>,
    %get3A_1543 = vector.shape_cast %get3A_1542 : vector<1x16xi32> to vector<16xi32>
    %eq3A_1544 = arith.constant 0 : i32
    %eq3A_1545 = vector.broadcast %eq3A_1544 : i32 to vector<16xi32>
    %eq3A_1546 = arith.cmpi eq, %iota3A, %eq3A_1545 : vector<16xi32>
    %lt3A_1547 = arith.constant 0 : i32
    %lt3A_1548 = vector.broadcast %lt3A_1547 : i32 to vector<16xi32>
    %lt3A_1549 = arith.cmpi slt, %add3A_1536, %lt3A_1548 : vector<16xi32>
    %add3A_1550 = arith.constant 16 : i32
    %add3A_1551 = vector.broadcast %add3A_1550 : i32 to vector<16xi32>
    %add3A_1552 = arith.addi %add3A_1536, %add3A_1551 : vector<16xi32>
    %select_n3A_1553 = arith.select %lt3A_1549, %add3A_1552, %add3A_1536 : vector<16xi1>, vector<16xi32>
    %broadcast_in_dim3A_1554 = vector.shape_cast %select_n3A_1553 : vector<16xi32> to vector<16x1xi32>
    %gather3A_1555 = vector.shape_cast %broadcast_in_dim3A_1554 : vector<16x1xi32> to vector<16xi32>
    %gather3A_1556 = tpu.dynamic_gather %get3A_1543[%gather3A_1555] in [0] : vector<16xi32>, vector<16xi32> -> vector<16xi32>
    %select_n3A_1557 = arith.select %eq3A_1546, %gather3A_1556, %broadcast_in_dim3A_1538 : vector<16xi1>, vector<16xi32>
    %get3A_1558 = arith.constant 49 : i32
    %get3A_1559 = arith.index_cast %get3A_1558 : i32 to index
    %get3A_1560 = arith.index_cast %mul3A_1531 : i32 to index
    %get3A_1561 = tpu.vector_load %arg7[%get3A_1559, %get3A_1560] {strides = array<i32>} : memref<64x128xi32, #tpu.memory_space<vmem>>, vector<1x16xi32>,
    %get3A_1562 = vector.shape_cast %get3A_1561 : vector<1x16xi32> to vector<16xi32>
    %eq3A_1563 = arith.constant 1 : i32
    %eq3A_1564 = vector.broadcast %eq3A_1563 : i32 to vector<16xi32>
    %eq3A_1565 = arith.cmpi eq, %iota3A, %eq3A_1564 : vector<16xi32>
    %lt3A_1566 = arith.constant 0 : i32
    %lt3A_1567 = vector.broadcast %lt3A_1566 : i32 to vector<16xi32>
    %lt3A_1568 = arith.cmpi slt, %add3A_1536, %lt3A_1567 : vector<16xi32>
    %add3A_1569 = arith.constant 16 : i32
    %add3A_1570 = vector.broadcast %add3A_1569 : i32 to vector<16xi32>
    %add3A_1571 = arith.addi %add3A_1536, %add3A_1570 : vector<16xi32>
    %select_n3A_1572 = arith.select %lt3A_1568, %add3A_1571, %add3A_1536 : vector<16xi1>, vector<16xi32>
    %broadcast_in_dim3A_1573 = vector.shape_cast %select_n3A_1572 : vector<16xi32> to vector<16x1xi32>
    %gather3A_1574 = vector.shape_cast %broadcast_in_dim3A_1573 : vector<16x1xi32> to vector<16xi32>
    %gather3A_1575 = tpu.dynamic_gather %get3A_1562[%gather3A_1574] in [0] : vector<16xi32>, vector<16xi32> -> vector<16xi32>
    %select_n3A_1576 = arith.select %eq3A_1565, %gather3A_1575, %select_n3A_1557 : vector<16xi1>, vector<16xi32>
    %get3A_1577 = arith.constant 50 : i32
    %get3A_1578 = arith.index_cast %get3A_1577 : i32 to index
    %get3A_1579 = arith.index_cast %mul3A_1531 : i32 to index
    %get3A_1580 = tpu.vector_load %arg7[%get3A_1578, %get3A_1579] {strides = array<i32>} : memref<64x128xi32, #tpu.memory_space<vmem>>, vector<1x16xi32>,
    %get3A_1581 = vector.shape_cast %get3A_1580 : vector<1x16xi32> to vector<16xi32>
    %eq3A_1582 = arith.constant 2 : i32
    %eq3A_1583 = vector.broadcast %eq3A_1582 : i32 to vector<16xi32>
    %eq3A_1584 = arith.cmpi eq, %iota3A, %eq3A_1583 : vector<16xi32>
    %lt3A_1585 = arith.constant 0 : i32
    %lt3A_1586 = vector.broadcast %lt3A_1585 : i32 to vector<16xi32>
    %lt3A_1587 = arith.cmpi slt, %add3A_1536, %lt3A_1586 : vector<16xi32>
    %add3A_1588 = arith.constant 16 : i32
    %add3A_1589 = vector.broadcast %add3A_1588 : i32 to vector<16xi32>
    %add3A_1590 = arith.addi %add3A_1536, %add3A_1589 : vector<16xi32>
    %select_n3A_1591 = arith.select %lt3A_1587, %add3A_1590, %add3A_1536 : vector<16xi1>, vector<16xi32>
    %broadcast_in_dim3A_1592 = vector.shape_cast %select_n3A_1591 : vector<16xi32> to vector<16x1xi32>
    %gather3A_1593 = vector.shape_cast %broadcast_in_dim3A_1592 : vector<16x1xi32> to vector<16xi32>
    %gather3A_1594 = tpu.dynamic_gather %get3A_1581[%gather3A_1593] in [0] : vector<16xi32>, vector<16xi32> -> vector<16xi32>
    %select_n3A_1595 = arith.select %eq3A_1584, %gather3A_1594, %select_n3A_1576 : vector<16xi1>, vector<16xi32>
    %get3A_1596 = arith.constant 51 : i32
    %get3A_1597 = arith.index_cast %get3A_1596 : i32 to index
    %get3A_1598 = arith.index_cast %mul3A_1531 : i32 to index
    %get3A_1599 = tpu.vector_load %arg7[%get3A_1597, %get3A_1598] {strides = array<i32>} : memref<64x128xi32, #tpu.memory_space<vmem>>, vector<1x16xi32>,
    %get3A_1600 = vector.shape_cast %get3A_1599 : vector<1x16xi32> to vector<16xi32>
    %eq3A_1601 = arith.constant 3 : i32
    %eq3A_1602 = vector.broadcast %eq3A_1601 : i32 to vector<16xi32>
    %eq3A_1603 = arith.cmpi eq, %iota3A, %eq3A_1602 : vector<16xi32>
    %lt3A_1604 = arith.constant 0 : i32
    %lt3A_1605 = vector.broadcast %lt3A_1604 : i32 to vector<16xi32>
    %lt3A_1606 = arith.cmpi slt, %add3A_1536, %lt3A_1605 : vector<16xi32>
    %add3A_1607 = arith.constant 16 : i32
    %add3A_1608 = vector.broadcast %add3A_1607 : i32 to vector<16xi32>
    %add3A_1609 = arith.addi %add3A_1536, %add3A_1608 : vector<16xi32>
    %select_n3A_1610 = arith.select %lt3A_1606, %add3A_1609, %add3A_1536 : vector<16xi1>, vector<16xi32>
    %broadcast_in_dim3A_1611 = vector.shape_cast %select_n3A_1610 : vector<16xi32> to vector<16x1xi32>
    %gather3A_1612 = vector.shape_cast %broadcast_in_dim3A_1611 : vector<16x1xi32> to vector<16xi32>
    %gather3A_1613 = tpu.dynamic_gather %get3A_1600[%gather3A_1612] in [0] : vector<16xi32>, vector<16xi32> -> vector<16xi32>
    %select_n3A_1614 = arith.select %eq3A_1603, %gather3A_1613, %select_n3A_1595 : vector<16xi1>, vector<16xi32>
    %get3A_1615 = arith.constant 52 : i32
    %get3A_1616 = arith.index_cast %get3A_1615 : i32 to index
    %get3A_1617 = arith.index_cast %mul3A_1531 : i32 to index
    %get3A_1618 = tpu.vector_load %arg7[%get3A_1616, %get3A_1617] {strides = array<i32>} : memref<64x128xi32, #tpu.memory_space<vmem>>, vector<1x16xi32>,
    %get3A_1619 = vector.shape_cast %get3A_1618 : vector<1x16xi32> to vector<16xi32>
    %eq3A_1620 = arith.constant 4 : i32
    %eq3A_1621 = vector.broadcast %eq3A_1620 : i32 to vector<16xi32>
    %eq3A_1622 = arith.cmpi eq, %iota3A, %eq3A_1621 : vector<16xi32>
    %lt3A_1623 = arith.constant 0 : i32
    %lt3A_1624 = vector.broadcast %lt3A_1623 : i32 to vector<16xi32>
    %lt3A_1625 = arith.cmpi slt, %add3A_1536, %lt3A_1624 : vector<16xi32>
    %add3A_1626 = arith.constant 16 : i32
    %add3A_1627 = vector.broadcast %add3A_1626 : i32 to vector<16xi32>
    %add3A_1628 = arith.addi %add3A_1536, %add3A_1627 : vector<16xi32>
    %select_n3A_1629 = arith.select %lt3A_1625, %add3A_1628, %add3A_1536 : vector<16xi1>, vector<16xi32>
    %broadcast_in_dim3A_1630 = vector.shape_cast %select_n3A_1629 : vector<16xi32> to vector<16x1xi32>
    %gather3A_1631 = vector.shape_cast %broadcast_in_dim3A_1630 : vector<16x1xi32> to vector<16xi32>
    %gather3A_1632 = tpu.dynamic_gather %get3A_1619[%gather3A_1631] in [0] : vector<16xi32>, vector<16xi32> -> vector<16xi32>
    %select_n3A_1633 = arith.select %eq3A_1622, %gather3A_1632, %select_n3A_1614 : vector<16xi1>, vector<16xi32>
    %get3A_1634 = arith.constant 53 : i32
    %get3A_1635 = arith.index_cast %get3A_1634 : i32 to index
    %get3A_1636 = arith.index_cast %mul3A_1531 : i32 to index
    %get3A_1637 = tpu.vector_load %arg7[%get3A_1635, %get3A_1636] {strides = array<i32>} : memref<64x128xi32, #tpu.memory_space<vmem>>, vector<1x16xi32>,
    %get3A_1638 = vector.shape_cast %get3A_1637 : vector<1x16xi32> to vector<16xi32>
    %eq3A_1639 = arith.constant 5 : i32
    %eq3A_1640 = vector.broadcast %eq3A_1639 : i32 to vector<16xi32>
    %eq3A_1641 = arith.cmpi eq, %iota3A, %eq3A_1640 : vector<16xi32>
    %lt3A_1642 = arith.constant 0 : i32
    %lt3A_1643 = vector.broadcast %lt3A_1642 : i32 to vector<16xi32>
    %lt3A_1644 = arith.cmpi slt, %add3A_1536, %lt3A_1643 : vector<16xi32>
    %add3A_1645 = arith.constant 16 : i32
    %add3A_1646 = vector.broadcast %add3A_1645 : i32 to vector<16xi32>
    %add3A_1647 = arith.addi %add3A_1536, %add3A_1646 : vector<16xi32>
    %select_n3A_1648 = arith.select %lt3A_1644, %add3A_1647, %add3A_1536 : vector<16xi1>, vector<16xi32>
    %broadcast_in_dim3A_1649 = vector.shape_cast %select_n3A_1648 : vector<16xi32> to vector<16x1xi32>
    %gather3A_1650 = vector.shape_cast %broadcast_in_dim3A_1649 : vector<16x1xi32> to vector<16xi32>
    %gather3A_1651 = tpu.dynamic_gather %get3A_1638[%gather3A_1650] in [0] : vector<16xi32>, vector<16xi32> -> vector<16xi32>
    %select_n3A_1652 = arith.select %eq3A_1641, %gather3A_1651, %select_n3A_1633 : vector<16xi1>, vector<16xi32>
    %get3A_1653 = arith.constant 54 : i32
    %get3A_1654 = arith.index_cast %get3A_1653 : i32 to index
    %get3A_1655 = arith.index_cast %mul3A_1531 : i32 to index
    %get3A_1656 = tpu.vector_load %arg7[%get3A_1654, %get3A_1655] {strides = array<i32>} : memref<64x128xi32, #tpu.memory_space<vmem>>, vector<1x16xi32>,
    %get3A_1657 = vector.shape_cast %get3A_1656 : vector<1x16xi32> to vector<16xi32>
    %eq3A_1658 = arith.constant 6 : i32
    %eq3A_1659 = vector.broadcast %eq3A_1658 : i32 to vector<16xi32>
    %eq3A_1660 = arith.cmpi eq, %iota3A, %eq3A_1659 : vector<16xi32>
    %lt3A_1661 = arith.constant 0 : i32
    %lt3A_1662 = vector.broadcast %lt3A_1661 : i32 to vector<16xi32>
    %lt3A_1663 = arith.cmpi slt, %add3A_1536, %lt3A_1662 : vector<16xi32>
    %add3A_1664 = arith.constant 16 : i32
    %add3A_1665 = vector.broadcast %add3A_1664 : i32 to vector<16xi32>
    %add3A_1666 = arith.addi %add3A_1536, %add3A_1665 : vector<16xi32>
    %select_n3A_1667 = arith.select %lt3A_1663, %add3A_1666, %add3A_1536 : vector<16xi1>, vector<16xi32>
    %broadcast_in_dim3A_1668 = vector.shape_cast %select_n3A_1667 : vector<16xi32> to vector<16x1xi32>
    %gather3A_1669 = vector.shape_cast %broadcast_in_dim3A_1668 : vector<16x1xi32> to vector<16xi32>
    %gather3A_1670 = tpu.dynamic_gather %get3A_1657[%gather3A_1669] in [0] : vector<16xi32>, vector<16xi32> -> vector<16xi32>
    %select_n3A_1671 = arith.select %eq3A_1660, %gather3A_1670, %select_n3A_1652 : vector<16xi1>, vector<16xi32>
    %get3A_1672 = arith.constant 55 : i32
    %get3A_1673 = arith.index_cast %get3A_1672 : i32 to index
    %get3A_1674 = arith.index_cast %mul3A_1531 : i32 to index
    %get3A_1675 = tpu.vector_load %arg7[%get3A_1673, %get3A_1674] {strides = array<i32>} : memref<64x128xi32, #tpu.memory_space<vmem>>, vector<1x16xi32>,
    %get3A_1676 = vector.shape_cast %get3A_1675 : vector<1x16xi32> to vector<16xi32>
    %eq3A_1677 = arith.constant 7 : i32
    %eq3A_1678 = vector.broadcast %eq3A_1677 : i32 to vector<16xi32>
    %eq3A_1679 = arith.cmpi eq, %iota3A, %eq3A_1678 : vector<16xi32>
    %lt3A_1680 = arith.constant 0 : i32
    %lt3A_1681 = vector.broadcast %lt3A_1680 : i32 to vector<16xi32>
    %lt3A_1682 = arith.cmpi slt, %add3A_1536, %lt3A_1681 : vector<16xi32>
    %add3A_1683 = arith.constant 16 : i32
    %add3A_1684 = vector.broadcast %add3A_1683 : i32 to vector<16xi32>
    %add3A_1685 = arith.addi %add3A_1536, %add3A_1684 : vector<16xi32>
    %select_n3A_1686 = arith.select %lt3A_1682, %add3A_1685, %add3A_1536 : vector<16xi1>, vector<16xi32>
    %broadcast_in_dim3A_1687 = vector.shape_cast %select_n3A_1686 : vector<16xi32> to vector<16x1xi32>
    %gather3A_1688 = vector.shape_cast %broadcast_in_dim3A_1687 : vector<16x1xi32> to vector<16xi32>
    %gather3A_1689 = tpu.dynamic_gather %get3A_1676[%gather3A_1688] in [0] : vector<16xi32>, vector<16xi32> -> vector<16xi32>
    %select_n3A_1690 = arith.select %eq3A_1679, %gather3A_1689, %select_n3A_1671 : vector<16xi1>, vector<16xi32>
    %get3A_1691 = arith.constant 56 : i32
    %get3A_1692 = arith.index_cast %get3A_1691 : i32 to index
    %get3A_1693 = arith.index_cast %mul3A_1531 : i32 to index
    %get3A_1694 = tpu.vector_load %arg7[%get3A_1692, %get3A_1693] {strides = array<i32>} : memref<64x128xi32, #tpu.memory_space<vmem>>, vector<1x16xi32>,
    %get3A_1695 = vector.shape_cast %get3A_1694 : vector<1x16xi32> to vector<16xi32>
    %eq3A_1696 = arith.constant 8 : i32
    %eq3A_1697 = vector.broadcast %eq3A_1696 : i32 to vector<16xi32>
    %eq3A_1698 = arith.cmpi eq, %iota3A, %eq3A_1697 : vector<16xi32>
    %lt3A_1699 = arith.constant 0 : i32
    %lt3A_1700 = vector.broadcast %lt3A_1699 : i32 to vector<16xi32>
    %lt3A_1701 = arith.cmpi slt, %add3A_1536, %lt3A_1700 : vector<16xi32>
    %add3A_1702 = arith.constant 16 : i32
    %add3A_1703 = vector.broadcast %add3A_1702 : i32 to vector<16xi32>
    %add3A_1704 = arith.addi %add3A_1536, %add3A_1703 : vector<16xi32>
    %select_n3A_1705 = arith.select %lt3A_1701, %add3A_1704, %add3A_1536 : vector<16xi1>, vector<16xi32>
    %broadcast_in_dim3A_1706 = vector.shape_cast %select_n3A_1705 : vector<16xi32> to vector<16x1xi32>
    %gather3A_1707 = vector.shape_cast %broadcast_in_dim3A_1706 : vector<16x1xi32> to vector<16xi32>
    %gather3A_1708 = tpu.dynamic_gather %get3A_1695[%gather3A_1707] in [0] : vector<16xi32>, vector<16xi32> -> vector<16xi32>
    %select_n3A_1709 = arith.select %eq3A_1698, %gather3A_1708, %select_n3A_1690 : vector<16xi1>, vector<16xi32>
    %get3A_1710 = arith.constant 57 : i32
    %get3A_1711 = arith.index_cast %get3A_1710 : i32 to index
    %get3A_1712 = arith.index_cast %mul3A_1531 : i32 to index
    %get3A_1713 = tpu.vector_load %arg7[%get3A_1711, %get3A_1712] {strides = array<i32>} : memref<64x128xi32, #tpu.memory_space<vmem>>, vector<1x16xi32>,
    %get3A_1714 = vector.shape_cast %get3A_1713 : vector<1x16xi32> to vector<16xi32>
    %eq3A_1715 = arith.constant 9 : i32
    %eq3A_1716 = vector.broadcast %eq3A_1715 : i32 to vector<16xi32>
    %eq3A_1717 = arith.cmpi eq, %iota3A, %eq3A_1716 : vector<16xi32>
    %lt3A_1718 = arith.constant 0 : i32
    %lt3A_1719 = vector.broadcast %lt3A_1718 : i32 to vector<16xi32>
    %lt3A_1720 = arith.cmpi slt, %add3A_1536, %lt3A_1719 : vector<16xi32>
    %add3A_1721 = arith.constant 16 : i32
    %add3A_1722 = vector.broadcast %add3A_1721 : i32 to vector<16xi32>
    %add3A_1723 = arith.addi %add3A_1536, %add3A_1722 : vector<16xi32>
    %select_n3A_1724 = arith.select %lt3A_1720, %add3A_1723, %add3A_1536 : vector<16xi1>, vector<16xi32>
    %broadcast_in_dim3A_1725 = vector.shape_cast %select_n3A_1724 : vector<16xi32> to vector<16x1xi32>
    %gather3A_1726 = vector.shape_cast %broadcast_in_dim3A_1725 : vector<16x1xi32> to vector<16xi32>
    %gather3A_1727 = tpu.dynamic_gather %get3A_1714[%gather3A_1726] in [0] : vector<16xi32>, vector<16xi32> -> vector<16xi32>
    %select_n3A_1728 = arith.select %eq3A_1717, %gather3A_1727, %select_n3A_1709 : vector<16xi1>, vector<16xi32>
    %get3A_1729 = arith.constant 58 : i32
    %get3A_1730 = arith.index_cast %get3A_1729 : i32 to index
    %get3A_1731 = arith.index_cast %mul3A_1531 : i32 to index
    %get3A_1732 = tpu.vector_load %arg7[%get3A_1730, %get3A_1731] {strides = array<i32>} : memref<64x128xi32, #tpu.memory_space<vmem>>, vector<1x16xi32>,
    %get3A_1733 = vector.shape_cast %get3A_1732 : vector<1x16xi32> to vector<16xi32>
    %eq3A_1734 = arith.constant 10 : i32
    %eq3A_1735 = vector.broadcast %eq3A_1734 : i32 to vector<16xi32>
    %eq3A_1736 = arith.cmpi eq, %iota3A, %eq3A_1735 : vector<16xi32>
    %lt3A_1737 = arith.constant 0 : i32
    %lt3A_1738 = vector.broadcast %lt3A_1737 : i32 to vector<16xi32>
    %lt3A_1739 = arith.cmpi slt, %add3A_1536, %lt3A_1738 : vector<16xi32>
    %add3A_1740 = arith.constant 16 : i32
    %add3A_1741 = vector.broadcast %add3A_1740 : i32 to vector<16xi32>
    %add3A_1742 = arith.addi %add3A_1536, %add3A_1741 : vector<16xi32>
    %select_n3A_1743 = arith.select %lt3A_1739, %add3A_1742, %add3A_1536 : vector<16xi1>, vector<16xi32>
    %broadcast_in_dim3A_1744 = vector.shape_cast %select_n3A_1743 : vector<16xi32> to vector<16x1xi32>
    %gather3A_1745 = vector.shape_cast %broadcast_in_dim3A_1744 : vector<16x1xi32> to vector<16xi32>
    %gather3A_1746 = tpu.dynamic_gather %get3A_1733[%gather3A_1745] in [0] : vector<16xi32>, vector<16xi32> -> vector<16xi32>
    %select_n3A_1747 = arith.select %eq3A_1736, %gather3A_1746, %select_n3A_1728 : vector<16xi1>, vector<16xi32>
    %get3A_1748 = arith.constant 59 : i32
    %get3A_1749 = arith.index_cast %get3A_1748 : i32 to index
    %get3A_1750 = arith.index_cast %mul3A_1531 : i32 to index
    %get3A_1751 = tpu.vector_load %arg7[%get3A_1749, %get3A_1750] {strides = array<i32>} : memref<64x128xi32, #tpu.memory_space<vmem>>, vector<1x16xi32>,
    %get3A_1752 = vector.shape_cast %get3A_1751 : vector<1x16xi32> to vector<16xi32>
    %eq3A_1753 = arith.constant 11 : i32
    %eq3A_1754 = vector.broadcast %eq3A_1753 : i32 to vector<16xi32>
    %eq3A_1755 = arith.cmpi eq, %iota3A, %eq3A_1754 : vector<16xi32>
    %lt3A_1756 = arith.constant 0 : i32
    %lt3A_1757 = vector.broadcast %lt3A_1756 : i32 to vector<16xi32>
    %lt3A_1758 = arith.cmpi slt, %add3A_1536, %lt3A_1757 : vector<16xi32>
    %add3A_1759 = arith.constant 16 : i32
    %add3A_1760 = vector.broadcast %add3A_1759 : i32 to vector<16xi32>
    %add3A_1761 = arith.addi %add3A_1536, %add3A_1760 : vector<16xi32>
    %select_n3A_1762 = arith.select %lt3A_1758, %add3A_1761, %add3A_1536 : vector<16xi1>, vector<16xi32>
    %broadcast_in_dim3A_1763 = vector.shape_cast %select_n3A_1762 : vector<16xi32> to vector<16x1xi32>
    %gather3A_1764 = vector.shape_cast %broadcast_in_dim3A_1763 : vector<16x1xi32> to vector<16xi32>
    %gather3A_1765 = tpu.dynamic_gather %get3A_1752[%gather3A_1764] in [0] : vector<16xi32>, vector<16xi32> -> vector<16xi32>
    %select_n3A_1766 = arith.select %eq3A_1755, %gather3A_1765, %select_n3A_1747 : vector<16xi1>, vector<16xi32>
    %get3A_1767 = arith.constant 60 : i32
    %get3A_1768 = arith.index_cast %get3A_1767 : i32 to index
    %get3A_1769 = arith.index_cast %mul3A_1531 : i32 to index
    %get3A_1770 = tpu.vector_load %arg7[%get3A_1768, %get3A_1769] {strides = array<i32>} : memref<64x128xi32, #tpu.memory_space<vmem>>, vector<1x16xi32>,
    %get3A_1771 = vector.shape_cast %get3A_1770 : vector<1x16xi32> to vector<16xi32>
    %eq3A_1772 = arith.constant 12 : i32
    %eq3A_1773 = vector.broadcast %eq3A_1772 : i32 to vector<16xi32>
    %eq3A_1774 = arith.cmpi eq, %iota3A, %eq3A_1773 : vector<16xi32>
    %lt3A_1775 = arith.constant 0 : i32
    %lt3A_1776 = vector.broadcast %lt3A_1775 : i32 to vector<16xi32>
    %lt3A_1777 = arith.cmpi slt, %add3A_1536, %lt3A_1776 : vector<16xi32>
    %add3A_1778 = arith.constant 16 : i32
    %add3A_1779 = vector.broadcast %add3A_1778 : i32 to vector<16xi32>
    %add3A_1780 = arith.addi %add3A_1536, %add3A_1779 : vector<16xi32>
    %select_n3A_1781 = arith.select %lt3A_1777, %add3A_1780, %add3A_1536 : vector<16xi1>, vector<16xi32>
    %broadcast_in_dim3A_1782 = vector.shape_cast %select_n3A_1781 : vector<16xi32> to vector<16x1xi32>
    %gather3A_1783 = vector.shape_cast %broadcast_in_dim3A_1782 : vector<16x1xi32> to vector<16xi32>
    %gather3A_1784 = tpu.dynamic_gather %get3A_1771[%gather3A_1783] in [0] : vector<16xi32>, vector<16xi32> -> vector<16xi32>
    %select_n3A_1785 = arith.select %eq3A_1774, %gather3A_1784, %select_n3A_1766 : vector<16xi1>, vector<16xi32>
    %get3A_1786 = arith.constant 61 : i32
    %get3A_1787 = arith.index_cast %get3A_1786 : i32 to index
    %get3A_1788 = arith.index_cast %mul3A_1531 : i32 to index
    %get3A_1789 = tpu.vector_load %arg7[%get3A_1787, %get3A_1788] {strides = array<i32>} : memref<64x128xi32, #tpu.memory_space<vmem>>, vector<1x16xi32>,
    %get3A_1790 = vector.shape_cast %get3A_1789 : vector<1x16xi32> to vector<16xi32>
    %eq3A_1791 = arith.constant 13 : i32
    %eq3A_1792 = vector.broadcast %eq3A_1791 : i32 to vector<16xi32>
    %eq3A_1793 = arith.cmpi eq, %iota3A, %eq3A_1792 : vector<16xi32>
    %lt3A_1794 = arith.constant 0 : i32
    %lt3A_1795 = vector.broadcast %lt3A_1794 : i32 to vector<16xi32>
    %lt3A_1796 = arith.cmpi slt, %add3A_1536, %lt3A_1795 : vector<16xi32>
    %add3A_1797 = arith.constant 16 : i32
    %add3A_1798 = vector.broadcast %add3A_1797 : i32 to vector<16xi32>
    %add3A_1799 = arith.addi %add3A_1536, %add3A_1798 : vector<16xi32>
    %select_n3A_1800 = arith.select %lt3A_1796, %add3A_1799, %add3A_1536 : vector<16xi1>, vector<16xi32>
    %broadcast_in_dim3A_1801 = vector.shape_cast %select_n3A_1800 : vector<16xi32> to vector<16x1xi32>
    %gather3A_1802 = vector.shape_cast %broadcast_in_dim3A_1801 : vector<16x1xi32> to vector<16xi32>
    %gather3A_1803 = tpu.dynamic_gather %get3A_1790[%gather3A_1802] in [0] : vector<16xi32>, vector<16xi32> -> vector<16xi32>
    %select_n3A_1804 = arith.select %eq3A_1793, %gather3A_1803, %select_n3A_1785 : vector<16xi1>, vector<16xi32>
    %get3A_1805 = arith.constant 62 : i32
    %get3A_1806 = arith.index_cast %get3A_1805 : i32 to index
    %get3A_1807 = arith.index_cast %mul3A_1531 : i32 to index
    %get3A_1808 = tpu.vector_load %arg7[%get3A_1806, %get3A_1807] {strides = array<i32>} : memref<64x128xi32, #tpu.memory_space<vmem>>, vector<1x16xi32>,
    %get3A_1809 = vector.shape_cast %get3A_1808 : vector<1x16xi32> to vector<16xi32>
    %eq3A_1810 = arith.constant 14 : i32
    %eq3A_1811 = vector.broadcast %eq3A_1810 : i32 to vector<16xi32>
    %eq3A_1812 = arith.cmpi eq, %iota3A, %eq3A_1811 : vector<16xi32>
    %lt3A_1813 = arith.constant 0 : i32
    %lt3A_1814 = vector.broadcast %lt3A_1813 : i32 to vector<16xi32>
    %lt3A_1815 = arith.cmpi slt, %add3A_1536, %lt3A_1814 : vector<16xi32>
    %add3A_1816 = arith.constant 16 : i32
    %add3A_1817 = vector.broadcast %add3A_1816 : i32 to vector<16xi32>
    %add3A_1818 = arith.addi %add3A_1536, %add3A_1817 : vector<16xi32>
    %select_n3A_1819 = arith.select %lt3A_1815, %add3A_1818, %add3A_1536 : vector<16xi1>, vector<16xi32>
    %broadcast_in_dim3A_1820 = vector.shape_cast %select_n3A_1819 : vector<16xi32> to vector<16x1xi32>
    %gather3A_1821 = vector.shape_cast %broadcast_in_dim3A_1820 : vector<16x1xi32> to vector<16xi32>
    %gather3A_1822 = tpu.dynamic_gather %get3A_1809[%gather3A_1821] in [0] : vector<16xi32>, vector<16xi32> -> vector<16xi32>
    %select_n3A_1823 = arith.select %eq3A_1812, %gather3A_1822, %select_n3A_1804 : vector<16xi1>, vector<16xi32>
    %get3A_1824 = arith.constant 63 : i32
    %get3A_1825 = arith.index_cast %get3A_1824 : i32 to index
    %get3A_1826 = arith.index_cast %mul3A_1531 : i32 to index
    %get3A_1827 = tpu.vector_load %arg7[%get3A_1825, %get3A_1826] {strides = array<i32>} : memref<64x128xi32, #tpu.memory_space<vmem>>, vector<1x16xi32>,
    %get3A_1828 = vector.shape_cast %get3A_1827 : vector<1x16xi32> to vector<16xi32>
    %eq3A_1829 = arith.constant 15 : i32
    %eq3A_1830 = vector.broadcast %eq3A_1829 : i32 to vector<16xi32>
    %eq3A_1831 = arith.cmpi eq, %iota3A, %eq3A_1830 : vector<16xi32>
    %lt3A_1832 = arith.constant 0 : i32
    %lt3A_1833 = vector.broadcast %lt3A_1832 : i32 to vector<16xi32>
    %lt3A_1834 = arith.cmpi slt, %add3A_1536, %lt3A_1833 : vector<16xi32>
    %add3A_1835 = arith.constant 16 : i32
    %add3A_1836 = vector.broadcast %add3A_1835 : i32 to vector<16xi32>
    %add3A_1837 = arith.addi %add3A_1536, %add3A_1836 : vector<16xi32>
    %select_n3A_1838 = arith.select %lt3A_1834, %add3A_1837, %add3A_1536 : vector<16xi1>, vector<16xi32>
    %broadcast_in_dim3A_1839 = vector.shape_cast %select_n3A_1838 : vector<16xi32> to vector<16x1xi32>
    %gather3A_1840 = vector.shape_cast %broadcast_in_dim3A_1839 : vector<16x1xi32> to vector<16xi32>
    %gather3A_1841 = tpu.dynamic_gather %get3A_1828[%gather3A_1840] in [0] : vector<16xi32>, vector<16xi32> -> vector<16xi32>
    %select_n3A_1842 = arith.select %eq3A_1831, %gather3A_1841, %select_n3A_1823 : vector<16xi1>, vector<16xi32>
    %swap3A_1843 = arith.constant 48 : index
    %swap3A_1844 = tpu.vector_load %arg8[%swap3A_1843] {strides = array<i32>} : memref<64xi32, #tpu.memory_space<vmem>>, vector<16xi32>,
    %swap3A_1845 = vector.shape_cast %swap3A_1844 : vector<16xi32> to vector<16xi32>
    %swap3A_1846 = vector.shape_cast %select_n3A_1842 : vector<16xi32> to vector<16xi32>
    tpu.vector_store %arg8[%swap3A_1843], %swap3A_1846 {strides = array<i32>} : memref<64xi32, #tpu.memory_space<vmem>>, vector<16xi32>,
    %mul3A_1847 = arith.constant 64 : i32
    %mul3A_1848 = arith.muli %arg1, %mul3A_1847 : i32
    "tpu.region"() ({
      %run_scoped3A = tpu.sem_alloc : memref<!tpu.dma_semaphore, #tpu.memory_space<semaphore_mem>>
      %dma_start3A_2971 = tpu.memref_slice %arg12[%mul3A_1848] : memref<1024xi32, #tpu.memory_space<vmem_shared>> -> memref<64xi32, #tpu.memory_space<vmem_shared>>
      %dma_start3A_2972 = tpu.memref_slice %arg12[%mul3A_1848] : memref<1024xi32, #tpu.memory_space<vmem_shared>> -> memref<64xi32, #tpu.memory_space<vmem_shared>>
      tpu.enqueue_dma source(%arg8 : memref<64xi32, #tpu.memory_space<vmem>>) target(%dma_start3A_2972 : memref<64xi32, #tpu.memory_space<vmem_shared>>) target_semaphore(%run_scoped3A : memref<!tpu.dma_semaphore, #tpu.memory_space<semaphore_mem>>)
      %dma_wait3A_2973 = tpu.memref_slice %arg12[%mul3A_1848] : memref<1024xi32, #tpu.memory_space<vmem_shared>> -> memref<64xi32, #tpu.memory_space<vmem_shared>>
      %dma_wait3A_2974 = tpu.memref_slice %arg12[%mul3A_1848] : memref<1024xi32, #tpu.memory_space<vmem_shared>> -> memref<64xi32, #tpu.memory_space<vmem_shared>>
      tpu.wait_dma2 semaphore(%run_scoped3A : memref<!tpu.dma_semaphore, #tpu.memory_space<semaphore_mem>>) src(%arg8 : memref<64xi32, #tpu.memory_space<vmem>>) dst(%dma_wait3A_2974 : memref<64xi32, #tpu.memory_space<vmem_shared>>)
      tpu.yield
    }) : () -> ()
    %barrier3A = arith.constant 0 : index
    tpu.barrier barrier_id(%barrier3A)
    "tpu.region"() ({
      %run_scoped3A = tpu.sem_alloc : memref<!tpu.dma_semaphore, #tpu.memory_space<semaphore_mem>>
      tpu.enqueue_dma source(%arg12 : memref<1024xi32, #tpu.memory_space<vmem_shared>>) target(%arg9 : memref<1024xi32, #tpu.memory_space<vmem>>) target_semaphore(%run_scoped3A : memref<!tpu.dma_semaphore, #tpu.memory_space<semaphore_mem>>)
      tpu.wait_dma2 semaphore(%run_scoped3A : memref<!tpu.dma_semaphore, #tpu.memory_space<semaphore_mem>>) src(%arg12 : memref<1024xi32, #tpu.memory_space<vmem_shared>>) dst(%arg9 : memref<1024xi32, #tpu.memory_space<vmem>>)
      tpu.yield
    }) : () -> ()
    %broadcast_in_dim3A_1849 = arith.constant 0 : i32
    %broadcast_in_dim3A_1850 = vector.broadcast %broadcast_in_dim3A_1849 : i32 to vector<16xi32>
    %add3A_1851 = vector.broadcast %arg1 : i32 to vector<16xi32>
    %add3A_1852 = arith.addi %broadcast_in_dim3A_1850, %add3A_1851 : vector<16xi32>
    %broadcast_in_dim3A_1853 = arith.constant 0 : i32
    %broadcast_in_dim3A_1854 = vector.broadcast %broadcast_in_dim3A_1853 : i32 to vector<16xi32>
    %get3A_1855 = arith.constant 0 : index
    %get3A_1856 = tpu.vector_load %arg9[%get3A_1855] {strides = array<i32>} : memref<1024xi32, #tpu.memory_space<vmem>>, vector<16xi32>,
    %get3A_1857 = vector.shape_cast %get3A_1856 : vector<16xi32> to vector<16xi32>
    %eq3A_1858 = arith.constant 0 : i32
    %eq3A_1859 = vector.broadcast %eq3A_1858 : i32 to vector<16xi32>
    %eq3A_1860 = arith.cmpi eq, %iota3A, %eq3A_1859 : vector<16xi32>
    %lt3A_1861 = arith.constant 0 : i32
    %lt3A_1862 = vector.broadcast %lt3A_1861 : i32 to vector<16xi32>
    %lt3A_1863 = arith.cmpi slt, %add3A_1852, %lt3A_1862 : vector<16xi32>
    %add3A_1864 = arith.constant 16 : i32
    %add3A_1865 = vector.broadcast %add3A_1864 : i32 to vector<16xi32>
    %add3A_1866 = arith.addi %add3A_1852, %add3A_1865 : vector<16xi32>
    %select_n3A_1867 = arith.select %lt3A_1863, %add3A_1866, %add3A_1852 : vector<16xi1>, vector<16xi32>
    %broadcast_in_dim3A_1868 = vector.shape_cast %select_n3A_1867 : vector<16xi32> to vector<16x1xi32>
    %gather3A_1869 = vector.shape_cast %broadcast_in_dim3A_1868 : vector<16x1xi32> to vector<16xi32>
    %gather3A_1870 = tpu.dynamic_gather %get3A_1857[%gather3A_1869] in [0] : vector<16xi32>, vector<16xi32> -> vector<16xi32>
    %select_n3A_1871 = arith.select %eq3A_1860, %gather3A_1870, %broadcast_in_dim3A_1854 : vector<16xi1>, vector<16xi32>
    %get3A_1872 = arith.constant 16 : index
    %get3A_1873 = tpu.vector_load %arg9[%get3A_1872] {strides = array<i32>} : memref<1024xi32, #tpu.memory_space<vmem>>, vector<16xi32>,
    %get3A_1874 = vector.shape_cast %get3A_1873 : vector<16xi32> to vector<16xi32>
    %eq3A_1875 = arith.constant 1 : i32
    %eq3A_1876 = vector.broadcast %eq3A_1875 : i32 to vector<16xi32>
    %eq3A_1877 = arith.cmpi eq, %iota3A, %eq3A_1876 : vector<16xi32>
    %lt3A_1878 = arith.constant 0 : i32
    %lt3A_1879 = vector.broadcast %lt3A_1878 : i32 to vector<16xi32>
    %lt3A_1880 = arith.cmpi slt, %add3A_1852, %lt3A_1879 : vector<16xi32>
    %add3A_1881 = arith.constant 16 : i32
    %add3A_1882 = vector.broadcast %add3A_1881 : i32 to vector<16xi32>
    %add3A_1883 = arith.addi %add3A_1852, %add3A_1882 : vector<16xi32>
    %select_n3A_1884 = arith.select %lt3A_1880, %add3A_1883, %add3A_1852 : vector<16xi1>, vector<16xi32>
    %broadcast_in_dim3A_1885 = vector.shape_cast %select_n3A_1884 : vector<16xi32> to vector<16x1xi32>
    %gather3A_1886 = vector.shape_cast %broadcast_in_dim3A_1885 : vector<16x1xi32> to vector<16xi32>
    %gather3A_1887 = tpu.dynamic_gather %get3A_1874[%gather3A_1886] in [0] : vector<16xi32>, vector<16xi32> -> vector<16xi32>
    %select_n3A_1888 = arith.select %eq3A_1877, %gather3A_1887, %select_n3A_1871 : vector<16xi1>, vector<16xi32>
    %get3A_1889 = arith.constant 32 : index
    %get3A_1890 = tpu.vector_load %arg9[%get3A_1889] {strides = array<i32>} : memref<1024xi32, #tpu.memory_space<vmem>>, vector<16xi32>,
    %get3A_1891 = vector.shape_cast %get3A_1890 : vector<16xi32> to vector<16xi32>
    %eq3A_1892 = arith.constant 2 : i32
    %eq3A_1893 = vector.broadcast %eq3A_1892 : i32 to vector<16xi32>
    %eq3A_1894 = arith.cmpi eq, %iota3A, %eq3A_1893 : vector<16xi32>
    %lt3A_1895 = arith.constant 0 : i32
    %lt3A_1896 = vector.broadcast %lt3A_1895 : i32 to vector<16xi32>
    %lt3A_1897 = arith.cmpi slt, %add3A_1852, %lt3A_1896 : vector<16xi32>
    %add3A_1898 = arith.constant 16 : i32
    %add3A_1899 = vector.broadcast %add3A_1898 : i32 to vector<16xi32>
    %add3A_1900 = arith.addi %add3A_1852, %add3A_1899 : vector<16xi32>
    %select_n3A_1901 = arith.select %lt3A_1897, %add3A_1900, %add3A_1852 : vector<16xi1>, vector<16xi32>
    %broadcast_in_dim3A_1902 = vector.shape_cast %select_n3A_1901 : vector<16xi32> to vector<16x1xi32>
    %gather3A_1903 = vector.shape_cast %broadcast_in_dim3A_1902 : vector<16x1xi32> to vector<16xi32>
    %gather3A_1904 = tpu.dynamic_gather %get3A_1891[%gather3A_1903] in [0] : vector<16xi32>, vector<16xi32> -> vector<16xi32>
    %select_n3A_1905 = arith.select %eq3A_1894, %gather3A_1904, %select_n3A_1888 : vector<16xi1>, vector<16xi32>
    %get3A_1906 = arith.constant 48 : index
    %get3A_1907 = tpu.vector_load %arg9[%get3A_1906] {strides = array<i32>} : memref<1024xi32, #tpu.memory_space<vmem>>, vector<16xi32>,
    %get3A_1908 = vector.shape_cast %get3A_1907 : vector<16xi32> to vector<16xi32>
    %eq3A_1909 = arith.constant 3 : i32
    %eq3A_1910 = vector.broadcast %eq3A_1909 : i32 to vector<16xi32>
    %eq3A_1911 = arith.cmpi eq, %iota3A, %eq3A_1910 : vector<16xi32>
    %lt3A_1912 = arith.constant 0 : i32
    %lt3A_1913 = vector.broadcast %lt3A_1912 : i32 to vector<16xi32>
    %lt3A_1914 = arith.cmpi slt, %add3A_1852, %lt3A_1913 : vector<16xi32>
    %add3A_1915 = arith.constant 16 : i32
    %add3A_1916 = vector.broadcast %add3A_1915 : i32 to vector<16xi32>
    %add3A_1917 = arith.addi %add3A_1852, %add3A_1916 : vector<16xi32>
    %select_n3A_1918 = arith.select %lt3A_1914, %add3A_1917, %add3A_1852 : vector<16xi1>, vector<16xi32>
    %broadcast_in_dim3A_1919 = vector.shape_cast %select_n3A_1918 : vector<16xi32> to vector<16x1xi32>
    %gather3A_1920 = vector.shape_cast %broadcast_in_dim3A_1919 : vector<16x1xi32> to vector<16xi32>
    %gather3A_1921 = tpu.dynamic_gather %get3A_1908[%gather3A_1920] in [0] : vector<16xi32>, vector<16xi32> -> vector<16xi32>
    %select_n3A_1922 = arith.select %eq3A_1911, %gather3A_1921, %select_n3A_1905 : vector<16xi1>, vector<16xi32>
    %get3A_1923 = arith.constant 64 : index
    %get3A_1924 = tpu.vector_load %arg9[%get3A_1923] {strides = array<i32>} : memref<1024xi32, #tpu.memory_space<vmem>>, vector<16xi32>,
    %get3A_1925 = vector.shape_cast %get3A_1924 : vector<16xi32> to vector<16xi32>
    %eq3A_1926 = arith.constant 4 : i32
    %eq3A_1927 = vector.broadcast %eq3A_1926 : i32 to vector<16xi32>
    %eq3A_1928 = arith.cmpi eq, %iota3A, %eq3A_1927 : vector<16xi32>
    %lt3A_1929 = arith.constant 0 : i32
    %lt3A_1930 = vector.broadcast %lt3A_1929 : i32 to vector<16xi32>
    %lt3A_1931 = arith.cmpi slt, %add3A_1852, %lt3A_1930 : vector<16xi32>
    %add3A_1932 = arith.constant 16 : i32
    %add3A_1933 = vector.broadcast %add3A_1932 : i32 to vector<16xi32>
    %add3A_1934 = arith.addi %add3A_1852, %add3A_1933 : vector<16xi32>
    %select_n3A_1935 = arith.select %lt3A_1931, %add3A_1934, %add3A_1852 : vector<16xi1>, vector<16xi32>
    %broadcast_in_dim3A_1936 = vector.shape_cast %select_n3A_1935 : vector<16xi32> to vector<16x1xi32>
    %gather3A_1937 = vector.shape_cast %broadcast_in_dim3A_1936 : vector<16x1xi32> to vector<16xi32>
    %gather3A_1938 = tpu.dynamic_gather %get3A_1925[%gather3A_1937] in [0] : vector<16xi32>, vector<16xi32> -> vector<16xi32>
    %select_n3A_1939 = arith.select %eq3A_1928, %gather3A_1938, %select_n3A_1922 : vector<16xi1>, vector<16xi32>
    %get3A_1940 = arith.constant 80 : index
    %get3A_1941 = tpu.vector_load %arg9[%get3A_1940] {strides = array<i32>} : memref<1024xi32, #tpu.memory_space<vmem>>, vector<16xi32>,
    %get3A_1942 = vector.shape_cast %get3A_1941 : vector<16xi32> to vector<16xi32>
    %eq3A_1943 = arith.constant 5 : i32
    %eq3A_1944 = vector.broadcast %eq3A_1943 : i32 to vector<16xi32>
    %eq3A_1945 = arith.cmpi eq, %iota3A, %eq3A_1944 : vector<16xi32>
    %lt3A_1946 = arith.constant 0 : i32
    %lt3A_1947 = vector.broadcast %lt3A_1946 : i32 to vector<16xi32>
    %lt3A_1948 = arith.cmpi slt, %add3A_1852, %lt3A_1947 : vector<16xi32>
    %add3A_1949 = arith.constant 16 : i32
    %add3A_1950 = vector.broadcast %add3A_1949 : i32 to vector<16xi32>
    %add3A_1951 = arith.addi %add3A_1852, %add3A_1950 : vector<16xi32>
    %select_n3A_1952 = arith.select %lt3A_1948, %add3A_1951, %add3A_1852 : vector<16xi1>, vector<16xi32>
    %broadcast_in_dim3A_1953 = vector.shape_cast %select_n3A_1952 : vector<16xi32> to vector<16x1xi32>
    %gather3A_1954 = vector.shape_cast %broadcast_in_dim3A_1953 : vector<16x1xi32> to vector<16xi32>
    %gather3A_1955 = tpu.dynamic_gather %get3A_1942[%gather3A_1954] in [0] : vector<16xi32>, vector<16xi32> -> vector<16xi32>
    %select_n3A_1956 = arith.select %eq3A_1945, %gather3A_1955, %select_n3A_1939 : vector<16xi1>, vector<16xi32>
    %get3A_1957 = arith.constant 96 : index
    %get3A_1958 = tpu.vector_load %arg9[%get3A_1957] {strides = array<i32>} : memref<1024xi32, #tpu.memory_space<vmem>>, vector<16xi32>,
    %get3A_1959 = vector.shape_cast %get3A_1958 : vector<16xi32> to vector<16xi32>
    %eq3A_1960 = arith.constant 6 : i32
    %eq3A_1961 = vector.broadcast %eq3A_1960 : i32 to vector<16xi32>
    %eq3A_1962 = arith.cmpi eq, %iota3A, %eq3A_1961 : vector<16xi32>
    %lt3A_1963 = arith.constant 0 : i32
    %lt3A_1964 = vector.broadcast %lt3A_1963 : i32 to vector<16xi32>
    %lt3A_1965 = arith.cmpi slt, %add3A_1852, %lt3A_1964 : vector<16xi32>
    %add3A_1966 = arith.constant 16 : i32
    %add3A_1967 = vector.broadcast %add3A_1966 : i32 to vector<16xi32>
    %add3A_1968 = arith.addi %add3A_1852, %add3A_1967 : vector<16xi32>
    %select_n3A_1969 = arith.select %lt3A_1965, %add3A_1968, %add3A_1852 : vector<16xi1>, vector<16xi32>
    %broadcast_in_dim3A_1970 = vector.shape_cast %select_n3A_1969 : vector<16xi32> to vector<16x1xi32>
    %gather3A_1971 = vector.shape_cast %broadcast_in_dim3A_1970 : vector<16x1xi32> to vector<16xi32>
    %gather3A_1972 = tpu.dynamic_gather %get3A_1959[%gather3A_1971] in [0] : vector<16xi32>, vector<16xi32> -> vector<16xi32>
    %select_n3A_1973 = arith.select %eq3A_1962, %gather3A_1972, %select_n3A_1956 : vector<16xi1>, vector<16xi32>
    %get3A_1974 = arith.constant 112 : index
    %get3A_1975 = tpu.vector_load %arg9[%get3A_1974] {strides = array<i32>} : memref<1024xi32, #tpu.memory_space<vmem>>, vector<16xi32>,
    %get3A_1976 = vector.shape_cast %get3A_1975 : vector<16xi32> to vector<16xi32>
    %eq3A_1977 = arith.constant 7 : i32
    %eq3A_1978 = vector.broadcast %eq3A_1977 : i32 to vector<16xi32>
    %eq3A_1979 = arith.cmpi eq, %iota3A, %eq3A_1978 : vector<16xi32>
    %lt3A_1980 = arith.constant 0 : i32
    %lt3A_1981 = vector.broadcast %lt3A_1980 : i32 to vector<16xi32>
    %lt3A_1982 = arith.cmpi slt, %add3A_1852, %lt3A_1981 : vector<16xi32>
    %add3A_1983 = arith.constant 16 : i32
    %add3A_1984 = vector.broadcast %add3A_1983 : i32 to vector<16xi32>
    %add3A_1985 = arith.addi %add3A_1852, %add3A_1984 : vector<16xi32>
    %select_n3A_1986 = arith.select %lt3A_1982, %add3A_1985, %add3A_1852 : vector<16xi1>, vector<16xi32>
    %broadcast_in_dim3A_1987 = vector.shape_cast %select_n3A_1986 : vector<16xi32> to vector<16x1xi32>
    %gather3A_1988 = vector.shape_cast %broadcast_in_dim3A_1987 : vector<16x1xi32> to vector<16xi32>
    %gather3A_1989 = tpu.dynamic_gather %get3A_1976[%gather3A_1988] in [0] : vector<16xi32>, vector<16xi32> -> vector<16xi32>
    %select_n3A_1990 = arith.select %eq3A_1979, %gather3A_1989, %select_n3A_1973 : vector<16xi1>, vector<16xi32>
    %get3A_1991 = arith.constant 128 : index
    %get3A_1992 = tpu.vector_load %arg9[%get3A_1991] {strides = array<i32>} : memref<1024xi32, #tpu.memory_space<vmem>>, vector<16xi32>,
    %get3A_1993 = vector.shape_cast %get3A_1992 : vector<16xi32> to vector<16xi32>
    %eq3A_1994 = arith.constant 8 : i32
    %eq3A_1995 = vector.broadcast %eq3A_1994 : i32 to vector<16xi32>
    %eq3A_1996 = arith.cmpi eq, %iota3A, %eq3A_1995 : vector<16xi32>
    %lt3A_1997 = arith.constant 0 : i32
    %lt3A_1998 = vector.broadcast %lt3A_1997 : i32 to vector<16xi32>
    %lt3A_1999 = arith.cmpi slt, %add3A_1852, %lt3A_1998 : vector<16xi32>
    %add3A_2000 = arith.constant 16 : i32
    %add3A_2001 = vector.broadcast %add3A_2000 : i32 to vector<16xi32>
    %add3A_2002 = arith.addi %add3A_1852, %add3A_2001 : vector<16xi32>
    %select_n3A_2003 = arith.select %lt3A_1999, %add3A_2002, %add3A_1852 : vector<16xi1>, vector<16xi32>
    %broadcast_in_dim3A_2004 = vector.shape_cast %select_n3A_2003 : vector<16xi32> to vector<16x1xi32>
    %gather3A_2005 = vector.shape_cast %broadcast_in_dim3A_2004 : vector<16x1xi32> to vector<16xi32>
    %gather3A_2006 = tpu.dynamic_gather %get3A_1993[%gather3A_2005] in [0] : vector<16xi32>, vector<16xi32> -> vector<16xi32>
    %select_n3A_2007 = arith.select %eq3A_1996, %gather3A_2006, %select_n3A_1990 : vector<16xi1>, vector<16xi32>
    %get3A_2008 = arith.constant 144 : index
    %get3A_2009 = tpu.vector_load %arg9[%get3A_2008] {strides = array<i32>} : memref<1024xi32, #tpu.memory_space<vmem>>, vector<16xi32>,
    %get3A_2010 = vector.shape_cast %get3A_2009 : vector<16xi32> to vector<16xi32>
    %eq3A_2011 = arith.constant 9 : i32
    %eq3A_2012 = vector.broadcast %eq3A_2011 : i32 to vector<16xi32>
    %eq3A_2013 = arith.cmpi eq, %iota3A, %eq3A_2012 : vector<16xi32>
    %lt3A_2014 = arith.constant 0 : i32
    %lt3A_2015 = vector.broadcast %lt3A_2014 : i32 to vector<16xi32>
    %lt3A_2016 = arith.cmpi slt, %add3A_1852, %lt3A_2015 : vector<16xi32>
    %add3A_2017 = arith.constant 16 : i32
    %add3A_2018 = vector.broadcast %add3A_2017 : i32 to vector<16xi32>
    %add3A_2019 = arith.addi %add3A_1852, %add3A_2018 : vector<16xi32>
    %select_n3A_2020 = arith.select %lt3A_2016, %add3A_2019, %add3A_1852 : vector<16xi1>, vector<16xi32>
    %broadcast_in_dim3A_2021 = vector.shape_cast %select_n3A_2020 : vector<16xi32> to vector<16x1xi32>
    %gather3A_2022 = vector.shape_cast %broadcast_in_dim3A_2021 : vector<16x1xi32> to vector<16xi32>
    %gather3A_2023 = tpu.dynamic_gather %get3A_2010[%gather3A_2022] in [0] : vector<16xi32>, vector<16xi32> -> vector<16xi32>
    %select_n3A_2024 = arith.select %eq3A_2013, %gather3A_2023, %select_n3A_2007 : vector<16xi1>, vector<16xi32>
    %get3A_2025 = arith.constant 160 : index
    %get3A_2026 = tpu.vector_load %arg9[%get3A_2025] {strides = array<i32>} : memref<1024xi32, #tpu.memory_space<vmem>>, vector<16xi32>,
    %get3A_2027 = vector.shape_cast %get3A_2026 : vector<16xi32> to vector<16xi32>
    %eq3A_2028 = arith.constant 10 : i32
    %eq3A_2029 = vector.broadcast %eq3A_2028 : i32 to vector<16xi32>
    %eq3A_2030 = arith.cmpi eq, %iota3A, %eq3A_2029 : vector<16xi32>
    %lt3A_2031 = arith.constant 0 : i32
    %lt3A_2032 = vector.broadcast %lt3A_2031 : i32 to vector<16xi32>
    %lt3A_2033 = arith.cmpi slt, %add3A_1852, %lt3A_2032 : vector<16xi32>
    %add3A_2034 = arith.constant 16 : i32
    %add3A_2035 = vector.broadcast %add3A_2034 : i32 to vector<16xi32>
    %add3A_2036 = arith.addi %add3A_1852, %add3A_2035 : vector<16xi32>
    %select_n3A_2037 = arith.select %lt3A_2033, %add3A_2036, %add3A_1852 : vector<16xi1>, vector<16xi32>
    %broadcast_in_dim3A_2038 = vector.shape_cast %select_n3A_2037 : vector<16xi32> to vector<16x1xi32>
    %gather3A_2039 = vector.shape_cast %broadcast_in_dim3A_2038 : vector<16x1xi32> to vector<16xi32>
    %gather3A_2040 = tpu.dynamic_gather %get3A_2027[%gather3A_2039] in [0] : vector<16xi32>, vector<16xi32> -> vector<16xi32>
    %select_n3A_2041 = arith.select %eq3A_2030, %gather3A_2040, %select_n3A_2024 : vector<16xi1>, vector<16xi32>
    %get3A_2042 = arith.constant 176 : index
    %get3A_2043 = tpu.vector_load %arg9[%get3A_2042] {strides = array<i32>} : memref<1024xi32, #tpu.memory_space<vmem>>, vector<16xi32>,
    %get3A_2044 = vector.shape_cast %get3A_2043 : vector<16xi32> to vector<16xi32>
    %eq3A_2045 = arith.constant 11 : i32
    %eq3A_2046 = vector.broadcast %eq3A_2045 : i32 to vector<16xi32>
    %eq3A_2047 = arith.cmpi eq, %iota3A, %eq3A_2046 : vector<16xi32>
    %lt3A_2048 = arith.constant 0 : i32
    %lt3A_2049 = vector.broadcast %lt3A_2048 : i32 to vector<16xi32>
    %lt3A_2050 = arith.cmpi slt, %add3A_1852, %lt3A_2049 : vector<16xi32>
    %add3A_2051 = arith.constant 16 : i32
    %add3A_2052 = vector.broadcast %add3A_2051 : i32 to vector<16xi32>
    %add3A_2053 = arith.addi %add3A_1852, %add3A_2052 : vector<16xi32>
    %select_n3A_2054 = arith.select %lt3A_2050, %add3A_2053, %add3A_1852 : vector<16xi1>, vector<16xi32>
    %broadcast_in_dim3A_2055 = vector.shape_cast %select_n3A_2054 : vector<16xi32> to vector<16x1xi32>
    %gather3A_2056 = vector.shape_cast %broadcast_in_dim3A_2055 : vector<16x1xi32> to vector<16xi32>
    %gather3A_2057 = tpu.dynamic_gather %get3A_2044[%gather3A_2056] in [0] : vector<16xi32>, vector<16xi32> -> vector<16xi32>
    %select_n3A_2058 = arith.select %eq3A_2047, %gather3A_2057, %select_n3A_2041 : vector<16xi1>, vector<16xi32>
    %get3A_2059 = arith.constant 192 : index
    %get3A_2060 = tpu.vector_load %arg9[%get3A_2059] {strides = array<i32>} : memref<1024xi32, #tpu.memory_space<vmem>>, vector<16xi32>,
    %get3A_2061 = vector.shape_cast %get3A_2060 : vector<16xi32> to vector<16xi32>
    %eq3A_2062 = arith.constant 12 : i32
    %eq3A_2063 = vector.broadcast %eq3A_2062 : i32 to vector<16xi32>
    %eq3A_2064 = arith.cmpi eq, %iota3A, %eq3A_2063 : vector<16xi32>
    %lt3A_2065 = arith.constant 0 : i32
    %lt3A_2066 = vector.broadcast %lt3A_2065 : i32 to vector<16xi32>
    %lt3A_2067 = arith.cmpi slt, %add3A_1852, %lt3A_2066 : vector<16xi32>
    %add3A_2068 = arith.constant 16 : i32
    %add3A_2069 = vector.broadcast %add3A_2068 : i32 to vector<16xi32>
    %add3A_2070 = arith.addi %add3A_1852, %add3A_2069 : vector<16xi32>
    %select_n3A_2071 = arith.select %lt3A_2067, %add3A_2070, %add3A_1852 : vector<16xi1>, vector<16xi32>
    %broadcast_in_dim3A_2072 = vector.shape_cast %select_n3A_2071 : vector<16xi32> to vector<16x1xi32>
    %gather3A_2073 = vector.shape_cast %broadcast_in_dim3A_2072 : vector<16x1xi32> to vector<16xi32>
    %gather3A_2074 = tpu.dynamic_gather %get3A_2061[%gather3A_2073] in [0] : vector<16xi32>, vector<16xi32> -> vector<16xi32>
    %select_n3A_2075 = arith.select %eq3A_2064, %gather3A_2074, %select_n3A_2058 : vector<16xi1>, vector<16xi32>
    %get3A_2076 = arith.constant 208 : index
    %get3A_2077 = tpu.vector_load %arg9[%get3A_2076] {strides = array<i32>} : memref<1024xi32, #tpu.memory_space<vmem>>, vector<16xi32>,
    %get3A_2078 = vector.shape_cast %get3A_2077 : vector<16xi32> to vector<16xi32>
    %eq3A_2079 = arith.constant 13 : i32
    %eq3A_2080 = vector.broadcast %eq3A_2079 : i32 to vector<16xi32>
    %eq3A_2081 = arith.cmpi eq, %iota3A, %eq3A_2080 : vector<16xi32>
    %lt3A_2082 = arith.constant 0 : i32
    %lt3A_2083 = vector.broadcast %lt3A_2082 : i32 to vector<16xi32>
    %lt3A_2084 = arith.cmpi slt, %add3A_1852, %lt3A_2083 : vector<16xi32>
    %add3A_2085 = arith.constant 16 : i32
    %add3A_2086 = vector.broadcast %add3A_2085 : i32 to vector<16xi32>
    %add3A_2087 = arith.addi %add3A_1852, %add3A_2086 : vector<16xi32>
    %select_n3A_2088 = arith.select %lt3A_2084, %add3A_2087, %add3A_1852 : vector<16xi1>, vector<16xi32>
    %broadcast_in_dim3A_2089 = vector.shape_cast %select_n3A_2088 : vector<16xi32> to vector<16x1xi32>
    %gather3A_2090 = vector.shape_cast %broadcast_in_dim3A_2089 : vector<16x1xi32> to vector<16xi32>
    %gather3A_2091 = tpu.dynamic_gather %get3A_2078[%gather3A_2090] in [0] : vector<16xi32>, vector<16xi32> -> vector<16xi32>
    %select_n3A_2092 = arith.select %eq3A_2081, %gather3A_2091, %select_n3A_2075 : vector<16xi1>, vector<16xi32>
    %get3A_2093 = arith.constant 224 : index
    %get3A_2094 = tpu.vector_load %arg9[%get3A_2093] {strides = array<i32>} : memref<1024xi32, #tpu.memory_space<vmem>>, vector<16xi32>,
    %get3A_2095 = vector.shape_cast %get3A_2094 : vector<16xi32> to vector<16xi32>
    %eq3A_2096 = arith.constant 14 : i32
    %eq3A_2097 = vector.broadcast %eq3A_2096 : i32 to vector<16xi32>
    %eq3A_2098 = arith.cmpi eq, %iota3A, %eq3A_2097 : vector<16xi32>
    %lt3A_2099 = arith.constant 0 : i32
    %lt3A_2100 = vector.broadcast %lt3A_2099 : i32 to vector<16xi32>
    %lt3A_2101 = arith.cmpi slt, %add3A_1852, %lt3A_2100 : vector<16xi32>
    %add3A_2102 = arith.constant 16 : i32
    %add3A_2103 = vector.broadcast %add3A_2102 : i32 to vector<16xi32>
    %add3A_2104 = arith.addi %add3A_1852, %add3A_2103 : vector<16xi32>
    %select_n3A_2105 = arith.select %lt3A_2101, %add3A_2104, %add3A_1852 : vector<16xi1>, vector<16xi32>
    %broadcast_in_dim3A_2106 = vector.shape_cast %select_n3A_2105 : vector<16xi32> to vector<16x1xi32>
    %gather3A_2107 = vector.shape_cast %broadcast_in_dim3A_2106 : vector<16x1xi32> to vector<16xi32>
    %gather3A_2108 = tpu.dynamic_gather %get3A_2095[%gather3A_2107] in [0] : vector<16xi32>, vector<16xi32> -> vector<16xi32>
    %select_n3A_2109 = arith.select %eq3A_2098, %gather3A_2108, %select_n3A_2092 : vector<16xi1>, vector<16xi32>
    %get3A_2110 = arith.constant 240 : index
    %get3A_2111 = tpu.vector_load %arg9[%get3A_2110] {strides = array<i32>} : memref<1024xi32, #tpu.memory_space<vmem>>, vector<16xi32>,
    %get3A_2112 = vector.shape_cast %get3A_2111 : vector<16xi32> to vector<16xi32>
    %eq3A_2113 = arith.constant 15 : i32
    %eq3A_2114 = vector.broadcast %eq3A_2113 : i32 to vector<16xi32>
    %eq3A_2115 = arith.cmpi eq, %iota3A, %eq3A_2114 : vector<16xi32>
    %lt3A_2116 = arith.constant 0 : i32
    %lt3A_2117 = vector.broadcast %lt3A_2116 : i32 to vector<16xi32>
    %lt3A_2118 = arith.cmpi slt, %add3A_1852, %lt3A_2117 : vector<16xi32>
    %add3A_2119 = arith.constant 16 : i32
    %add3A_2120 = vector.broadcast %add3A_2119 : i32 to vector<16xi32>
    %add3A_2121 = arith.addi %add3A_1852, %add3A_2120 : vector<16xi32>
    %select_n3A_2122 = arith.select %lt3A_2118, %add3A_2121, %add3A_1852 : vector<16xi1>, vector<16xi32>
    %broadcast_in_dim3A_2123 = vector.shape_cast %select_n3A_2122 : vector<16xi32> to vector<16x1xi32>
    %gather3A_2124 = vector.shape_cast %broadcast_in_dim3A_2123 : vector<16x1xi32> to vector<16xi32>
    %gather3A_2125 = tpu.dynamic_gather %get3A_2112[%gather3A_2124] in [0] : vector<16xi32>, vector<16xi32> -> vector<16xi32>
    %select_n3A_2126 = arith.select %eq3A_2115, %gather3A_2125, %select_n3A_2109 : vector<16xi1>, vector<16xi32>
    %swap3A_2127 = arith.constant 0 : index
    %swap3A_2128 = tpu.vector_load %arg10[%swap3A_2127] {strides = array<i32>} : memref<64xi32, #tpu.memory_space<vmem>>, vector<16xi32>,
    %swap3A_2129 = vector.shape_cast %swap3A_2128 : vector<16xi32> to vector<16xi32>
    %swap3A_2130 = vector.shape_cast %select_n3A_2126 : vector<16xi32> to vector<16xi32>
    tpu.vector_store %arg10[%swap3A_2127], %swap3A_2130 {strides = array<i32>} : memref<64xi32, #tpu.memory_space<vmem>>, vector<16xi32>,
    %broadcast_in_dim3A_2131 = arith.constant 0 : i32
    %broadcast_in_dim3A_2132 = vector.broadcast %broadcast_in_dim3A_2131 : i32 to vector<16xi32>
    %get3A_2133 = arith.constant 256 : index
    %get3A_2134 = tpu.vector_load %arg9[%get3A_2133] {strides = array<i32>} : memref<1024xi32, #tpu.memory_space<vmem>>, vector<16xi32>,
    %get3A_2135 = vector.shape_cast %get3A_2134 : vector<16xi32> to vector<16xi32>
    %eq3A_2136 = arith.constant 0 : i32
    %eq3A_2137 = vector.broadcast %eq3A_2136 : i32 to vector<16xi32>
    %eq3A_2138 = arith.cmpi eq, %iota3A, %eq3A_2137 : vector<16xi32>
    %lt3A_2139 = arith.constant 0 : i32
    %lt3A_2140 = vector.broadcast %lt3A_2139 : i32 to vector<16xi32>
    %lt3A_2141 = arith.cmpi slt, %add3A_1852, %lt3A_2140 : vector<16xi32>
    %add3A_2142 = arith.constant 16 : i32
    %add3A_2143 = vector.broadcast %add3A_2142 : i32 to vector<16xi32>
    %add3A_2144 = arith.addi %add3A_1852, %add3A_2143 : vector<16xi32>
    %select_n3A_2145 = arith.select %lt3A_2141, %add3A_2144, %add3A_1852 : vector<16xi1>, vector<16xi32>
    %broadcast_in_dim3A_2146 = vector.shape_cast %select_n3A_2145 : vector<16xi32> to vector<16x1xi32>
    %gather3A_2147 = vector.shape_cast %broadcast_in_dim3A_2146 : vector<16x1xi32> to vector<16xi32>
    %gather3A_2148 = tpu.dynamic_gather %get3A_2135[%gather3A_2147] in [0] : vector<16xi32>, vector<16xi32> -> vector<16xi32>
    %select_n3A_2149 = arith.select %eq3A_2138, %gather3A_2148, %broadcast_in_dim3A_2132 : vector<16xi1>, vector<16xi32>
    %get3A_2150 = arith.constant 272 : index
    %get3A_2151 = tpu.vector_load %arg9[%get3A_2150] {strides = array<i32>} : memref<1024xi32, #tpu.memory_space<vmem>>, vector<16xi32>,
    %get3A_2152 = vector.shape_cast %get3A_2151 : vector<16xi32> to vector<16xi32>
    %eq3A_2153 = arith.constant 1 : i32
    %eq3A_2154 = vector.broadcast %eq3A_2153 : i32 to vector<16xi32>
    %eq3A_2155 = arith.cmpi eq, %iota3A, %eq3A_2154 : vector<16xi32>
    %lt3A_2156 = arith.constant 0 : i32
    %lt3A_2157 = vector.broadcast %lt3A_2156 : i32 to vector<16xi32>
    %lt3A_2158 = arith.cmpi slt, %add3A_1852, %lt3A_2157 : vector<16xi32>
    %add3A_2159 = arith.constant 16 : i32
    %add3A_2160 = vector.broadcast %add3A_2159 : i32 to vector<16xi32>
    %add3A_2161 = arith.addi %add3A_1852, %add3A_2160 : vector<16xi32>
    %select_n3A_2162 = arith.select %lt3A_2158, %add3A_2161, %add3A_1852 : vector<16xi1>, vector<16xi32>
    %broadcast_in_dim3A_2163 = vector.shape_cast %select_n3A_2162 : vector<16xi32> to vector<16x1xi32>
    %gather3A_2164 = vector.shape_cast %broadcast_in_dim3A_2163 : vector<16x1xi32> to vector<16xi32>
    %gather3A_2165 = tpu.dynamic_gather %get3A_2152[%gather3A_2164] in [0] : vector<16xi32>, vector<16xi32> -> vector<16xi32>
    %select_n3A_2166 = arith.select %eq3A_2155, %gather3A_2165, %select_n3A_2149 : vector<16xi1>, vector<16xi32>
    %get3A_2167 = arith.constant 288 : index
    %get3A_2168 = tpu.vector_load %arg9[%get3A_2167] {strides = array<i32>} : memref<1024xi32, #tpu.memory_space<vmem>>, vector<16xi32>,
    %get3A_2169 = vector.shape_cast %get3A_2168 : vector<16xi32> to vector<16xi32>
    %eq3A_2170 = arith.constant 2 : i32
    %eq3A_2171 = vector.broadcast %eq3A_2170 : i32 to vector<16xi32>
    %eq3A_2172 = arith.cmpi eq, %iota3A, %eq3A_2171 : vector<16xi32>
    %lt3A_2173 = arith.constant 0 : i32
    %lt3A_2174 = vector.broadcast %lt3A_2173 : i32 to vector<16xi32>
    %lt3A_2175 = arith.cmpi slt, %add3A_1852, %lt3A_2174 : vector<16xi32>
    %add3A_2176 = arith.constant 16 : i32
    %add3A_2177 = vector.broadcast %add3A_2176 : i32 to vector<16xi32>
    %add3A_2178 = arith.addi %add3A_1852, %add3A_2177 : vector<16xi32>
    %select_n3A_2179 = arith.select %lt3A_2175, %add3A_2178, %add3A_1852 : vector<16xi1>, vector<16xi32>
    %broadcast_in_dim3A_2180 = vector.shape_cast %select_n3A_2179 : vector<16xi32> to vector<16x1xi32>
    %gather3A_2181 = vector.shape_cast %broadcast_in_dim3A_2180 : vector<16x1xi32> to vector<16xi32>
    %gather3A_2182 = tpu.dynamic_gather %get3A_2169[%gather3A_2181] in [0] : vector<16xi32>, vector<16xi32> -> vector<16xi32>
    %select_n3A_2183 = arith.select %eq3A_2172, %gather3A_2182, %select_n3A_2166 : vector<16xi1>, vector<16xi32>
    %get3A_2184 = arith.constant 304 : index
    %get3A_2185 = tpu.vector_load %arg9[%get3A_2184] {strides = array<i32>} : memref<1024xi32, #tpu.memory_space<vmem>>, vector<16xi32>,
    %get3A_2186 = vector.shape_cast %get3A_2185 : vector<16xi32> to vector<16xi32>
    %eq3A_2187 = arith.constant 3 : i32
    %eq3A_2188 = vector.broadcast %eq3A_2187 : i32 to vector<16xi32>
    %eq3A_2189 = arith.cmpi eq, %iota3A, %eq3A_2188 : vector<16xi32>
    %lt3A_2190 = arith.constant 0 : i32
    %lt3A_2191 = vector.broadcast %lt3A_2190 : i32 to vector<16xi32>
    %lt3A_2192 = arith.cmpi slt, %add3A_1852, %lt3A_2191 : vector<16xi32>
    %add3A_2193 = arith.constant 16 : i32
    %add3A_2194 = vector.broadcast %add3A_2193 : i32 to vector<16xi32>
    %add3A_2195 = arith.addi %add3A_1852, %add3A_2194 : vector<16xi32>
    %select_n3A_2196 = arith.select %lt3A_2192, %add3A_2195, %add3A_1852 : vector<16xi1>, vector<16xi32>
    %broadcast_in_dim3A_2197 = vector.shape_cast %select_n3A_2196 : vector<16xi32> to vector<16x1xi32>
    %gather3A_2198 = vector.shape_cast %broadcast_in_dim3A_2197 : vector<16x1xi32> to vector<16xi32>
    %gather3A_2199 = tpu.dynamic_gather %get3A_2186[%gather3A_2198] in [0] : vector<16xi32>, vector<16xi32> -> vector<16xi32>
    %select_n3A_2200 = arith.select %eq3A_2189, %gather3A_2199, %select_n3A_2183 : vector<16xi1>, vector<16xi32>
    %get3A_2201 = arith.constant 320 : index
    %get3A_2202 = tpu.vector_load %arg9[%get3A_2201] {strides = array<i32>} : memref<1024xi32, #tpu.memory_space<vmem>>, vector<16xi32>,
    %get3A_2203 = vector.shape_cast %get3A_2202 : vector<16xi32> to vector<16xi32>
    %eq3A_2204 = arith.constant 4 : i32
    %eq3A_2205 = vector.broadcast %eq3A_2204 : i32 to vector<16xi32>
    %eq3A_2206 = arith.cmpi eq, %iota3A, %eq3A_2205 : vector<16xi32>
    %lt3A_2207 = arith.constant 0 : i32
    %lt3A_2208 = vector.broadcast %lt3A_2207 : i32 to vector<16xi32>
    %lt3A_2209 = arith.cmpi slt, %add3A_1852, %lt3A_2208 : vector<16xi32>
    %add3A_2210 = arith.constant 16 : i32
    %add3A_2211 = vector.broadcast %add3A_2210 : i32 to vector<16xi32>
    %add3A_2212 = arith.addi %add3A_1852, %add3A_2211 : vector<16xi32>
    %select_n3A_2213 = arith.select %lt3A_2209, %add3A_2212, %add3A_1852 : vector<16xi1>, vector<16xi32>
    %broadcast_in_dim3A_2214 = vector.shape_cast %select_n3A_2213 : vector<16xi32> to vector<16x1xi32>
    %gather3A_2215 = vector.shape_cast %broadcast_in_dim3A_2214 : vector<16x1xi32> to vector<16xi32>
    %gather3A_2216 = tpu.dynamic_gather %get3A_2203[%gather3A_2215] in [0] : vector<16xi32>, vector<16xi32> -> vector<16xi32>
    %select_n3A_2217 = arith.select %eq3A_2206, %gather3A_2216, %select_n3A_2200 : vector<16xi1>, vector<16xi32>
    %get3A_2218 = arith.constant 336 : index
    %get3A_2219 = tpu.vector_load %arg9[%get3A_2218] {strides = array<i32>} : memref<1024xi32, #tpu.memory_space<vmem>>, vector<16xi32>,
    %get3A_2220 = vector.shape_cast %get3A_2219 : vector<16xi32> to vector<16xi32>
    %eq3A_2221 = arith.constant 5 : i32
    %eq3A_2222 = vector.broadcast %eq3A_2221 : i32 to vector<16xi32>
    %eq3A_2223 = arith.cmpi eq, %iota3A, %eq3A_2222 : vector<16xi32>
    %lt3A_2224 = arith.constant 0 : i32
    %lt3A_2225 = vector.broadcast %lt3A_2224 : i32 to vector<16xi32>
    %lt3A_2226 = arith.cmpi slt, %add3A_1852, %lt3A_2225 : vector<16xi32>
    %add3A_2227 = arith.constant 16 : i32
    %add3A_2228 = vector.broadcast %add3A_2227 : i32 to vector<16xi32>
    %add3A_2229 = arith.addi %add3A_1852, %add3A_2228 : vector<16xi32>
    %select_n3A_2230 = arith.select %lt3A_2226, %add3A_2229, %add3A_1852 : vector<16xi1>, vector<16xi32>
    %broadcast_in_dim3A_2231 = vector.shape_cast %select_n3A_2230 : vector<16xi32> to vector<16x1xi32>
    %gather3A_2232 = vector.shape_cast %broadcast_in_dim3A_2231 : vector<16x1xi32> to vector<16xi32>
    %gather3A_2233 = tpu.dynamic_gather %get3A_2220[%gather3A_2232] in [0] : vector<16xi32>, vector<16xi32> -> vector<16xi32>
    %select_n3A_2234 = arith.select %eq3A_2223, %gather3A_2233, %select_n3A_2217 : vector<16xi1>, vector<16xi32>
    %get3A_2235 = arith.constant 352 : index
    %get3A_2236 = tpu.vector_load %arg9[%get3A_2235] {strides = array<i32>} : memref<1024xi32, #tpu.memory_space<vmem>>, vector<16xi32>,
    %get3A_2237 = vector.shape_cast %get3A_2236 : vector<16xi32> to vector<16xi32>
    %eq3A_2238 = arith.constant 6 : i32
    %eq3A_2239 = vector.broadcast %eq3A_2238 : i32 to vector<16xi32>
    %eq3A_2240 = arith.cmpi eq, %iota3A, %eq3A_2239 : vector<16xi32>
    %lt3A_2241 = arith.constant 0 : i32
    %lt3A_2242 = vector.broadcast %lt3A_2241 : i32 to vector<16xi32>
    %lt3A_2243 = arith.cmpi slt, %add3A_1852, %lt3A_2242 : vector<16xi32>
    %add3A_2244 = arith.constant 16 : i32
    %add3A_2245 = vector.broadcast %add3A_2244 : i32 to vector<16xi32>
    %add3A_2246 = arith.addi %add3A_1852, %add3A_2245 : vector<16xi32>
    %select_n3A_2247 = arith.select %lt3A_2243, %add3A_2246, %add3A_1852 : vector<16xi1>, vector<16xi32>
    %broadcast_in_dim3A_2248 = vector.shape_cast %select_n3A_2247 : vector<16xi32> to vector<16x1xi32>
    %gather3A_2249 = vector.shape_cast %broadcast_in_dim3A_2248 : vector<16x1xi32> to vector<16xi32>
    %gather3A_2250 = tpu.dynamic_gather %get3A_2237[%gather3A_2249] in [0] : vector<16xi32>, vector<16xi32> -> vector<16xi32>
    %select_n3A_2251 = arith.select %eq3A_2240, %gather3A_2250, %select_n3A_2234 : vector<16xi1>, vector<16xi32>
    %get3A_2252 = arith.constant 368 : index
    %get3A_2253 = tpu.vector_load %arg9[%get3A_2252] {strides = array<i32>} : memref<1024xi32, #tpu.memory_space<vmem>>, vector<16xi32>,
    %get3A_2254 = vector.shape_cast %get3A_2253 : vector<16xi32> to vector<16xi32>
    %eq3A_2255 = arith.constant 7 : i32
    %eq3A_2256 = vector.broadcast %eq3A_2255 : i32 to vector<16xi32>
    %eq3A_2257 = arith.cmpi eq, %iota3A, %eq3A_2256 : vector<16xi32>
    %lt3A_2258 = arith.constant 0 : i32
    %lt3A_2259 = vector.broadcast %lt3A_2258 : i32 to vector<16xi32>
    %lt3A_2260 = arith.cmpi slt, %add3A_1852, %lt3A_2259 : vector<16xi32>
    %add3A_2261 = arith.constant 16 : i32
    %add3A_2262 = vector.broadcast %add3A_2261 : i32 to vector<16xi32>
    %add3A_2263 = arith.addi %add3A_1852, %add3A_2262 : vector<16xi32>
    %select_n3A_2264 = arith.select %lt3A_2260, %add3A_2263, %add3A_1852 : vector<16xi1>, vector<16xi32>
    %broadcast_in_dim3A_2265 = vector.shape_cast %select_n3A_2264 : vector<16xi32> to vector<16x1xi32>
    %gather3A_2266 = vector.shape_cast %broadcast_in_dim3A_2265 : vector<16x1xi32> to vector<16xi32>
    %gather3A_2267 = tpu.dynamic_gather %get3A_2254[%gather3A_2266] in [0] : vector<16xi32>, vector<16xi32> -> vector<16xi32>
    %select_n3A_2268 = arith.select %eq3A_2257, %gather3A_2267, %select_n3A_2251 : vector<16xi1>, vector<16xi32>
    %get3A_2269 = arith.constant 384 : index
    %get3A_2270 = tpu.vector_load %arg9[%get3A_2269] {strides = array<i32>} : memref<1024xi32, #tpu.memory_space<vmem>>, vector<16xi32>,
    %get3A_2271 = vector.shape_cast %get3A_2270 : vector<16xi32> to vector<16xi32>
    %eq3A_2272 = arith.constant 8 : i32
    %eq3A_2273 = vector.broadcast %eq3A_2272 : i32 to vector<16xi32>
    %eq3A_2274 = arith.cmpi eq, %iota3A, %eq3A_2273 : vector<16xi32>
    %lt3A_2275 = arith.constant 0 : i32
    %lt3A_2276 = vector.broadcast %lt3A_2275 : i32 to vector<16xi32>
    %lt3A_2277 = arith.cmpi slt, %add3A_1852, %lt3A_2276 : vector<16xi32>
    %add3A_2278 = arith.constant 16 : i32
    %add3A_2279 = vector.broadcast %add3A_2278 : i32 to vector<16xi32>
    %add3A_2280 = arith.addi %add3A_1852, %add3A_2279 : vector<16xi32>
    %select_n3A_2281 = arith.select %lt3A_2277, %add3A_2280, %add3A_1852 : vector<16xi1>, vector<16xi32>
    %broadcast_in_dim3A_2282 = vector.shape_cast %select_n3A_2281 : vector<16xi32> to vector<16x1xi32>
    %gather3A_2283 = vector.shape_cast %broadcast_in_dim3A_2282 : vector<16x1xi32> to vector<16xi32>
    %gather3A_2284 = tpu.dynamic_gather %get3A_2271[%gather3A_2283] in [0] : vector<16xi32>, vector<16xi32> -> vector<16xi32>
    %select_n3A_2285 = arith.select %eq3A_2274, %gather3A_2284, %select_n3A_2268 : vector<16xi1>, vector<16xi32>
    %get3A_2286 = arith.constant 400 : index
    %get3A_2287 = tpu.vector_load %arg9[%get3A_2286] {strides = array<i32>} : memref<1024xi32, #tpu.memory_space<vmem>>, vector<16xi32>,
    %get3A_2288 = vector.shape_cast %get3A_2287 : vector<16xi32> to vector<16xi32>
    %eq3A_2289 = arith.constant 9 : i32
    %eq3A_2290 = vector.broadcast %eq3A_2289 : i32 to vector<16xi32>
    %eq3A_2291 = arith.cmpi eq, %iota3A, %eq3A_2290 : vector<16xi32>
    %lt3A_2292 = arith.constant 0 : i32
    %lt3A_2293 = vector.broadcast %lt3A_2292 : i32 to vector<16xi32>
    %lt3A_2294 = arith.cmpi slt, %add3A_1852, %lt3A_2293 : vector<16xi32>
    %add3A_2295 = arith.constant 16 : i32
    %add3A_2296 = vector.broadcast %add3A_2295 : i32 to vector<16xi32>
    %add3A_2297 = arith.addi %add3A_1852, %add3A_2296 : vector<16xi32>
    %select_n3A_2298 = arith.select %lt3A_2294, %add3A_2297, %add3A_1852 : vector<16xi1>, vector<16xi32>
    %broadcast_in_dim3A_2299 = vector.shape_cast %select_n3A_2298 : vector<16xi32> to vector<16x1xi32>
    %gather3A_2300 = vector.shape_cast %broadcast_in_dim3A_2299 : vector<16x1xi32> to vector<16xi32>
    %gather3A_2301 = tpu.dynamic_gather %get3A_2288[%gather3A_2300] in [0] : vector<16xi32>, vector<16xi32> -> vector<16xi32>
    %select_n3A_2302 = arith.select %eq3A_2291, %gather3A_2301, %select_n3A_2285 : vector<16xi1>, vector<16xi32>
    %get3A_2303 = arith.constant 416 : index
    %get3A_2304 = tpu.vector_load %arg9[%get3A_2303] {strides = array<i32>} : memref<1024xi32, #tpu.memory_space<vmem>>, vector<16xi32>,
    %get3A_2305 = vector.shape_cast %get3A_2304 : vector<16xi32> to vector<16xi32>
    %eq3A_2306 = arith.constant 10 : i32
    %eq3A_2307 = vector.broadcast %eq3A_2306 : i32 to vector<16xi32>
    %eq3A_2308 = arith.cmpi eq, %iota3A, %eq3A_2307 : vector<16xi32>
    %lt3A_2309 = arith.constant 0 : i32
    %lt3A_2310 = vector.broadcast %lt3A_2309 : i32 to vector<16xi32>
    %lt3A_2311 = arith.cmpi slt, %add3A_1852, %lt3A_2310 : vector<16xi32>
    %add3A_2312 = arith.constant 16 : i32
    %add3A_2313 = vector.broadcast %add3A_2312 : i32 to vector<16xi32>
    %add3A_2314 = arith.addi %add3A_1852, %add3A_2313 : vector<16xi32>
    %select_n3A_2315 = arith.select %lt3A_2311, %add3A_2314, %add3A_1852 : vector<16xi1>, vector<16xi32>
    %broadcast_in_dim3A_2316 = vector.shape_cast %select_n3A_2315 : vector<16xi32> to vector<16x1xi32>
    %gather3A_2317 = vector.shape_cast %broadcast_in_dim3A_2316 : vector<16x1xi32> to vector<16xi32>
    %gather3A_2318 = tpu.dynamic_gather %get3A_2305[%gather3A_2317] in [0] : vector<16xi32>, vector<16xi32> -> vector<16xi32>
    %select_n3A_2319 = arith.select %eq3A_2308, %gather3A_2318, %select_n3A_2302 : vector<16xi1>, vector<16xi32>
    %get3A_2320 = arith.constant 432 : index
    %get3A_2321 = tpu.vector_load %arg9[%get3A_2320] {strides = array<i32>} : memref<1024xi32, #tpu.memory_space<vmem>>, vector<16xi32>,
    %get3A_2322 = vector.shape_cast %get3A_2321 : vector<16xi32> to vector<16xi32>
    %eq3A_2323 = arith.constant 11 : i32
    %eq3A_2324 = vector.broadcast %eq3A_2323 : i32 to vector<16xi32>
    %eq3A_2325 = arith.cmpi eq, %iota3A, %eq3A_2324 : vector<16xi32>
    %lt3A_2326 = arith.constant 0 : i32
    %lt3A_2327 = vector.broadcast %lt3A_2326 : i32 to vector<16xi32>
    %lt3A_2328 = arith.cmpi slt, %add3A_1852, %lt3A_2327 : vector<16xi32>
    %add3A_2329 = arith.constant 16 : i32
    %add3A_2330 = vector.broadcast %add3A_2329 : i32 to vector<16xi32>
    %add3A_2331 = arith.addi %add3A_1852, %add3A_2330 : vector<16xi32>
    %select_n3A_2332 = arith.select %lt3A_2328, %add3A_2331, %add3A_1852 : vector<16xi1>, vector<16xi32>
    %broadcast_in_dim3A_2333 = vector.shape_cast %select_n3A_2332 : vector<16xi32> to vector<16x1xi32>
    %gather3A_2334 = vector.shape_cast %broadcast_in_dim3A_2333 : vector<16x1xi32> to vector<16xi32>
    %gather3A_2335 = tpu.dynamic_gather %get3A_2322[%gather3A_2334] in [0] : vector<16xi32>, vector<16xi32> -> vector<16xi32>
    %select_n3A_2336 = arith.select %eq3A_2325, %gather3A_2335, %select_n3A_2319 : vector<16xi1>, vector<16xi32>
    %get3A_2337 = arith.constant 448 : index
    %get3A_2338 = tpu.vector_load %arg9[%get3A_2337] {strides = array<i32>} : memref<1024xi32, #tpu.memory_space<vmem>>, vector<16xi32>,
    %get3A_2339 = vector.shape_cast %get3A_2338 : vector<16xi32> to vector<16xi32>
    %eq3A_2340 = arith.constant 12 : i32
    %eq3A_2341 = vector.broadcast %eq3A_2340 : i32 to vector<16xi32>
    %eq3A_2342 = arith.cmpi eq, %iota3A, %eq3A_2341 : vector<16xi32>
    %lt3A_2343 = arith.constant 0 : i32
    %lt3A_2344 = vector.broadcast %lt3A_2343 : i32 to vector<16xi32>
    %lt3A_2345 = arith.cmpi slt, %add3A_1852, %lt3A_2344 : vector<16xi32>
    %add3A_2346 = arith.constant 16 : i32
    %add3A_2347 = vector.broadcast %add3A_2346 : i32 to vector<16xi32>
    %add3A_2348 = arith.addi %add3A_1852, %add3A_2347 : vector<16xi32>
    %select_n3A_2349 = arith.select %lt3A_2345, %add3A_2348, %add3A_1852 : vector<16xi1>, vector<16xi32>
    %broadcast_in_dim3A_2350 = vector.shape_cast %select_n3A_2349 : vector<16xi32> to vector<16x1xi32>
    %gather3A_2351 = vector.shape_cast %broadcast_in_dim3A_2350 : vector<16x1xi32> to vector<16xi32>
    %gather3A_2352 = tpu.dynamic_gather %get3A_2339[%gather3A_2351] in [0] : vector<16xi32>, vector<16xi32> -> vector<16xi32>
    %select_n3A_2353 = arith.select %eq3A_2342, %gather3A_2352, %select_n3A_2336 : vector<16xi1>, vector<16xi32>
    %get3A_2354 = arith.constant 464 : index
    %get3A_2355 = tpu.vector_load %arg9[%get3A_2354] {strides = array<i32>} : memref<1024xi32, #tpu.memory_space<vmem>>, vector<16xi32>,
    %get3A_2356 = vector.shape_cast %get3A_2355 : vector<16xi32> to vector<16xi32>
    %eq3A_2357 = arith.constant 13 : i32
    %eq3A_2358 = vector.broadcast %eq3A_2357 : i32 to vector<16xi32>
    %eq3A_2359 = arith.cmpi eq, %iota3A, %eq3A_2358 : vector<16xi32>
    %lt3A_2360 = arith.constant 0 : i32
    %lt3A_2361 = vector.broadcast %lt3A_2360 : i32 to vector<16xi32>
    %lt3A_2362 = arith.cmpi slt, %add3A_1852, %lt3A_2361 : vector<16xi32>
    %add3A_2363 = arith.constant 16 : i32
    %add3A_2364 = vector.broadcast %add3A_2363 : i32 to vector<16xi32>
    %add3A_2365 = arith.addi %add3A_1852, %add3A_2364 : vector<16xi32>
    %select_n3A_2366 = arith.select %lt3A_2362, %add3A_2365, %add3A_1852 : vector<16xi1>, vector<16xi32>
    %broadcast_in_dim3A_2367 = vector.shape_cast %select_n3A_2366 : vector<16xi32> to vector<16x1xi32>
    %gather3A_2368 = vector.shape_cast %broadcast_in_dim3A_2367 : vector<16x1xi32> to vector<16xi32>
    %gather3A_2369 = tpu.dynamic_gather %get3A_2356[%gather3A_2368] in [0] : vector<16xi32>, vector<16xi32> -> vector<16xi32>
    %select_n3A_2370 = arith.select %eq3A_2359, %gather3A_2369, %select_n3A_2353 : vector<16xi1>, vector<16xi32>
    %get3A_2371 = arith.constant 480 : index
    %get3A_2372 = tpu.vector_load %arg9[%get3A_2371] {strides = array<i32>} : memref<1024xi32, #tpu.memory_space<vmem>>, vector<16xi32>,
    %get3A_2373 = vector.shape_cast %get3A_2372 : vector<16xi32> to vector<16xi32>
    %eq3A_2374 = arith.constant 14 : i32
    %eq3A_2375 = vector.broadcast %eq3A_2374 : i32 to vector<16xi32>
    %eq3A_2376 = arith.cmpi eq, %iota3A, %eq3A_2375 : vector<16xi32>
    %lt3A_2377 = arith.constant 0 : i32
    %lt3A_2378 = vector.broadcast %lt3A_2377 : i32 to vector<16xi32>
    %lt3A_2379 = arith.cmpi slt, %add3A_1852, %lt3A_2378 : vector<16xi32>
    %add3A_2380 = arith.constant 16 : i32
    %add3A_2381 = vector.broadcast %add3A_2380 : i32 to vector<16xi32>
    %add3A_2382 = arith.addi %add3A_1852, %add3A_2381 : vector<16xi32>
    %select_n3A_2383 = arith.select %lt3A_2379, %add3A_2382, %add3A_1852 : vector<16xi1>, vector<16xi32>
    %broadcast_in_dim3A_2384 = vector.shape_cast %select_n3A_2383 : vector<16xi32> to vector<16x1xi32>
    %gather3A_2385 = vector.shape_cast %broadcast_in_dim3A_2384 : vector<16x1xi32> to vector<16xi32>
    %gather3A_2386 = tpu.dynamic_gather %get3A_2373[%gather3A_2385] in [0] : vector<16xi32>, vector<16xi32> -> vector<16xi32>
    %select_n3A_2387 = arith.select %eq3A_2376, %gather3A_2386, %select_n3A_2370 : vector<16xi1>, vector<16xi32>
    %get3A_2388 = arith.constant 496 : index
    %get3A_2389 = tpu.vector_load %arg9[%get3A_2388] {strides = array<i32>} : memref<1024xi32, #tpu.memory_space<vmem>>, vector<16xi32>,
    %get3A_2390 = vector.shape_cast %get3A_2389 : vector<16xi32> to vector<16xi32>
    %eq3A_2391 = arith.constant 15 : i32
    %eq3A_2392 = vector.broadcast %eq3A_2391 : i32 to vector<16xi32>
    %eq3A_2393 = arith.cmpi eq, %iota3A, %eq3A_2392 : vector<16xi32>
    %lt3A_2394 = arith.constant 0 : i32
    %lt3A_2395 = vector.broadcast %lt3A_2394 : i32 to vector<16xi32>
    %lt3A_2396 = arith.cmpi slt, %add3A_1852, %lt3A_2395 : vector<16xi32>
    %add3A_2397 = arith.constant 16 : i32
    %add3A_2398 = vector.broadcast %add3A_2397 : i32 to vector<16xi32>
    %add3A_2399 = arith.addi %add3A_1852, %add3A_2398 : vector<16xi32>
    %select_n3A_2400 = arith.select %lt3A_2396, %add3A_2399, %add3A_1852 : vector<16xi1>, vector<16xi32>
    %broadcast_in_dim3A_2401 = vector.shape_cast %select_n3A_2400 : vector<16xi32> to vector<16x1xi32>
    %gather3A_2402 = vector.shape_cast %broadcast_in_dim3A_2401 : vector<16x1xi32> to vector<16xi32>
    %gather3A_2403 = tpu.dynamic_gather %get3A_2390[%gather3A_2402] in [0] : vector<16xi32>, vector<16xi32> -> vector<16xi32>
    %select_n3A_2404 = arith.select %eq3A_2393, %gather3A_2403, %select_n3A_2387 : vector<16xi1>, vector<16xi32>
    %swap3A_2405 = arith.constant 16 : index
    %swap3A_2406 = tpu.vector_load %arg10[%swap3A_2405] {strides = array<i32>} : memref<64xi32, #tpu.memory_space<vmem>>, vector<16xi32>,
    %swap3A_2407 = vector.shape_cast %swap3A_2406 : vector<16xi32> to vector<16xi32>
    %swap3A_2408 = vector.shape_cast %select_n3A_2404 : vector<16xi32> to vector<16xi32>
    tpu.vector_store %arg10[%swap3A_2405], %swap3A_2408 {strides = array<i32>} : memref<64xi32, #tpu.memory_space<vmem>>, vector<16xi32>,
    %broadcast_in_dim3A_2409 = arith.constant 0 : i32
    %broadcast_in_dim3A_2410 = vector.broadcast %broadcast_in_dim3A_2409 : i32 to vector<16xi32>
    %get3A_2411 = arith.constant 512 : index
    %get3A_2412 = tpu.vector_load %arg9[%get3A_2411] {strides = array<i32>} : memref<1024xi32, #tpu.memory_space<vmem>>, vector<16xi32>,
    %get3A_2413 = vector.shape_cast %get3A_2412 : vector<16xi32> to vector<16xi32>
    %eq3A_2414 = arith.constant 0 : i32
    %eq3A_2415 = vector.broadcast %eq3A_2414 : i32 to vector<16xi32>
    %eq3A_2416 = arith.cmpi eq, %iota3A, %eq3A_2415 : vector<16xi32>
    %lt3A_2417 = arith.constant 0 : i32
    %lt3A_2418 = vector.broadcast %lt3A_2417 : i32 to vector<16xi32>
    %lt3A_2419 = arith.cmpi slt, %add3A_1852, %lt3A_2418 : vector<16xi32>
    %add3A_2420 = arith.constant 16 : i32
    %add3A_2421 = vector.broadcast %add3A_2420 : i32 to vector<16xi32>
    %add3A_2422 = arith.addi %add3A_1852, %add3A_2421 : vector<16xi32>
    %select_n3A_2423 = arith.select %lt3A_2419, %add3A_2422, %add3A_1852 : vector<16xi1>, vector<16xi32>
    %broadcast_in_dim3A_2424 = vector.shape_cast %select_n3A_2423 : vector<16xi32> to vector<16x1xi32>
    %gather3A_2425 = vector.shape_cast %broadcast_in_dim3A_2424 : vector<16x1xi32> to vector<16xi32>
    %gather3A_2426 = tpu.dynamic_gather %get3A_2413[%gather3A_2425] in [0] : vector<16xi32>, vector<16xi32> -> vector<16xi32>
    %select_n3A_2427 = arith.select %eq3A_2416, %gather3A_2426, %broadcast_in_dim3A_2410 : vector<16xi1>, vector<16xi32>
    %get3A_2428 = arith.constant 528 : index
    %get3A_2429 = tpu.vector_load %arg9[%get3A_2428] {strides = array<i32>} : memref<1024xi32, #tpu.memory_space<vmem>>, vector<16xi32>,
    %get3A_2430 = vector.shape_cast %get3A_2429 : vector<16xi32> to vector<16xi32>
    %eq3A_2431 = arith.constant 1 : i32
    %eq3A_2432 = vector.broadcast %eq3A_2431 : i32 to vector<16xi32>
    %eq3A_2433 = arith.cmpi eq, %iota3A, %eq3A_2432 : vector<16xi32>
    %lt3A_2434 = arith.constant 0 : i32
    %lt3A_2435 = vector.broadcast %lt3A_2434 : i32 to vector<16xi32>
    %lt3A_2436 = arith.cmpi slt, %add3A_1852, %lt3A_2435 : vector<16xi32>
    %add3A_2437 = arith.constant 16 : i32
    %add3A_2438 = vector.broadcast %add3A_2437 : i32 to vector<16xi32>
    %add3A_2439 = arith.addi %add3A_1852, %add3A_2438 : vector<16xi32>
    %select_n3A_2440 = arith.select %lt3A_2436, %add3A_2439, %add3A_1852 : vector<16xi1>, vector<16xi32>
    %broadcast_in_dim3A_2441 = vector.shape_cast %select_n3A_2440 : vector<16xi32> to vector<16x1xi32>
    %gather3A_2442 = vector.shape_cast %broadcast_in_dim3A_2441 : vector<16x1xi32> to vector<16xi32>
    %gather3A_2443 = tpu.dynamic_gather %get3A_2430[%gather3A_2442] in [0] : vector<16xi32>, vector<16xi32> -> vector<16xi32>
    %select_n3A_2444 = arith.select %eq3A_2433, %gather3A_2443, %select_n3A_2427 : vector<16xi1>, vector<16xi32>
    %get3A_2445 = arith.constant 544 : index
    %get3A_2446 = tpu.vector_load %arg9[%get3A_2445] {strides = array<i32>} : memref<1024xi32, #tpu.memory_space<vmem>>, vector<16xi32>,
    %get3A_2447 = vector.shape_cast %get3A_2446 : vector<16xi32> to vector<16xi32>
    %eq3A_2448 = arith.constant 2 : i32
    %eq3A_2449 = vector.broadcast %eq3A_2448 : i32 to vector<16xi32>
    %eq3A_2450 = arith.cmpi eq, %iota3A, %eq3A_2449 : vector<16xi32>
    %lt3A_2451 = arith.constant 0 : i32
    %lt3A_2452 = vector.broadcast %lt3A_2451 : i32 to vector<16xi32>
    %lt3A_2453 = arith.cmpi slt, %add3A_1852, %lt3A_2452 : vector<16xi32>
    %add3A_2454 = arith.constant 16 : i32
    %add3A_2455 = vector.broadcast %add3A_2454 : i32 to vector<16xi32>
    %add3A_2456 = arith.addi %add3A_1852, %add3A_2455 : vector<16xi32>
    %select_n3A_2457 = arith.select %lt3A_2453, %add3A_2456, %add3A_1852 : vector<16xi1>, vector<16xi32>
    %broadcast_in_dim3A_2458 = vector.shape_cast %select_n3A_2457 : vector<16xi32> to vector<16x1xi32>
    %gather3A_2459 = vector.shape_cast %broadcast_in_dim3A_2458 : vector<16x1xi32> to vector<16xi32>
    %gather3A_2460 = tpu.dynamic_gather %get3A_2447[%gather3A_2459] in [0] : vector<16xi32>, vector<16xi32> -> vector<16xi32>
    %select_n3A_2461 = arith.select %eq3A_2450, %gather3A_2460, %select_n3A_2444 : vector<16xi1>, vector<16xi32>
    %get3A_2462 = arith.constant 560 : index
    %get3A_2463 = tpu.vector_load %arg9[%get3A_2462] {strides = array<i32>} : memref<1024xi32, #tpu.memory_space<vmem>>, vector<16xi32>,
    %get3A_2464 = vector.shape_cast %get3A_2463 : vector<16xi32> to vector<16xi32>
    %eq3A_2465 = arith.constant 3 : i32
    %eq3A_2466 = vector.broadcast %eq3A_2465 : i32 to vector<16xi32>
    %eq3A_2467 = arith.cmpi eq, %iota3A, %eq3A_2466 : vector<16xi32>
    %lt3A_2468 = arith.constant 0 : i32
    %lt3A_2469 = vector.broadcast %lt3A_2468 : i32 to vector<16xi32>
    %lt3A_2470 = arith.cmpi slt, %add3A_1852, %lt3A_2469 : vector<16xi32>
    %add3A_2471 = arith.constant 16 : i32
    %add3A_2472 = vector.broadcast %add3A_2471 : i32 to vector<16xi32>
    %add3A_2473 = arith.addi %add3A_1852, %add3A_2472 : vector<16xi32>
    %select_n3A_2474 = arith.select %lt3A_2470, %add3A_2473, %add3A_1852 : vector<16xi1>, vector<16xi32>
    %broadcast_in_dim3A_2475 = vector.shape_cast %select_n3A_2474 : vector<16xi32> to vector<16x1xi32>
    %gather3A_2476 = vector.shape_cast %broadcast_in_dim3A_2475 : vector<16x1xi32> to vector<16xi32>
    %gather3A_2477 = tpu.dynamic_gather %get3A_2464[%gather3A_2476] in [0] : vector<16xi32>, vector<16xi32> -> vector<16xi32>
    %select_n3A_2478 = arith.select %eq3A_2467, %gather3A_2477, %select_n3A_2461 : vector<16xi1>, vector<16xi32>
    %get3A_2479 = arith.constant 576 : index
    %get3A_2480 = tpu.vector_load %arg9[%get3A_2479] {strides = array<i32>} : memref<1024xi32, #tpu.memory_space<vmem>>, vector<16xi32>,
    %get3A_2481 = vector.shape_cast %get3A_2480 : vector<16xi32> to vector<16xi32>
    %eq3A_2482 = arith.constant 4 : i32
    %eq3A_2483 = vector.broadcast %eq3A_2482 : i32 to vector<16xi32>
    %eq3A_2484 = arith.cmpi eq, %iota3A, %eq3A_2483 : vector<16xi32>
    %lt3A_2485 = arith.constant 0 : i32
    %lt3A_2486 = vector.broadcast %lt3A_2485 : i32 to vector<16xi32>
    %lt3A_2487 = arith.cmpi slt, %add3A_1852, %lt3A_2486 : vector<16xi32>
    %add3A_2488 = arith.constant 16 : i32
    %add3A_2489 = vector.broadcast %add3A_2488 : i32 to vector<16xi32>
    %add3A_2490 = arith.addi %add3A_1852, %add3A_2489 : vector<16xi32>
    %select_n3A_2491 = arith.select %lt3A_2487, %add3A_2490, %add3A_1852 : vector<16xi1>, vector<16xi32>
    %broadcast_in_dim3A_2492 = vector.shape_cast %select_n3A_2491 : vector<16xi32> to vector<16x1xi32>
    %gather3A_2493 = vector.shape_cast %broadcast_in_dim3A_2492 : vector<16x1xi32> to vector<16xi32>
    %gather3A_2494 = tpu.dynamic_gather %get3A_2481[%gather3A_2493] in [0] : vector<16xi32>, vector<16xi32> -> vector<16xi32>
    %select_n3A_2495 = arith.select %eq3A_2484, %gather3A_2494, %select_n3A_2478 : vector<16xi1>, vector<16xi32>
    %get3A_2496 = arith.constant 592 : index
    %get3A_2497 = tpu.vector_load %arg9[%get3A_2496] {strides = array<i32>} : memref<1024xi32, #tpu.memory_space<vmem>>, vector<16xi32>,
    %get3A_2498 = vector.shape_cast %get3A_2497 : vector<16xi32> to vector<16xi32>
    %eq3A_2499 = arith.constant 5 : i32
    %eq3A_2500 = vector.broadcast %eq3A_2499 : i32 to vector<16xi32>
    %eq3A_2501 = arith.cmpi eq, %iota3A, %eq3A_2500 : vector<16xi32>
    %lt3A_2502 = arith.constant 0 : i32
    %lt3A_2503 = vector.broadcast %lt3A_2502 : i32 to vector<16xi32>
    %lt3A_2504 = arith.cmpi slt, %add3A_1852, %lt3A_2503 : vector<16xi32>
    %add3A_2505 = arith.constant 16 : i32
    %add3A_2506 = vector.broadcast %add3A_2505 : i32 to vector<16xi32>
    %add3A_2507 = arith.addi %add3A_1852, %add3A_2506 : vector<16xi32>
    %select_n3A_2508 = arith.select %lt3A_2504, %add3A_2507, %add3A_1852 : vector<16xi1>, vector<16xi32>
    %broadcast_in_dim3A_2509 = vector.shape_cast %select_n3A_2508 : vector<16xi32> to vector<16x1xi32>
    %gather3A_2510 = vector.shape_cast %broadcast_in_dim3A_2509 : vector<16x1xi32> to vector<16xi32>
    %gather3A_2511 = tpu.dynamic_gather %get3A_2498[%gather3A_2510] in [0] : vector<16xi32>, vector<16xi32> -> vector<16xi32>
    %select_n3A_2512 = arith.select %eq3A_2501, %gather3A_2511, %select_n3A_2495 : vector<16xi1>, vector<16xi32>
    %get3A_2513 = arith.constant 608 : index
    %get3A_2514 = tpu.vector_load %arg9[%get3A_2513] {strides = array<i32>} : memref<1024xi32, #tpu.memory_space<vmem>>, vector<16xi32>,
    %get3A_2515 = vector.shape_cast %get3A_2514 : vector<16xi32> to vector<16xi32>
    %eq3A_2516 = arith.constant 6 : i32
    %eq3A_2517 = vector.broadcast %eq3A_2516 : i32 to vector<16xi32>
    %eq3A_2518 = arith.cmpi eq, %iota3A, %eq3A_2517 : vector<16xi32>
    %lt3A_2519 = arith.constant 0 : i32
    %lt3A_2520 = vector.broadcast %lt3A_2519 : i32 to vector<16xi32>
    %lt3A_2521 = arith.cmpi slt, %add3A_1852, %lt3A_2520 : vector<16xi32>
    %add3A_2522 = arith.constant 16 : i32
    %add3A_2523 = vector.broadcast %add3A_2522 : i32 to vector<16xi32>
    %add3A_2524 = arith.addi %add3A_1852, %add3A_2523 : vector<16xi32>
    %select_n3A_2525 = arith.select %lt3A_2521, %add3A_2524, %add3A_1852 : vector<16xi1>, vector<16xi32>
    %broadcast_in_dim3A_2526 = vector.shape_cast %select_n3A_2525 : vector<16xi32> to vector<16x1xi32>
    %gather3A_2527 = vector.shape_cast %broadcast_in_dim3A_2526 : vector<16x1xi32> to vector<16xi32>
    %gather3A_2528 = tpu.dynamic_gather %get3A_2515[%gather3A_2527] in [0] : vector<16xi32>, vector<16xi32> -> vector<16xi32>
    %select_n3A_2529 = arith.select %eq3A_2518, %gather3A_2528, %select_n3A_2512 : vector<16xi1>, vector<16xi32>
    %get3A_2530 = arith.constant 624 : index
    %get3A_2531 = tpu.vector_load %arg9[%get3A_2530] {strides = array<i32>} : memref<1024xi32, #tpu.memory_space<vmem>>, vector<16xi32>,
    %get3A_2532 = vector.shape_cast %get3A_2531 : vector<16xi32> to vector<16xi32>
    %eq3A_2533 = arith.constant 7 : i32
    %eq3A_2534 = vector.broadcast %eq3A_2533 : i32 to vector<16xi32>
    %eq3A_2535 = arith.cmpi eq, %iota3A, %eq3A_2534 : vector<16xi32>
    %lt3A_2536 = arith.constant 0 : i32
    %lt3A_2537 = vector.broadcast %lt3A_2536 : i32 to vector<16xi32>
    %lt3A_2538 = arith.cmpi slt, %add3A_1852, %lt3A_2537 : vector<16xi32>
    %add3A_2539 = arith.constant 16 : i32
    %add3A_2540 = vector.broadcast %add3A_2539 : i32 to vector<16xi32>
    %add3A_2541 = arith.addi %add3A_1852, %add3A_2540 : vector<16xi32>
    %select_n3A_2542 = arith.select %lt3A_2538, %add3A_2541, %add3A_1852 : vector<16xi1>, vector<16xi32>
    %broadcast_in_dim3A_2543 = vector.shape_cast %select_n3A_2542 : vector<16xi32> to vector<16x1xi32>
    %gather3A_2544 = vector.shape_cast %broadcast_in_dim3A_2543 : vector<16x1xi32> to vector<16xi32>
    %gather3A_2545 = tpu.dynamic_gather %get3A_2532[%gather3A_2544] in [0] : vector<16xi32>, vector<16xi32> -> vector<16xi32>
    %select_n3A_2546 = arith.select %eq3A_2535, %gather3A_2545, %select_n3A_2529 : vector<16xi1>, vector<16xi32>
    %get3A_2547 = arith.constant 640 : index
    %get3A_2548 = tpu.vector_load %arg9[%get3A_2547] {strides = array<i32>} : memref<1024xi32, #tpu.memory_space<vmem>>, vector<16xi32>,
    %get3A_2549 = vector.shape_cast %get3A_2548 : vector<16xi32> to vector<16xi32>
    %eq3A_2550 = arith.constant 8 : i32
    %eq3A_2551 = vector.broadcast %eq3A_2550 : i32 to vector<16xi32>
    %eq3A_2552 = arith.cmpi eq, %iota3A, %eq3A_2551 : vector<16xi32>
    %lt3A_2553 = arith.constant 0 : i32
    %lt3A_2554 = vector.broadcast %lt3A_2553 : i32 to vector<16xi32>
    %lt3A_2555 = arith.cmpi slt, %add3A_1852, %lt3A_2554 : vector<16xi32>
    %add3A_2556 = arith.constant 16 : i32
    %add3A_2557 = vector.broadcast %add3A_2556 : i32 to vector<16xi32>
    %add3A_2558 = arith.addi %add3A_1852, %add3A_2557 : vector<16xi32>
    %select_n3A_2559 = arith.select %lt3A_2555, %add3A_2558, %add3A_1852 : vector<16xi1>, vector<16xi32>
    %broadcast_in_dim3A_2560 = vector.shape_cast %select_n3A_2559 : vector<16xi32> to vector<16x1xi32>
    %gather3A_2561 = vector.shape_cast %broadcast_in_dim3A_2560 : vector<16x1xi32> to vector<16xi32>
    %gather3A_2562 = tpu.dynamic_gather %get3A_2549[%gather3A_2561] in [0] : vector<16xi32>, vector<16xi32> -> vector<16xi32>
    %select_n3A_2563 = arith.select %eq3A_2552, %gather3A_2562, %select_n3A_2546 : vector<16xi1>, vector<16xi32>
    %get3A_2564 = arith.constant 656 : index
    %get3A_2565 = tpu.vector_load %arg9[%get3A_2564] {strides = array<i32>} : memref<1024xi32, #tpu.memory_space<vmem>>, vector<16xi32>,
    %get3A_2566 = vector.shape_cast %get3A_2565 : vector<16xi32> to vector<16xi32>
    %eq3A_2567 = arith.constant 9 : i32
    %eq3A_2568 = vector.broadcast %eq3A_2567 : i32 to vector<16xi32>
    %eq3A_2569 = arith.cmpi eq, %iota3A, %eq3A_2568 : vector<16xi32>
    %lt3A_2570 = arith.constant 0 : i32
    %lt3A_2571 = vector.broadcast %lt3A_2570 : i32 to vector<16xi32>
    %lt3A_2572 = arith.cmpi slt, %add3A_1852, %lt3A_2571 : vector<16xi32>
    %add3A_2573 = arith.constant 16 : i32
    %add3A_2574 = vector.broadcast %add3A_2573 : i32 to vector<16xi32>
    %add3A_2575 = arith.addi %add3A_1852, %add3A_2574 : vector<16xi32>
    %select_n3A_2576 = arith.select %lt3A_2572, %add3A_2575, %add3A_1852 : vector<16xi1>, vector<16xi32>
    %broadcast_in_dim3A_2577 = vector.shape_cast %select_n3A_2576 : vector<16xi32> to vector<16x1xi32>
    %gather3A_2578 = vector.shape_cast %broadcast_in_dim3A_2577 : vector<16x1xi32> to vector<16xi32>
    %gather3A_2579 = tpu.dynamic_gather %get3A_2566[%gather3A_2578] in [0] : vector<16xi32>, vector<16xi32> -> vector<16xi32>
    %select_n3A_2580 = arith.select %eq3A_2569, %gather3A_2579, %select_n3A_2563 : vector<16xi1>, vector<16xi32>
    %get3A_2581 = arith.constant 672 : index
    %get3A_2582 = tpu.vector_load %arg9[%get3A_2581] {strides = array<i32>} : memref<1024xi32, #tpu.memory_space<vmem>>, vector<16xi32>,
    %get3A_2583 = vector.shape_cast %get3A_2582 : vector<16xi32> to vector<16xi32>
    %eq3A_2584 = arith.constant 10 : i32
    %eq3A_2585 = vector.broadcast %eq3A_2584 : i32 to vector<16xi32>
    %eq3A_2586 = arith.cmpi eq, %iota3A, %eq3A_2585 : vector<16xi32>
    %lt3A_2587 = arith.constant 0 : i32
    %lt3A_2588 = vector.broadcast %lt3A_2587 : i32 to vector<16xi32>
    %lt3A_2589 = arith.cmpi slt, %add3A_1852, %lt3A_2588 : vector<16xi32>
    %add3A_2590 = arith.constant 16 : i32
    %add3A_2591 = vector.broadcast %add3A_2590 : i32 to vector<16xi32>
    %add3A_2592 = arith.addi %add3A_1852, %add3A_2591 : vector<16xi32>
    %select_n3A_2593 = arith.select %lt3A_2589, %add3A_2592, %add3A_1852 : vector<16xi1>, vector<16xi32>
    %broadcast_in_dim3A_2594 = vector.shape_cast %select_n3A_2593 : vector<16xi32> to vector<16x1xi32>
    %gather3A_2595 = vector.shape_cast %broadcast_in_dim3A_2594 : vector<16x1xi32> to vector<16xi32>
    %gather3A_2596 = tpu.dynamic_gather %get3A_2583[%gather3A_2595] in [0] : vector<16xi32>, vector<16xi32> -> vector<16xi32>
    %select_n3A_2597 = arith.select %eq3A_2586, %gather3A_2596, %select_n3A_2580 : vector<16xi1>, vector<16xi32>
    %get3A_2598 = arith.constant 688 : index
    %get3A_2599 = tpu.vector_load %arg9[%get3A_2598] {strides = array<i32>} : memref<1024xi32, #tpu.memory_space<vmem>>, vector<16xi32>,
    %get3A_2600 = vector.shape_cast %get3A_2599 : vector<16xi32> to vector<16xi32>
    %eq3A_2601 = arith.constant 11 : i32
    %eq3A_2602 = vector.broadcast %eq3A_2601 : i32 to vector<16xi32>
    %eq3A_2603 = arith.cmpi eq, %iota3A, %eq3A_2602 : vector<16xi32>
    %lt3A_2604 = arith.constant 0 : i32
    %lt3A_2605 = vector.broadcast %lt3A_2604 : i32 to vector<16xi32>
    %lt3A_2606 = arith.cmpi slt, %add3A_1852, %lt3A_2605 : vector<16xi32>
    %add3A_2607 = arith.constant 16 : i32
    %add3A_2608 = vector.broadcast %add3A_2607 : i32 to vector<16xi32>
    %add3A_2609 = arith.addi %add3A_1852, %add3A_2608 : vector<16xi32>
    %select_n3A_2610 = arith.select %lt3A_2606, %add3A_2609, %add3A_1852 : vector<16xi1>, vector<16xi32>
    %broadcast_in_dim3A_2611 = vector.shape_cast %select_n3A_2610 : vector<16xi32> to vector<16x1xi32>
    %gather3A_2612 = vector.shape_cast %broadcast_in_dim3A_2611 : vector<16x1xi32> to vector<16xi32>
    %gather3A_2613 = tpu.dynamic_gather %get3A_2600[%gather3A_2612] in [0] : vector<16xi32>, vector<16xi32> -> vector<16xi32>
    %select_n3A_2614 = arith.select %eq3A_2603, %gather3A_2613, %select_n3A_2597 : vector<16xi1>, vector<16xi32>
    %get3A_2615 = arith.constant 704 : index
    %get3A_2616 = tpu.vector_load %arg9[%get3A_2615] {strides = array<i32>} : memref<1024xi32, #tpu.memory_space<vmem>>, vector<16xi32>,
    %get3A_2617 = vector.shape_cast %get3A_2616 : vector<16xi32> to vector<16xi32>
    %eq3A_2618 = arith.constant 12 : i32
    %eq3A_2619 = vector.broadcast %eq3A_2618 : i32 to vector<16xi32>
    %eq3A_2620 = arith.cmpi eq, %iota3A, %eq3A_2619 : vector<16xi32>
    %lt3A_2621 = arith.constant 0 : i32
    %lt3A_2622 = vector.broadcast %lt3A_2621 : i32 to vector<16xi32>
    %lt3A_2623 = arith.cmpi slt, %add3A_1852, %lt3A_2622 : vector<16xi32>
    %add3A_2624 = arith.constant 16 : i32
    %add3A_2625 = vector.broadcast %add3A_2624 : i32 to vector<16xi32>
    %add3A_2626 = arith.addi %add3A_1852, %add3A_2625 : vector<16xi32>
    %select_n3A_2627 = arith.select %lt3A_2623, %add3A_2626, %add3A_1852 : vector<16xi1>, vector<16xi32>
    %broadcast_in_dim3A_2628 = vector.shape_cast %select_n3A_2627 : vector<16xi32> to vector<16x1xi32>
    %gather3A_2629 = vector.shape_cast %broadcast_in_dim3A_2628 : vector<16x1xi32> to vector<16xi32>
    %gather3A_2630 = tpu.dynamic_gather %get3A_2617[%gather3A_2629] in [0] : vector<16xi32>, vector<16xi32> -> vector<16xi32>
    %select_n3A_2631 = arith.select %eq3A_2620, %gather3A_2630, %select_n3A_2614 : vector<16xi1>, vector<16xi32>
    %get3A_2632 = arith.constant 720 : index
    %get3A_2633 = tpu.vector_load %arg9[%get3A_2632] {strides = array<i32>} : memref<1024xi32, #tpu.memory_space<vmem>>, vector<16xi32>,
    %get3A_2634 = vector.shape_cast %get3A_2633 : vector<16xi32> to vector<16xi32>
    %eq3A_2635 = arith.constant 13 : i32
    %eq3A_2636 = vector.broadcast %eq3A_2635 : i32 to vector<16xi32>
    %eq3A_2637 = arith.cmpi eq, %iota3A, %eq3A_2636 : vector<16xi32>
    %lt3A_2638 = arith.constant 0 : i32
    %lt3A_2639 = vector.broadcast %lt3A_2638 : i32 to vector<16xi32>
    %lt3A_2640 = arith.cmpi slt, %add3A_1852, %lt3A_2639 : vector<16xi32>
    %add3A_2641 = arith.constant 16 : i32
    %add3A_2642 = vector.broadcast %add3A_2641 : i32 to vector<16xi32>
    %add3A_2643 = arith.addi %add3A_1852, %add3A_2642 : vector<16xi32>
    %select_n3A_2644 = arith.select %lt3A_2640, %add3A_2643, %add3A_1852 : vector<16xi1>, vector<16xi32>
    %broadcast_in_dim3A_2645 = vector.shape_cast %select_n3A_2644 : vector<16xi32> to vector<16x1xi32>
    %gather3A_2646 = vector.shape_cast %broadcast_in_dim3A_2645 : vector<16x1xi32> to vector<16xi32>
    %gather3A_2647 = tpu.dynamic_gather %get3A_2634[%gather3A_2646] in [0] : vector<16xi32>, vector<16xi32> -> vector<16xi32>
    %select_n3A_2648 = arith.select %eq3A_2637, %gather3A_2647, %select_n3A_2631 : vector<16xi1>, vector<16xi32>
    %get3A_2649 = arith.constant 736 : index
    %get3A_2650 = tpu.vector_load %arg9[%get3A_2649] {strides = array<i32>} : memref<1024xi32, #tpu.memory_space<vmem>>, vector<16xi32>,
    %get3A_2651 = vector.shape_cast %get3A_2650 : vector<16xi32> to vector<16xi32>
    %eq3A_2652 = arith.constant 14 : i32
    %eq3A_2653 = vector.broadcast %eq3A_2652 : i32 to vector<16xi32>
    %eq3A_2654 = arith.cmpi eq, %iota3A, %eq3A_2653 : vector<16xi32>
    %lt3A_2655 = arith.constant 0 : i32
    %lt3A_2656 = vector.broadcast %lt3A_2655 : i32 to vector<16xi32>
    %lt3A_2657 = arith.cmpi slt, %add3A_1852, %lt3A_2656 : vector<16xi32>
    %add3A_2658 = arith.constant 16 : i32
    %add3A_2659 = vector.broadcast %add3A_2658 : i32 to vector<16xi32>
    %add3A_2660 = arith.addi %add3A_1852, %add3A_2659 : vector<16xi32>
    %select_n3A_2661 = arith.select %lt3A_2657, %add3A_2660, %add3A_1852 : vector<16xi1>, vector<16xi32>
    %broadcast_in_dim3A_2662 = vector.shape_cast %select_n3A_2661 : vector<16xi32> to vector<16x1xi32>
    %gather3A_2663 = vector.shape_cast %broadcast_in_dim3A_2662 : vector<16x1xi32> to vector<16xi32>
    %gather3A_2664 = tpu.dynamic_gather %get3A_2651[%gather3A_2663] in [0] : vector<16xi32>, vector<16xi32> -> vector<16xi32>
    %select_n3A_2665 = arith.select %eq3A_2654, %gather3A_2664, %select_n3A_2648 : vector<16xi1>, vector<16xi32>
    %get3A_2666 = arith.constant 752 : index
    %get3A_2667 = tpu.vector_load %arg9[%get3A_2666] {strides = array<i32>} : memref<1024xi32, #tpu.memory_space<vmem>>, vector<16xi32>,
    %get3A_2668 = vector.shape_cast %get3A_2667 : vector<16xi32> to vector<16xi32>
    %eq3A_2669 = arith.constant 15 : i32
    %eq3A_2670 = vector.broadcast %eq3A_2669 : i32 to vector<16xi32>
    %eq3A_2671 = arith.cmpi eq, %iota3A, %eq3A_2670 : vector<16xi32>
    %lt3A_2672 = arith.constant 0 : i32
    %lt3A_2673 = vector.broadcast %lt3A_2672 : i32 to vector<16xi32>
    %lt3A_2674 = arith.cmpi slt, %add3A_1852, %lt3A_2673 : vector<16xi32>
    %add3A_2675 = arith.constant 16 : i32
    %add3A_2676 = vector.broadcast %add3A_2675 : i32 to vector<16xi32>
    %add3A_2677 = arith.addi %add3A_1852, %add3A_2676 : vector<16xi32>
    %select_n3A_2678 = arith.select %lt3A_2674, %add3A_2677, %add3A_1852 : vector<16xi1>, vector<16xi32>
    %broadcast_in_dim3A_2679 = vector.shape_cast %select_n3A_2678 : vector<16xi32> to vector<16x1xi32>
    %gather3A_2680 = vector.shape_cast %broadcast_in_dim3A_2679 : vector<16x1xi32> to vector<16xi32>
    %gather3A_2681 = tpu.dynamic_gather %get3A_2668[%gather3A_2680] in [0] : vector<16xi32>, vector<16xi32> -> vector<16xi32>
    %select_n3A_2682 = arith.select %eq3A_2671, %gather3A_2681, %select_n3A_2665 : vector<16xi1>, vector<16xi32>
    %swap3A_2683 = arith.constant 32 : index
    %swap3A_2684 = tpu.vector_load %arg10[%swap3A_2683] {strides = array<i32>} : memref<64xi32, #tpu.memory_space<vmem>>, vector<16xi32>,
    %swap3A_2685 = vector.shape_cast %swap3A_2684 : vector<16xi32> to vector<16xi32>
    %swap3A_2686 = vector.shape_cast %select_n3A_2682 : vector<16xi32> to vector<16xi32>
    tpu.vector_store %arg10[%swap3A_2683], %swap3A_2686 {strides = array<i32>} : memref<64xi32, #tpu.memory_space<vmem>>, vector<16xi32>,
    %broadcast_in_dim3A_2687 = arith.constant 0 : i32
    %broadcast_in_dim3A_2688 = vector.broadcast %broadcast_in_dim3A_2687 : i32 to vector<16xi32>
    %get3A_2689 = arith.constant 768 : index
    %get3A_2690 = tpu.vector_load %arg9[%get3A_2689] {strides = array<i32>} : memref<1024xi32, #tpu.memory_space<vmem>>, vector<16xi32>,
    %get3A_2691 = vector.shape_cast %get3A_2690 : vector<16xi32> to vector<16xi32>
    %eq3A_2692 = arith.constant 0 : i32
    %eq3A_2693 = vector.broadcast %eq3A_2692 : i32 to vector<16xi32>
    %eq3A_2694 = arith.cmpi eq, %iota3A, %eq3A_2693 : vector<16xi32>
    %lt3A_2695 = arith.constant 0 : i32
    %lt3A_2696 = vector.broadcast %lt3A_2695 : i32 to vector<16xi32>
    %lt3A_2697 = arith.cmpi slt, %add3A_1852, %lt3A_2696 : vector<16xi32>
    %add3A_2698 = arith.constant 16 : i32
    %add3A_2699 = vector.broadcast %add3A_2698 : i32 to vector<16xi32>
    %add3A_2700 = arith.addi %add3A_1852, %add3A_2699 : vector<16xi32>
    %select_n3A_2701 = arith.select %lt3A_2697, %add3A_2700, %add3A_1852 : vector<16xi1>, vector<16xi32>
    %broadcast_in_dim3A_2702 = vector.shape_cast %select_n3A_2701 : vector<16xi32> to vector<16x1xi32>
    %gather3A_2703 = vector.shape_cast %broadcast_in_dim3A_2702 : vector<16x1xi32> to vector<16xi32>
    %gather3A_2704 = tpu.dynamic_gather %get3A_2691[%gather3A_2703] in [0] : vector<16xi32>, vector<16xi32> -> vector<16xi32>
    %select_n3A_2705 = arith.select %eq3A_2694, %gather3A_2704, %broadcast_in_dim3A_2688 : vector<16xi1>, vector<16xi32>
    %get3A_2706 = arith.constant 784 : index
    %get3A_2707 = tpu.vector_load %arg9[%get3A_2706] {strides = array<i32>} : memref<1024xi32, #tpu.memory_space<vmem>>, vector<16xi32>,
    %get3A_2708 = vector.shape_cast %get3A_2707 : vector<16xi32> to vector<16xi32>
    %eq3A_2709 = arith.constant 1 : i32
    %eq3A_2710 = vector.broadcast %eq3A_2709 : i32 to vector<16xi32>
    %eq3A_2711 = arith.cmpi eq, %iota3A, %eq3A_2710 : vector<16xi32>
    %lt3A_2712 = arith.constant 0 : i32
    %lt3A_2713 = vector.broadcast %lt3A_2712 : i32 to vector<16xi32>
    %lt3A_2714 = arith.cmpi slt, %add3A_1852, %lt3A_2713 : vector<16xi32>
    %add3A_2715 = arith.constant 16 : i32
    %add3A_2716 = vector.broadcast %add3A_2715 : i32 to vector<16xi32>
    %add3A_2717 = arith.addi %add3A_1852, %add3A_2716 : vector<16xi32>
    %select_n3A_2718 = arith.select %lt3A_2714, %add3A_2717, %add3A_1852 : vector<16xi1>, vector<16xi32>
    %broadcast_in_dim3A_2719 = vector.shape_cast %select_n3A_2718 : vector<16xi32> to vector<16x1xi32>
    %gather3A_2720 = vector.shape_cast %broadcast_in_dim3A_2719 : vector<16x1xi32> to vector<16xi32>
    %gather3A_2721 = tpu.dynamic_gather %get3A_2708[%gather3A_2720] in [0] : vector<16xi32>, vector<16xi32> -> vector<16xi32>
    %select_n3A_2722 = arith.select %eq3A_2711, %gather3A_2721, %select_n3A_2705 : vector<16xi1>, vector<16xi32>
    %get3A_2723 = arith.constant 800 : index
    %get3A_2724 = tpu.vector_load %arg9[%get3A_2723] {strides = array<i32>} : memref<1024xi32, #tpu.memory_space<vmem>>, vector<16xi32>,
    %get3A_2725 = vector.shape_cast %get3A_2724 : vector<16xi32> to vector<16xi32>
    %eq3A_2726 = arith.constant 2 : i32
    %eq3A_2727 = vector.broadcast %eq3A_2726 : i32 to vector<16xi32>
    %eq3A_2728 = arith.cmpi eq, %iota3A, %eq3A_2727 : vector<16xi32>
    %lt3A_2729 = arith.constant 0 : i32
    %lt3A_2730 = vector.broadcast %lt3A_2729 : i32 to vector<16xi32>
    %lt3A_2731 = arith.cmpi slt, %add3A_1852, %lt3A_2730 : vector<16xi32>
    %add3A_2732 = arith.constant 16 : i32
    %add3A_2733 = vector.broadcast %add3A_2732 : i32 to vector<16xi32>
    %add3A_2734 = arith.addi %add3A_1852, %add3A_2733 : vector<16xi32>
    %select_n3A_2735 = arith.select %lt3A_2731, %add3A_2734, %add3A_1852 : vector<16xi1>, vector<16xi32>
    %broadcast_in_dim3A_2736 = vector.shape_cast %select_n3A_2735 : vector<16xi32> to vector<16x1xi32>
    %gather3A_2737 = vector.shape_cast %broadcast_in_dim3A_2736 : vector<16x1xi32> to vector<16xi32>
    %gather3A_2738 = tpu.dynamic_gather %get3A_2725[%gather3A_2737] in [0] : vector<16xi32>, vector<16xi32> -> vector<16xi32>
    %select_n3A_2739 = arith.select %eq3A_2728, %gather3A_2738, %select_n3A_2722 : vector<16xi1>, vector<16xi32>
    %get3A_2740 = arith.constant 816 : index
    %get3A_2741 = tpu.vector_load %arg9[%get3A_2740] {strides = array<i32>} : memref<1024xi32, #tpu.memory_space<vmem>>, vector<16xi32>,
    %get3A_2742 = vector.shape_cast %get3A_2741 : vector<16xi32> to vector<16xi32>
    %eq3A_2743 = arith.constant 3 : i32
    %eq3A_2744 = vector.broadcast %eq3A_2743 : i32 to vector<16xi32>
    %eq3A_2745 = arith.cmpi eq, %iota3A, %eq3A_2744 : vector<16xi32>
    %lt3A_2746 = arith.constant 0 : i32
    %lt3A_2747 = vector.broadcast %lt3A_2746 : i32 to vector<16xi32>
    %lt3A_2748 = arith.cmpi slt, %add3A_1852, %lt3A_2747 : vector<16xi32>
    %add3A_2749 = arith.constant 16 : i32
    %add3A_2750 = vector.broadcast %add3A_2749 : i32 to vector<16xi32>
    %add3A_2751 = arith.addi %add3A_1852, %add3A_2750 : vector<16xi32>
    %select_n3A_2752 = arith.select %lt3A_2748, %add3A_2751, %add3A_1852 : vector<16xi1>, vector<16xi32>
    %broadcast_in_dim3A_2753 = vector.shape_cast %select_n3A_2752 : vector<16xi32> to vector<16x1xi32>
    %gather3A_2754 = vector.shape_cast %broadcast_in_dim3A_2753 : vector<16x1xi32> to vector<16xi32>
    %gather3A_2755 = tpu.dynamic_gather %get3A_2742[%gather3A_2754] in [0] : vector<16xi32>, vector<16xi32> -> vector<16xi32>
    %select_n3A_2756 = arith.select %eq3A_2745, %gather3A_2755, %select_n3A_2739 : vector<16xi1>, vector<16xi32>
    %get3A_2757 = arith.constant 832 : index
    %get3A_2758 = tpu.vector_load %arg9[%get3A_2757] {strides = array<i32>} : memref<1024xi32, #tpu.memory_space<vmem>>, vector<16xi32>,
    %get3A_2759 = vector.shape_cast %get3A_2758 : vector<16xi32> to vector<16xi32>
    %eq3A_2760 = arith.constant 4 : i32
    %eq3A_2761 = vector.broadcast %eq3A_2760 : i32 to vector<16xi32>
    %eq3A_2762 = arith.cmpi eq, %iota3A, %eq3A_2761 : vector<16xi32>
    %lt3A_2763 = arith.constant 0 : i32
    %lt3A_2764 = vector.broadcast %lt3A_2763 : i32 to vector<16xi32>
    %lt3A_2765 = arith.cmpi slt, %add3A_1852, %lt3A_2764 : vector<16xi32>
    %add3A_2766 = arith.constant 16 : i32
    %add3A_2767 = vector.broadcast %add3A_2766 : i32 to vector<16xi32>
    %add3A_2768 = arith.addi %add3A_1852, %add3A_2767 : vector<16xi32>
    %select_n3A_2769 = arith.select %lt3A_2765, %add3A_2768, %add3A_1852 : vector<16xi1>, vector<16xi32>
    %broadcast_in_dim3A_2770 = vector.shape_cast %select_n3A_2769 : vector<16xi32> to vector<16x1xi32>
    %gather3A_2771 = vector.shape_cast %broadcast_in_dim3A_2770 : vector<16x1xi32> to vector<16xi32>
    %gather3A_2772 = tpu.dynamic_gather %get3A_2759[%gather3A_2771] in [0] : vector<16xi32>, vector<16xi32> -> vector<16xi32>
    %select_n3A_2773 = arith.select %eq3A_2762, %gather3A_2772, %select_n3A_2756 : vector<16xi1>, vector<16xi32>
    %get3A_2774 = arith.constant 848 : index
    %get3A_2775 = tpu.vector_load %arg9[%get3A_2774] {strides = array<i32>} : memref<1024xi32, #tpu.memory_space<vmem>>, vector<16xi32>,
    %get3A_2776 = vector.shape_cast %get3A_2775 : vector<16xi32> to vector<16xi32>
    %eq3A_2777 = arith.constant 5 : i32
    %eq3A_2778 = vector.broadcast %eq3A_2777 : i32 to vector<16xi32>
    %eq3A_2779 = arith.cmpi eq, %iota3A, %eq3A_2778 : vector<16xi32>
    %lt3A_2780 = arith.constant 0 : i32
    %lt3A_2781 = vector.broadcast %lt3A_2780 : i32 to vector<16xi32>
    %lt3A_2782 = arith.cmpi slt, %add3A_1852, %lt3A_2781 : vector<16xi32>
    %add3A_2783 = arith.constant 16 : i32
    %add3A_2784 = vector.broadcast %add3A_2783 : i32 to vector<16xi32>
    %add3A_2785 = arith.addi %add3A_1852, %add3A_2784 : vector<16xi32>
    %select_n3A_2786 = arith.select %lt3A_2782, %add3A_2785, %add3A_1852 : vector<16xi1>, vector<16xi32>
    %broadcast_in_dim3A_2787 = vector.shape_cast %select_n3A_2786 : vector<16xi32> to vector<16x1xi32>
    %gather3A_2788 = vector.shape_cast %broadcast_in_dim3A_2787 : vector<16x1xi32> to vector<16xi32>
    %gather3A_2789 = tpu.dynamic_gather %get3A_2776[%gather3A_2788] in [0] : vector<16xi32>, vector<16xi32> -> vector<16xi32>
    %select_n3A_2790 = arith.select %eq3A_2779, %gather3A_2789, %select_n3A_2773 : vector<16xi1>, vector<16xi32>
    %get3A_2791 = arith.constant 864 : index
    %get3A_2792 = tpu.vector_load %arg9[%get3A_2791] {strides = array<i32>} : memref<1024xi32, #tpu.memory_space<vmem>>, vector<16xi32>,
    %get3A_2793 = vector.shape_cast %get3A_2792 : vector<16xi32> to vector<16xi32>
    %eq3A_2794 = arith.constant 6 : i32
    %eq3A_2795 = vector.broadcast %eq3A_2794 : i32 to vector<16xi32>
    %eq3A_2796 = arith.cmpi eq, %iota3A, %eq3A_2795 : vector<16xi32>
    %lt3A_2797 = arith.constant 0 : i32
    %lt3A_2798 = vector.broadcast %lt3A_2797 : i32 to vector<16xi32>
    %lt3A_2799 = arith.cmpi slt, %add3A_1852, %lt3A_2798 : vector<16xi32>
    %add3A_2800 = arith.constant 16 : i32
    %add3A_2801 = vector.broadcast %add3A_2800 : i32 to vector<16xi32>
    %add3A_2802 = arith.addi %add3A_1852, %add3A_2801 : vector<16xi32>
    %select_n3A_2803 = arith.select %lt3A_2799, %add3A_2802, %add3A_1852 : vector<16xi1>, vector<16xi32>
    %broadcast_in_dim3A_2804 = vector.shape_cast %select_n3A_2803 : vector<16xi32> to vector<16x1xi32>
    %gather3A_2805 = vector.shape_cast %broadcast_in_dim3A_2804 : vector<16x1xi32> to vector<16xi32>
    %gather3A_2806 = tpu.dynamic_gather %get3A_2793[%gather3A_2805] in [0] : vector<16xi32>, vector<16xi32> -> vector<16xi32>
    %select_n3A_2807 = arith.select %eq3A_2796, %gather3A_2806, %select_n3A_2790 : vector<16xi1>, vector<16xi32>
    %get3A_2808 = arith.constant 880 : index
    %get3A_2809 = tpu.vector_load %arg9[%get3A_2808] {strides = array<i32>} : memref<1024xi32, #tpu.memory_space<vmem>>, vector<16xi32>,
    %get3A_2810 = vector.shape_cast %get3A_2809 : vector<16xi32> to vector<16xi32>
    %eq3A_2811 = arith.constant 7 : i32
    %eq3A_2812 = vector.broadcast %eq3A_2811 : i32 to vector<16xi32>
    %eq3A_2813 = arith.cmpi eq, %iota3A, %eq3A_2812 : vector<16xi32>
    %lt3A_2814 = arith.constant 0 : i32
    %lt3A_2815 = vector.broadcast %lt3A_2814 : i32 to vector<16xi32>
    %lt3A_2816 = arith.cmpi slt, %add3A_1852, %lt3A_2815 : vector<16xi32>
    %add3A_2817 = arith.constant 16 : i32
    %add3A_2818 = vector.broadcast %add3A_2817 : i32 to vector<16xi32>
    %add3A_2819 = arith.addi %add3A_1852, %add3A_2818 : vector<16xi32>
    %select_n3A_2820 = arith.select %lt3A_2816, %add3A_2819, %add3A_1852 : vector<16xi1>, vector<16xi32>
    %broadcast_in_dim3A_2821 = vector.shape_cast %select_n3A_2820 : vector<16xi32> to vector<16x1xi32>
    %gather3A_2822 = vector.shape_cast %broadcast_in_dim3A_2821 : vector<16x1xi32> to vector<16xi32>
    %gather3A_2823 = tpu.dynamic_gather %get3A_2810[%gather3A_2822] in [0] : vector<16xi32>, vector<16xi32> -> vector<16xi32>
    %select_n3A_2824 = arith.select %eq3A_2813, %gather3A_2823, %select_n3A_2807 : vector<16xi1>, vector<16xi32>
    %get3A_2825 = arith.constant 896 : index
    %get3A_2826 = tpu.vector_load %arg9[%get3A_2825] {strides = array<i32>} : memref<1024xi32, #tpu.memory_space<vmem>>, vector<16xi32>,
    %get3A_2827 = vector.shape_cast %get3A_2826 : vector<16xi32> to vector<16xi32>
    %eq3A_2828 = arith.constant 8 : i32
    %eq3A_2829 = vector.broadcast %eq3A_2828 : i32 to vector<16xi32>
    %eq3A_2830 = arith.cmpi eq, %iota3A, %eq3A_2829 : vector<16xi32>
    %lt3A_2831 = arith.constant 0 : i32
    %lt3A_2832 = vector.broadcast %lt3A_2831 : i32 to vector<16xi32>
    %lt3A_2833 = arith.cmpi slt, %add3A_1852, %lt3A_2832 : vector<16xi32>
    %add3A_2834 = arith.constant 16 : i32
    %add3A_2835 = vector.broadcast %add3A_2834 : i32 to vector<16xi32>
    %add3A_2836 = arith.addi %add3A_1852, %add3A_2835 : vector<16xi32>
    %select_n3A_2837 = arith.select %lt3A_2833, %add3A_2836, %add3A_1852 : vector<16xi1>, vector<16xi32>
    %broadcast_in_dim3A_2838 = vector.shape_cast %select_n3A_2837 : vector<16xi32> to vector<16x1xi32>
    %gather3A_2839 = vector.shape_cast %broadcast_in_dim3A_2838 : vector<16x1xi32> to vector<16xi32>
    %gather3A_2840 = tpu.dynamic_gather %get3A_2827[%gather3A_2839] in [0] : vector<16xi32>, vector<16xi32> -> vector<16xi32>
    %select_n3A_2841 = arith.select %eq3A_2830, %gather3A_2840, %select_n3A_2824 : vector<16xi1>, vector<16xi32>
    %get3A_2842 = arith.constant 912 : index
    %get3A_2843 = tpu.vector_load %arg9[%get3A_2842] {strides = array<i32>} : memref<1024xi32, #tpu.memory_space<vmem>>, vector<16xi32>,
    %get3A_2844 = vector.shape_cast %get3A_2843 : vector<16xi32> to vector<16xi32>
    %eq3A_2845 = arith.constant 9 : i32
    %eq3A_2846 = vector.broadcast %eq3A_2845 : i32 to vector<16xi32>
    %eq3A_2847 = arith.cmpi eq, %iota3A, %eq3A_2846 : vector<16xi32>
    %lt3A_2848 = arith.constant 0 : i32
    %lt3A_2849 = vector.broadcast %lt3A_2848 : i32 to vector<16xi32>
    %lt3A_2850 = arith.cmpi slt, %add3A_1852, %lt3A_2849 : vector<16xi32>
    %add3A_2851 = arith.constant 16 : i32
    %add3A_2852 = vector.broadcast %add3A_2851 : i32 to vector<16xi32>
    %add3A_2853 = arith.addi %add3A_1852, %add3A_2852 : vector<16xi32>
    %select_n3A_2854 = arith.select %lt3A_2850, %add3A_2853, %add3A_1852 : vector<16xi1>, vector<16xi32>
    %broadcast_in_dim3A_2855 = vector.shape_cast %select_n3A_2854 : vector<16xi32> to vector<16x1xi32>
    %gather3A_2856 = vector.shape_cast %broadcast_in_dim3A_2855 : vector<16x1xi32> to vector<16xi32>
    %gather3A_2857 = tpu.dynamic_gather %get3A_2844[%gather3A_2856] in [0] : vector<16xi32>, vector<16xi32> -> vector<16xi32>
    %select_n3A_2858 = arith.select %eq3A_2847, %gather3A_2857, %select_n3A_2841 : vector<16xi1>, vector<16xi32>
    %get3A_2859 = arith.constant 928 : index
    %get3A_2860 = tpu.vector_load %arg9[%get3A_2859] {strides = array<i32>} : memref<1024xi32, #tpu.memory_space<vmem>>, vector<16xi32>,
    %get3A_2861 = vector.shape_cast %get3A_2860 : vector<16xi32> to vector<16xi32>
    %eq3A_2862 = arith.constant 10 : i32
    %eq3A_2863 = vector.broadcast %eq3A_2862 : i32 to vector<16xi32>
    %eq3A_2864 = arith.cmpi eq, %iota3A, %eq3A_2863 : vector<16xi32>
    %lt3A_2865 = arith.constant 0 : i32
    %lt3A_2866 = vector.broadcast %lt3A_2865 : i32 to vector<16xi32>
    %lt3A_2867 = arith.cmpi slt, %add3A_1852, %lt3A_2866 : vector<16xi32>
    %add3A_2868 = arith.constant 16 : i32
    %add3A_2869 = vector.broadcast %add3A_2868 : i32 to vector<16xi32>
    %add3A_2870 = arith.addi %add3A_1852, %add3A_2869 : vector<16xi32>
    %select_n3A_2871 = arith.select %lt3A_2867, %add3A_2870, %add3A_1852 : vector<16xi1>, vector<16xi32>
    %broadcast_in_dim3A_2872 = vector.shape_cast %select_n3A_2871 : vector<16xi32> to vector<16x1xi32>
    %gather3A_2873 = vector.shape_cast %broadcast_in_dim3A_2872 : vector<16x1xi32> to vector<16xi32>
    %gather3A_2874 = tpu.dynamic_gather %get3A_2861[%gather3A_2873] in [0] : vector<16xi32>, vector<16xi32> -> vector<16xi32>
    %select_n3A_2875 = arith.select %eq3A_2864, %gather3A_2874, %select_n3A_2858 : vector<16xi1>, vector<16xi32>
    %get3A_2876 = arith.constant 944 : index
    %get3A_2877 = tpu.vector_load %arg9[%get3A_2876] {strides = array<i32>} : memref<1024xi32, #tpu.memory_space<vmem>>, vector<16xi32>,
    %get3A_2878 = vector.shape_cast %get3A_2877 : vector<16xi32> to vector<16xi32>
    %eq3A_2879 = arith.constant 11 : i32
    %eq3A_2880 = vector.broadcast %eq3A_2879 : i32 to vector<16xi32>
    %eq3A_2881 = arith.cmpi eq, %iota3A, %eq3A_2880 : vector<16xi32>
    %lt3A_2882 = arith.constant 0 : i32
    %lt3A_2883 = vector.broadcast %lt3A_2882 : i32 to vector<16xi32>
    %lt3A_2884 = arith.cmpi slt, %add3A_1852, %lt3A_2883 : vector<16xi32>
    %add3A_2885 = arith.constant 16 : i32
    %add3A_2886 = vector.broadcast %add3A_2885 : i32 to vector<16xi32>
    %add3A_2887 = arith.addi %add3A_1852, %add3A_2886 : vector<16xi32>
    %select_n3A_2888 = arith.select %lt3A_2884, %add3A_2887, %add3A_1852 : vector<16xi1>, vector<16xi32>
    %broadcast_in_dim3A_2889 = vector.shape_cast %select_n3A_2888 : vector<16xi32> to vector<16x1xi32>
    %gather3A_2890 = vector.shape_cast %broadcast_in_dim3A_2889 : vector<16x1xi32> to vector<16xi32>
    %gather3A_2891 = tpu.dynamic_gather %get3A_2878[%gather3A_2890] in [0] : vector<16xi32>, vector<16xi32> -> vector<16xi32>
    %select_n3A_2892 = arith.select %eq3A_2881, %gather3A_2891, %select_n3A_2875 : vector<16xi1>, vector<16xi32>
    %get3A_2893 = arith.constant 960 : index
    %get3A_2894 = tpu.vector_load %arg9[%get3A_2893] {strides = array<i32>} : memref<1024xi32, #tpu.memory_space<vmem>>, vector<16xi32>,
    %get3A_2895 = vector.shape_cast %get3A_2894 : vector<16xi32> to vector<16xi32>
    %eq3A_2896 = arith.constant 12 : i32
    %eq3A_2897 = vector.broadcast %eq3A_2896 : i32 to vector<16xi32>
    %eq3A_2898 = arith.cmpi eq, %iota3A, %eq3A_2897 : vector<16xi32>
    %lt3A_2899 = arith.constant 0 : i32
    %lt3A_2900 = vector.broadcast %lt3A_2899 : i32 to vector<16xi32>
    %lt3A_2901 = arith.cmpi slt, %add3A_1852, %lt3A_2900 : vector<16xi32>
    %add3A_2902 = arith.constant 16 : i32
    %add3A_2903 = vector.broadcast %add3A_2902 : i32 to vector<16xi32>
    %add3A_2904 = arith.addi %add3A_1852, %add3A_2903 : vector<16xi32>
    %select_n3A_2905 = arith.select %lt3A_2901, %add3A_2904, %add3A_1852 : vector<16xi1>, vector<16xi32>
    %broadcast_in_dim3A_2906 = vector.shape_cast %select_n3A_2905 : vector<16xi32> to vector<16x1xi32>
    %gather3A_2907 = vector.shape_cast %broadcast_in_dim3A_2906 : vector<16x1xi32> to vector<16xi32>
    %gather3A_2908 = tpu.dynamic_gather %get3A_2895[%gather3A_2907] in [0] : vector<16xi32>, vector<16xi32> -> vector<16xi32>
    %select_n3A_2909 = arith.select %eq3A_2898, %gather3A_2908, %select_n3A_2892 : vector<16xi1>, vector<16xi32>
    %get3A_2910 = arith.constant 976 : index
    %get3A_2911 = tpu.vector_load %arg9[%get3A_2910] {strides = array<i32>} : memref<1024xi32, #tpu.memory_space<vmem>>, vector<16xi32>,
    %get3A_2912 = vector.shape_cast %get3A_2911 : vector<16xi32> to vector<16xi32>
    %eq3A_2913 = arith.constant 13 : i32
    %eq3A_2914 = vector.broadcast %eq3A_2913 : i32 to vector<16xi32>
    %eq3A_2915 = arith.cmpi eq, %iota3A, %eq3A_2914 : vector<16xi32>
    %lt3A_2916 = arith.constant 0 : i32
    %lt3A_2917 = vector.broadcast %lt3A_2916 : i32 to vector<16xi32>
    %lt3A_2918 = arith.cmpi slt, %add3A_1852, %lt3A_2917 : vector<16xi32>
    %add3A_2919 = arith.constant 16 : i32
    %add3A_2920 = vector.broadcast %add3A_2919 : i32 to vector<16xi32>
    %add3A_2921 = arith.addi %add3A_1852, %add3A_2920 : vector<16xi32>
    %select_n3A_2922 = arith.select %lt3A_2918, %add3A_2921, %add3A_1852 : vector<16xi1>, vector<16xi32>
    %broadcast_in_dim3A_2923 = vector.shape_cast %select_n3A_2922 : vector<16xi32> to vector<16x1xi32>
    %gather3A_2924 = vector.shape_cast %broadcast_in_dim3A_2923 : vector<16x1xi32> to vector<16xi32>
    %gather3A_2925 = tpu.dynamic_gather %get3A_2912[%gather3A_2924] in [0] : vector<16xi32>, vector<16xi32> -> vector<16xi32>
    %select_n3A_2926 = arith.select %eq3A_2915, %gather3A_2925, %select_n3A_2909 : vector<16xi1>, vector<16xi32>
    %get3A_2927 = arith.constant 992 : index
    %get3A_2928 = tpu.vector_load %arg9[%get3A_2927] {strides = array<i32>} : memref<1024xi32, #tpu.memory_space<vmem>>, vector<16xi32>,
    %get3A_2929 = vector.shape_cast %get3A_2928 : vector<16xi32> to vector<16xi32>
    %eq3A_2930 = arith.constant 14 : i32
    %eq3A_2931 = vector.broadcast %eq3A_2930 : i32 to vector<16xi32>
    %eq3A_2932 = arith.cmpi eq, %iota3A, %eq3A_2931 : vector<16xi32>
    %lt3A_2933 = arith.constant 0 : i32
    %lt3A_2934 = vector.broadcast %lt3A_2933 : i32 to vector<16xi32>
    %lt3A_2935 = arith.cmpi slt, %add3A_1852, %lt3A_2934 : vector<16xi32>
    %add3A_2936 = arith.constant 16 : i32
    %add3A_2937 = vector.broadcast %add3A_2936 : i32 to vector<16xi32>
    %add3A_2938 = arith.addi %add3A_1852, %add3A_2937 : vector<16xi32>
    %select_n3A_2939 = arith.select %lt3A_2935, %add3A_2938, %add3A_1852 : vector<16xi1>, vector<16xi32>
    %broadcast_in_dim3A_2940 = vector.shape_cast %select_n3A_2939 : vector<16xi32> to vector<16x1xi32>
    %gather3A_2941 = vector.shape_cast %broadcast_in_dim3A_2940 : vector<16x1xi32> to vector<16xi32>
    %gather3A_2942 = tpu.dynamic_gather %get3A_2929[%gather3A_2941] in [0] : vector<16xi32>, vector<16xi32> -> vector<16xi32>
    %select_n3A_2943 = arith.select %eq3A_2932, %gather3A_2942, %select_n3A_2926 : vector<16xi1>, vector<16xi32>
    %get3A_2944 = arith.constant 1008 : index
    %get3A_2945 = tpu.vector_load %arg9[%get3A_2944] {strides = array<i32>} : memref<1024xi32, #tpu.memory_space<vmem>>, vector<16xi32>,
    %get3A_2946 = vector.shape_cast %get3A_2945 : vector<16xi32> to vector<16xi32>
    %eq3A_2947 = arith.constant 15 : i32
    %eq3A_2948 = vector.broadcast %eq3A_2947 : i32 to vector<16xi32>
    %eq3A_2949 = arith.cmpi eq, %iota3A, %eq3A_2948 : vector<16xi32>
    %lt3A_2950 = arith.constant 0 : i32
    %lt3A_2951 = vector.broadcast %lt3A_2950 : i32 to vector<16xi32>
    %lt3A_2952 = arith.cmpi slt, %add3A_1852, %lt3A_2951 : vector<16xi32>
    %add3A_2953 = arith.constant 16 : i32
    %add3A_2954 = vector.broadcast %add3A_2953 : i32 to vector<16xi32>
    %add3A_2955 = arith.addi %add3A_1852, %add3A_2954 : vector<16xi32>
    %select_n3A_2956 = arith.select %lt3A_2952, %add3A_2955, %add3A_1852 : vector<16xi1>, vector<16xi32>
    %broadcast_in_dim3A_2957 = vector.shape_cast %select_n3A_2956 : vector<16xi32> to vector<16x1xi32>
    %gather3A_2958 = vector.shape_cast %broadcast_in_dim3A_2957 : vector<16x1xi32> to vector<16xi32>
    %gather3A_2959 = tpu.dynamic_gather %get3A_2946[%gather3A_2958] in [0] : vector<16xi32>, vector<16xi32> -> vector<16xi32>
    %select_n3A_2960 = arith.select %eq3A_2949, %gather3A_2959, %select_n3A_2943 : vector<16xi1>, vector<16xi32>
    %swap3A_2961 = arith.constant 48 : index
    %swap3A_2962 = tpu.vector_load %arg10[%swap3A_2961] {strides = array<i32>} : memref<64xi32, #tpu.memory_space<vmem>>, vector<16xi32>,
    %swap3A_2963 = vector.shape_cast %swap3A_2962 : vector<16xi32> to vector<16xi32>
    %swap3A_2964 = vector.shape_cast %select_n3A_2960 : vector<16xi32> to vector<16xi32>
    tpu.vector_store %arg10[%swap3A_2961], %swap3A_2964 {strides = array<i32>} : memref<64xi32, #tpu.memory_space<vmem>>, vector<16xi32>,
    %dma_start3A_2965 = arith.constant 0 : i32
    %dma_start3A_2966 = arith.constant 0 : i32
    %dma_start3A_2967 = tpu.memref_slice %arg4[%dma_start3A_2965, %dma_start3A_2966] : memref<100000x128xf32, #tpu.memory_space<hbm>> -> memref<100000x128xf32, #tpu.memory_space<hbm>>
    tpu.enqueue_indirect_dma source(%dma_start3A_2967 : memref<100000x128xf32, #tpu.memory_space<hbm>>) target(%arg11 : memref<64x128xf32, #tpu.memory_space<vmem>>) offsets(%arg10 : memref<64xi32, #tpu.memory_space<vmem>>) semaphore(%arg13 : memref<!tpu.dma_semaphore, #tpu.memory_space<semaphore_mem>>)
    %dma_wait3A_2968 = arith.constant 0 : i32
    %dma_wait3A_2969 = arith.constant 0 : i32
    %dma_wait3A_2970 = tpu.memref_slice %arg4[%dma_wait3A_2968, %dma_wait3A_2969] : memref<100000x128xf32, #tpu.memory_space<hbm>> -> memref<100000x128xf32, #tpu.memory_space<hbm>>
    tpu.wait_indirect_dma semaphore(%arg13 : memref<!tpu.dma_semaphore, #tpu.memory_space<semaphore_mem>>) src(%dma_wait3A_2970 : memref<100000x128xf32, #tpu.memory_space<hbm>>) dst(%arg11 : memref<64x128xf32, #tpu.memory_space<vmem>>)
    "tpu.region"() ({
      %run_scoped3A = tpu.sem_alloc : memref<!tpu.dma_semaphore, #tpu.memory_space<semaphore_mem>>
      %dma_start3A_2971 = arith.constant 0 : i32
      %dma_start3A_2972 = tpu.memref_slice %arg5[%mul3A_2, %dma_start3A_2971] : memref<2048x128xf32, #tpu.memory_space<hbm>> -> memref<64x128xf32, #tpu.memory_space<hbm>>
      %dma_start3A_2973 = arith.constant 0 : i32
      %dma_start3A_2974 = tpu.memref_slice %arg5[%mul3A_2, %dma_start3A_2973] : memref<2048x128xf32, #tpu.memory_space<hbm>> -> memref<64x128xf32, #tpu.memory_space<hbm>>
      tpu.enqueue_dma source(%arg11 : memref<64x128xf32, #tpu.memory_space<vmem>>) target(%dma_start3A_2974 : memref<64x128xf32, #tpu.memory_space<hbm>>) target_semaphore(%run_scoped3A : memref<!tpu.dma_semaphore, #tpu.memory_space<semaphore_mem>>)
      %dma_wait3A_2975 = arith.constant 0 : i32
      %dma_wait3A_2976 = tpu.memref_slice %arg5[%mul3A_2, %dma_wait3A_2975] : memref<2048x128xf32, #tpu.memory_space<hbm>> -> memref<64x128xf32, #tpu.memory_space<hbm>>
      %dma_wait3A_2977 = arith.constant 0 : i32
      %dma_wait3A_2978 = tpu.memref_slice %arg5[%mul3A_2, %dma_wait3A_2977] : memref<2048x128xf32, #tpu.memory_space<hbm>> -> memref<64x128xf32, #tpu.memory_space<hbm>>
      tpu.wait_dma2 semaphore(%run_scoped3A : memref<!tpu.dma_semaphore, #tpu.memory_space<semaphore_mem>>) src(%arg11 : memref<64x128xf32, #tpu.memory_space<vmem>>) dst(%dma_wait3A_2978 : memref<64x128xf32, #tpu.memory_space<hbm>>)
      tpu.yield
    }) : () -> ()
    return
  }
}

module attributes {stable_mosaic.version = 14 : i64} {
  func.func @_tc_loss_body(%arg0: memref<256x128xf32, #tpu.memory_space<vmem>>, %arg1: memref<2048x128xf32, #tpu.memory_space<vmem>>, %arg2: memref<1x1xf32, #tpu.memory_space<smem>>) attributes {dimension_semantics = [], scalar_prefetch = 0 : i64, scratch_operands = 0 : i64, tpu.core_type = #tpu.core_type<tc>} {
    %get3A = arith.constant 0 : index
    %get3A_0 = arith.constant 0 : index
    %get3A_1 = vector.load %arg0[%get3A, %get3A_0] : memref<256x128xf32, #tpu.memory_space<vmem>>, vector<256x128xf32>
    %mul3A = arith.mulf %get3A_1, %get3A_1 : vector<256x128xf32>
    %reduce_sum3A = arith.constant dense<0.000000e+00> : vector<256xf32>
    %reduce_sum3A_2 = vector.multi_reduction <add>, %mul3A, %reduce_sum3A [1] : vector<256x128xf32> to vector<256xf32>
    %dot_general3A = arith.constant dense<0.000000e+00> : vector<256x256xf32>
    %dot_general3A_3 = tpu.matmul %get3A_1, %get3A_1, %dot_general3A {dimension_numbers = #tpu.dot_dimension_numbers<[1], [1], [0], [0], [0, 0, 1, 0], [], []>, transpose_lhs_hint = false} : vector<256x128xf32>, vector<256x128xf32>, vector<256x256xf32> -> vector<256x256xf32>
    %broadcast_in_dim3A = vector.shape_cast %reduce_sum3A_2 : vector<256xf32> to vector<256x1xf32>
    %broadcast_in_dim3A_4 = vector.shape_cast %reduce_sum3A_2 : vector<256xf32> to vector<1x256xf32>
    %add3A = vector.broadcast %broadcast_in_dim3A : vector<256x1xf32> to vector<256x256xf32>
    %add3A_5 = vector.broadcast %broadcast_in_dim3A_4 : vector<1x256xf32> to vector<256x256xf32>
    %add3A_6 = arith.addf %add3A, %add3A_5 : vector<256x256xf32>
    %mul3A_7 = arith.constant 2.000000e+00 : f32
    %mul3A_8 = vector.broadcast %mul3A_7 : f32 to vector<256x256xf32>
    %mul3A_9 = arith.mulf %mul3A_8, %dot_general3A_3 : vector<256x256xf32>
    %sub3A = arith.subf %add3A_6, %mul3A_9 : vector<256x256xf32>
    %max3A = arith.constant 0.000000e+00 : f32
    %max3A_10 = vector.broadcast %max3A : f32 to vector<256x256xf32>
    %max3A_11 = arith.maximumf %sub3A, %max3A_10 : vector<256x256xf32>
    %sqrt3A = math.sqrt %max3A_11 : vector<256x256xf32>
    %add3A_12 = arith.constant 1.000000e+00 : f32
    %add3A_13 = vector.broadcast %add3A_12 : f32 to vector<256x256xf32>
    %add3A_14 = arith.addf %add3A_13, %sqrt3A : vector<256x256xf32>
    %div3A = arith.constant 1.000000e+00 : f32
    %div3A_15 = vector.broadcast %div3A : f32 to vector<256x256xf32>
    %div3A_16 = arith.divf %div3A_15, %add3A_14 : vector<256x256xf32>
    %add3A_17 = arith.constant 1.000000e+00 : f32
    %add3A_18 = vector.broadcast %add3A_17 : f32 to vector<256x256xf32>
    %add3A_19 = arith.addf %add3A_18, %div3A_16 : vector<256x256xf32>
    %div3A_20 = arith.constant 7.000000e-02 : f32
    %div3A_21 = vector.broadcast %div3A_20 : f32 to vector<256x256xf32>
    %div3A_22 = arith.divf %add3A_19, %div3A_21 : vector<256x256xf32>
    %broadcast_in_dim3A_23 = arith.constant 0.000000e+00 : f32
    %broadcast_in_dim3A_24 = vector.broadcast %broadcast_in_dim3A_23 : f32 to vector<256x128xf32>
    %broadcast_in_dim3A_25 = arith.constant 0.000000e+00 : f32
    %broadcast_in_dim3A_26 = vector.broadcast %broadcast_in_dim3A_25 : f32 to vector<128x256xf32>
    %get3A_27 = arith.constant 0 : index
    %get3A_28 = arith.constant 0 : index
    %get3A_29 = vector.load %arg1[%get3A_27, %get3A_28] : memref<2048x128xf32, #tpu.memory_space<vmem>>, vector<128x128xf32>
    %mul3A_30 = arith.mulf %get3A_29, %get3A_29 : vector<128x128xf32>
    %reduce_sum3A_31 = arith.constant dense<0.000000e+00> : vector<128xf32>
    %reduce_sum3A_32 = vector.multi_reduction <add>, %mul3A_30, %reduce_sum3A_31 [1] : vector<128x128xf32> to vector<128xf32>
    %dot_general3A_33 = arith.constant dense<0.000000e+00> : vector<256x128xf32>
    %dot_general3A_34 = tpu.matmul %get3A_1, %get3A_29, %dot_general3A_33 {dimension_numbers = #tpu.dot_dimension_numbers<[1], [1], [0], [0], [0, 0, 1, 0], [], []>, transpose_lhs_hint = false} : vector<256x128xf32>, vector<128x128xf32>, vector<256x128xf32> -> vector<256x128xf32>
    %broadcast_in_dim3A_35 = vector.shape_cast %reduce_sum3A_2 : vector<256xf32> to vector<256x1xf32>
    %broadcast_in_dim3A_36 = vector.shape_cast %reduce_sum3A_32 : vector<128xf32> to vector<1x128xf32>
    %add3A_37 = vector.broadcast %broadcast_in_dim3A_35 : vector<256x1xf32> to vector<256x128xf32>
    %add3A_38 = vector.broadcast %broadcast_in_dim3A_36 : vector<1x128xf32> to vector<256x128xf32>
    %add3A_39 = arith.addf %add3A_37, %add3A_38 : vector<256x128xf32>
    %mul3A_40 = arith.constant 2.000000e+00 : f32
    %mul3A_41 = vector.broadcast %mul3A_40 : f32 to vector<256x128xf32>
    %mul3A_42 = arith.mulf %mul3A_41, %dot_general3A_34 : vector<256x128xf32>
    %sub3A_43 = arith.subf %add3A_39, %mul3A_42 : vector<256x128xf32>
    %max3A_44 = arith.constant 0.000000e+00 : f32
    %max3A_45 = vector.broadcast %max3A_44 : f32 to vector<256x128xf32>
    %max3A_46 = arith.maximumf %sub3A_43, %max3A_45 : vector<256x128xf32>
    %sqrt3A_47 = math.sqrt %max3A_46 : vector<256x128xf32>
    %add3A_48 = arith.constant 1.000000e+00 : f32
    %add3A_49 = vector.broadcast %add3A_48 : f32 to vector<256x128xf32>
    %add3A_50 = arith.addf %add3A_49, %sqrt3A_47 : vector<256x128xf32>
    %div3A_51 = arith.constant 1.000000e+00 : f32
    %div3A_52 = vector.broadcast %div3A_51 : f32 to vector<256x128xf32>
    %div3A_53 = arith.divf %div3A_52, %add3A_50 : vector<256x128xf32>
    %add3A_54 = arith.constant 1.000000e+00 : f32
    %add3A_55 = vector.broadcast %add3A_54 : f32 to vector<256x128xf32>
    %add3A_56 = arith.addf %add3A_55, %div3A_53 : vector<256x128xf32>
    %div3A_57 = arith.constant 7.000000e-02 : f32
    %div3A_58 = vector.broadcast %div3A_57 : f32 to vector<256x128xf32>
    %div3A_59 = arith.divf %add3A_56, %div3A_58 : vector<256x128xf32>
    %add3A_60 = arith.addf %broadcast_in_dim3A_24, %div3A_59 : vector<256x128xf32>
    %dot_general3A_61 = arith.constant dense<0.000000e+00> : vector<128x256xf32>
    %dot_general3A_62 = tpu.matmul %get3A_29, %get3A_1, %dot_general3A_61 {dimension_numbers = #tpu.dot_dimension_numbers<[1], [1], [0], [0], [0, 0, 1, 0], [], []>, transpose_lhs_hint = false} : vector<128x128xf32>, vector<256x128xf32>, vector<128x256xf32> -> vector<128x256xf32>
    %broadcast_in_dim3A_63 = vector.shape_cast %reduce_sum3A_32 : vector<128xf32> to vector<128x1xf32>
    %broadcast_in_dim3A_64 = vector.shape_cast %reduce_sum3A_2 : vector<256xf32> to vector<1x256xf32>
    %add3A_65 = vector.broadcast %broadcast_in_dim3A_63 : vector<128x1xf32> to vector<128x256xf32>
    %add3A_66 = vector.broadcast %broadcast_in_dim3A_64 : vector<1x256xf32> to vector<128x256xf32>
    %add3A_67 = arith.addf %add3A_65, %add3A_66 : vector<128x256xf32>
    %mul3A_68 = arith.constant 2.000000e+00 : f32
    %mul3A_69 = vector.broadcast %mul3A_68 : f32 to vector<128x256xf32>
    %mul3A_70 = arith.mulf %mul3A_69, %dot_general3A_62 : vector<128x256xf32>
    %sub3A_71 = arith.subf %add3A_67, %mul3A_70 : vector<128x256xf32>
    %max3A_72 = arith.constant 0.000000e+00 : f32
    %max3A_73 = vector.broadcast %max3A_72 : f32 to vector<128x256xf32>
    %max3A_74 = arith.maximumf %sub3A_71, %max3A_73 : vector<128x256xf32>
    %sqrt3A_75 = math.sqrt %max3A_74 : vector<128x256xf32>
    %add3A_76 = arith.constant 1.000000e+00 : f32
    %add3A_77 = vector.broadcast %add3A_76 : f32 to vector<128x256xf32>
    %add3A_78 = arith.addf %add3A_77, %sqrt3A_75 : vector<128x256xf32>
    %div3A_79 = arith.constant 1.000000e+00 : f32
    %div3A_80 = vector.broadcast %div3A_79 : f32 to vector<128x256xf32>
    %div3A_81 = arith.divf %div3A_80, %add3A_78 : vector<128x256xf32>
    %add3A_82 = arith.constant 1.000000e+00 : f32
    %add3A_83 = vector.broadcast %add3A_82 : f32 to vector<128x256xf32>
    %add3A_84 = arith.addf %add3A_83, %div3A_81 : vector<128x256xf32>
    %div3A_85 = arith.constant 7.000000e-02 : f32
    %div3A_86 = vector.broadcast %div3A_85 : f32 to vector<128x256xf32>
    %div3A_87 = arith.divf %add3A_84, %div3A_86 : vector<128x256xf32>
    %add3A_88 = arith.addf %broadcast_in_dim3A_26, %div3A_87 : vector<128x256xf32>
    %get3A_89 = arith.constant 128 : index
    %get3A_90 = arith.constant 0 : index
    %get3A_91 = vector.load %arg1[%get3A_89, %get3A_90] : memref<2048x128xf32, #tpu.memory_space<vmem>>, vector<128x128xf32>
    %mul3A_92 = arith.mulf %get3A_91, %get3A_91 : vector<128x128xf32>
    %reduce_sum3A_93 = arith.constant dense<0.000000e+00> : vector<128xf32>
    %reduce_sum3A_94 = vector.multi_reduction <add>, %mul3A_92, %reduce_sum3A_93 [1] : vector<128x128xf32> to vector<128xf32>
    %dot_general3A_95 = arith.constant dense<0.000000e+00> : vector<256x128xf32>
    %dot_general3A_96 = tpu.matmul %get3A_1, %get3A_91, %dot_general3A_95 {dimension_numbers = #tpu.dot_dimension_numbers<[1], [1], [0], [0], [0, 0, 1, 0], [], []>, transpose_lhs_hint = false} : vector<256x128xf32>, vector<128x128xf32>, vector<256x128xf32> -> vector<256x128xf32>
    %broadcast_in_dim3A_97 = vector.shape_cast %reduce_sum3A_2 : vector<256xf32> to vector<256x1xf32>
    %broadcast_in_dim3A_98 = vector.shape_cast %reduce_sum3A_94 : vector<128xf32> to vector<1x128xf32>
    %add3A_99 = vector.broadcast %broadcast_in_dim3A_97 : vector<256x1xf32> to vector<256x128xf32>
    %add3A_100 = vector.broadcast %broadcast_in_dim3A_98 : vector<1x128xf32> to vector<256x128xf32>
    %add3A_101 = arith.addf %add3A_99, %add3A_100 : vector<256x128xf32>
    %mul3A_102 = arith.constant 2.000000e+00 : f32
    %mul3A_103 = vector.broadcast %mul3A_102 : f32 to vector<256x128xf32>
    %mul3A_104 = arith.mulf %mul3A_103, %dot_general3A_96 : vector<256x128xf32>
    %sub3A_105 = arith.subf %add3A_101, %mul3A_104 : vector<256x128xf32>
    %max3A_106 = arith.constant 0.000000e+00 : f32
    %max3A_107 = vector.broadcast %max3A_106 : f32 to vector<256x128xf32>
    %max3A_108 = arith.maximumf %sub3A_105, %max3A_107 : vector<256x128xf32>
    %sqrt3A_109 = math.sqrt %max3A_108 : vector<256x128xf32>
    %add3A_110 = arith.constant 1.000000e+00 : f32
    %add3A_111 = vector.broadcast %add3A_110 : f32 to vector<256x128xf32>
    %add3A_112 = arith.addf %add3A_111, %sqrt3A_109 : vector<256x128xf32>
    %div3A_113 = arith.constant 1.000000e+00 : f32
    %div3A_114 = vector.broadcast %div3A_113 : f32 to vector<256x128xf32>
    %div3A_115 = arith.divf %div3A_114, %add3A_112 : vector<256x128xf32>
    %add3A_116 = arith.constant 1.000000e+00 : f32
    %add3A_117 = vector.broadcast %add3A_116 : f32 to vector<256x128xf32>
    %add3A_118 = arith.addf %add3A_117, %div3A_115 : vector<256x128xf32>
    %div3A_119 = arith.constant 7.000000e-02 : f32
    %div3A_120 = vector.broadcast %div3A_119 : f32 to vector<256x128xf32>
    %div3A_121 = arith.divf %add3A_118, %div3A_120 : vector<256x128xf32>
    %add3A_122 = arith.addf %add3A_60, %div3A_121 : vector<256x128xf32>
    %dot_general3A_123 = arith.constant dense<0.000000e+00> : vector<128x256xf32>
    %dot_general3A_124 = tpu.matmul %get3A_91, %get3A_1, %dot_general3A_123 {dimension_numbers = #tpu.dot_dimension_numbers<[1], [1], [0], [0], [0, 0, 1, 0], [], []>, transpose_lhs_hint = false} : vector<128x128xf32>, vector<256x128xf32>, vector<128x256xf32> -> vector<128x256xf32>
    %broadcast_in_dim3A_125 = vector.shape_cast %reduce_sum3A_94 : vector<128xf32> to vector<128x1xf32>
    %broadcast_in_dim3A_126 = vector.shape_cast %reduce_sum3A_2 : vector<256xf32> to vector<1x256xf32>
    %add3A_127 = vector.broadcast %broadcast_in_dim3A_125 : vector<128x1xf32> to vector<128x256xf32>
    %add3A_128 = vector.broadcast %broadcast_in_dim3A_126 : vector<1x256xf32> to vector<128x256xf32>
    %add3A_129 = arith.addf %add3A_127, %add3A_128 : vector<128x256xf32>
    %mul3A_130 = arith.constant 2.000000e+00 : f32
    %mul3A_131 = vector.broadcast %mul3A_130 : f32 to vector<128x256xf32>
    %mul3A_132 = arith.mulf %mul3A_131, %dot_general3A_124 : vector<128x256xf32>
    %sub3A_133 = arith.subf %add3A_129, %mul3A_132 : vector<128x256xf32>
    %max3A_134 = arith.constant 0.000000e+00 : f32
    %max3A_135 = vector.broadcast %max3A_134 : f32 to vector<128x256xf32>
    %max3A_136 = arith.maximumf %sub3A_133, %max3A_135 : vector<128x256xf32>
    %sqrt3A_137 = math.sqrt %max3A_136 : vector<128x256xf32>
    %add3A_138 = arith.constant 1.000000e+00 : f32
    %add3A_139 = vector.broadcast %add3A_138 : f32 to vector<128x256xf32>
    %add3A_140 = arith.addf %add3A_139, %sqrt3A_137 : vector<128x256xf32>
    %div3A_141 = arith.constant 1.000000e+00 : f32
    %div3A_142 = vector.broadcast %div3A_141 : f32 to vector<128x256xf32>
    %div3A_143 = arith.divf %div3A_142, %add3A_140 : vector<128x256xf32>
    %add3A_144 = arith.constant 1.000000e+00 : f32
    %add3A_145 = vector.broadcast %add3A_144 : f32 to vector<128x256xf32>
    %add3A_146 = arith.addf %add3A_145, %div3A_143 : vector<128x256xf32>
    %div3A_147 = arith.constant 7.000000e-02 : f32
    %div3A_148 = vector.broadcast %div3A_147 : f32 to vector<128x256xf32>
    %div3A_149 = arith.divf %add3A_146, %div3A_148 : vector<128x256xf32>
    %add3A_150 = arith.addf %add3A_88, %div3A_149 : vector<128x256xf32>
    %get3A_151 = arith.constant 256 : index
    %get3A_152 = arith.constant 0 : index
    %get3A_153 = vector.load %arg1[%get3A_151, %get3A_152] : memref<2048x128xf32, #tpu.memory_space<vmem>>, vector<128x128xf32>
    %mul3A_154 = arith.mulf %get3A_153, %get3A_153 : vector<128x128xf32>
    %reduce_sum3A_155 = arith.constant dense<0.000000e+00> : vector<128xf32>
    %reduce_sum3A_156 = vector.multi_reduction <add>, %mul3A_154, %reduce_sum3A_155 [1] : vector<128x128xf32> to vector<128xf32>
    %dot_general3A_157 = arith.constant dense<0.000000e+00> : vector<256x128xf32>
    %dot_general3A_158 = tpu.matmul %get3A_1, %get3A_153, %dot_general3A_157 {dimension_numbers = #tpu.dot_dimension_numbers<[1], [1], [0], [0], [0, 0, 1, 0], [], []>, transpose_lhs_hint = false} : vector<256x128xf32>, vector<128x128xf32>, vector<256x128xf32> -> vector<256x128xf32>
    %broadcast_in_dim3A_159 = vector.shape_cast %reduce_sum3A_2 : vector<256xf32> to vector<256x1xf32>
    %broadcast_in_dim3A_160 = vector.shape_cast %reduce_sum3A_156 : vector<128xf32> to vector<1x128xf32>
    %add3A_161 = vector.broadcast %broadcast_in_dim3A_159 : vector<256x1xf32> to vector<256x128xf32>
    %add3A_162 = vector.broadcast %broadcast_in_dim3A_160 : vector<1x128xf32> to vector<256x128xf32>
    %add3A_163 = arith.addf %add3A_161, %add3A_162 : vector<256x128xf32>
    %mul3A_164 = arith.constant 2.000000e+00 : f32
    %mul3A_165 = vector.broadcast %mul3A_164 : f32 to vector<256x128xf32>
    %mul3A_166 = arith.mulf %mul3A_165, %dot_general3A_158 : vector<256x128xf32>
    %sub3A_167 = arith.subf %add3A_163, %mul3A_166 : vector<256x128xf32>
    %max3A_168 = arith.constant 0.000000e+00 : f32
    %max3A_169 = vector.broadcast %max3A_168 : f32 to vector<256x128xf32>
    %max3A_170 = arith.maximumf %sub3A_167, %max3A_169 : vector<256x128xf32>
    %sqrt3A_171 = math.sqrt %max3A_170 : vector<256x128xf32>
    %add3A_172 = arith.constant 1.000000e+00 : f32
    %add3A_173 = vector.broadcast %add3A_172 : f32 to vector<256x128xf32>
    %add3A_174 = arith.addf %add3A_173, %sqrt3A_171 : vector<256x128xf32>
    %div3A_175 = arith.constant 1.000000e+00 : f32
    %div3A_176 = vector.broadcast %div3A_175 : f32 to vector<256x128xf32>
    %div3A_177 = arith.divf %div3A_176, %add3A_174 : vector<256x128xf32>
    %add3A_178 = arith.constant 1.000000e+00 : f32
    %add3A_179 = vector.broadcast %add3A_178 : f32 to vector<256x128xf32>
    %add3A_180 = arith.addf %add3A_179, %div3A_177 : vector<256x128xf32>
    %div3A_181 = arith.constant 7.000000e-02 : f32
    %div3A_182 = vector.broadcast %div3A_181 : f32 to vector<256x128xf32>
    %div3A_183 = arith.divf %add3A_180, %div3A_182 : vector<256x128xf32>
    %add3A_184 = arith.addf %add3A_122, %div3A_183 : vector<256x128xf32>
    %dot_general3A_185 = arith.constant dense<0.000000e+00> : vector<128x256xf32>
    %dot_general3A_186 = tpu.matmul %get3A_153, %get3A_1, %dot_general3A_185 {dimension_numbers = #tpu.dot_dimension_numbers<[1], [1], [0], [0], [0, 0, 1, 0], [], []>, transpose_lhs_hint = false} : vector<128x128xf32>, vector<256x128xf32>, vector<128x256xf32> -> vector<128x256xf32>
    %broadcast_in_dim3A_187 = vector.shape_cast %reduce_sum3A_156 : vector<128xf32> to vector<128x1xf32>
    %broadcast_in_dim3A_188 = vector.shape_cast %reduce_sum3A_2 : vector<256xf32> to vector<1x256xf32>
    %add3A_189 = vector.broadcast %broadcast_in_dim3A_187 : vector<128x1xf32> to vector<128x256xf32>
    %add3A_190 = vector.broadcast %broadcast_in_dim3A_188 : vector<1x256xf32> to vector<128x256xf32>
    %add3A_191 = arith.addf %add3A_189, %add3A_190 : vector<128x256xf32>
    %mul3A_192 = arith.constant 2.000000e+00 : f32
    %mul3A_193 = vector.broadcast %mul3A_192 : f32 to vector<128x256xf32>
    %mul3A_194 = arith.mulf %mul3A_193, %dot_general3A_186 : vector<128x256xf32>
    %sub3A_195 = arith.subf %add3A_191, %mul3A_194 : vector<128x256xf32>
    %max3A_196 = arith.constant 0.000000e+00 : f32
    %max3A_197 = vector.broadcast %max3A_196 : f32 to vector<128x256xf32>
    %max3A_198 = arith.maximumf %sub3A_195, %max3A_197 : vector<128x256xf32>
    %sqrt3A_199 = math.sqrt %max3A_198 : vector<128x256xf32>
    %add3A_200 = arith.constant 1.000000e+00 : f32
    %add3A_201 = vector.broadcast %add3A_200 : f32 to vector<128x256xf32>
    %add3A_202 = arith.addf %add3A_201, %sqrt3A_199 : vector<128x256xf32>
    %div3A_203 = arith.constant 1.000000e+00 : f32
    %div3A_204 = vector.broadcast %div3A_203 : f32 to vector<128x256xf32>
    %div3A_205 = arith.divf %div3A_204, %add3A_202 : vector<128x256xf32>
    %add3A_206 = arith.constant 1.000000e+00 : f32
    %add3A_207 = vector.broadcast %add3A_206 : f32 to vector<128x256xf32>
    %add3A_208 = arith.addf %add3A_207, %div3A_205 : vector<128x256xf32>
    %div3A_209 = arith.constant 7.000000e-02 : f32
    %div3A_210 = vector.broadcast %div3A_209 : f32 to vector<128x256xf32>
    %div3A_211 = arith.divf %add3A_208, %div3A_210 : vector<128x256xf32>
    %add3A_212 = arith.addf %add3A_150, %div3A_211 : vector<128x256xf32>
    %get3A_213 = arith.constant 384 : index
    %get3A_214 = arith.constant 0 : index
    %get3A_215 = vector.load %arg1[%get3A_213, %get3A_214] : memref<2048x128xf32, #tpu.memory_space<vmem>>, vector<128x128xf32>
    %mul3A_216 = arith.mulf %get3A_215, %get3A_215 : vector<128x128xf32>
    %reduce_sum3A_217 = arith.constant dense<0.000000e+00> : vector<128xf32>
    %reduce_sum3A_218 = vector.multi_reduction <add>, %mul3A_216, %reduce_sum3A_217 [1] : vector<128x128xf32> to vector<128xf32>
    %dot_general3A_219 = arith.constant dense<0.000000e+00> : vector<256x128xf32>
    %dot_general3A_220 = tpu.matmul %get3A_1, %get3A_215, %dot_general3A_219 {dimension_numbers = #tpu.dot_dimension_numbers<[1], [1], [0], [0], [0, 0, 1, 0], [], []>, transpose_lhs_hint = false} : vector<256x128xf32>, vector<128x128xf32>, vector<256x128xf32> -> vector<256x128xf32>
    %broadcast_in_dim3A_221 = vector.shape_cast %reduce_sum3A_2 : vector<256xf32> to vector<256x1xf32>
    %broadcast_in_dim3A_222 = vector.shape_cast %reduce_sum3A_218 : vector<128xf32> to vector<1x128xf32>
    %add3A_223 = vector.broadcast %broadcast_in_dim3A_221 : vector<256x1xf32> to vector<256x128xf32>
    %add3A_224 = vector.broadcast %broadcast_in_dim3A_222 : vector<1x128xf32> to vector<256x128xf32>
    %add3A_225 = arith.addf %add3A_223, %add3A_224 : vector<256x128xf32>
    %mul3A_226 = arith.constant 2.000000e+00 : f32
    %mul3A_227 = vector.broadcast %mul3A_226 : f32 to vector<256x128xf32>
    %mul3A_228 = arith.mulf %mul3A_227, %dot_general3A_220 : vector<256x128xf32>
    %sub3A_229 = arith.subf %add3A_225, %mul3A_228 : vector<256x128xf32>
    %max3A_230 = arith.constant 0.000000e+00 : f32
    %max3A_231 = vector.broadcast %max3A_230 : f32 to vector<256x128xf32>
    %max3A_232 = arith.maximumf %sub3A_229, %max3A_231 : vector<256x128xf32>
    %sqrt3A_233 = math.sqrt %max3A_232 : vector<256x128xf32>
    %add3A_234 = arith.constant 1.000000e+00 : f32
    %add3A_235 = vector.broadcast %add3A_234 : f32 to vector<256x128xf32>
    %add3A_236 = arith.addf %add3A_235, %sqrt3A_233 : vector<256x128xf32>
    %div3A_237 = arith.constant 1.000000e+00 : f32
    %div3A_238 = vector.broadcast %div3A_237 : f32 to vector<256x128xf32>
    %div3A_239 = arith.divf %div3A_238, %add3A_236 : vector<256x128xf32>
    %add3A_240 = arith.constant 1.000000e+00 : f32
    %add3A_241 = vector.broadcast %add3A_240 : f32 to vector<256x128xf32>
    %add3A_242 = arith.addf %add3A_241, %div3A_239 : vector<256x128xf32>
    %div3A_243 = arith.constant 7.000000e-02 : f32
    %div3A_244 = vector.broadcast %div3A_243 : f32 to vector<256x128xf32>
    %div3A_245 = arith.divf %add3A_242, %div3A_244 : vector<256x128xf32>
    %add3A_246 = arith.addf %add3A_184, %div3A_245 : vector<256x128xf32>
    %dot_general3A_247 = arith.constant dense<0.000000e+00> : vector<128x256xf32>
    %dot_general3A_248 = tpu.matmul %get3A_215, %get3A_1, %dot_general3A_247 {dimension_numbers = #tpu.dot_dimension_numbers<[1], [1], [0], [0], [0, 0, 1, 0], [], []>, transpose_lhs_hint = false} : vector<128x128xf32>, vector<256x128xf32>, vector<128x256xf32> -> vector<128x256xf32>
    %broadcast_in_dim3A_249 = vector.shape_cast %reduce_sum3A_218 : vector<128xf32> to vector<128x1xf32>
    %broadcast_in_dim3A_250 = vector.shape_cast %reduce_sum3A_2 : vector<256xf32> to vector<1x256xf32>
    %add3A_251 = vector.broadcast %broadcast_in_dim3A_249 : vector<128x1xf32> to vector<128x256xf32>
    %add3A_252 = vector.broadcast %broadcast_in_dim3A_250 : vector<1x256xf32> to vector<128x256xf32>
    %add3A_253 = arith.addf %add3A_251, %add3A_252 : vector<128x256xf32>
    %mul3A_254 = arith.constant 2.000000e+00 : f32
    %mul3A_255 = vector.broadcast %mul3A_254 : f32 to vector<128x256xf32>
    %mul3A_256 = arith.mulf %mul3A_255, %dot_general3A_248 : vector<128x256xf32>
    %sub3A_257 = arith.subf %add3A_253, %mul3A_256 : vector<128x256xf32>
    %max3A_258 = arith.constant 0.000000e+00 : f32
    %max3A_259 = vector.broadcast %max3A_258 : f32 to vector<128x256xf32>
    %max3A_260 = arith.maximumf %sub3A_257, %max3A_259 : vector<128x256xf32>
    %sqrt3A_261 = math.sqrt %max3A_260 : vector<128x256xf32>
    %add3A_262 = arith.constant 1.000000e+00 : f32
    %add3A_263 = vector.broadcast %add3A_262 : f32 to vector<128x256xf32>
    %add3A_264 = arith.addf %add3A_263, %sqrt3A_261 : vector<128x256xf32>
    %div3A_265 = arith.constant 1.000000e+00 : f32
    %div3A_266 = vector.broadcast %div3A_265 : f32 to vector<128x256xf32>
    %div3A_267 = arith.divf %div3A_266, %add3A_264 : vector<128x256xf32>
    %add3A_268 = arith.constant 1.000000e+00 : f32
    %add3A_269 = vector.broadcast %add3A_268 : f32 to vector<128x256xf32>
    %add3A_270 = arith.addf %add3A_269, %div3A_267 : vector<128x256xf32>
    %div3A_271 = arith.constant 7.000000e-02 : f32
    %div3A_272 = vector.broadcast %div3A_271 : f32 to vector<128x256xf32>
    %div3A_273 = arith.divf %add3A_270, %div3A_272 : vector<128x256xf32>
    %add3A_274 = arith.addf %add3A_212, %div3A_273 : vector<128x256xf32>
    %get3A_275 = arith.constant 512 : index
    %get3A_276 = arith.constant 0 : index
    %get3A_277 = vector.load %arg1[%get3A_275, %get3A_276] : memref<2048x128xf32, #tpu.memory_space<vmem>>, vector<128x128xf32>
    %mul3A_278 = arith.mulf %get3A_277, %get3A_277 : vector<128x128xf32>
    %reduce_sum3A_279 = arith.constant dense<0.000000e+00> : vector<128xf32>
    %reduce_sum3A_280 = vector.multi_reduction <add>, %mul3A_278, %reduce_sum3A_279 [1] : vector<128x128xf32> to vector<128xf32>
    %dot_general3A_281 = arith.constant dense<0.000000e+00> : vector<256x128xf32>
    %dot_general3A_282 = tpu.matmul %get3A_1, %get3A_277, %dot_general3A_281 {dimension_numbers = #tpu.dot_dimension_numbers<[1], [1], [0], [0], [0, 0, 1, 0], [], []>, transpose_lhs_hint = false} : vector<256x128xf32>, vector<128x128xf32>, vector<256x128xf32> -> vector<256x128xf32>
    %broadcast_in_dim3A_283 = vector.shape_cast %reduce_sum3A_2 : vector<256xf32> to vector<256x1xf32>
    %broadcast_in_dim3A_284 = vector.shape_cast %reduce_sum3A_280 : vector<128xf32> to vector<1x128xf32>
    %add3A_285 = vector.broadcast %broadcast_in_dim3A_283 : vector<256x1xf32> to vector<256x128xf32>
    %add3A_286 = vector.broadcast %broadcast_in_dim3A_284 : vector<1x128xf32> to vector<256x128xf32>
    %add3A_287 = arith.addf %add3A_285, %add3A_286 : vector<256x128xf32>
    %mul3A_288 = arith.constant 2.000000e+00 : f32
    %mul3A_289 = vector.broadcast %mul3A_288 : f32 to vector<256x128xf32>
    %mul3A_290 = arith.mulf %mul3A_289, %dot_general3A_282 : vector<256x128xf32>
    %sub3A_291 = arith.subf %add3A_287, %mul3A_290 : vector<256x128xf32>
    %max3A_292 = arith.constant 0.000000e+00 : f32
    %max3A_293 = vector.broadcast %max3A_292 : f32 to vector<256x128xf32>
    %max3A_294 = arith.maximumf %sub3A_291, %max3A_293 : vector<256x128xf32>
    %sqrt3A_295 = math.sqrt %max3A_294 : vector<256x128xf32>
    %add3A_296 = arith.constant 1.000000e+00 : f32
    %add3A_297 = vector.broadcast %add3A_296 : f32 to vector<256x128xf32>
    %add3A_298 = arith.addf %add3A_297, %sqrt3A_295 : vector<256x128xf32>
    %div3A_299 = arith.constant 1.000000e+00 : f32
    %div3A_300 = vector.broadcast %div3A_299 : f32 to vector<256x128xf32>
    %div3A_301 = arith.divf %div3A_300, %add3A_298 : vector<256x128xf32>
    %add3A_302 = arith.constant 1.000000e+00 : f32
    %add3A_303 = vector.broadcast %add3A_302 : f32 to vector<256x128xf32>
    %add3A_304 = arith.addf %add3A_303, %div3A_301 : vector<256x128xf32>
    %div3A_305 = arith.constant 7.000000e-02 : f32
    %div3A_306 = vector.broadcast %div3A_305 : f32 to vector<256x128xf32>
    %div3A_307 = arith.divf %add3A_304, %div3A_306 : vector<256x128xf32>
    %add3A_308 = arith.addf %add3A_246, %div3A_307 : vector<256x128xf32>
    %dot_general3A_309 = arith.constant dense<0.000000e+00> : vector<128x256xf32>
    %dot_general3A_310 = tpu.matmul %get3A_277, %get3A_1, %dot_general3A_309 {dimension_numbers = #tpu.dot_dimension_numbers<[1], [1], [0], [0], [0, 0, 1, 0], [], []>, transpose_lhs_hint = false} : vector<128x128xf32>, vector<256x128xf32>, vector<128x256xf32> -> vector<128x256xf32>
    %broadcast_in_dim3A_311 = vector.shape_cast %reduce_sum3A_280 : vector<128xf32> to vector<128x1xf32>
    %broadcast_in_dim3A_312 = vector.shape_cast %reduce_sum3A_2 : vector<256xf32> to vector<1x256xf32>
    %add3A_313 = vector.broadcast %broadcast_in_dim3A_311 : vector<128x1xf32> to vector<128x256xf32>
    %add3A_314 = vector.broadcast %broadcast_in_dim3A_312 : vector<1x256xf32> to vector<128x256xf32>
    %add3A_315 = arith.addf %add3A_313, %add3A_314 : vector<128x256xf32>
    %mul3A_316 = arith.constant 2.000000e+00 : f32
    %mul3A_317 = vector.broadcast %mul3A_316 : f32 to vector<128x256xf32>
    %mul3A_318 = arith.mulf %mul3A_317, %dot_general3A_310 : vector<128x256xf32>
    %sub3A_319 = arith.subf %add3A_315, %mul3A_318 : vector<128x256xf32>
    %max3A_320 = arith.constant 0.000000e+00 : f32
    %max3A_321 = vector.broadcast %max3A_320 : f32 to vector<128x256xf32>
    %max3A_322 = arith.maximumf %sub3A_319, %max3A_321 : vector<128x256xf32>
    %sqrt3A_323 = math.sqrt %max3A_322 : vector<128x256xf32>
    %add3A_324 = arith.constant 1.000000e+00 : f32
    %add3A_325 = vector.broadcast %add3A_324 : f32 to vector<128x256xf32>
    %add3A_326 = arith.addf %add3A_325, %sqrt3A_323 : vector<128x256xf32>
    %div3A_327 = arith.constant 1.000000e+00 : f32
    %div3A_328 = vector.broadcast %div3A_327 : f32 to vector<128x256xf32>
    %div3A_329 = arith.divf %div3A_328, %add3A_326 : vector<128x256xf32>
    %add3A_330 = arith.constant 1.000000e+00 : f32
    %add3A_331 = vector.broadcast %add3A_330 : f32 to vector<128x256xf32>
    %add3A_332 = arith.addf %add3A_331, %div3A_329 : vector<128x256xf32>
    %div3A_333 = arith.constant 7.000000e-02 : f32
    %div3A_334 = vector.broadcast %div3A_333 : f32 to vector<128x256xf32>
    %div3A_335 = arith.divf %add3A_332, %div3A_334 : vector<128x256xf32>
    %add3A_336 = arith.addf %add3A_274, %div3A_335 : vector<128x256xf32>
    %get3A_337 = arith.constant 640 : index
    %get3A_338 = arith.constant 0 : index
    %get3A_339 = vector.load %arg1[%get3A_337, %get3A_338] : memref<2048x128xf32, #tpu.memory_space<vmem>>, vector<128x128xf32>
    %mul3A_340 = arith.mulf %get3A_339, %get3A_339 : vector<128x128xf32>
    %reduce_sum3A_341 = arith.constant dense<0.000000e+00> : vector<128xf32>
    %reduce_sum3A_342 = vector.multi_reduction <add>, %mul3A_340, %reduce_sum3A_341 [1] : vector<128x128xf32> to vector<128xf32>
    %dot_general3A_343 = arith.constant dense<0.000000e+00> : vector<256x128xf32>
    %dot_general3A_344 = tpu.matmul %get3A_1, %get3A_339, %dot_general3A_343 {dimension_numbers = #tpu.dot_dimension_numbers<[1], [1], [0], [0], [0, 0, 1, 0], [], []>, transpose_lhs_hint = false} : vector<256x128xf32>, vector<128x128xf32>, vector<256x128xf32> -> vector<256x128xf32>
    %broadcast_in_dim3A_345 = vector.shape_cast %reduce_sum3A_2 : vector<256xf32> to vector<256x1xf32>
    %broadcast_in_dim3A_346 = vector.shape_cast %reduce_sum3A_342 : vector<128xf32> to vector<1x128xf32>
    %add3A_347 = vector.broadcast %broadcast_in_dim3A_345 : vector<256x1xf32> to vector<256x128xf32>
    %add3A_348 = vector.broadcast %broadcast_in_dim3A_346 : vector<1x128xf32> to vector<256x128xf32>
    %add3A_349 = arith.addf %add3A_347, %add3A_348 : vector<256x128xf32>
    %mul3A_350 = arith.constant 2.000000e+00 : f32
    %mul3A_351 = vector.broadcast %mul3A_350 : f32 to vector<256x128xf32>
    %mul3A_352 = arith.mulf %mul3A_351, %dot_general3A_344 : vector<256x128xf32>
    %sub3A_353 = arith.subf %add3A_349, %mul3A_352 : vector<256x128xf32>
    %max3A_354 = arith.constant 0.000000e+00 : f32
    %max3A_355 = vector.broadcast %max3A_354 : f32 to vector<256x128xf32>
    %max3A_356 = arith.maximumf %sub3A_353, %max3A_355 : vector<256x128xf32>
    %sqrt3A_357 = math.sqrt %max3A_356 : vector<256x128xf32>
    %add3A_358 = arith.constant 1.000000e+00 : f32
    %add3A_359 = vector.broadcast %add3A_358 : f32 to vector<256x128xf32>
    %add3A_360 = arith.addf %add3A_359, %sqrt3A_357 : vector<256x128xf32>
    %div3A_361 = arith.constant 1.000000e+00 : f32
    %div3A_362 = vector.broadcast %div3A_361 : f32 to vector<256x128xf32>
    %div3A_363 = arith.divf %div3A_362, %add3A_360 : vector<256x128xf32>
    %add3A_364 = arith.constant 1.000000e+00 : f32
    %add3A_365 = vector.broadcast %add3A_364 : f32 to vector<256x128xf32>
    %add3A_366 = arith.addf %add3A_365, %div3A_363 : vector<256x128xf32>
    %div3A_367 = arith.constant 7.000000e-02 : f32
    %div3A_368 = vector.broadcast %div3A_367 : f32 to vector<256x128xf32>
    %div3A_369 = arith.divf %add3A_366, %div3A_368 : vector<256x128xf32>
    %add3A_370 = arith.addf %add3A_308, %div3A_369 : vector<256x128xf32>
    %dot_general3A_371 = arith.constant dense<0.000000e+00> : vector<128x256xf32>
    %dot_general3A_372 = tpu.matmul %get3A_339, %get3A_1, %dot_general3A_371 {dimension_numbers = #tpu.dot_dimension_numbers<[1], [1], [0], [0], [0, 0, 1, 0], [], []>, transpose_lhs_hint = false} : vector<128x128xf32>, vector<256x128xf32>, vector<128x256xf32> -> vector<128x256xf32>
    %broadcast_in_dim3A_373 = vector.shape_cast %reduce_sum3A_342 : vector<128xf32> to vector<128x1xf32>
    %broadcast_in_dim3A_374 = vector.shape_cast %reduce_sum3A_2 : vector<256xf32> to vector<1x256xf32>
    %add3A_375 = vector.broadcast %broadcast_in_dim3A_373 : vector<128x1xf32> to vector<128x256xf32>
    %add3A_376 = vector.broadcast %broadcast_in_dim3A_374 : vector<1x256xf32> to vector<128x256xf32>
    %add3A_377 = arith.addf %add3A_375, %add3A_376 : vector<128x256xf32>
    %mul3A_378 = arith.constant 2.000000e+00 : f32
    %mul3A_379 = vector.broadcast %mul3A_378 : f32 to vector<128x256xf32>
    %mul3A_380 = arith.mulf %mul3A_379, %dot_general3A_372 : vector<128x256xf32>
    %sub3A_381 = arith.subf %add3A_377, %mul3A_380 : vector<128x256xf32>
    %max3A_382 = arith.constant 0.000000e+00 : f32
    %max3A_383 = vector.broadcast %max3A_382 : f32 to vector<128x256xf32>
    %max3A_384 = arith.maximumf %sub3A_381, %max3A_383 : vector<128x256xf32>
    %sqrt3A_385 = math.sqrt %max3A_384 : vector<128x256xf32>
    %add3A_386 = arith.constant 1.000000e+00 : f32
    %add3A_387 = vector.broadcast %add3A_386 : f32 to vector<128x256xf32>
    %add3A_388 = arith.addf %add3A_387, %sqrt3A_385 : vector<128x256xf32>
    %div3A_389 = arith.constant 1.000000e+00 : f32
    %div3A_390 = vector.broadcast %div3A_389 : f32 to vector<128x256xf32>
    %div3A_391 = arith.divf %div3A_390, %add3A_388 : vector<128x256xf32>
    %add3A_392 = arith.constant 1.000000e+00 : f32
    %add3A_393 = vector.broadcast %add3A_392 : f32 to vector<128x256xf32>
    %add3A_394 = arith.addf %add3A_393, %div3A_391 : vector<128x256xf32>
    %div3A_395 = arith.constant 7.000000e-02 : f32
    %div3A_396 = vector.broadcast %div3A_395 : f32 to vector<128x256xf32>
    %div3A_397 = arith.divf %add3A_394, %div3A_396 : vector<128x256xf32>
    %add3A_398 = arith.addf %add3A_336, %div3A_397 : vector<128x256xf32>
    %get3A_399 = arith.constant 768 : index
    %get3A_400 = arith.constant 0 : index
    %get3A_401 = vector.load %arg1[%get3A_399, %get3A_400] : memref<2048x128xf32, #tpu.memory_space<vmem>>, vector<128x128xf32>
    %mul3A_402 = arith.mulf %get3A_401, %get3A_401 : vector<128x128xf32>
    %reduce_sum3A_403 = arith.constant dense<0.000000e+00> : vector<128xf32>
    %reduce_sum3A_404 = vector.multi_reduction <add>, %mul3A_402, %reduce_sum3A_403 [1] : vector<128x128xf32> to vector<128xf32>
    %dot_general3A_405 = arith.constant dense<0.000000e+00> : vector<256x128xf32>
    %dot_general3A_406 = tpu.matmul %get3A_1, %get3A_401, %dot_general3A_405 {dimension_numbers = #tpu.dot_dimension_numbers<[1], [1], [0], [0], [0, 0, 1, 0], [], []>, transpose_lhs_hint = false} : vector<256x128xf32>, vector<128x128xf32>, vector<256x128xf32> -> vector<256x128xf32>
    %broadcast_in_dim3A_407 = vector.shape_cast %reduce_sum3A_2 : vector<256xf32> to vector<256x1xf32>
    %broadcast_in_dim3A_408 = vector.shape_cast %reduce_sum3A_404 : vector<128xf32> to vector<1x128xf32>
    %add3A_409 = vector.broadcast %broadcast_in_dim3A_407 : vector<256x1xf32> to vector<256x128xf32>
    %add3A_410 = vector.broadcast %broadcast_in_dim3A_408 : vector<1x128xf32> to vector<256x128xf32>
    %add3A_411 = arith.addf %add3A_409, %add3A_410 : vector<256x128xf32>
    %mul3A_412 = arith.constant 2.000000e+00 : f32
    %mul3A_413 = vector.broadcast %mul3A_412 : f32 to vector<256x128xf32>
    %mul3A_414 = arith.mulf %mul3A_413, %dot_general3A_406 : vector<256x128xf32>
    %sub3A_415 = arith.subf %add3A_411, %mul3A_414 : vector<256x128xf32>
    %max3A_416 = arith.constant 0.000000e+00 : f32
    %max3A_417 = vector.broadcast %max3A_416 : f32 to vector<256x128xf32>
    %max3A_418 = arith.maximumf %sub3A_415, %max3A_417 : vector<256x128xf32>
    %sqrt3A_419 = math.sqrt %max3A_418 : vector<256x128xf32>
    %add3A_420 = arith.constant 1.000000e+00 : f32
    %add3A_421 = vector.broadcast %add3A_420 : f32 to vector<256x128xf32>
    %add3A_422 = arith.addf %add3A_421, %sqrt3A_419 : vector<256x128xf32>
    %div3A_423 = arith.constant 1.000000e+00 : f32
    %div3A_424 = vector.broadcast %div3A_423 : f32 to vector<256x128xf32>
    %div3A_425 = arith.divf %div3A_424, %add3A_422 : vector<256x128xf32>
    %add3A_426 = arith.constant 1.000000e+00 : f32
    %add3A_427 = vector.broadcast %add3A_426 : f32 to vector<256x128xf32>
    %add3A_428 = arith.addf %add3A_427, %div3A_425 : vector<256x128xf32>
    %div3A_429 = arith.constant 7.000000e-02 : f32
    %div3A_430 = vector.broadcast %div3A_429 : f32 to vector<256x128xf32>
    %div3A_431 = arith.divf %add3A_428, %div3A_430 : vector<256x128xf32>
    %add3A_432 = arith.addf %add3A_370, %div3A_431 : vector<256x128xf32>
    %dot_general3A_433 = arith.constant dense<0.000000e+00> : vector<128x256xf32>
    %dot_general3A_434 = tpu.matmul %get3A_401, %get3A_1, %dot_general3A_433 {dimension_numbers = #tpu.dot_dimension_numbers<[1], [1], [0], [0], [0, 0, 1, 0], [], []>, transpose_lhs_hint = false} : vector<128x128xf32>, vector<256x128xf32>, vector<128x256xf32> -> vector<128x256xf32>
    %broadcast_in_dim3A_435 = vector.shape_cast %reduce_sum3A_404 : vector<128xf32> to vector<128x1xf32>
    %broadcast_in_dim3A_436 = vector.shape_cast %reduce_sum3A_2 : vector<256xf32> to vector<1x256xf32>
    %add3A_437 = vector.broadcast %broadcast_in_dim3A_435 : vector<128x1xf32> to vector<128x256xf32>
    %add3A_438 = vector.broadcast %broadcast_in_dim3A_436 : vector<1x256xf32> to vector<128x256xf32>
    %add3A_439 = arith.addf %add3A_437, %add3A_438 : vector<128x256xf32>
    %mul3A_440 = arith.constant 2.000000e+00 : f32
    %mul3A_441 = vector.broadcast %mul3A_440 : f32 to vector<128x256xf32>
    %mul3A_442 = arith.mulf %mul3A_441, %dot_general3A_434 : vector<128x256xf32>
    %sub3A_443 = arith.subf %add3A_439, %mul3A_442 : vector<128x256xf32>
    %max3A_444 = arith.constant 0.000000e+00 : f32
    %max3A_445 = vector.broadcast %max3A_444 : f32 to vector<128x256xf32>
    %max3A_446 = arith.maximumf %sub3A_443, %max3A_445 : vector<128x256xf32>
    %sqrt3A_447 = math.sqrt %max3A_446 : vector<128x256xf32>
    %add3A_448 = arith.constant 1.000000e+00 : f32
    %add3A_449 = vector.broadcast %add3A_448 : f32 to vector<128x256xf32>
    %add3A_450 = arith.addf %add3A_449, %sqrt3A_447 : vector<128x256xf32>
    %div3A_451 = arith.constant 1.000000e+00 : f32
    %div3A_452 = vector.broadcast %div3A_451 : f32 to vector<128x256xf32>
    %div3A_453 = arith.divf %div3A_452, %add3A_450 : vector<128x256xf32>
    %add3A_454 = arith.constant 1.000000e+00 : f32
    %add3A_455 = vector.broadcast %add3A_454 : f32 to vector<128x256xf32>
    %add3A_456 = arith.addf %add3A_455, %div3A_453 : vector<128x256xf32>
    %div3A_457 = arith.constant 7.000000e-02 : f32
    %div3A_458 = vector.broadcast %div3A_457 : f32 to vector<128x256xf32>
    %div3A_459 = arith.divf %add3A_456, %div3A_458 : vector<128x256xf32>
    %add3A_460 = arith.addf %add3A_398, %div3A_459 : vector<128x256xf32>
    %get3A_461 = arith.constant 896 : index
    %get3A_462 = arith.constant 0 : index
    %get3A_463 = vector.load %arg1[%get3A_461, %get3A_462] : memref<2048x128xf32, #tpu.memory_space<vmem>>, vector<128x128xf32>
    %mul3A_464 = arith.mulf %get3A_463, %get3A_463 : vector<128x128xf32>
    %reduce_sum3A_465 = arith.constant dense<0.000000e+00> : vector<128xf32>
    %reduce_sum3A_466 = vector.multi_reduction <add>, %mul3A_464, %reduce_sum3A_465 [1] : vector<128x128xf32> to vector<128xf32>
    %dot_general3A_467 = arith.constant dense<0.000000e+00> : vector<256x128xf32>
    %dot_general3A_468 = tpu.matmul %get3A_1, %get3A_463, %dot_general3A_467 {dimension_numbers = #tpu.dot_dimension_numbers<[1], [1], [0], [0], [0, 0, 1, 0], [], []>, transpose_lhs_hint = false} : vector<256x128xf32>, vector<128x128xf32>, vector<256x128xf32> -> vector<256x128xf32>
    %broadcast_in_dim3A_469 = vector.shape_cast %reduce_sum3A_2 : vector<256xf32> to vector<256x1xf32>
    %broadcast_in_dim3A_470 = vector.shape_cast %reduce_sum3A_466 : vector<128xf32> to vector<1x128xf32>
    %add3A_471 = vector.broadcast %broadcast_in_dim3A_469 : vector<256x1xf32> to vector<256x128xf32>
    %add3A_472 = vector.broadcast %broadcast_in_dim3A_470 : vector<1x128xf32> to vector<256x128xf32>
    %add3A_473 = arith.addf %add3A_471, %add3A_472 : vector<256x128xf32>
    %mul3A_474 = arith.constant 2.000000e+00 : f32
    %mul3A_475 = vector.broadcast %mul3A_474 : f32 to vector<256x128xf32>
    %mul3A_476 = arith.mulf %mul3A_475, %dot_general3A_468 : vector<256x128xf32>
    %sub3A_477 = arith.subf %add3A_473, %mul3A_476 : vector<256x128xf32>
    %max3A_478 = arith.constant 0.000000e+00 : f32
    %max3A_479 = vector.broadcast %max3A_478 : f32 to vector<256x128xf32>
    %max3A_480 = arith.maximumf %sub3A_477, %max3A_479 : vector<256x128xf32>
    %sqrt3A_481 = math.sqrt %max3A_480 : vector<256x128xf32>
    %add3A_482 = arith.constant 1.000000e+00 : f32
    %add3A_483 = vector.broadcast %add3A_482 : f32 to vector<256x128xf32>
    %add3A_484 = arith.addf %add3A_483, %sqrt3A_481 : vector<256x128xf32>
    %div3A_485 = arith.constant 1.000000e+00 : f32
    %div3A_486 = vector.broadcast %div3A_485 : f32 to vector<256x128xf32>
    %div3A_487 = arith.divf %div3A_486, %add3A_484 : vector<256x128xf32>
    %add3A_488 = arith.constant 1.000000e+00 : f32
    %add3A_489 = vector.broadcast %add3A_488 : f32 to vector<256x128xf32>
    %add3A_490 = arith.addf %add3A_489, %div3A_487 : vector<256x128xf32>
    %div3A_491 = arith.constant 7.000000e-02 : f32
    %div3A_492 = vector.broadcast %div3A_491 : f32 to vector<256x128xf32>
    %div3A_493 = arith.divf %add3A_490, %div3A_492 : vector<256x128xf32>
    %add3A_494 = arith.addf %add3A_432, %div3A_493 : vector<256x128xf32>
    %dot_general3A_495 = arith.constant dense<0.000000e+00> : vector<128x256xf32>
    %dot_general3A_496 = tpu.matmul %get3A_463, %get3A_1, %dot_general3A_495 {dimension_numbers = #tpu.dot_dimension_numbers<[1], [1], [0], [0], [0, 0, 1, 0], [], []>, transpose_lhs_hint = false} : vector<128x128xf32>, vector<256x128xf32>, vector<128x256xf32> -> vector<128x256xf32>
    %broadcast_in_dim3A_497 = vector.shape_cast %reduce_sum3A_466 : vector<128xf32> to vector<128x1xf32>
    %broadcast_in_dim3A_498 = vector.shape_cast %reduce_sum3A_2 : vector<256xf32> to vector<1x256xf32>
    %add3A_499 = vector.broadcast %broadcast_in_dim3A_497 : vector<128x1xf32> to vector<128x256xf32>
    %add3A_500 = vector.broadcast %broadcast_in_dim3A_498 : vector<1x256xf32> to vector<128x256xf32>
    %add3A_501 = arith.addf %add3A_499, %add3A_500 : vector<128x256xf32>
    %mul3A_502 = arith.constant 2.000000e+00 : f32
    %mul3A_503 = vector.broadcast %mul3A_502 : f32 to vector<128x256xf32>
    %mul3A_504 = arith.mulf %mul3A_503, %dot_general3A_496 : vector<128x256xf32>
    %sub3A_505 = arith.subf %add3A_501, %mul3A_504 : vector<128x256xf32>
    %max3A_506 = arith.constant 0.000000e+00 : f32
    %max3A_507 = vector.broadcast %max3A_506 : f32 to vector<128x256xf32>
    %max3A_508 = arith.maximumf %sub3A_505, %max3A_507 : vector<128x256xf32>
    %sqrt3A_509 = math.sqrt %max3A_508 : vector<128x256xf32>
    %add3A_510 = arith.constant 1.000000e+00 : f32
    %add3A_511 = vector.broadcast %add3A_510 : f32 to vector<128x256xf32>
    %add3A_512 = arith.addf %add3A_511, %sqrt3A_509 : vector<128x256xf32>
    %div3A_513 = arith.constant 1.000000e+00 : f32
    %div3A_514 = vector.broadcast %div3A_513 : f32 to vector<128x256xf32>
    %div3A_515 = arith.divf %div3A_514, %add3A_512 : vector<128x256xf32>
    %add3A_516 = arith.constant 1.000000e+00 : f32
    %add3A_517 = vector.broadcast %add3A_516 : f32 to vector<128x256xf32>
    %add3A_518 = arith.addf %add3A_517, %div3A_515 : vector<128x256xf32>
    %div3A_519 = arith.constant 7.000000e-02 : f32
    %div3A_520 = vector.broadcast %div3A_519 : f32 to vector<128x256xf32>
    %div3A_521 = arith.divf %add3A_518, %div3A_520 : vector<128x256xf32>
    %add3A_522 = arith.addf %add3A_460, %div3A_521 : vector<128x256xf32>
    %get3A_523 = arith.constant 1024 : index
    %get3A_524 = arith.constant 0 : index
    %get3A_525 = vector.load %arg1[%get3A_523, %get3A_524] : memref<2048x128xf32, #tpu.memory_space<vmem>>, vector<128x128xf32>
    %mul3A_526 = arith.mulf %get3A_525, %get3A_525 : vector<128x128xf32>
    %reduce_sum3A_527 = arith.constant dense<0.000000e+00> : vector<128xf32>
    %reduce_sum3A_528 = vector.multi_reduction <add>, %mul3A_526, %reduce_sum3A_527 [1] : vector<128x128xf32> to vector<128xf32>
    %dot_general3A_529 = arith.constant dense<0.000000e+00> : vector<256x128xf32>
    %dot_general3A_530 = tpu.matmul %get3A_1, %get3A_525, %dot_general3A_529 {dimension_numbers = #tpu.dot_dimension_numbers<[1], [1], [0], [0], [0, 0, 1, 0], [], []>, transpose_lhs_hint = false} : vector<256x128xf32>, vector<128x128xf32>, vector<256x128xf32> -> vector<256x128xf32>
    %broadcast_in_dim3A_531 = vector.shape_cast %reduce_sum3A_2 : vector<256xf32> to vector<256x1xf32>
    %broadcast_in_dim3A_532 = vector.shape_cast %reduce_sum3A_528 : vector<128xf32> to vector<1x128xf32>
    %add3A_533 = vector.broadcast %broadcast_in_dim3A_531 : vector<256x1xf32> to vector<256x128xf32>
    %add3A_534 = vector.broadcast %broadcast_in_dim3A_532 : vector<1x128xf32> to vector<256x128xf32>
    %add3A_535 = arith.addf %add3A_533, %add3A_534 : vector<256x128xf32>
    %mul3A_536 = arith.constant 2.000000e+00 : f32
    %mul3A_537 = vector.broadcast %mul3A_536 : f32 to vector<256x128xf32>
    %mul3A_538 = arith.mulf %mul3A_537, %dot_general3A_530 : vector<256x128xf32>
    %sub3A_539 = arith.subf %add3A_535, %mul3A_538 : vector<256x128xf32>
    %max3A_540 = arith.constant 0.000000e+00 : f32
    %max3A_541 = vector.broadcast %max3A_540 : f32 to vector<256x128xf32>
    %max3A_542 = arith.maximumf %sub3A_539, %max3A_541 : vector<256x128xf32>
    %sqrt3A_543 = math.sqrt %max3A_542 : vector<256x128xf32>
    %add3A_544 = arith.constant 1.000000e+00 : f32
    %add3A_545 = vector.broadcast %add3A_544 : f32 to vector<256x128xf32>
    %add3A_546 = arith.addf %add3A_545, %sqrt3A_543 : vector<256x128xf32>
    %div3A_547 = arith.constant 1.000000e+00 : f32
    %div3A_548 = vector.broadcast %div3A_547 : f32 to vector<256x128xf32>
    %div3A_549 = arith.divf %div3A_548, %add3A_546 : vector<256x128xf32>
    %add3A_550 = arith.constant 1.000000e+00 : f32
    %add3A_551 = vector.broadcast %add3A_550 : f32 to vector<256x128xf32>
    %add3A_552 = arith.addf %add3A_551, %div3A_549 : vector<256x128xf32>
    %div3A_553 = arith.constant 7.000000e-02 : f32
    %div3A_554 = vector.broadcast %div3A_553 : f32 to vector<256x128xf32>
    %div3A_555 = arith.divf %add3A_552, %div3A_554 : vector<256x128xf32>
    %add3A_556 = arith.addf %add3A_494, %div3A_555 : vector<256x128xf32>
    %dot_general3A_557 = arith.constant dense<0.000000e+00> : vector<128x256xf32>
    %dot_general3A_558 = tpu.matmul %get3A_525, %get3A_1, %dot_general3A_557 {dimension_numbers = #tpu.dot_dimension_numbers<[1], [1], [0], [0], [0, 0, 1, 0], [], []>, transpose_lhs_hint = false} : vector<128x128xf32>, vector<256x128xf32>, vector<128x256xf32> -> vector<128x256xf32>
    %broadcast_in_dim3A_559 = vector.shape_cast %reduce_sum3A_528 : vector<128xf32> to vector<128x1xf32>
    %broadcast_in_dim3A_560 = vector.shape_cast %reduce_sum3A_2 : vector<256xf32> to vector<1x256xf32>
    %add3A_561 = vector.broadcast %broadcast_in_dim3A_559 : vector<128x1xf32> to vector<128x256xf32>
    %add3A_562 = vector.broadcast %broadcast_in_dim3A_560 : vector<1x256xf32> to vector<128x256xf32>
    %add3A_563 = arith.addf %add3A_561, %add3A_562 : vector<128x256xf32>
    %mul3A_564 = arith.constant 2.000000e+00 : f32
    %mul3A_565 = vector.broadcast %mul3A_564 : f32 to vector<128x256xf32>
    %mul3A_566 = arith.mulf %mul3A_565, %dot_general3A_558 : vector<128x256xf32>
    %sub3A_567 = arith.subf %add3A_563, %mul3A_566 : vector<128x256xf32>
    %max3A_568 = arith.constant 0.000000e+00 : f32
    %max3A_569 = vector.broadcast %max3A_568 : f32 to vector<128x256xf32>
    %max3A_570 = arith.maximumf %sub3A_567, %max3A_569 : vector<128x256xf32>
    %sqrt3A_571 = math.sqrt %max3A_570 : vector<128x256xf32>
    %add3A_572 = arith.constant 1.000000e+00 : f32
    %add3A_573 = vector.broadcast %add3A_572 : f32 to vector<128x256xf32>
    %add3A_574 = arith.addf %add3A_573, %sqrt3A_571 : vector<128x256xf32>
    %div3A_575 = arith.constant 1.000000e+00 : f32
    %div3A_576 = vector.broadcast %div3A_575 : f32 to vector<128x256xf32>
    %div3A_577 = arith.divf %div3A_576, %add3A_574 : vector<128x256xf32>
    %add3A_578 = arith.constant 1.000000e+00 : f32
    %add3A_579 = vector.broadcast %add3A_578 : f32 to vector<128x256xf32>
    %add3A_580 = arith.addf %add3A_579, %div3A_577 : vector<128x256xf32>
    %div3A_581 = arith.constant 7.000000e-02 : f32
    %div3A_582 = vector.broadcast %div3A_581 : f32 to vector<128x256xf32>
    %div3A_583 = arith.divf %add3A_580, %div3A_582 : vector<128x256xf32>
    %add3A_584 = arith.addf %add3A_522, %div3A_583 : vector<128x256xf32>
    %get3A_585 = arith.constant 1152 : index
    %get3A_586 = arith.constant 0 : index
    %get3A_587 = vector.load %arg1[%get3A_585, %get3A_586] : memref<2048x128xf32, #tpu.memory_space<vmem>>, vector<128x128xf32>
    %mul3A_588 = arith.mulf %get3A_587, %get3A_587 : vector<128x128xf32>
    %reduce_sum3A_589 = arith.constant dense<0.000000e+00> : vector<128xf32>
    %reduce_sum3A_590 = vector.multi_reduction <add>, %mul3A_588, %reduce_sum3A_589 [1] : vector<128x128xf32> to vector<128xf32>
    %dot_general3A_591 = arith.constant dense<0.000000e+00> : vector<256x128xf32>
    %dot_general3A_592 = tpu.matmul %get3A_1, %get3A_587, %dot_general3A_591 {dimension_numbers = #tpu.dot_dimension_numbers<[1], [1], [0], [0], [0, 0, 1, 0], [], []>, transpose_lhs_hint = false} : vector<256x128xf32>, vector<128x128xf32>, vector<256x128xf32> -> vector<256x128xf32>
    %broadcast_in_dim3A_593 = vector.shape_cast %reduce_sum3A_2 : vector<256xf32> to vector<256x1xf32>
    %broadcast_in_dim3A_594 = vector.shape_cast %reduce_sum3A_590 : vector<128xf32> to vector<1x128xf32>
    %add3A_595 = vector.broadcast %broadcast_in_dim3A_593 : vector<256x1xf32> to vector<256x128xf32>
    %add3A_596 = vector.broadcast %broadcast_in_dim3A_594 : vector<1x128xf32> to vector<256x128xf32>
    %add3A_597 = arith.addf %add3A_595, %add3A_596 : vector<256x128xf32>
    %mul3A_598 = arith.constant 2.000000e+00 : f32
    %mul3A_599 = vector.broadcast %mul3A_598 : f32 to vector<256x128xf32>
    %mul3A_600 = arith.mulf %mul3A_599, %dot_general3A_592 : vector<256x128xf32>
    %sub3A_601 = arith.subf %add3A_597, %mul3A_600 : vector<256x128xf32>
    %max3A_602 = arith.constant 0.000000e+00 : f32
    %max3A_603 = vector.broadcast %max3A_602 : f32 to vector<256x128xf32>
    %max3A_604 = arith.maximumf %sub3A_601, %max3A_603 : vector<256x128xf32>
    %sqrt3A_605 = math.sqrt %max3A_604 : vector<256x128xf32>
    %add3A_606 = arith.constant 1.000000e+00 : f32
    %add3A_607 = vector.broadcast %add3A_606 : f32 to vector<256x128xf32>
    %add3A_608 = arith.addf %add3A_607, %sqrt3A_605 : vector<256x128xf32>
    %div3A_609 = arith.constant 1.000000e+00 : f32
    %div3A_610 = vector.broadcast %div3A_609 : f32 to vector<256x128xf32>
    %div3A_611 = arith.divf %div3A_610, %add3A_608 : vector<256x128xf32>
    %add3A_612 = arith.constant 1.000000e+00 : f32
    %add3A_613 = vector.broadcast %add3A_612 : f32 to vector<256x128xf32>
    %add3A_614 = arith.addf %add3A_613, %div3A_611 : vector<256x128xf32>
    %div3A_615 = arith.constant 7.000000e-02 : f32
    %div3A_616 = vector.broadcast %div3A_615 : f32 to vector<256x128xf32>
    %div3A_617 = arith.divf %add3A_614, %div3A_616 : vector<256x128xf32>
    %add3A_618 = arith.addf %add3A_556, %div3A_617 : vector<256x128xf32>
    %dot_general3A_619 = arith.constant dense<0.000000e+00> : vector<128x256xf32>
    %dot_general3A_620 = tpu.matmul %get3A_587, %get3A_1, %dot_general3A_619 {dimension_numbers = #tpu.dot_dimension_numbers<[1], [1], [0], [0], [0, 0, 1, 0], [], []>, transpose_lhs_hint = false} : vector<128x128xf32>, vector<256x128xf32>, vector<128x256xf32> -> vector<128x256xf32>
    %broadcast_in_dim3A_621 = vector.shape_cast %reduce_sum3A_590 : vector<128xf32> to vector<128x1xf32>
    %broadcast_in_dim3A_622 = vector.shape_cast %reduce_sum3A_2 : vector<256xf32> to vector<1x256xf32>
    %add3A_623 = vector.broadcast %broadcast_in_dim3A_621 : vector<128x1xf32> to vector<128x256xf32>
    %add3A_624 = vector.broadcast %broadcast_in_dim3A_622 : vector<1x256xf32> to vector<128x256xf32>
    %add3A_625 = arith.addf %add3A_623, %add3A_624 : vector<128x256xf32>
    %mul3A_626 = arith.constant 2.000000e+00 : f32
    %mul3A_627 = vector.broadcast %mul3A_626 : f32 to vector<128x256xf32>
    %mul3A_628 = arith.mulf %mul3A_627, %dot_general3A_620 : vector<128x256xf32>
    %sub3A_629 = arith.subf %add3A_625, %mul3A_628 : vector<128x256xf32>
    %max3A_630 = arith.constant 0.000000e+00 : f32
    %max3A_631 = vector.broadcast %max3A_630 : f32 to vector<128x256xf32>
    %max3A_632 = arith.maximumf %sub3A_629, %max3A_631 : vector<128x256xf32>
    %sqrt3A_633 = math.sqrt %max3A_632 : vector<128x256xf32>
    %add3A_634 = arith.constant 1.000000e+00 : f32
    %add3A_635 = vector.broadcast %add3A_634 : f32 to vector<128x256xf32>
    %add3A_636 = arith.addf %add3A_635, %sqrt3A_633 : vector<128x256xf32>
    %div3A_637 = arith.constant 1.000000e+00 : f32
    %div3A_638 = vector.broadcast %div3A_637 : f32 to vector<128x256xf32>
    %div3A_639 = arith.divf %div3A_638, %add3A_636 : vector<128x256xf32>
    %add3A_640 = arith.constant 1.000000e+00 : f32
    %add3A_641 = vector.broadcast %add3A_640 : f32 to vector<128x256xf32>
    %add3A_642 = arith.addf %add3A_641, %div3A_639 : vector<128x256xf32>
    %div3A_643 = arith.constant 7.000000e-02 : f32
    %div3A_644 = vector.broadcast %div3A_643 : f32 to vector<128x256xf32>
    %div3A_645 = arith.divf %add3A_642, %div3A_644 : vector<128x256xf32>
    %add3A_646 = arith.addf %add3A_584, %div3A_645 : vector<128x256xf32>
    %get3A_647 = arith.constant 1280 : index
    %get3A_648 = arith.constant 0 : index
    %get3A_649 = vector.load %arg1[%get3A_647, %get3A_648] : memref<2048x128xf32, #tpu.memory_space<vmem>>, vector<128x128xf32>
    %mul3A_650 = arith.mulf %get3A_649, %get3A_649 : vector<128x128xf32>
    %reduce_sum3A_651 = arith.constant dense<0.000000e+00> : vector<128xf32>
    %reduce_sum3A_652 = vector.multi_reduction <add>, %mul3A_650, %reduce_sum3A_651 [1] : vector<128x128xf32> to vector<128xf32>
    %dot_general3A_653 = arith.constant dense<0.000000e+00> : vector<256x128xf32>
    %dot_general3A_654 = tpu.matmul %get3A_1, %get3A_649, %dot_general3A_653 {dimension_numbers = #tpu.dot_dimension_numbers<[1], [1], [0], [0], [0, 0, 1, 0], [], []>, transpose_lhs_hint = false} : vector<256x128xf32>, vector<128x128xf32>, vector<256x128xf32> -> vector<256x128xf32>
    %broadcast_in_dim3A_655 = vector.shape_cast %reduce_sum3A_2 : vector<256xf32> to vector<256x1xf32>
    %broadcast_in_dim3A_656 = vector.shape_cast %reduce_sum3A_652 : vector<128xf32> to vector<1x128xf32>
    %add3A_657 = vector.broadcast %broadcast_in_dim3A_655 : vector<256x1xf32> to vector<256x128xf32>
    %add3A_658 = vector.broadcast %broadcast_in_dim3A_656 : vector<1x128xf32> to vector<256x128xf32>
    %add3A_659 = arith.addf %add3A_657, %add3A_658 : vector<256x128xf32>
    %mul3A_660 = arith.constant 2.000000e+00 : f32
    %mul3A_661 = vector.broadcast %mul3A_660 : f32 to vector<256x128xf32>
    %mul3A_662 = arith.mulf %mul3A_661, %dot_general3A_654 : vector<256x128xf32>
    %sub3A_663 = arith.subf %add3A_659, %mul3A_662 : vector<256x128xf32>
    %max3A_664 = arith.constant 0.000000e+00 : f32
    %max3A_665 = vector.broadcast %max3A_664 : f32 to vector<256x128xf32>
    %max3A_666 = arith.maximumf %sub3A_663, %max3A_665 : vector<256x128xf32>
    %sqrt3A_667 = math.sqrt %max3A_666 : vector<256x128xf32>
    %add3A_668 = arith.constant 1.000000e+00 : f32
    %add3A_669 = vector.broadcast %add3A_668 : f32 to vector<256x128xf32>
    %add3A_670 = arith.addf %add3A_669, %sqrt3A_667 : vector<256x128xf32>
    %div3A_671 = arith.constant 1.000000e+00 : f32
    %div3A_672 = vector.broadcast %div3A_671 : f32 to vector<256x128xf32>
    %div3A_673 = arith.divf %div3A_672, %add3A_670 : vector<256x128xf32>
    %add3A_674 = arith.constant 1.000000e+00 : f32
    %add3A_675 = vector.broadcast %add3A_674 : f32 to vector<256x128xf32>
    %add3A_676 = arith.addf %add3A_675, %div3A_673 : vector<256x128xf32>
    %div3A_677 = arith.constant 7.000000e-02 : f32
    %div3A_678 = vector.broadcast %div3A_677 : f32 to vector<256x128xf32>
    %div3A_679 = arith.divf %add3A_676, %div3A_678 : vector<256x128xf32>
    %add3A_680 = arith.addf %add3A_618, %div3A_679 : vector<256x128xf32>
    %dot_general3A_681 = arith.constant dense<0.000000e+00> : vector<128x256xf32>
    %dot_general3A_682 = tpu.matmul %get3A_649, %get3A_1, %dot_general3A_681 {dimension_numbers = #tpu.dot_dimension_numbers<[1], [1], [0], [0], [0, 0, 1, 0], [], []>, transpose_lhs_hint = false} : vector<128x128xf32>, vector<256x128xf32>, vector<128x256xf32> -> vector<128x256xf32>
    %broadcast_in_dim3A_683 = vector.shape_cast %reduce_sum3A_652 : vector<128xf32> to vector<128x1xf32>
    %broadcast_in_dim3A_684 = vector.shape_cast %reduce_sum3A_2 : vector<256xf32> to vector<1x256xf32>
    %add3A_685 = vector.broadcast %broadcast_in_dim3A_683 : vector<128x1xf32> to vector<128x256xf32>
    %add3A_686 = vector.broadcast %broadcast_in_dim3A_684 : vector<1x256xf32> to vector<128x256xf32>
    %add3A_687 = arith.addf %add3A_685, %add3A_686 : vector<128x256xf32>
    %mul3A_688 = arith.constant 2.000000e+00 : f32
    %mul3A_689 = vector.broadcast %mul3A_688 : f32 to vector<128x256xf32>
    %mul3A_690 = arith.mulf %mul3A_689, %dot_general3A_682 : vector<128x256xf32>
    %sub3A_691 = arith.subf %add3A_687, %mul3A_690 : vector<128x256xf32>
    %max3A_692 = arith.constant 0.000000e+00 : f32
    %max3A_693 = vector.broadcast %max3A_692 : f32 to vector<128x256xf32>
    %max3A_694 = arith.maximumf %sub3A_691, %max3A_693 : vector<128x256xf32>
    %sqrt3A_695 = math.sqrt %max3A_694 : vector<128x256xf32>
    %add3A_696 = arith.constant 1.000000e+00 : f32
    %add3A_697 = vector.broadcast %add3A_696 : f32 to vector<128x256xf32>
    %add3A_698 = arith.addf %add3A_697, %sqrt3A_695 : vector<128x256xf32>
    %div3A_699 = arith.constant 1.000000e+00 : f32
    %div3A_700 = vector.broadcast %div3A_699 : f32 to vector<128x256xf32>
    %div3A_701 = arith.divf %div3A_700, %add3A_698 : vector<128x256xf32>
    %add3A_702 = arith.constant 1.000000e+00 : f32
    %add3A_703 = vector.broadcast %add3A_702 : f32 to vector<128x256xf32>
    %add3A_704 = arith.addf %add3A_703, %div3A_701 : vector<128x256xf32>
    %div3A_705 = arith.constant 7.000000e-02 : f32
    %div3A_706 = vector.broadcast %div3A_705 : f32 to vector<128x256xf32>
    %div3A_707 = arith.divf %add3A_704, %div3A_706 : vector<128x256xf32>
    %add3A_708 = arith.addf %add3A_646, %div3A_707 : vector<128x256xf32>
    %get3A_709 = arith.constant 1408 : index
    %get3A_710 = arith.constant 0 : index
    %get3A_711 = vector.load %arg1[%get3A_709, %get3A_710] : memref<2048x128xf32, #tpu.memory_space<vmem>>, vector<128x128xf32>
    %mul3A_712 = arith.mulf %get3A_711, %get3A_711 : vector<128x128xf32>
    %reduce_sum3A_713 = arith.constant dense<0.000000e+00> : vector<128xf32>
    %reduce_sum3A_714 = vector.multi_reduction <add>, %mul3A_712, %reduce_sum3A_713 [1] : vector<128x128xf32> to vector<128xf32>
    %dot_general3A_715 = arith.constant dense<0.000000e+00> : vector<256x128xf32>
    %dot_general3A_716 = tpu.matmul %get3A_1, %get3A_711, %dot_general3A_715 {dimension_numbers = #tpu.dot_dimension_numbers<[1], [1], [0], [0], [0, 0, 1, 0], [], []>, transpose_lhs_hint = false} : vector<256x128xf32>, vector<128x128xf32>, vector<256x128xf32> -> vector<256x128xf32>
    %broadcast_in_dim3A_717 = vector.shape_cast %reduce_sum3A_2 : vector<256xf32> to vector<256x1xf32>
    %broadcast_in_dim3A_718 = vector.shape_cast %reduce_sum3A_714 : vector<128xf32> to vector<1x128xf32>
    %add3A_719 = vector.broadcast %broadcast_in_dim3A_717 : vector<256x1xf32> to vector<256x128xf32>
    %add3A_720 = vector.broadcast %broadcast_in_dim3A_718 : vector<1x128xf32> to vector<256x128xf32>
    %add3A_721 = arith.addf %add3A_719, %add3A_720 : vector<256x128xf32>
    %mul3A_722 = arith.constant 2.000000e+00 : f32
    %mul3A_723 = vector.broadcast %mul3A_722 : f32 to vector<256x128xf32>
    %mul3A_724 = arith.mulf %mul3A_723, %dot_general3A_716 : vector<256x128xf32>
    %sub3A_725 = arith.subf %add3A_721, %mul3A_724 : vector<256x128xf32>
    %max3A_726 = arith.constant 0.000000e+00 : f32
    %max3A_727 = vector.broadcast %max3A_726 : f32 to vector<256x128xf32>
    %max3A_728 = arith.maximumf %sub3A_725, %max3A_727 : vector<256x128xf32>
    %sqrt3A_729 = math.sqrt %max3A_728 : vector<256x128xf32>
    %add3A_730 = arith.constant 1.000000e+00 : f32
    %add3A_731 = vector.broadcast %add3A_730 : f32 to vector<256x128xf32>
    %add3A_732 = arith.addf %add3A_731, %sqrt3A_729 : vector<256x128xf32>
    %div3A_733 = arith.constant 1.000000e+00 : f32
    %div3A_734 = vector.broadcast %div3A_733 : f32 to vector<256x128xf32>
    %div3A_735 = arith.divf %div3A_734, %add3A_732 : vector<256x128xf32>
    %add3A_736 = arith.constant 1.000000e+00 : f32
    %add3A_737 = vector.broadcast %add3A_736 : f32 to vector<256x128xf32>
    %add3A_738 = arith.addf %add3A_737, %div3A_735 : vector<256x128xf32>
    %div3A_739 = arith.constant 7.000000e-02 : f32
    %div3A_740 = vector.broadcast %div3A_739 : f32 to vector<256x128xf32>
    %div3A_741 = arith.divf %add3A_738, %div3A_740 : vector<256x128xf32>
    %add3A_742 = arith.addf %add3A_680, %div3A_741 : vector<256x128xf32>
    %dot_general3A_743 = arith.constant dense<0.000000e+00> : vector<128x256xf32>
    %dot_general3A_744 = tpu.matmul %get3A_711, %get3A_1, %dot_general3A_743 {dimension_numbers = #tpu.dot_dimension_numbers<[1], [1], [0], [0], [0, 0, 1, 0], [], []>, transpose_lhs_hint = false} : vector<128x128xf32>, vector<256x128xf32>, vector<128x256xf32> -> vector<128x256xf32>
    %broadcast_in_dim3A_745 = vector.shape_cast %reduce_sum3A_714 : vector<128xf32> to vector<128x1xf32>
    %broadcast_in_dim3A_746 = vector.shape_cast %reduce_sum3A_2 : vector<256xf32> to vector<1x256xf32>
    %add3A_747 = vector.broadcast %broadcast_in_dim3A_745 : vector<128x1xf32> to vector<128x256xf32>
    %add3A_748 = vector.broadcast %broadcast_in_dim3A_746 : vector<1x256xf32> to vector<128x256xf32>
    %add3A_749 = arith.addf %add3A_747, %add3A_748 : vector<128x256xf32>
    %mul3A_750 = arith.constant 2.000000e+00 : f32
    %mul3A_751 = vector.broadcast %mul3A_750 : f32 to vector<128x256xf32>
    %mul3A_752 = arith.mulf %mul3A_751, %dot_general3A_744 : vector<128x256xf32>
    %sub3A_753 = arith.subf %add3A_749, %mul3A_752 : vector<128x256xf32>
    %max3A_754 = arith.constant 0.000000e+00 : f32
    %max3A_755 = vector.broadcast %max3A_754 : f32 to vector<128x256xf32>
    %max3A_756 = arith.maximumf %sub3A_753, %max3A_755 : vector<128x256xf32>
    %sqrt3A_757 = math.sqrt %max3A_756 : vector<128x256xf32>
    %add3A_758 = arith.constant 1.000000e+00 : f32
    %add3A_759 = vector.broadcast %add3A_758 : f32 to vector<128x256xf32>
    %add3A_760 = arith.addf %add3A_759, %sqrt3A_757 : vector<128x256xf32>
    %div3A_761 = arith.constant 1.000000e+00 : f32
    %div3A_762 = vector.broadcast %div3A_761 : f32 to vector<128x256xf32>
    %div3A_763 = arith.divf %div3A_762, %add3A_760 : vector<128x256xf32>
    %add3A_764 = arith.constant 1.000000e+00 : f32
    %add3A_765 = vector.broadcast %add3A_764 : f32 to vector<128x256xf32>
    %add3A_766 = arith.addf %add3A_765, %div3A_763 : vector<128x256xf32>
    %div3A_767 = arith.constant 7.000000e-02 : f32
    %div3A_768 = vector.broadcast %div3A_767 : f32 to vector<128x256xf32>
    %div3A_769 = arith.divf %add3A_766, %div3A_768 : vector<128x256xf32>
    %add3A_770 = arith.addf %add3A_708, %div3A_769 : vector<128x256xf32>
    %get3A_771 = arith.constant 1536 : index
    %get3A_772 = arith.constant 0 : index
    %get3A_773 = vector.load %arg1[%get3A_771, %get3A_772] : memref<2048x128xf32, #tpu.memory_space<vmem>>, vector<128x128xf32>
    %mul3A_774 = arith.mulf %get3A_773, %get3A_773 : vector<128x128xf32>
    %reduce_sum3A_775 = arith.constant dense<0.000000e+00> : vector<128xf32>
    %reduce_sum3A_776 = vector.multi_reduction <add>, %mul3A_774, %reduce_sum3A_775 [1] : vector<128x128xf32> to vector<128xf32>
    %dot_general3A_777 = arith.constant dense<0.000000e+00> : vector<256x128xf32>
    %dot_general3A_778 = tpu.matmul %get3A_1, %get3A_773, %dot_general3A_777 {dimension_numbers = #tpu.dot_dimension_numbers<[1], [1], [0], [0], [0, 0, 1, 0], [], []>, transpose_lhs_hint = false} : vector<256x128xf32>, vector<128x128xf32>, vector<256x128xf32> -> vector<256x128xf32>
    %broadcast_in_dim3A_779 = vector.shape_cast %reduce_sum3A_2 : vector<256xf32> to vector<256x1xf32>
    %broadcast_in_dim3A_780 = vector.shape_cast %reduce_sum3A_776 : vector<128xf32> to vector<1x128xf32>
    %add3A_781 = vector.broadcast %broadcast_in_dim3A_779 : vector<256x1xf32> to vector<256x128xf32>
    %add3A_782 = vector.broadcast %broadcast_in_dim3A_780 : vector<1x128xf32> to vector<256x128xf32>
    %add3A_783 = arith.addf %add3A_781, %add3A_782 : vector<256x128xf32>
    %mul3A_784 = arith.constant 2.000000e+00 : f32
    %mul3A_785 = vector.broadcast %mul3A_784 : f32 to vector<256x128xf32>
    %mul3A_786 = arith.mulf %mul3A_785, %dot_general3A_778 : vector<256x128xf32>
    %sub3A_787 = arith.subf %add3A_783, %mul3A_786 : vector<256x128xf32>
    %max3A_788 = arith.constant 0.000000e+00 : f32
    %max3A_789 = vector.broadcast %max3A_788 : f32 to vector<256x128xf32>
    %max3A_790 = arith.maximumf %sub3A_787, %max3A_789 : vector<256x128xf32>
    %sqrt3A_791 = math.sqrt %max3A_790 : vector<256x128xf32>
    %add3A_792 = arith.constant 1.000000e+00 : f32
    %add3A_793 = vector.broadcast %add3A_792 : f32 to vector<256x128xf32>
    %add3A_794 = arith.addf %add3A_793, %sqrt3A_791 : vector<256x128xf32>
    %div3A_795 = arith.constant 1.000000e+00 : f32
    %div3A_796 = vector.broadcast %div3A_795 : f32 to vector<256x128xf32>
    %div3A_797 = arith.divf %div3A_796, %add3A_794 : vector<256x128xf32>
    %add3A_798 = arith.constant 1.000000e+00 : f32
    %add3A_799 = vector.broadcast %add3A_798 : f32 to vector<256x128xf32>
    %add3A_800 = arith.addf %add3A_799, %div3A_797 : vector<256x128xf32>
    %div3A_801 = arith.constant 7.000000e-02 : f32
    %div3A_802 = vector.broadcast %div3A_801 : f32 to vector<256x128xf32>
    %div3A_803 = arith.divf %add3A_800, %div3A_802 : vector<256x128xf32>
    %add3A_804 = arith.addf %add3A_742, %div3A_803 : vector<256x128xf32>
    %dot_general3A_805 = arith.constant dense<0.000000e+00> : vector<128x256xf32>
    %dot_general3A_806 = tpu.matmul %get3A_773, %get3A_1, %dot_general3A_805 {dimension_numbers = #tpu.dot_dimension_numbers<[1], [1], [0], [0], [0, 0, 1, 0], [], []>, transpose_lhs_hint = false} : vector<128x128xf32>, vector<256x128xf32>, vector<128x256xf32> -> vector<128x256xf32>
    %broadcast_in_dim3A_807 = vector.shape_cast %reduce_sum3A_776 : vector<128xf32> to vector<128x1xf32>
    %broadcast_in_dim3A_808 = vector.shape_cast %reduce_sum3A_2 : vector<256xf32> to vector<1x256xf32>
    %add3A_809 = vector.broadcast %broadcast_in_dim3A_807 : vector<128x1xf32> to vector<128x256xf32>
    %add3A_810 = vector.broadcast %broadcast_in_dim3A_808 : vector<1x256xf32> to vector<128x256xf32>
    %add3A_811 = arith.addf %add3A_809, %add3A_810 : vector<128x256xf32>
    %mul3A_812 = arith.constant 2.000000e+00 : f32
    %mul3A_813 = vector.broadcast %mul3A_812 : f32 to vector<128x256xf32>
    %mul3A_814 = arith.mulf %mul3A_813, %dot_general3A_806 : vector<128x256xf32>
    %sub3A_815 = arith.subf %add3A_811, %mul3A_814 : vector<128x256xf32>
    %max3A_816 = arith.constant 0.000000e+00 : f32
    %max3A_817 = vector.broadcast %max3A_816 : f32 to vector<128x256xf32>
    %max3A_818 = arith.maximumf %sub3A_815, %max3A_817 : vector<128x256xf32>
    %sqrt3A_819 = math.sqrt %max3A_818 : vector<128x256xf32>
    %add3A_820 = arith.constant 1.000000e+00 : f32
    %add3A_821 = vector.broadcast %add3A_820 : f32 to vector<128x256xf32>
    %add3A_822 = arith.addf %add3A_821, %sqrt3A_819 : vector<128x256xf32>
    %div3A_823 = arith.constant 1.000000e+00 : f32
    %div3A_824 = vector.broadcast %div3A_823 : f32 to vector<128x256xf32>
    %div3A_825 = arith.divf %div3A_824, %add3A_822 : vector<128x256xf32>
    %add3A_826 = arith.constant 1.000000e+00 : f32
    %add3A_827 = vector.broadcast %add3A_826 : f32 to vector<128x256xf32>
    %add3A_828 = arith.addf %add3A_827, %div3A_825 : vector<128x256xf32>
    %div3A_829 = arith.constant 7.000000e-02 : f32
    %div3A_830 = vector.broadcast %div3A_829 : f32 to vector<128x256xf32>
    %div3A_831 = arith.divf %add3A_828, %div3A_830 : vector<128x256xf32>
    %add3A_832 = arith.addf %add3A_770, %div3A_831 : vector<128x256xf32>
    %get3A_833 = arith.constant 1664 : index
    %get3A_834 = arith.constant 0 : index
    %get3A_835 = vector.load %arg1[%get3A_833, %get3A_834] : memref<2048x128xf32, #tpu.memory_space<vmem>>, vector<128x128xf32>
    %mul3A_836 = arith.mulf %get3A_835, %get3A_835 : vector<128x128xf32>
    %reduce_sum3A_837 = arith.constant dense<0.000000e+00> : vector<128xf32>
    %reduce_sum3A_838 = vector.multi_reduction <add>, %mul3A_836, %reduce_sum3A_837 [1] : vector<128x128xf32> to vector<128xf32>
    %dot_general3A_839 = arith.constant dense<0.000000e+00> : vector<256x128xf32>
    %dot_general3A_840 = tpu.matmul %get3A_1, %get3A_835, %dot_general3A_839 {dimension_numbers = #tpu.dot_dimension_numbers<[1], [1], [0], [0], [0, 0, 1, 0], [], []>, transpose_lhs_hint = false} : vector<256x128xf32>, vector<128x128xf32>, vector<256x128xf32> -> vector<256x128xf32>
    %broadcast_in_dim3A_841 = vector.shape_cast %reduce_sum3A_2 : vector<256xf32> to vector<256x1xf32>
    %broadcast_in_dim3A_842 = vector.shape_cast %reduce_sum3A_838 : vector<128xf32> to vector<1x128xf32>
    %add3A_843 = vector.broadcast %broadcast_in_dim3A_841 : vector<256x1xf32> to vector<256x128xf32>
    %add3A_844 = vector.broadcast %broadcast_in_dim3A_842 : vector<1x128xf32> to vector<256x128xf32>
    %add3A_845 = arith.addf %add3A_843, %add3A_844 : vector<256x128xf32>
    %mul3A_846 = arith.constant 2.000000e+00 : f32
    %mul3A_847 = vector.broadcast %mul3A_846 : f32 to vector<256x128xf32>
    %mul3A_848 = arith.mulf %mul3A_847, %dot_general3A_840 : vector<256x128xf32>
    %sub3A_849 = arith.subf %add3A_845, %mul3A_848 : vector<256x128xf32>
    %max3A_850 = arith.constant 0.000000e+00 : f32
    %max3A_851 = vector.broadcast %max3A_850 : f32 to vector<256x128xf32>
    %max3A_852 = arith.maximumf %sub3A_849, %max3A_851 : vector<256x128xf32>
    %sqrt3A_853 = math.sqrt %max3A_852 : vector<256x128xf32>
    %add3A_854 = arith.constant 1.000000e+00 : f32
    %add3A_855 = vector.broadcast %add3A_854 : f32 to vector<256x128xf32>
    %add3A_856 = arith.addf %add3A_855, %sqrt3A_853 : vector<256x128xf32>
    %div3A_857 = arith.constant 1.000000e+00 : f32
    %div3A_858 = vector.broadcast %div3A_857 : f32 to vector<256x128xf32>
    %div3A_859 = arith.divf %div3A_858, %add3A_856 : vector<256x128xf32>
    %add3A_860 = arith.constant 1.000000e+00 : f32
    %add3A_861 = vector.broadcast %add3A_860 : f32 to vector<256x128xf32>
    %add3A_862 = arith.addf %add3A_861, %div3A_859 : vector<256x128xf32>
    %div3A_863 = arith.constant 7.000000e-02 : f32
    %div3A_864 = vector.broadcast %div3A_863 : f32 to vector<256x128xf32>
    %div3A_865 = arith.divf %add3A_862, %div3A_864 : vector<256x128xf32>
    %add3A_866 = arith.addf %add3A_804, %div3A_865 : vector<256x128xf32>
    %dot_general3A_867 = arith.constant dense<0.000000e+00> : vector<128x256xf32>
    %dot_general3A_868 = tpu.matmul %get3A_835, %get3A_1, %dot_general3A_867 {dimension_numbers = #tpu.dot_dimension_numbers<[1], [1], [0], [0], [0, 0, 1, 0], [], []>, transpose_lhs_hint = false} : vector<128x128xf32>, vector<256x128xf32>, vector<128x256xf32> -> vector<128x256xf32>
    %broadcast_in_dim3A_869 = vector.shape_cast %reduce_sum3A_838 : vector<128xf32> to vector<128x1xf32>
    %broadcast_in_dim3A_870 = vector.shape_cast %reduce_sum3A_2 : vector<256xf32> to vector<1x256xf32>
    %add3A_871 = vector.broadcast %broadcast_in_dim3A_869 : vector<128x1xf32> to vector<128x256xf32>
    %add3A_872 = vector.broadcast %broadcast_in_dim3A_870 : vector<1x256xf32> to vector<128x256xf32>
    %add3A_873 = arith.addf %add3A_871, %add3A_872 : vector<128x256xf32>
    %mul3A_874 = arith.constant 2.000000e+00 : f32
    %mul3A_875 = vector.broadcast %mul3A_874 : f32 to vector<128x256xf32>
    %mul3A_876 = arith.mulf %mul3A_875, %dot_general3A_868 : vector<128x256xf32>
    %sub3A_877 = arith.subf %add3A_873, %mul3A_876 : vector<128x256xf32>
    %max3A_878 = arith.constant 0.000000e+00 : f32
    %max3A_879 = vector.broadcast %max3A_878 : f32 to vector<128x256xf32>
    %max3A_880 = arith.maximumf %sub3A_877, %max3A_879 : vector<128x256xf32>
    %sqrt3A_881 = math.sqrt %max3A_880 : vector<128x256xf32>
    %add3A_882 = arith.constant 1.000000e+00 : f32
    %add3A_883 = vector.broadcast %add3A_882 : f32 to vector<128x256xf32>
    %add3A_884 = arith.addf %add3A_883, %sqrt3A_881 : vector<128x256xf32>
    %div3A_885 = arith.constant 1.000000e+00 : f32
    %div3A_886 = vector.broadcast %div3A_885 : f32 to vector<128x256xf32>
    %div3A_887 = arith.divf %div3A_886, %add3A_884 : vector<128x256xf32>
    %add3A_888 = arith.constant 1.000000e+00 : f32
    %add3A_889 = vector.broadcast %add3A_888 : f32 to vector<128x256xf32>
    %add3A_890 = arith.addf %add3A_889, %div3A_887 : vector<128x256xf32>
    %div3A_891 = arith.constant 7.000000e-02 : f32
    %div3A_892 = vector.broadcast %div3A_891 : f32 to vector<128x256xf32>
    %div3A_893 = arith.divf %add3A_890, %div3A_892 : vector<128x256xf32>
    %add3A_894 = arith.addf %add3A_832, %div3A_893 : vector<128x256xf32>
    %get3A_895 = arith.constant 1792 : index
    %get3A_896 = arith.constant 0 : index
    %get3A_897 = vector.load %arg1[%get3A_895, %get3A_896] : memref<2048x128xf32, #tpu.memory_space<vmem>>, vector<128x128xf32>
    %mul3A_898 = arith.mulf %get3A_897, %get3A_897 : vector<128x128xf32>
    %reduce_sum3A_899 = arith.constant dense<0.000000e+00> : vector<128xf32>
    %reduce_sum3A_900 = vector.multi_reduction <add>, %mul3A_898, %reduce_sum3A_899 [1] : vector<128x128xf32> to vector<128xf32>
    %dot_general3A_901 = arith.constant dense<0.000000e+00> : vector<256x128xf32>
    %dot_general3A_902 = tpu.matmul %get3A_1, %get3A_897, %dot_general3A_901 {dimension_numbers = #tpu.dot_dimension_numbers<[1], [1], [0], [0], [0, 0, 1, 0], [], []>, transpose_lhs_hint = false} : vector<256x128xf32>, vector<128x128xf32>, vector<256x128xf32> -> vector<256x128xf32>
    %broadcast_in_dim3A_903 = vector.shape_cast %reduce_sum3A_2 : vector<256xf32> to vector<256x1xf32>
    %broadcast_in_dim3A_904 = vector.shape_cast %reduce_sum3A_900 : vector<128xf32> to vector<1x128xf32>
    %add3A_905 = vector.broadcast %broadcast_in_dim3A_903 : vector<256x1xf32> to vector<256x128xf32>
    %add3A_906 = vector.broadcast %broadcast_in_dim3A_904 : vector<1x128xf32> to vector<256x128xf32>
    %add3A_907 = arith.addf %add3A_905, %add3A_906 : vector<256x128xf32>
    %mul3A_908 = arith.constant 2.000000e+00 : f32
    %mul3A_909 = vector.broadcast %mul3A_908 : f32 to vector<256x128xf32>
    %mul3A_910 = arith.mulf %mul3A_909, %dot_general3A_902 : vector<256x128xf32>
    %sub3A_911 = arith.subf %add3A_907, %mul3A_910 : vector<256x128xf32>
    %max3A_912 = arith.constant 0.000000e+00 : f32
    %max3A_913 = vector.broadcast %max3A_912 : f32 to vector<256x128xf32>
    %max3A_914 = arith.maximumf %sub3A_911, %max3A_913 : vector<256x128xf32>
    %sqrt3A_915 = math.sqrt %max3A_914 : vector<256x128xf32>
    %add3A_916 = arith.constant 1.000000e+00 : f32
    %add3A_917 = vector.broadcast %add3A_916 : f32 to vector<256x128xf32>
    %add3A_918 = arith.addf %add3A_917, %sqrt3A_915 : vector<256x128xf32>
    %div3A_919 = arith.constant 1.000000e+00 : f32
    %div3A_920 = vector.broadcast %div3A_919 : f32 to vector<256x128xf32>
    %div3A_921 = arith.divf %div3A_920, %add3A_918 : vector<256x128xf32>
    %add3A_922 = arith.constant 1.000000e+00 : f32
    %add3A_923 = vector.broadcast %add3A_922 : f32 to vector<256x128xf32>
    %add3A_924 = arith.addf %add3A_923, %div3A_921 : vector<256x128xf32>
    %div3A_925 = arith.constant 7.000000e-02 : f32
    %div3A_926 = vector.broadcast %div3A_925 : f32 to vector<256x128xf32>
    %div3A_927 = arith.divf %add3A_924, %div3A_926 : vector<256x128xf32>
    %add3A_928 = arith.addf %add3A_866, %div3A_927 : vector<256x128xf32>
    %dot_general3A_929 = arith.constant dense<0.000000e+00> : vector<128x256xf32>
    %dot_general3A_930 = tpu.matmul %get3A_897, %get3A_1, %dot_general3A_929 {dimension_numbers = #tpu.dot_dimension_numbers<[1], [1], [0], [0], [0, 0, 1, 0], [], []>, transpose_lhs_hint = false} : vector<128x128xf32>, vector<256x128xf32>, vector<128x256xf32> -> vector<128x256xf32>
    %broadcast_in_dim3A_931 = vector.shape_cast %reduce_sum3A_900 : vector<128xf32> to vector<128x1xf32>
    %broadcast_in_dim3A_932 = vector.shape_cast %reduce_sum3A_2 : vector<256xf32> to vector<1x256xf32>
    %add3A_933 = vector.broadcast %broadcast_in_dim3A_931 : vector<128x1xf32> to vector<128x256xf32>
    %add3A_934 = vector.broadcast %broadcast_in_dim3A_932 : vector<1x256xf32> to vector<128x256xf32>
    %add3A_935 = arith.addf %add3A_933, %add3A_934 : vector<128x256xf32>
    %mul3A_936 = arith.constant 2.000000e+00 : f32
    %mul3A_937 = vector.broadcast %mul3A_936 : f32 to vector<128x256xf32>
    %mul3A_938 = arith.mulf %mul3A_937, %dot_general3A_930 : vector<128x256xf32>
    %sub3A_939 = arith.subf %add3A_935, %mul3A_938 : vector<128x256xf32>
    %max3A_940 = arith.constant 0.000000e+00 : f32
    %max3A_941 = vector.broadcast %max3A_940 : f32 to vector<128x256xf32>
    %max3A_942 = arith.maximumf %sub3A_939, %max3A_941 : vector<128x256xf32>
    %sqrt3A_943 = math.sqrt %max3A_942 : vector<128x256xf32>
    %add3A_944 = arith.constant 1.000000e+00 : f32
    %add3A_945 = vector.broadcast %add3A_944 : f32 to vector<128x256xf32>
    %add3A_946 = arith.addf %add3A_945, %sqrt3A_943 : vector<128x256xf32>
    %div3A_947 = arith.constant 1.000000e+00 : f32
    %div3A_948 = vector.broadcast %div3A_947 : f32 to vector<128x256xf32>
    %div3A_949 = arith.divf %div3A_948, %add3A_946 : vector<128x256xf32>
    %add3A_950 = arith.constant 1.000000e+00 : f32
    %add3A_951 = vector.broadcast %add3A_950 : f32 to vector<128x256xf32>
    %add3A_952 = arith.addf %add3A_951, %div3A_949 : vector<128x256xf32>
    %div3A_953 = arith.constant 7.000000e-02 : f32
    %div3A_954 = vector.broadcast %div3A_953 : f32 to vector<128x256xf32>
    %div3A_955 = arith.divf %add3A_952, %div3A_954 : vector<128x256xf32>
    %add3A_956 = arith.addf %add3A_894, %div3A_955 : vector<128x256xf32>
    %mul3A_957 = arith.constant 0.0666666701 : f32
    %mul3A_958 = vector.broadcast %mul3A_957 : f32 to vector<256x128xf32>
    %mul3A_959 = arith.mulf %add3A_928, %mul3A_958 : vector<256x128xf32>
    %mul3A_960 = arith.constant 0.0666666701 : f32
    %mul3A_961 = vector.broadcast %mul3A_960 : f32 to vector<128x256xf32>
    %mul3A_962 = arith.mulf %add3A_956, %mul3A_961 : vector<128x256xf32>
    %concatenate3A = tpu.concatenate %mul3A_959, %mul3A_959 in 1 : vector<256x128xf32>, vector<256x128xf32> -> vector<256x256xf32>
    %concatenate3A_963 = tpu.concatenate %mul3A_962, %mul3A_962 in 0 : vector<128x256xf32>, vector<128x256xf32> -> vector<256x256xf32>
    %mul3A_964 = arith.mulf %concatenate3A, %concatenate3A : vector<256x256xf32>
    %mul3A_965 = arith.mulf %concatenate3A_963, %concatenate3A_963 : vector<256x256xf32>
    %add3A_966 = arith.addf %mul3A_964, %mul3A_965 : vector<256x256xf32>
    %mul3A_967 = arith.mulf %div3A_22, %div3A_22 : vector<256x256xf32>
    %add3A_968 = arith.addf %add3A_966, %mul3A_967 : vector<256x256xf32>
    %sqrt3A_969 = math.sqrt %add3A_968 : vector<256x256xf32>
    %reduce_max3A = arith.constant dense<0xFF800000> : vector<256xf32>
    %reduce_max3A_970 = vector.multi_reduction <maximumf>, %sqrt3A_969, %reduce_max3A [1] : vector<256x256xf32> to vector<256xf32>
    %broadcast_in_dim3A_971 = vector.shape_cast %reduce_max3A_970 : vector<256xf32> to vector<256x1xf32>
    %sub3A_972 = vector.broadcast %broadcast_in_dim3A_971 : vector<256x1xf32> to vector<256x256xf32>
    %sub3A_973 = arith.subf %sqrt3A_969, %sub3A_972 : vector<256x256xf32>
    %iota3A = tpu.iota {dimensions = array<i32: 0>} : vector<256x256xi32>
    %iota3A_974 = tpu.iota {dimensions = array<i32: 1>} : vector<256x256xi32>
    %ne3A = arith.cmpi ne, %iota3A, %iota3A_974 : vector<256x256xi32>
    %sub3A_975 = arith.subi %iota3A, %iota3A_974 : vector<256x256xi32>
    %abs3A = math.absi %sub3A_975 : vector<256x256xi32>
    %eq3A = arith.constant 128 : i32
    %eq3A_976 = vector.broadcast %eq3A : i32 to vector<256x256xi32>
    %eq3A_977 = arith.cmpi eq, %abs3A, %eq3A_976 : vector<256x256xi32>
    %exp3A = math.exp %sub3A_973 : vector<256x256xf32>
    %jit3A = arith.constant 0.000000e+00 : f32
    %broadcast_in_dim3A_978 = vector.broadcast %jit3A : f32 to vector<256x256xf32>
    %select_n3A = arith.select %ne3A, %exp3A, %broadcast_in_dim3A_978 : vector<256x256xi1>, vector<256x256xf32>
    %reduce_sum3A_979 = arith.constant dense<0.000000e+00> : vector<256xf32>
    %reduce_sum3A_980 = vector.multi_reduction <add>, %select_n3A, %reduce_sum3A_979 [1] : vector<256x256xf32> to vector<256xf32>
    %jit3A_981 = arith.constant 0.000000e+00 : f32
    %broadcast_in_dim3A_982 = vector.broadcast %jit3A_981 : f32 to vector<256x256xf32>
    %select_n3A_983 = arith.select %eq3A_977, %sub3A_973, %broadcast_in_dim3A_982 : vector<256x256xi1>, vector<256x256xf32>
    %reduce_sum3A_984 = arith.constant dense<0.000000e+00> : vector<256xf32>
    %reduce_sum3A_985 = vector.multi_reduction <add>, %select_n3A_983, %reduce_sum3A_984 [1] : vector<256x256xf32> to vector<256xf32>
    %log3A = math.log %reduce_sum3A_980 : vector<256xf32>
    %sub3A_986 = arith.subf %log3A, %reduce_sum3A_985 : vector<256xf32>
    %reduce_sum3A_987 = vector.shape_cast %sub3A_986 : vector<256xf32> to vector<1x256xf32>
    %reduce_sum3A_988 = arith.constant dense<0.000000e+00> : vector<1xf32>
    %reduce_sum3A_989 = vector.multi_reduction <add>, %reduce_sum3A_987, %reduce_sum3A_988 [1] : vector<1x256xf32> to vector<1xf32>
    %reduce_sum3A_990 = vector.shape_cast %reduce_sum3A_989 : vector<1xf32> to vector<1x1xf32>
    %reduce_sum3A_991 = vector.extract %reduce_sum3A_990[0, 0] : f32 from vector<1x1xf32>
    %div3A_992 = arith.constant 2.560000e+02 : f32
    %div3A_993 = arith.divf %reduce_sum3A_991, %div3A_992 : f32
    %swap3A = arith.constant 0 : index
    %swap3A_994 = arith.constant 0 : index
    %swap3A_995 = memref.load %arg2[%swap3A, %swap3A_994] : memref<1x1xf32, #tpu.memory_space<smem>>
    memref.store %div3A_993, %arg2[%swap3A, %swap3A_994] : memref<1x1xf32, #tpu.memory_space<smem>>
    return
  }
}

</mosaic_0001>

<sc_bundles>
// kernel: kernel.4.cloned.1.call-start
scs
__scs_entry_jumppad:
0x0: {  	(pc) =	sbr.rel $0x88, $3  }
0x1: {  	(tag) =	ssettag $0x0;
	lr =	simm.s32 $0x1  }
0x2: {  	[smem:$0x3F9D] =	sst lr;
	_ =	strace $0xD0000000  }
0x3: {  	_ = 	snop  }
0x4: {  	_ = 	snop  }
0x5: {  	_ = 	snop  }
0x6: {  	_ = 	snop  }
0x7: {  	_ = 	snop  }
__scs_overlays_trampoline_lowered:
0x8: {  	[smem:$0x3FAC] =	sst s0  }
0x9: {  	[smem:$0x3FAD] =	sst s1  }
0xa: {  	[smem:$0x3FAE] =	sst s2  }
0xb: {  	[smem:$0x3FAF] =	sst s3  }
0xc: {  	[smem:$0x3FB0] =	sst s4  }
0xd: {  	[smem:$0x3FB1] =	sst s5  }
0xe: {  	[smem:$0x3FB2] =	sst s6  }
0xf: {  	[smem:$0x3FB3] =	sst s7  }
0x10: {  	[smem:$0x3FB4] =	sst s8  }
0x11: {  	[smem:$0x3FB5] =	sst s9;
	s0 =	simm.s32 @!p0 $0x0  }
0x12: {  	s1 =	sld [smem:$0x3F9B];
	s0 =	simm.s32 @p0 $0x1  }
0x13: {  	[smem:$0x3FB6] =	sst s0;
	s0 =	simm.s32 @!p1 $0x0  }
0x14: {  	s2 =	sld [smem:$0x3F9A];
	s0 =	simm.s32 @p1 $0x1  }
0x15: {  	[smem:$0x3FB7] =	sst s0;
	s0 =	simm.s32 @!p2 $0x0  }
0x16: {  	s3 =	sld [smem:$0x3FDB];
	s0 =	simm.s32 @p2 $0x1  }
0x17: {  	s4 =	simm.s32 $0x1BF5;
	[smem:$0x3FB9] =	sst s0  }
0x18: {  	s0 =	sld [smem:$0x3F9C];
	_ =	swait.ge [sflag:s4], $0x0  }
0x19: {  	s7 =	sld [smem:$0x3F9D]  }
0x1a: {  	s8 =	sadd.s32 $0xFFFFE003, lr  }
0x1b: {  	s9 =	sadd.s32 $0xFFFFFEF7, lr;
	s5 =	simm.s32 $0xFFFFFFFF;
	p2 =	slt.u32 s8, $0xFFFFF086  }
0x1c: {  	p1 =	slt.u32 s9, $0xF7A;
	s5 =	simm.s32 @!p2 $0x0  }
0x1d: {  	s5 =	simm.s32 @p1 $0x1;
	p0 =	seq.s32 s7, s2  }
0x1e: {  	s7 =	smul.u32 @!p0 $0xF7A, s2;
	p2 =	seq.s32 @!p0 s5, $0x0  }
0x1f: {  	s9 =	smul.u32 $0xF7A, s1;
	s8 =	simm.s32 @!p0 $0x1BF5;
	p2 =	por !p2, p0  }
0x20: {  	[sflag:s8] =	ssyncset.s32 @!p0 $0xFFFFF086;
	s6 =	sadd.s32 @!p0 s3, s7;
	s7 =	simm.s32 @!p0 $0x108  }
0x21: {  	s3 =	sadd.s32 s3, s9;
	s6 =	sadd.s32 @!p0 $0x88, s6;
	s7 =	simm.s32 @p2 $0x1082  }
0x22: {  	[simem:s7], [sflag:s8] =	dma.local @!p0 [hbm:s6], $0xF7A  }
0x23: {  	s9 =	sor.u32 $0xD0000000, s2;
	s6 =	simm.s32 $0x108;
	_ =	swait.ge @!p0 [sflag:s8], $0x0  }
0x24: {  	s3 =	sadd.s32 $0x88, s3;
	s6 =	simm.s32 @!p1 $0x1082;
	[sflag:s4] =	ssyncset.s32 $0xFFFFF086  }
0x25: {  	[simem:s6], [sflag:s4] =	dma.local [hbm:s3], $0xF7A  }
0x26: {  	[smem:$0x3F9D] =	sst s1;
	(tag) =	ssettag s2;
	_ =	strace s9  }
0x27: {  	s1 =	sld [smem:$0x3FAD]  }
0x28: {  	s2 =	sld [smem:$0x3FAE]  }
0x29: {  	s4 =	sld [smem:$0x3FB0]  }
0x2a: {  	p0 =	seq.s32 s5, $0x0;
	s5 =	sld [smem:$0x3FB1]  }
0x2b: {  	s6 =	sld [smem:$0x3FB2]  }
0x2c: {  	s7 =	sld [smem:$0x3FB3]  }
0x2d: {  	s3 =	simm.s32 $0x108;
	s8 =	sld [smem:$0x3FB4]  }
0x2e: {  	s3 =	simm.s32 @!p0 $0x1082;
	s9 =	sld [smem:$0x3FB5]  }
0x2f: {  	lr =	sadd.s32 s0, s3;
	s0 =	sld [smem:$0x3FAC]  }
0x30: {  	s3 =	sld [smem:$0x3FAF]  }
0x31: {  	[smem:$0x3FB8] =	sst s10  }
0x32: {  	s10 =	sld [smem:$0x3FB6];
	_ =	sdelay $0x3  }
0x33: {  	p0 =	seq.s32 s10, $0x1;
	s10 =	sld [smem:$0x3FB8];
	_ =	sdelay $0x3  }
0x34: {  	[smem:$0x3FB8] =	sst s10  }
0x35: {  	s10 =	sld [smem:$0x3FB7];
	_ =	sdelay $0x3  }
0x36: {  	p1 =	seq.s32 s10, $0x1;
	s10 =	sld [smem:$0x3FB8];
	_ =	sdelay $0x3  }
0x37: {  	[smem:$0x3FB8] =	sst s10  }
0x38: {  	s10 =	sld [smem:$0x3FB9]  }
0x39: {  	_ = 	snop;
	(pc) =	sbr.ind lr, $3  }
0x3a: {  	_ = 	snop  }
0x3b: {  	_ = 	snop  }
0x3c: {  	p2 =	seq.s32 s10, $0x1;
	s10 =	sld [smem:$0x3FB8]  }
0x3d: {  	_ =	shalt  }
0x3e: {  	_ =	shalt  }
0x3f: {  	_ =	shalt  }
0x40: {  	_ =	shalt  }
0x41: {  	_ =	shalt  }
0x42: {  	_ =	shalt  }
0x43: {  	_ =	shalt  }
0x44: {  	_ =	shalt  }
0x45: {  	_ =	shalt  }
0x46: {  	_ =	shalt  }
0x47: {  	_ =	shalt  }
0x48: {  	_ =	shalt  }
0x49: {  	_ =	shalt  }
0x4a: {  	_ =	shalt  }
0x4b: {  	_ =	shalt  }
0x4c: {  	_ =	shalt  }
0x4d: {  	_ =	shalt  }
0x4e: {  	_ =	shalt  }
0x4f: {  	_ =	shalt  }
0x50: {  	_ =	shalt  }
0x51: {  	_ =	shalt  }
0x52: {  	_ =	shalt  }
0x53: {  	_ =	shalt  }
0x54: {  	_ =	shalt  }
0x55: {  	_ =	shalt  }
0x56: {  	_ =	shalt  }
0x57: {  	_ =	shalt  }
0x58: {  	_ =	shalt  }
0x59: {  	_ =	shalt  }
0x5a: {  	_ =	shalt  }
0x5b: {  	_ =	shalt  }
0x5c: {  	_ =	shalt  }
0x5d: {  	_ =	shalt  }
0x5e: {  	_ =	shalt  }
0x5f: {  	_ =	shalt  }
0x60: {  	_ =	shalt  }
0x61: {  	_ =	shalt  }
0x62: {  	_ =	shalt  }
0x63: {  	_ =	shalt  }
0x64: {  	_ =	shalt  }
0x65: {  	_ =	shalt  }
0x66: {  	_ =	shalt  }
0x67: {  	_ =	shalt  }
0x68: {  	_ =	shalt  }
0x69: {  	_ =	shalt  }
0x6a: {  	_ =	shalt  }
0x6b: {  	_ =	shalt  }
0x6c: {  	_ =	shalt  }
0x6d: {  	_ =	shalt  }
0x6e: {  	_ =	shalt  }
0x6f: {  	_ =	shalt  }
0x70: {  	_ =	shalt  }
0x71: {  	_ =	shalt  }
0x72: {  	_ =	shalt  }
0x73: {  	_ =	shalt  }
0x74: {  	_ =	shalt  }
0x75: {  	_ =	shalt  }
0x76: {  	_ =	shalt  }
0x77: {  	_ =	shalt  }
0x78: {  	_ =	shalt  }
0x79: {  	_ =	shalt  }
0x7a: {  	_ =	shalt  }
0x7b: {  	_ =	shalt  }
0x7c: {  	_ =	shalt  }
0x7d: {  	_ =	shalt  }
0x7e: {  	_ =	shalt  }
0x7f: {  	_ =	shalt  }
0x80: {  	_ =	shalt  }
0x81: {  	_ =	shalt  }
0x82: {  	_ =	shalt  }
0x83: {  	_ =	shalt  }
0x84: {  	_ =	shalt  }
0x85: {  	_ =	shalt  }
0x86: {  	_ =	shalt  }
0x87: {  	_ =	shalt  }
.Lfunc_end0:
.L_simem_size_0:
called_computation_lowered:
.L_overlay_start_0:
0x88: {  	s2 =	sld [smem:$0x3FD9]  }
0x89: {  	s3 =	sld [smem:$0x3FFE];
	_ =	sdelay $0x1  }
0x8a: {  	s1 =	srdreg.scid  }
0x8b: {  	s0 =	sand.u32 $0x1, s1  }
0x8c: {  	s17 =	sshll.u32 s0, $0xA;
	s2 =	sadd.s32 s3, s2  }
0x8d: {  	s2 =	sadd.s32 s2, s17  }
0x8e: {  	[smem:$0x3FC4] =	sst s2  }
0x8f: {  	_ = 	snop  }
0x90: {  	s2 =	sld [smem:$0x3FC8]  }
0x91: {  	s18 =	sld [smem:$0x3FC7]  }
0x92: {  	s4 =	sld [smem:$0x3FC6];
	(tm) =	ssettm $0x1  }
0x93: {  	s5 =	sld [smem:$0x3FFB];
	_ =	sdelay $0x3  }
0x94: {  	_ =	strace s5  }
0x95: {  	s5 =	sld [smem:$0x3FFC];
	_ =	sdelay $0x3  }
0x96: {  	_ =	strace s5  }
0x97: {  	s5 =	sld [smem:$0x3FFD];
	_ =	sdelay $0x3  }
0x98: {  	_ =	strace s5  }
0x99: {  	_ =	strace $0x8FFFFFFF  }
0x9a: {  	s19 =	sld [smem:$0x3FDB];
	_ =	sdelay $0x1  }
0x9b: {  	s6 =	simm.s32 $_scs_section_size  }
0x9c: {  	s7 =	simm.s32 $_size__tile_overlayer_lowered;
	s8 =	simm.s32 $_tile_overlayer_lowered  }
0x9d: {  	s22 =	simm.s32 $0x1BFF;
	s21 =	sshll.u32 s8, $0x1;
	s5 =	sadd.s32 s6, s19  }
0x9e: {  	s9 =	simm.s32 $0x0;
	s20 =	sshll.u32 s7, $0x1;
	s7 =	sadd.s32 s21, s5  }
0x9f: {  	[timem:s9], [sflag:s22] =	dma.local [hbm:s7], s20  }
0xa0: {  	_ =	swait.ge [sflag:s22], s20  }
0xa1: {  	s6 =	ssub.s32 $0x0, s20;
	[sflag:s22] =	ssyncset.done $0x0  }
0xa2: {  	[sflag:s22] =	ssyncadd.s32 s6;
	_ =	sdelay $0x1  }
0xa3: {  	s23 =	simm.s32 $0x1B8B  }
0xa4: {  	_ =	swait.ge [sflag:s23], $0x1  }
0xa5: {  	[sflag:s23] =	ssyncset.done $0x0  }
0xa6: {  	s25 =	simm.s32 $0x1B8E;
	s24 =	sld [smem:$0x3FFE];
	[sflag:s23] =	ssyncadd.s32 $0xFFFFFFFF  }
0xa7: {  	s26 =	simm.s32 $execute0_lowered;
	[smem:$0x3FD2] =	sst s25  }
0xa8: {  	s7 =	sshll.u32 s26, $0x1;
	_ =	strace $0x80000046;
	[dreg:$0x1] =	wrdreg $0xFFFFFFFF  }
0xa9: {  	s28 =	simm.s32 $_size_execute0_lowered;
	s5 =	sadd.s32 s5, s7;
	[dreg:$0x0] =	wrdreg $0x0  }
0xaa: {  	s7 =	sshll.u32 s28, $0x1;
	[dreg:$0x2] =	wrdreg s5  }
0xab: {  	[dreg:$0x3] =	wrdreg s7  }
0xac: {  	[dreg:$0x4] =	wrdreg $0xC0  }
0xad: {  	_ =	task [dreg:s9], $0x5FFFF  }
0xae: {  	[dreg:$0x1] =	wrdreg $0xFFFFFFFF  }
0xaf: {  	[dreg:$0x0] =	wrdreg $0x60  }
0xb0: {  	[dreg:$0x2] =	wrdreg s2  }
0xb1: {  	[dreg:$0x3] =	wrdreg s4  }
0xb2: {  	[dreg:$0x4] =	wrdreg s18  }
0xb3: {  	[dreg:$0x5] =	wrdreg s24  }
0xb4: {  	[dreg:$0x6] =	wrdreg $0x45800  }
0xb5: {  	[dreg:$0x7] =	wrdreg $0x9  }
0xb6: {  	_ =	task.clear_ibuf [dreg:s9], $0x8FFFF;
	_ =	strace $0x90000046  }
0xb7: {  	s29 =	simm.s32 $0x9;
	_ =	strace $0x80000048  }
0xb8: {  	_ =	swait.ge [sflag:s29], $0x1  }
0xb9: {  	[sflag:s29] =	ssyncadd.s32 $0xFFFFFFFF  }
0xba: {  	_ =	strace $0x90000048  }
0xbb: {  	_ =	sfence  }
0xbc: {  	s30 =	sld [smem:$0x0];
	_ =	sdelay $0x2  }
0xbd: {  	s31 =	sshll.u32 s1, $0xD;
	s1 =	sshrl.u32 s1, $0x2  }
0xbe: {  	s3 =	sand.u32 $0x4000, s31;
	s1 =	sadd.s32 s1, s30  }
0xbf: {  	s0 =	sor.u32 s3, s0;
	s1 =	sshll.u32 s1, $0x11  }
0xc0: {  	s0 =	sor.u32 s1, s0  }
0xc1: {  	s0 =	sadd.s32 $0x8F2B, s0  }
0xc2: {  	[sflag:s0] =	ssyncadd.remote.s32 $0x1  }
0xc3: {  	_ =	sfence.sel $0xFFFF  }
0xc4: {  	[dreg:$0x0] =	wrdreg $0xFFFFFFFF;
	(pc) =	sbr.abs _section_cstart, $3  }
0xc5: {  	[dreg:$0x1] =	wrdreg $0xFFFFFFFF  }
0xc6: {  	_ =	task.clear_ibuf [dreg:s9], $0x2FFFF;
	_ =	strace $0x9FFFFFFF  }
0xc7: {  	(tm) =	ssettm $0x7FFFFFFF  }
tec
execute0_lowered:
.L_overlay_start_1:
0x0: {  	(tag) =	ssettag $0x1  }
0x1: {  	s5 =	rddreg [dreg:$0x0]  }
0x2: {  	s1 =	rddreg [dreg:$0x1]  }
0x3: {  	s0 =	rddreg [dreg:$0x2]  }
0x4: {  	s4 =	rddreg [dreg:$0x3]  }
0x5: {  	s2 =	rddreg [dreg:$0x4]  }
0x6: {  	[dreg:$0x6] =	wrdreg s0  }
0x7: {  	s3 =	simm.s32 $0x0;
	s0 =	rddreg [dreg:$0x5]  }
0x8: {  	s17 =	simm.s32 $0x80;
	[smem:$0x7FF] =	sst s3  }
0x9: {  	s18 =	simm.s32 $0x480;
	_ =	strace $0x80000047;
	[dreg:$0xb] =	wrdreg s17  }
0xa: {  	s19 =	simm.s32 $0x880;
	[dreg:$0xc] =	wrdreg s18  }
0xb: {  	s20 =	simm.s32 $0xC80;
	[dreg:$0xd] =	wrdreg s19  }
0xc: {  	s22 =	simm.s32 $0x1080;
	[dreg:$0xe] =	wrdreg s20  }
0xd: {  	s23 =	simm.s32 $0x1480;
	[dreg:$0xf] =	wrdreg s22  }
0xe: {  	s25 =	simm.s32 $0x1880;
	[dreg:$0x10] =	wrdreg s23  }
0xf: {  	s26 =	simm.s32 $0x1C80;
	[dreg:$0x11] =	wrdreg s25  }
0x10: {  	s6 =	srdreg.scid;
	s28 =	simm.s32 $0x2080;
	[dreg:$0x12] =	wrdreg s26  }
0x11: {  	s29 =	simm.s32 $0x2100;
	s30 =	simm.s32 $0x40;
	[dreg:$0x13] =	wrdreg s28  }
0x12: {  	s31 =	simm.s32 $0x2500;
	s6 =	sand.u32 $0x1, s6;
	[dreg:$0x14] =	wrdreg s29  }
0x13: {  	s7 =	sshll.u32 s6, $0xA;
	s8 =	sshll.u32 s6, $0x3;
	[dreg:$0x15] =	wrdreg s30  }
0x14: {  	s6 =	ssub.s32 $0x2, s6;
	[dreg:$0x16] =	wrdreg s31;
	s7 =	sadd.s32 s7, s4  }
0x15: {  	s4 =	stileid.u32;
	s5 =	sadd.s32 s5, s8;
	s21 =	sshrl.u32 s6, $0x1  }
0x16: {  	s8 =	simm.s32 $0x2580;
	s12 =	sshll.u32 s4, $0xB;
	[dreg:$0x7] =	wrdreg s5  }
0x17: {  	vm0 =	vmmov $0x1;
	vm1 =	vmmov $0x3;
	s13 =	sshll.u32 s4, $0x6;
	s9 =	sshll.u32 s4, $0x4;
	s6 =	ssub.s32 s6, s21  }
0x18: {  	vm2 =	vmmov $0x7;
	vm3 =	vmmov $0xf;
	vm4 =	vmmov $0x1f;
	s24 =	sand.u32 $0x3, s4;
	s5 =	sadd.s32 s13, s2;
	s7 =	sadd.s32 s12, s7  }
0x19: {  	vm5 =	vmmov $0x3f;
	vm6 =	vmmov $0x7f;
	vm7 =	vmmov $0xff;
	s14 =	sand.u32 $0xC0, s9;
	p0 =	seq.s32 s24, $0x2;
	p1 =	seq.s32 s24, $0x1  }
0x1a: {  	vm8 =	vmmov $0x1ff;
	vm9 =	vmmov $0x3ff;
	vm10 =	vmmov $0x7ff;
	p2 =	seq.s32 s24, $0x0;
	[dreg:$0x8] =	wrdreg s5;
	s15 =	sadd.s32 $0xA00, s7  }
0x1b: {  	vm11 =	vmmov $0xfff;
	vm12 =	vmmov $0x1fff;
	v0 =	vmov s4;
	s16 =	sshrl.u32 s14, $0x2;
	s5 =	smax.u32 s6, $0x1;
	[dreg:$0x9] =	wrdreg s15  }
0x1c: {  	vm13 =	vmmov $0x3fff;
	vm14 =	vmmov $0x7fff;
	v0 =	vbroadcast v0, $0x0;
	s6 =	simm.s32 $0x2;
	s7 =	simm.s32 $0x1;
	[dreg:$0xa] =	wrdreg s16  }
.LBB2_1:
0x1d: {  	s9 =	rddreg [dreg:$0x7]  }
0x1e: {  	[tilespmem:s3], [sflag:$0x2] =	stream.linear.gather [hbm4b:s9+s3], $0x40, $0x38;
	[tilespmem:$0x45C0] =	vst v63  }
0x1f: {  	_ =	swait.ge [sflag:s6], $0x40  }
0x20: {  	[sflag:s6] =	ssyncset.done $0x0  }
0x21: {  	s16 =	rddreg [dreg:$0xa];
	[sflag:s6] =	ssyncadd.s32 $0xFFFFFFC0  }
0x22: {  	v1 =	vld [tilespmem:s16+$0x0];
	_ =	sdelay $0x4  }
0x23: {  	(v2sf) =	vpush v1, $0x0  }
0x24: {  	(v2sf) =	vpush v1, $0x4  }
0x25: {  	(v2sf) =	vpush v1, $0x8  }
0x26: {  	(v2sf) =	vpush v1, $0xC;
	_ =	sdelay $0xb  }
0x27: {  	s9 =	spop (v2sf)  }
0x28: {  	s10 =	spop (v2sf)  }
0x29: {  	s11 =	spop (v2sf)  }
0x2a: {  	s14 =	spop (v2sf)  }
0x2b: {  	(v2sf) =	vpush v1, $0x1;
	s14 =	smov.u32 @p0 s11  }
0x2c: {  	(v2sf) =	vpush v1, $0x5;
	s14 =	smov.u32 @p1 s10  }
0x2d: {  	(v2sf) =	vpush v1, $0x9;
	s14 =	smov.u32 @p2 s9  }
0x2e: {  	(v2sf) =	vpush v1, $0xD;
	s9 =	sand.u32 $0x7F, s14  }
0x2f: {  	s17 =	sshra.s32 s14, $0x1F;
	p3 =	slt.s32 s14, $0x1;
	p4 =	sne.s32 s9, $0x0  }
0x30: {  	s18 =	sshrl.u32 s17, $0x19;
	p3 =	por !p3, !p4  }
0x31: {  	s10 =	simm.s32 $0x1;
	s9 =	sadd.s32 s18, s14;
	p3 =	por !p3, !p3  }
0x32: {  	s9 =	sshra.s32 s9, $0x7;
	s10 =	simm.s32 @!p3 $0x0  }
0x33: {  	s16 =	ssub.s32 s9, s10  }
0x34: {  	s9 =	sshll.u32 s16, $0xA  }
0x35: {  	s20 =	sshrl.u32 s9, $0x3;
	s9 =	sadd.s32 $0xC3800, s9  }
0x36: {  	s19 =	rddreg [dreg:$0xb];
	s11 =	sadd.s32 s1, s20;
	s9 =	sshrl.u32 s9, $0x3  }
0x37: {  	[tilespmem:s19], [sflag:$0x1] =	stream.linear.gather [hbm4b:s11+s3], $0x400, $0x38;
	[tilespmem:$0x45C0] =	vst v63  }
0x38: {  	s21 =	rddreg [dreg:$0xc];
	s9 =	sadd.s32 s1, s9  }
0x39: {  	[tilespmem:s21], [sflag:$0x1] =	stream.linear.gather [hbm4b:s9+s3], $0x400, $0x38;
	[tilespmem:$0x45C0] =	vst v63  }
0x3a: {  	s9 =	spop (v2sf)  }
0x3b: {  	s10 =	spop (v2sf)  }
0x3c: {  	s11 =	spop (v2sf)  }
0x3d: {  	s13 =	spop (v2sf)  }
0x3e: {  	(v2sf) =	vpush v1, $0x2;
	s13 =	smov.u32 @p0 s11  }
0x3f: {  	(v2sf) =	vpush v1, $0x6;
	s13 =	smov.u32 @p1 s10  }
0x40: {  	(v2sf) =	vpush v1, $0xA;
	s13 =	smov.u32 @p2 s9  }
0x41: {  	(v2sf) =	vpush v1, $0xE;
	s9 =	sand.u32 $0x7F, s13  }
0x42: {  	s22 =	sshra.s32 s13, $0x1F;
	p5 =	slt.s32 s13, $0x1;
	p6 =	sne.s32 s9, $0x0  }
0x43: {  	s23 =	sshrl.u32 s22, $0x19;
	p3 =	por !p5, !p6  }
0x44: {  	s10 =	simm.s32 $0x1;
	s9 =	sadd.s32 s23, s13;
	p3 =	por !p3, !p3  }
0x45: {  	s9 =	sshra.s32 s9, $0x7;
	s10 =	simm.s32 @!p3 $0x0  }
0x46: {  	s15 =	ssub.s32 s9, s10  }
0x47: {  	s9 =	sshll.u32 s15, $0xA  }
0x48: {  	s25 =	sshrl.u32 s9, $0x3;
	s9 =	sadd.s32 $0xC3800, s9  }
0x49: {  	s24 =	rddreg [dreg:$0xd];
	s11 =	sadd.s32 s1, s25;
	s9 =	sshrl.u32 s9, $0x3  }
0x4a: {  	[tilespmem:s24], [sflag:$0x1] =	stream.linear.gather [hbm4b:s11+s3], $0x400, $0x38;
	[tilespmem:$0x45C0] =	vst v63  }
0x4b: {  	s26 =	rddreg [dreg:$0xe];
	s9 =	sadd.s32 s1, s9  }
0x4c: {  	[tilespmem:s26], [sflag:$0x1] =	stream.linear.gather [hbm4b:s9+s3], $0x400, $0x38;
	[tilespmem:$0x45C0] =	vst v63  }
0x4d: {  	s9 =	spop (v2sf);
	(v2sf) =	vpush v1, $0x3  }
0x4e: {  	s10 =	spop (v2sf)  }
0x4f: {  	(v2sf) =	vpush v1, $0x7;
	s12 =	spop (v2sf)  }
0x50: {  	(v2sf) =	vpush v1, $0xB;
	s11 =	spop (v2sf)  }
0x51: {  	s11 =	smov.u32 @p0 s12  }
0x52: {  	(v2sf) =	vpush v1, $0xF;
	s11 =	smov.u32 @p1 s10  }
0x53: {  	s11 =	smov.u32 @p2 s9  }
0x54: {  	s9 =	sand.u32 $0x7F, s11  }
0x55: {  	s28 =	sshra.s32 s11, $0x1F;
	p5 =	slt.s32 s11, $0x1;
	p6 =	sne.s32 s9, $0x0  }
0x56: {  	s29 =	sshrl.u32 s28, $0x19;
	p3 =	por !p5, !p6  }
0x57: {  	s10 =	simm.s32 $0x1;
	s9 =	sadd.s32 s29, s11;
	p3 =	por !p3, !p3  }
0x58: {  	s9 =	sshra.s32 s9, $0x7;
	s10 =	simm.s32 @!p3 $0x0  }
0x59: {  	s12 =	ssub.s32 s9, s10  }
0x5a: {  	s9 =	sshll.u32 s12, $0xA  }
0x5b: {  	s30 =	rddreg [dreg:$0xf];
	s17 =	sshrl.u32 s9, $0x3  }
0x5c: {  	s9 =	sadd.s32 $0xC3800, s9;
	s17 =	sadd.s32 s1, s17;
	s10 =	spop (v2sf)  }
0x5d: {  	[tilespmem:s30], [sflag:$0x1] =	stream.linear.gather [hbm4b:s17+s3], $0x400, $0x38;
	[tilespmem:$0x45C0] =	vst v63  }
0x5e: {  	s9 =	sshrl.u32 s9, $0x3;
	s18 =	spop (v2sf)  }
0x5f: {  	s31 =	rddreg [dreg:$0x10];
	s9 =	sadd.s32 s1, s9;
	s19 =	spop (v2sf)  }
0x60: {  	[tilespmem:s31], [sflag:$0x1] =	stream.linear.gather [hbm4b:s9+s3], $0x400, $0x38;
	[tilespmem:$0x45C0] =	vst v63  }
0x61: {  	s9 =	spop (v2sf)  }
0x62: {  	s9 =	smov.u32 @p0 s19  }
0x63: {  	s9 =	smov.u32 @p1 s18  }
0x64: {  	s9 =	smov.u32 @p2 s10  }
0x65: {  	s10 =	sand.u32 $0x7F, s9  }
0x66: {  	s20 =	sshra.s32 s9, $0x1F;
	p5 =	slt.s32 s9, $0x1;
	p6 =	sne.s32 s10, $0x0  }
0x67: {  	s21 =	sshrl.u32 s20, $0x19;
	p3 =	por !p5, !p6  }
0x68: {  	s17 =	simm.s32 $0x1;
	s10 =	sadd.s32 s21, s9;
	p3 =	por !p3, !p3  }
0x69: {  	s10 =	sshra.s32 s10, $0x7;
	s17 =	simm.s32 @!p3 $0x0  }
0x6a: {  	s10 =	ssub.s32 s10, s17  }
0x6b: {  	s17 =	sshll.u32 s10, $0xA  }
0x6c: {  	s23 =	sshrl.u32 s17, $0x3;
	s17 =	sadd.s32 $0xC3800, s17  }
0x6d: {  	s22 =	rddreg [dreg:$0x11];
	s19 =	sadd.s32 s1, s23;
	s17 =	sshrl.u32 s17, $0x3  }
0x6e: {  	[tilespmem:s22], [sflag:$0x1] =	stream.linear.gather [hbm4b:s19+s3], $0x400, $0x38;
	[tilespmem:$0x45C0] =	vst v63  }
0x6f: {  	s24 =	rddreg [dreg:$0x12];
	s17 =	sadd.s32 s1, s17  }
0x70: {  	[tilespmem:s24], [sflag:$0x1] =	stream.linear.gather [hbm4b:s17+s3], $0x400, $0x38;
	[tilespmem:$0x45C0] =	vst v63  }
0x71: {  	_ =	swait.ge [sflag:s7], $0x400  }
0x72: {  	[sflag:s7] =	ssyncset.done $0x0  }
0x73: {  	[sflag:s7] =	ssyncadd.s32 $0xFFFFFC00  }
0x74: {  	_ =	swait.ge [sflag:s7], $0x400  }
0x75: {  	[sflag:s7] =	ssyncset.done $0x0  }
0x76: {  	[sflag:s7] =	ssyncadd.s32 $0xFFFFFC00  }
0x77: {  	_ =	swait.ge [sflag:s7], $0x400  }
0x78: {  	[sflag:s7] =	ssyncset.done $0x0  }
0x79: {  	[sflag:s7] =	ssyncadd.s32 $0xFFFFFC00  }
0x7a: {  	_ =	swait.ge [sflag:s7], $0x400  }
0x7b: {  	[sflag:s7] =	ssyncset.done $0x0  }
0x7c: {  	[sflag:s7] =	ssyncadd.s32 $0xFFFFFC00  }
0x7d: {  	s16 =	sshll.u32 s16, $0x7;
	_ =	swait.ge [sflag:s7], $0x400  }
0x7e: {  	s25 =	ssub.s32 s14, s16;
	[sflag:s7] =	ssyncset.done $0x0  }
0x7f: {  	s26 =	sshra.s32 s25, $0x1F;
	[sflag:s7] =	ssyncadd.s32 $0xFFFFFC00  }
0x80: {  	p3 =	sne.s32 s14, s16;
	s16 =	simm.s32 $0x1;
	_ =	swait.ge [sflag:s7], $0x400  }
0x81: {  	s28 =	sshrl.u32 s26, $0x1C;
	s16 =	simm.s32 @!p3 $0x0;
	[sflag:s7] =	ssyncset.done $0x0  }
0x82: {  	s14 =	sand.u32 $0xF, s14;
	s16 =	sor.u32 s16, s26;
	[sflag:s7] =	ssyncadd.s32 $0xFFFFFC00  }
0x83: {  	p6 =	sne.s32 s14, $0x0;
	p5 =	sne.s32 s16, $0x1;
	_ =	swait.ge [sflag:s7], $0x400  }
0x84: {  	s14 =	sadd.s32 s28, s25;
	p3 =	por !p6, !p5;
	[sflag:s7] =	ssyncset.done $0x0  }
0x85: {  	s16 =	simm.s32 $0x1;
	p3 =	por !p3, !p3;
	[sflag:s7] =	ssyncadd.s32 $0xFFFFFC00  }
0x86: {  	s14 =	sshrl.u32 s14, $0x4;
	s16 =	simm.s32 @!p3 $0x0;
	_ =	swait.ge [sflag:s7], $0x400  }
0x87: {  	s14 =	ssub.s32 s14, s16;
	[sflag:s7] =	ssyncset.done $0x0  }
0x88: {  	s14 =	sshll.u32 s14, $0x4;
	[sflag:s7] =	ssyncadd.s32 $0xFFFFFC00  }
0x89: {  	v1 =	vld [tilespmem:s14+$0x80]  }
0x8a: {  	s29 =	ssub.s32 s25, s14;
	v2 =	vld [tilespmem:s14+$0x100]  }
0x8b: {  	v3 =	vmov s29;
	v4 =	vld [tilespmem:s14+$0x180]  }
0x8c: {  	v3 =	vand.u32 $0xF, v3;
	v5 =	vld [tilespmem:s14+$0x200]  }
0x8d: {  	v3 =	vbroadcast v3, $0x0;
	v6 =	vld [tilespmem:s14+$0x280]  }
0x8e: {  	v7 =	vld [tilespmem:s14+$0x300]  }
0x8f: {  	v8 =	vld [tilespmem:s14+$0x380];
	v1 =	vperm.xlane v1, v3;
	v2 =	vperm.xlane v2, v3  }
0x90: {  	v9 =	vld [tilespmem:s14+$0x400];
	v4 =	vperm.xlane v4, v3  }
0x91: {  	v37 =	vld [tilespmem:s14+$0x480];
	v1 =	vsel vm0, v1, v2;
	v2 =	vperm.xlane v5, v3  }
0x92: {  	v39 =	vld [tilespmem:s14+$0x500];
	v38 =	vperm.xlane v6, v3;
	v1 =	vsel vm1, v1, v4  }
0x93: {  	v40 =	vld [tilespmem:s14+$0x580];
	v1 =	vsel vm2, v1, v2;
	v2 =	vperm.xlane v7, v3  }
0x94: {  	v42 =	vld [tilespmem:s14+$0x600];
	v41 =	vperm.xlane v8, v3;
	v1 =	vsel vm3, v1, v38  }
0x95: {  	v43 =	vld [tilespmem:s14+$0x680];
	v1 =	vsel vm4, v1, v2;
	v2 =	vperm.xlane v9, v3  }
0x96: {  	v45 =	vld [tilespmem:s14+$0x700];
	v44 =	vperm.xlane v37, v3;
	v1 =	vsel vm5, v1, v41  }
0x97: {  	s15 =	sshll.u32 s15, $0x7;
	v46 =	vld [tilespmem:s14+$0x780];
	v1 =	vsel vm6, v1, v2;
	v2 =	vperm.xlane v39, v3  }
0x98: {  	s30 =	ssub.s32 s13, s15;
	p3 =	sne.s32 s13, s15;
	s15 =	simm.s32 $0x1;
	v48 =	vld [tilespmem:s14+$0x800];
	v47 =	vperm.xlane v40, v3;
	v1 =	vsel vm7, v1, v44  }
0x99: {  	s31 =	sshra.s32 s30, $0x1F;
	s15 =	simm.s32 @!p3 $0x0;
	v1 =	vsel vm8, v1, v2;
	v2 =	vperm.xlane v42, v3  }
0x9a: {  	s13 =	sand.u32 $0xF, s13;
	s15 =	sor.u32 s15, s31;
	v49 =	vperm.xlane v43, v3;
	v1 =	vsel vm9, v1, v47  }
0x9b: {  	p6 =	sne.s32 s13, $0x0;
	p5 =	sne.s32 s15, $0x1;
	v1 =	vsel vm10, v1, v2;
	v2 =	vperm.xlane v45, v3  }
0x9c: {  	s15 =	sshrl.u32 s31, $0x1C;
	p3 =	por !p6, !p5;
	v50 =	vperm.xlane v46, v3;
	v1 =	vsel vm11, v1, v49  }
0x9d: {  	s13 =	sadd.s32 s15, s30;
	s15 =	simm.s32 $0x1;
	p3 =	por !p3, !p3;
	v1 =	vsel vm12, v1, v2;
	v2 =	vperm.xlane v48, v3  }
0x9e: {  	s13 =	sshrl.u32 s13, $0x4;
	s15 =	simm.s32 @!p3 $0x0;
	v1 =	vsel vm13, v1, v50  }
0x9f: {  	s13 =	ssub.s32 s13, s15;
	v1 =	vsel vm14, v1, v2  }
0xa0: {  	s13 =	sshll.u32 s13, $0x4;
	[tilespmem:$0x2080] =	vst v1  }
0xa1: {  	v1 =	vld [tilespmem:s13+$0x880]  }
0xa2: {  	s14 =	ssub.s32 s30, s13;
	v2 =	vld [tilespmem:s13+$0x900]  }
0xa3: {  	v3 =	vmov s14;
	v51 =	vld [tilespmem:s13+$0x980]  }
0xa4: {  	v3 =	vand.u32 $0xF, v3;
	v52 =	vld [tilespmem:s13+$0xA00]  }
0xa5: {  	v3 =	vbroadcast v3, $0x0;
	v53 =	vld [tilespmem:s13+$0xA80]  }
0xa6: {  	v54 =	vld [tilespmem:s13+$0xB00]  }
0xa7: {  	v55 =	vld [tilespmem:s13+$0xB80];
	v1 =	vperm.xlane v1, v3;
	v2 =	vperm.xlane v2, v3  }
0xa8: {  	v56 =	vld [tilespmem:s13+$0xC00];
	v4 =	vperm.xlane v51, v3  }
0xa9: {  	v57 =	vld [tilespmem:s13+$0xC80];
	v1 =	vsel vm0, v1, v2;
	v2 =	vperm.xlane v52, v3  }
0xaa: {  	v59 =	vld [tilespmem:s13+$0xD00];
	v58 =	vperm.xlane v53, v3;
	v1 =	vsel vm1, v1, v4  }
0xab: {  	v60 =	vld [tilespmem:s13+$0xD80];
	v1 =	vsel vm2, v1, v2;
	v2 =	vperm.xlane v54, v3  }
0xac: {  	v62 =	vld [tilespmem:s13+$0xE00];
	v61 =	vperm.xlane v55, v3;
	v1 =	vsel vm3, v1, v58  }
0xad: {  	v63 =	vld [tilespmem:s13+$0xE80];
	v1 =	vsel vm4, v1, v2;
	v2 =	vperm.xlane v56, v3  }
0xae: {  	v13 =	vld [tilespmem:s13+$0xF00];
	v12 =	vperm.xlane v57, v3;
	v1 =	vsel vm5, v1, v61  }
0xaf: {  	s12 =	sshll.u32 s12, $0x7;
	v14 =	vld [tilespmem:s13+$0xF80];
	v1 =	vsel vm6, v1, v2;
	v2 =	vperm.xlane v59, v3  }
0xb0: {  	s16 =	ssub.s32 s11, s12;
	p3 =	sne.s32 s11, s12;
	s12 =	simm.s32 $0x1;
	v16 =	vld [tilespmem:s13+$0x1000];
	v15 =	vperm.xlane v60, v3;
	v1 =	vsel vm7, v1, v12  }
0xb1: {  	s17 =	sshra.s32 s16, $0x1F;
	s12 =	simm.s32 @!p3 $0x0;
	v1 =	vsel vm8, v1, v2;
	v2 =	vperm.xlane v62, v3  }
0xb2: {  	s11 =	sand.u32 $0xF, s11;
	s12 =	sor.u32 s12, s17;
	v17 =	vperm.xlane v63, v3;
	v1 =	vsel vm9, v1, v15  }
0xb3: {  	p6 =	sne.s32 s11, $0x0;
	p5 =	sne.s32 s12, $0x1;
	v1 =	vsel vm10, v1, v2;
	v2 =	vperm.xlane v13, v3  }
0xb4: {  	s18 =	sshrl.u32 s17, $0x1C;
	p3 =	por !p6, !p5;
	v18 =	vperm.xlane v14, v3;
	v1 =	vsel vm11, v1, v17  }
0xb5: {  	s11 =	sadd.s32 s18, s16;
	s12 =	simm.s32 $0x1;
	p3 =	por !p3, !p3;
	v1 =	vsel vm12, v1, v2;
	v2 =	vperm.xlane v16, v3  }
0xb6: {  	s11 =	sshrl.u32 s11, $0x4;
	s12 =	simm.s32 @!p3 $0x0;
	v1 =	vsel vm13, v1, v18  }
0xb7: {  	s11 =	ssub.s32 s11, s12;
	v1 =	vsel vm14, v1, v2  }
0xb8: {  	s11 =	sshll.u32 s11, $0x4;
	[tilespmem:$0x2090] =	vst v1  }
0xb9: {  	v1 =	vld [tilespmem:s11+$0x1080]  }
0xba: {  	s19 =	ssub.s32 s16, s11;
	v2 =	vld [tilespmem:s11+$0x1100]  }
0xbb: {  	v3 =	vmov s19;
	v19 =	vld [tilespmem:s11+$0x1180]  }
0xbc: {  	v3 =	vand.u32 $0xF, v3;
	v20 =	vld [tilespmem:s11+$0x1200]  }
0xbd: {  	v3 =	vbroadcast v3, $0x0;
	v21 =	vld [tilespmem:s11+$0x1280]  }
0xbe: {  	v22 =	vld [tilespmem:s11+$0x1300]  }
0xbf: {  	v23 =	vld [tilespmem:s11+$0x1380];
	v1 =	vperm.xlane v1, v3;
	v2 =	vperm.xlane v2, v3  }
0xc0: {  	v24 =	vld [tilespmem:s11+$0x1400];
	v4 =	vperm.xlane v19, v3  }
0xc1: {  	v25 =	vld [tilespmem:s11+$0x1480];
	v1 =	vsel vm0, v1, v2;
	v2 =	vperm.xlane v20, v3  }
0xc2: {  	v27 =	vld [tilespmem:s11+$0x1500];
	v26 =	vperm.xlane v21, v3;
	v1 =	vsel vm1, v1, v4  }
0xc3: {  	v28 =	vld [tilespmem:s11+$0x1580];
	v1 =	vsel vm2, v1, v2;
	v2 =	vperm.xlane v22, v3  }
0xc4: {  	v30 =	vld [tilespmem:s11+$0x1600];
	v29 =	vperm.xlane v23, v3;
	v1 =	vsel vm3, v1, v26  }
0xc5: {  	v31 =	vld [tilespmem:s11+$0x1680];
	v1 =	vsel vm4, v1, v2;
	v2 =	vperm.xlane v24, v3  }
0xc6: {  	v33 =	vld [tilespmem:s11+$0x1700];
	v32 =	vperm.xlane v25, v3;
	v1 =	vsel vm5, v1, v29  }
0xc7: {  	s10 =	sshll.u32 s10, $0x7;
	v34 =	vld [tilespmem:s11+$0x1780];
	v1 =	vsel vm6, v1, v2;
	v2 =	vperm.xlane v27, v3  }
0xc8: {  	s20 =	ssub.s32 s9, s10;
	p3 =	sne.s32 s9, s10;
	s10 =	simm.s32 $0x1;
	v36 =	vld [tilespmem:s11+$0x1800];
	v35 =	vperm.xlane v28, v3;
	v1 =	vsel vm7, v1, v32  }
0xc9: {  	s21 =	sshra.s32 s20, $0x1F;
	s10 =	simm.s32 @!p3 $0x0;
	v1 =	vsel vm8, v1, v2;
	v2 =	vperm.xlane v30, v3  }
0xca: {  	s9 =	sand.u32 $0xF, s9;
	s10 =	sor.u32 s10, s21;
	v37 =	vperm.xlane v31, v3;
	v1 =	vsel vm9, v1, v35  }
0xcb: {  	p6 =	sne.s32 s9, $0x0;
	p5 =	sne.s32 s10, $0x1;
	v1 =	vsel vm10, v1, v2;
	v2 =	vperm.xlane v33, v3  }
0xcc: {  	s22 =	sshrl.u32 s21, $0x1C;
	p3 =	por !p6, !p5;
	v38 =	vperm.xlane v34, v3;
	v1 =	vsel vm11, v1, v37  }
0xcd: {  	s9 =	sadd.s32 s22, s20;
	s10 =	simm.s32 $0x1;
	p3 =	por !p3, !p3;
	v1 =	vsel vm12, v1, v2;
	v2 =	vperm.xlane v36, v3  }
0xce: {  	s9 =	sshrl.u32 s9, $0x4;
	s10 =	simm.s32 @!p3 $0x0;
	v1 =	vsel vm13, v1, v38  }
0xcf: {  	s9 =	ssub.s32 s9, s10;
	v1 =	vsel vm14, v1, v2  }
0xd0: {  	s9 =	sshll.u32 s9, $0x4;
	[tilespmem:$0x20A0] =	vst v1  }
0xd1: {  	v1 =	vld [tilespmem:s9+$0x1880]  }
0xd2: {  	s23 =	ssub.s32 s20, s9;
	v2 =	vld [tilespmem:s9+$0x1900]  }
0xd3: {  	v3 =	vmov s23;
	v39 =	vld [tilespmem:s9+$0x1980]  }
0xd4: {  	v3 =	vand.u32 $0xF, v3;
	v40 =	vld [tilespmem:s9+$0x1A00]  }
0xd5: {  	v3 =	vbroadcast v3, $0x0;
	v41 =	vld [tilespmem:s9+$0x1A80]  }
0xd6: {  	v42 =	vld [tilespmem:s9+$0x1B00]  }
0xd7: {  	v43 =	vld [tilespmem:s9+$0x1B80];
	v1 =	vperm.xlane v1, v3;
	v2 =	vperm.xlane v2, v3  }
0xd8: {  	v44 =	vld [tilespmem:s9+$0x1C00];
	v4 =	vperm.xlane v39, v3  }
0xd9: {  	v45 =	vld [tilespmem:s9+$0x1C80];
	v1 =	vsel vm0, v1, v2;
	v2 =	vperm.xlane v40, v3  }
0xda: {  	v47 =	vld [tilespmem:s9+$0x1D00];
	v46 =	vperm.xlane v41, v3;
	v1 =	vsel vm1, v1, v4  }
0xdb: {  	v48 =	vld [tilespmem:s9+$0x1D80];
	v1 =	vsel vm2, v1, v2;
	v2 =	vperm.xlane v42, v3  }
0xdc: {  	v50 =	vld [tilespmem:s9+$0x1E00];
	v49 =	vperm.xlane v43, v3;
	v1 =	vsel vm3, v1, v46  }
0xdd: {  	v51 =	vld [tilespmem:s9+$0x1E80];
	v1 =	vsel vm4, v1, v2;
	v2 =	vperm.xlane v44, v3  }
0xde: {  	v53 =	vld [tilespmem:s9+$0x1F00];
	v52 =	vperm.xlane v45, v3;
	v1 =	vsel vm5, v1, v49  }
0xdf: {  	v54 =	vld [tilespmem:s9+$0x1F80];
	v1 =	vsel vm6, v1, v2;
	v2 =	vperm.xlane v47, v3  }
0xe0: {  	v56 =	vld [tilespmem:s9+$0x2000];
	v55 =	vperm.xlane v48, v3;
	v1 =	vsel vm7, v1, v52  }
0xe1: {  	v1 =	vsel vm8, v1, v2;
	v2 =	vperm.xlane v50, v3  }
0xe2: {  	v57 =	vperm.xlane v51, v3;
	v1 =	vsel vm9, v1, v55  }
0xe3: {  	v1 =	vsel vm10, v1, v2;
	v2 =	vperm.xlane v53, v3  }
0xe4: {  	v58 =	vperm.xlane v54, v3;
	v1 =	vsel vm11, v1, v57  }
0xe5: {  	v1 =	vsel vm12, v1, v2;
	v2 =	vperm.xlane v56, v3  }
0xe6: {  	v1 =	vsel vm13, v1, v58  }
0xe7: {  	s24 =	rddreg [dreg:$0x8];
	v1 =	vsel vm14, v1, v2  }
0xe8: {  	s25 =	rddreg [dreg:$0x13];
	[tilespmem:$0x20B0] =	vst v1  }
0xe9: {  	[spmem:s24] =	stream.linear.scatter [tilespmem:s25], [sflag:$0x2], $0x40, $0x38;
	[tilespmem:$0x45C0] =	vst v63  }
0xea: {  	_ =	swait.ge [sflag:s6], $0x40  }
0xeb: {  	[sflag:s6] =	ssyncset.done $0x0  }
0xec: {  	[sflag:s6] =	ssyncadd.s32 $0xFFFFFFC0  }
0xed: {  	[bflag:$0x0] =	sbarrier.arrive $0xFFFF  }
0xee: {  	s26 =	rddreg [dreg:$0x14]  }
0xef: {  	[tilespmem:s26], [sflag:$0x2] =	stream.linear.gather [spmem:s2], $0x400, $0x38;
	[tilespmem:$0x45C0] =	vst v63  }
0xf0: {  	_ =	swait.ge [sflag:s6], $0x400  }
0xf1: {  	[sflag:s6] =	ssyncset.done $0x0  }
0xf2: {  	[sflag:s6] =	ssyncadd.s32 $0xFFFFFC00  }
0xf3: {  	v1 =	vld [tilespmem:$0x2100]  }
0xf4: {  	v2 =	vld [tilespmem:$0x2110]  }
0xf5: {  	v3 =	vld [tilespmem:$0x2120]  }
0xf6: {  	v59 =	vld [tilespmem:$0x2130]  }
0xf7: {  	v60 =	vld [tilespmem:$0x2140]  }
0xf8: {  	v61 =	vld [tilespmem:$0x2150]  }
0xf9: {  	v62 =	vld [tilespmem:$0x2160]  }
0xfa: {  	v63 =	vld [tilespmem:$0x2170]  }
0xfb: {  	v32 =	vld [tilespmem:$0x2180]  }
0xfc: {  	v10 =	vld [tilespmem:$0x2190]  }
0xfd: {  	v11 =	vld [tilespmem:$0x21A0]  }
0xfe: {  	v12 =	vld [tilespmem:$0x21B0]  }
0xff: {  	v13 =	vld [tilespmem:$0x21C0]  }
0x100: {  	v14 =	vld [tilespmem:$0x21D0]  }
0x101: {  	v15 =	vld [tilespmem:$0x21E0]  }
0x102: {  	v16 =	vld [tilespmem:$0x21F0]  }
0x103: {  	v17 =	vld [tilespmem:$0x2200]  }
0x104: {  	v18 =	vld [tilespmem:$0x2210]  }
0x105: {  	v19 =	vld [tilespmem:$0x2220]  }
0x106: {  	v20 =	vld [tilespmem:$0x2230]  }
0x107: {  	v21 =	vld [tilespmem:$0x2240]  }
0x108: {  	v22 =	vld [tilespmem:$0x2250]  }
0x109: {  	v23 =	vld [tilespmem:$0x2260]  }
0x10a: {  	v24 =	vld [tilespmem:$0x2270]  }
0x10b: {  	v25 =	vld [tilespmem:$0x2280]  }
0x10c: {  	v26 =	vld [tilespmem:$0x2290]  }
0x10d: {  	v27 =	vld [tilespmem:$0x22A0]  }
0x10e: {  	v28 =	vld [tilespmem:$0x22B0]  }
0x10f: {  	v33 =	vld [tilespmem:$0x22C0]  }
0x110: {  	v34 =	vld [tilespmem:$0x22D0]  }
0x111: {  	v35 =	vld [tilespmem:$0x22E0];
	v1 =	vperm.xlane v1, v0  }
0x112: {  	v36 =	vld [tilespmem:$0x22F0];
	v2 =	vperm.xlane v2, v0;
	v3 =	vperm.xlane v3, v0  }
0x113: {  	v37 =	vld [tilespmem:$0x2300];
	v38 =	vperm.xlane v10, v0;
	v40 =	vperm.xlane v18, v0  }
0x114: {  	v39 =	vld [tilespmem:$0x2310];
	v42 =	vperm.xlane v19, v0;
	v44 =	vperm.xlane v20, v0  }
0x115: {  	v41 =	vld [tilespmem:$0x2320];
	v12 =	vperm.xlane v12, v0;
	v47 =	vperm.xlane v22, v0  }
0x116: {  	v43 =	vld [tilespmem:$0x2330];
	v13 =	vperm.xlane v13, v0;
	v50 =	vperm.xlane v24, v0  }
0x117: {  	v45 =	vld [tilespmem:$0x2340];
	v14 =	vperm.xlane v14, v0;
	v53 =	vperm.xlane v26, v0  }
0x118: {  	v46 =	vld [tilespmem:$0x2350];
	v15 =	vperm.xlane v15, v0;
	v1 =	vsel vm0, v1, v2;
	v2 =	vperm.xlane v59, v0  }
0x119: {  	v48 =	vld [tilespmem:$0x2360];
	v56 =	vperm.xlane v28, v0;
	v1 =	vsel vm1, v1, v3;
	v3 =	vperm.xlane v60, v0  }
0x11a: {  	v49 =	vld [tilespmem:$0x2370];
	v5 =	vperm.xlane v34, v0;
	v1 =	vsel vm2, v1, v2;
	v2 =	vperm.xlane v61, v0  }
0x11b: {  	v52 =	vld [tilespmem:$0x2390];
	v6 =	vperm.xlane v35, v0;
	v1 =	vsel vm3, v1, v3;
	v3 =	vperm.xlane v62, v0  }
0x11c: {  	v54 =	vld [tilespmem:$0x23A0];
	v24 =	vperm.xlane v43, v0;
	v1 =	vsel vm4, v1, v2;
	v2 =	vperm.xlane v63, v0  }
0x11d: {  	v29 =	vld [tilespmem:$0x2430];
	v7 =	vperm.xlane v36, v0;
	v1 =	vsel vm5, v1, v3;
	v3 =	vperm.xlane v32, v0  }
0x11e: {  	v58 =	vld [tilespmem:$0x23D0];
	v26 =	vperm.xlane v45, v0;
	v1 =	vsel vm6, v1, v2;
	v2 =	vperm.xlane v17, v0  }
0x11f: {  	v55 =	vld [tilespmem:$0x23B0];
	v28 =	vperm.xlane v46, v0;
	v1 =	vsel vm7, v1, v3;
	v3 =	vperm.xlane v11, v0  }
0x120: {  	v30 =	vperm.xlane v48, v0;
	v34 =	vld [tilespmem:$0x2450];
	v1 =	vsel vm8, v1, v38;
	v2 =	vsel vm0, v2, v40  }
0x121: {  	v60 =	vld [tilespmem:$0x23E0];
	v1 =	vsel vm9, v1, v3;
	v2 =	vsel vm1, v2, v42;
	v3 =	vperm.xlane v21, v0  }
0x122: {  	v8 =	vperm.xlane v29, v0;
	v62 =	vperm.xlane v41, v0;
	v41 =	vld [tilespmem:$0x2480];
	v2 =	vsel vm2, v2, v44  }
0x123: {  	v4 =	vperm.xlane v58, v0;
	v63 =	vld [tilespmem:$0x2400];
	v2 =	vsel vm3, v2, v3;
	v3 =	vperm.xlane v23, v0  }
0x124: {  	v31 =	vld [tilespmem:$0x2440];
	v59 =	vperm.xlane v16, v0;
	v61 =	vperm.xlane v39, v0;
	v2 =	vsel vm4, v2, v47  }
0x125: {  	v57 =	vld [tilespmem:$0x23C0];
	v45 =	vperm.xlane v34, v0;
	v2 =	vsel vm5, v2, v3;
	v3 =	vperm.xlane v25, v0  }
0x126: {  	v46 =	vld [tilespmem:$0x24A0];
	v32 =	vperm.xlane v49, v0;
	v60 =	vperm.xlane v60, v0;
	v2 =	vsel vm6, v2, v50  }
0x127: {  	v49 =	vld [tilespmem:$0x24B0];
	v38 =	vperm.xlane v52, v0;
	v2 =	vsel vm7, v2, v3;
	v3 =	vperm.xlane v27, v0  }
0x128: {  	v52 =	vperm.xlane v41, v0;
	v35 =	vperm.xlane v63, v0;
	v25 =	vld [tilespmem:$0x2410];
	v2 =	vsel vm8, v2, v53  }
0x129: {  	v42 =	vperm.xlane v31, v0;
	v27 =	vld [tilespmem:$0x2420];
	v2 =	vsel vm9, v2, v3;
	v3 =	vperm.xlane v33, v0  }
0x12a: {  	v1 =	vsel vm10, v1, v12;
	v44 =	vperm.xlane v54, v0;
	v2 =	vsel vm10, v2, v56  }
0x12b: {  	v40 =	vld [tilespmem:$0x2470];
	v1 =	vsel vm11, v1, v13;
	v2 =	vsel vm11, v2, v3;
	v3 =	vperm.xlane v37, v0  }
0x12c: {  	v51 =	vld [tilespmem:$0x2380];
	v1 =	vsel vm12, v1, v14;
	v47 =	vperm.xlane v55, v0;
	v14 =	vperm.xlane v57, v0  }
0x12d: {  	v55 =	vperm.xlane v46, v0;
	v36 =	vperm.xlane v25, v0;
	v37 =	vld [tilespmem:$0x2460];
	v3 =	vsel vm0, v3, v61  }
0x12e: {  	v57 =	vperm.xlane v49, v0;
	v39 =	vperm.xlane v27, v0;
	v3 =	vsel vm1, v3, v62  }
0x12f: {  	v2 =	vsel vm12, v2, v5;
	v5 =	vsel vm0, v35, v36;
	v3 =	vsel vm2, v3, v24  }
0x130: {  	v43 =	vld [tilespmem:$0x2490];
	v50 =	vperm.xlane v40, v0;
	v5 =	vsel vm1, v5, v39;
	v3 =	vsel vm3, v3, v26  }
0x131: {  	v33 =	vperm.xlane v51, v0;
	v5 =	vsel vm2, v5, v8;
	v3 =	vsel vm4, v3, v28  }
0x132: {  	v10 =	vld [tilespmem:$0x23F0];
	v5 =	vsel vm3, v5, v42;
	v48 =	vperm.xlane v37, v0;
	v3 =	vsel vm5, v3, v30  }
0x133: {  	v51 =	vld [tilespmem:$0x24C0];
	v2 =	vsel vm13, v2, v6;
	v5 =	vsel vm4, v5, v45;
	v3 =	vsel vm6, v3, v32  }
0x134: {  	v53 =	vld [tilespmem:$0x24D0];
	v2 =	vsel vm14, v2, v7;
	v5 =	vsel vm5, v5, v48;
	v3 =	vsel vm7, v3, v33  }
0x135: {  	v54 =	vld [tilespmem:$0x24E0];
	v7 =	vperm.xlane v43, v0;
	v5 =	vsel vm6, v5, v50;
	v3 =	vsel vm8, v3, v38  }
0x136: {  	v1 =	vsel vm13, v1, v15;
	v56 =	vld [tilespmem:$0x24F0];
	v5 =	vsel vm7, v5, v52;
	v3 =	vsel vm9, v3, v44  }
0x137: {  	v1 =	vsel vm14, v1, v59;
	v5 =	vsel vm8, v5, v7;
	v3 =	vsel vm10, v3, v47  }
0x138: {  	v59 =	vperm.xlane v51, v0;
	v58 =	vsel vm9, v5, v55;
	v3 =	vsel vm11, v3, v14  }
0x139: {  	v61 =	vperm.xlane v53, v0;
	v3 =	vsel vm12, v3, v4;
	v4 =	vsel vm10, v58, v57  }
0x13a: {  	v62 =	vperm.xlane v10, v0;
	v8 =	vperm.xlane v54, v0;
	v4 =	vsel vm11, v4, v59  }
0x13b: {  	[tilespmem:$0x2500] =	vst v1;
	v63 =	vperm.xlane v56, v0;
	v1 =	vsel vm13, v3, v60;
	v3 =	vsel vm12, v4, v61  }
0x13c: {  	s28 =	rddreg [dreg:$0x6];
	[tilespmem:$0x2510] =	vst v2;
	v1 =	vsel vm14, v1, v62;
	v2 =	vsel vm13, v3, v8  }
0x13d: {  	s29 =	rddreg [dreg:$0x15];
	[tilespmem:$0x2520] =	vst v1;
	v1 =	vsel vm14, v2, v63  }
0x13e: {  	s30 =	rddreg [dreg:$0x16];
	[tilespmem:$0x2530] =	vst v1  }
0x13f: {  	[tilespmem:s8], [sflag:$0x1] =	stream.indirect.gather [hbm4b:s28+s29], $0x80, s30, s29, $0xb8;
	[tilespmem:$0x45C0] =	vst v63  }
0x140: {  	_ =	swait.ge [sflag:s7], $0x2000  }
0x141: {  	p3 =	sne.s32 s5, $0x1;
	[sflag:s7] =	ssyncset.done $0x0  }
.Ltmp0:
0x142: {  	s31 =	rddreg [dreg:$0x9];
	[sflag:s7] =	ssyncadd.s32 $0xFFFFE000;
	(pc) =	sbr.rel @p3 .LBB2_1-.Ltmp0, $4  }
0x143: {  	[hbm4b:s31+s3] =	stream.linear.scatter [tilespmem:s8], [sflag:$0x2], $0x2000, $0x38;
	[tilespmem:$0x45C0] =	vst v63  }
0x144: {  	_ =	swait.ge [sflag:s6], $0x2000  }
0x145: {  	[sflag:s6] =	ssyncset.done $0x0  }
0x146: {  	s5 =	sadd.s32 $0xFFFFFFFF, s5;
	[sflag:s6] =	ssyncadd.s32 $0xFFFFE000  }
0x147: {  	_ =	sfence.sel $0x180000  }
0x148: {  	[bflag:$0x0] =	sbarrier.arrive $0xFFFF  }
0x149: {  	p0 =	sne.s32 s4, $0x0;
	_ =	strace $0x90000047  }
0x14a: {  	s0 =	sadd.s32 @!p0 $0x100000, s0;
	[bflag:$0x2] =	sbarrier.arrive $0xFFFF  }
0x14b: {  	[sflag:s0] =	ssyncadd.tile.s32 @!p0 $0x1;
	_ =	shalt  }
.Lfunc_end2:
_tile_overlayer_lowered:
.L_overlay_start_2:
0x14c: {  	(tag) =	ssettag $0x2  }
0x14d: {  	s0 =	rddreg [dreg:$0x0];
	s2 =	stileid.u32  }
0x14e: {  	s1 =	rddreg [dreg:$0x1];
	p0 =	sne.s32 s2, $0x0  }
0x14f: {  	s3 =	rddreg [dreg:$0x2];
	[bflag:$0x3] =	sbarrier.arrive $0xFFFF;
	s2 =	simm.s32 @!p0 $0x1C02  }
0x150: {  	[timem:s3], [sflag:s2] =	dma.local @!p0 [hbm:s0], s1  }
0x151: {  	s0 =	simm.s32 @!p0 $0x2  }
0x152: {  	_ =	swait.ge @!p0 [sflag:s0], s1  }
0x153: {  	s1 =	ssub.s32 @!p0 $0x0, s1;
	[sflag:s0] =	ssyncset.done @!p0 $0x0  }
0x154: {  	[sflag:s0] =	ssyncadd.s32 @!p0 s1  }
0x155: {  	[bflag:$0x3] =	sbarrier.arrive $0xFFFF  }
0x156: {  	_ =	shalt  }

</sc_bundles>
